<compile_context>
chip_gen: v7x
topology: tpu7x:2x2x1
jax: 0.10.2.dev20260603
libtpu: 0.0.44.dev20260713+nightly
codegen_flags: <defaults>
</compile_context>

<pallas_src>
import functools

import jax
import jax.numpy as jnp
from jax import lax
from jax.experimental import pallas as pl
from jax.experimental.pallas import tpu as pltpu
from jax.experimental.pallas import tpu_sc as plsc

EPS = 1e-7
T = 0.07
NUM_CLASSES = 3
P = 5
B = 1024
FD = 128
ND = 100000
K = 2048
BQ = 256
BM = 2048
NM = 49
NDP = NM * BM
NQ = B // BQ
VALID = P + K
GW = 2176
CW = 128
DUMMY_ID = 1 << 30
NEG_BIG = -3e30
PAD_SIM = -1e30



def _embed_body(fs_ref, ft_ref, ws_ref, bs_ref, wt_ref, bt_ref,
                qr1_ref, qr2_ref, v1_ref, v2_ref, q1n_ref, q2n_ref):
    v1 = jnp.dot(fs_ref[...], ws_ref[...], preferred_element_type=jnp.float32) + bs_ref[...]
    v1_ref[...] = v1 / jnp.sqrt(jnp.sum(v1 * v1, axis=1, keepdims=True))
    v2 = jnp.dot(ft_ref[...], wt_ref[...], preferred_element_type=jnp.float32) + bt_ref[...]
    v2_ref[...] = v2 / jnp.sqrt(jnp.sum(v2 * v2, axis=1, keepdims=True))
    q1 = qr1_ref[...]
    q1n_ref[...] = q1 / (jnp.sqrt(jnp.sum(q1 * q1, axis=1, keepdims=True)) + 1e-12)
    q2 = qr2_ref[...]
    q2n_ref[...] = q2 / (jnp.sqrt(jnp.sum(q2 * q2, axis=1, keepdims=True)) + 1e-12)


def _embed(f_s, f_t, W_s, b_s, W_t, b_t, qr1, qr2):
    out = [jax.ShapeDtypeStruct((B, FD), jnp.float32)] * 4
    return pl.pallas_call(_embed_body, out_shape=out)(
        f_s, f_t, W_s, b_s.reshape(1, FD), W_t, b_t.reshape(1, FD), qr1, qr2)



def _sim_body(qn_ref, v_ref, lbl_ref, mem_ref, d_ref, tv_ref, ti_ref,
              cv_ref, ci_ref):
    mb = pl.program_id(1)
    memblk = mem_ref[...]
    dn = (((1,), (1,)), ((), ()))
    sm = lax.dot_general(qn_ref[...], memblk, dn, preferred_element_type=jnp.float32)
    d_ref[...] = lax.dot_general(v_ref[...], memblk, dn, preferred_element_type=jnp.float32)
    ns = jnp.sum(memblk * memblk, axis=1)
    rn = 1.0 / (jnp.sqrt(ns) + 1e-12)
    colrow = mb * BM + lax.broadcasted_iota(jnp.int32, (1, BM), 1)
    inclass = (colrow % NUM_CLASSES) == lbl_ref[...]
    fill = jnp.where(colrow < ND, 0.0, PAD_SIM)
    sim = jnp.where(inclass, sm * rn[None, :],
                    jnp.broadcast_to(fill, (BQ, BM)))

    lane0 = mb * BM + lax.broadcasted_iota(jnp.int32, (BQ, CW), 1)
    best = sim[:, 0:CW]
    bid = lane0
    for k in range(1, BM // CW):
        s = sim[:, k * CW:(k + 1) * CW]
        gt = s > best
        best = jnp.where(gt, s, best)
        bid = jnp.where(gt, lane0 + k * CW, bid)

    @pl.when(mb == 0)
    def _():
        cv_ref[...] = jnp.full((BQ, CW), NEG_BIG, jnp.float32)
        ci_ref[...] = DUMMY_ID + lax.broadcasted_iota(jnp.int32, (BQ, CW), 1)

    cval = jnp.concatenate([cv_ref[...], best], axis=1)
    cid = jnp.concatenate([ci_ref[...], bid], axis=1)
    vs, ids = [], []
    for _ in range(P):
        m = jnp.max(cval, axis=1, keepdims=True)
        sel = jnp.min(jnp.where(cval == m, cid, jnp.int32(0x7FFFFFFF)),
                      axis=1, keepdims=True)
        vs.append(m)
        ids.append(sel)
        cval = jnp.where(cid == sel, NEG_BIG, cval)
    newv = jnp.concatenate(vs, axis=1)
    newi = jnp.concatenate(ids, axis=1)
    cv_ref[...] = jnp.full((BQ, CW), NEG_BIG, jnp.float32)
    ci_ref[...] = DUMMY_ID + lax.broadcasted_iota(jnp.int32, (BQ, CW), 1)
    cv_ref[:, 0:P] = newv
    ci_ref[:, 0:P] = newi

    @pl.when(mb == NM - 1)
    def _():
        tv_ref[...] = jnp.concatenate(
            [newv, jnp.zeros((BQ, 8 - P), jnp.float32)], axis=1)
        ti_ref[...] = jnp.concatenate(
            [newi, jnp.zeros((BQ, 8 - P), jnp.int32)], axis=1)


def _simdots(qn, v, lbl2, memp):
    rows = qn.shape[0]
    return pl.pallas_call(
        _sim_body,
        grid=(rows // BQ, NM),
        in_specs=[
            pl.BlockSpec((BQ, FD), lambda qb, mb: (qb, 0)),
            pl.BlockSpec((BQ, FD), lambda qb, mb: (qb, 0)),
            pl.BlockSpec((BQ, 1), lambda qb, mb: (qb, 0)),
            pl.BlockSpec((BM, FD), lambda qb, mb: (mb, 0)),
        ],
        out_specs=[
            pl.BlockSpec((BQ, BM), lambda qb, mb: (qb, mb)),
            pl.BlockSpec((BQ, 8), lambda qb, mb: (qb, 0)),
            pl.BlockSpec((BQ, 8), lambda qb, mb: (qb, 0)),
        ],
        out_shape=[
            jax.ShapeDtypeStruct((rows, NDP), jnp.float32),
            jax.ShapeDtypeStruct((rows, 8), jnp.float32),
            jax.ShapeDtypeStruct((rows, 8), jnp.int32),
        ],
        scratch_shapes=[
            pltpu.VMEM((BQ, CW), jnp.float32),
            pltpu.VMEM((BQ, CW), jnp.int32),
        ],
    )(qn, v, lbl2, memp)



_PB = 128


def _prep_body(idx_ref, ti_ref, g_ref):
    pb = pl.program_id(0)
    rowoff = (pb * _PB + lax.broadcasted_iota(jnp.int32, (_PB, 1), 0)) * NDP
    g_ref[:, 0:P] = ti_ref[:, 0:P] + rowoff
    g_ref[:, P:VALID] = idx_ref[:, 1:K + 1] + rowoff
    g_ref[:, VALID:GW] = jnp.broadcast_to(rowoff, (_PB, GW - VALID))


def _prep(idx, ti):
    rows = idx.shape[0]
    return pl.pallas_call(
        _prep_body,
        grid=(rows // _PB,),
        in_specs=[
            pl.BlockSpec((_PB, K + 1), lambda pb: (pb, 0)),
            pl.BlockSpec((_PB, 8), lambda pb: (pb, 0)),
        ],
        out_specs=pl.BlockSpec((_PB, GW), lambda pb: (pb, 0)),
        out_shape=jax.ShapeDtypeStruct((rows, GW), jnp.int32),
    )(idx, ti)



_GRP = 16
_GE = _GRP * 128


def _gather_sc(d2d, giflat):
    info = plsc.get_sparse_core_info()
    nw = info.num_cores * info.num_subcores
    n_idx = giflat.shape[0]
    per_w = n_idx // nw
    ge = _GE if per_w % _GE == 0 else _GE // 2
    grp_n = ge // 128
    groups = per_w // ge

    def body(dflat, gi_hbm, out_hbm, idx_v, val_v, sem):
        wid = lax.axis_index("s") * info.num_cores + lax.axis_index("c")
        base = wid * per_w

        def grp(g, carry):
            off = base + g * ge
            pltpu.sync_copy(gi_hbm.at[pl.ds(off, ge)], idx_v)
            cps = [
                pltpu.async_copy(dflat.at[idx_v.at[pl.ds(b * 128, 128)]],
                                 val_v.at[pl.ds(b * 128, 128)], sem)
                for b in range(grp_n)
            ]
            for cp in cps:
                cp.wait()
            pltpu.sync_copy(val_v, out_hbm.at[pl.ds(off, ge)])
            return carry

        lax.fori_loop(0, groups, grp, 0)

    mesh = plsc.VectorSubcoreMesh(core_axis_name="c", subcore_axis_name="s")
    return pl.kernel(
        body,
        out_type=jax.ShapeDtypeStruct((n_idx,), jnp.float32),
        mesh=mesh,
        scratch_types=[
            pltpu.VMEM((ge,), jnp.int32),
            pltpu.VMEM((ge,), jnp.float32),
            pltpu.SemaphoreType.DMA,
        ],
    )(d2d, giflat)



def _loss_body(g1_ref, g2_ref, tv1_ref, tv2_ref, sw_ref, out_ref):
    cid = lax.broadcasted_iota(jnp.int32, (B, GW), 1)
    colmask = cid < VALID
    negmask = colmask & (cid >= P)
    c = K * (1.0 / ND)
    sw = sw_ref[...]

    def side_loss(g, tv):
        x = jnp.where(colmask, jnp.exp(g * (1.0 / T)), 0.0)
        z = (jnp.sum(x) / (B * VALID)) * ND
        out = x / z
        ppos = out[:, 0:P]
        log_d1 = jnp.log(ppos / (ppos + c + EPS))
        log_d0 = jnp.where(negmask, jnp.log(c / (out + c + EPS)), 0.0)
        s0 = jnp.sum(log_d0, axis=1, keepdims=True)
        ks = tv[:, 0:P]
        num = jnp.sum((log_d1 + s0) * ks, axis=1, keepdims=True)
        den = jnp.sum(ks, axis=1, keepdims=True)
        return jnp.sum(-(num / den) * sw, axis=(0, 1), keepdims=True) / B

    loss_s = side_loss(g2_ref[...], tv2_ref[...])
    loss_t = side_loss(g1_ref[...], tv1_ref[...])
    out_ref[...] = loss_s + loss_t


def _loss(g1, g2, tv1, tv2, sw):
    return pl.pallas_call(
        _loss_body,
        out_shape=jax.ShapeDtypeStruct((1, 1), jnp.float32),
    )(g1, g2, tv1, tv2, sw)



def kernel(f_s, f_t, sample_weights, idx, batch_label, num_pos,
           W_s, b_s, W_t, b_t, memory_v1, memory_v2):
    idx = idx.astype(jnp.int32)
    qr1 = memory_v1[idx[:, 0]]
    qr2 = memory_v2[idx[:, 0]]
    v1, v2, q1n, q2n = _embed(f_s, f_t, W_s, b_s, W_t, b_t, qr1, qr2)
    mem1p = jnp.pad(memory_v1, ((0, NDP - ND), (0, 0)))
    mem2p = jnp.pad(memory_v2, ((0, NDP - ND), (0, 0)))
    lbl2 = batch_label.astype(jnp.int32).reshape(B, 1)
    nchunk = 2
    h = B // nchunk
    chunks = []
    for qn, v, memp in ((q1n, v2, mem1p), (q2n, v1, mem2p)):
        for r0 in range(0, B, h):
            d, tv, ti = _simdots(qn[r0:r0 + h], v[r0:r0 + h],
                                 lbl2[r0:r0 + h], memp)
            gi = _prep(idx[r0:r0 + h], ti)
            g = _gather_sc(d.reshape(-1), gi.reshape(-1)).reshape(h, GW)
            chunks.append((g, tv))
    g1 = jnp.concatenate([c[0] for c in chunks[:nchunk]], axis=0)
    tv1 = jnp.concatenate([c[1] for c in chunks[:nchunk]], axis=0)
    g2 = jnp.concatenate([c[0] for c in chunks[nchunk:]], axis=0)
    tv2 = jnp.concatenate([c[1] for c in chunks[nchunk:]], axis=0)
    loss = _loss(g1, g2, tv1, tv2, sample_weights.reshape(B, 1))
    return loss.reshape(())

# --- scband reference (transcript-rebuilt; emitter-appended) ---
"""Pipeline reference for scband-crdloss-43946105373208 (READ-ONLY COPY).

The authoritative reference and input builder live on the scoring server;
editing this copy changes nothing except your own understanding.
"""

import jax, jax.numpy as jnp
import numpy as np
import math

EPS = 1e-7
T = 0.07
NUM_CLASSES = 3
NUM_POS = 5

def _l2norm(x):
    return x / jnp.sqrt(jnp.sum(x * x, axis=1, keepdims=True))

def _cos_sim(a, b):
    a_n = a / (jnp.linalg.norm(a, axis=1, keepdims=True) + 1e-12)
    b_n = b / (jnp.linalg.norm(b, axis=1, keepdims=True) + 1e-12)
    return a_n @ b_n.T

def _contrast_loss_v2(sample_weights, x, P, knn_sim, n_data):
    bsz = x.shape[0]
    m = x.shape[1] - P
    Pn = 1.0 / float(n_data)
    P_pos = x[:, :NUM_POS]
    log_D1 = jnp.log(P_pos / (P_pos + m * Pn + EPS))
    P_neg = x[:, NUM_POS:]
    log_D0 = jnp.log((m * Pn) / (P_neg + m * Pn + EPS))
    sample_loss = -jnp.sum((log_D1 + jnp.sum(log_D0, axis=1, keepdims=True)) * knn_sim, axis=1) / jnp.sum(knn_sim, axis=1)
    sample_loss = sample_weights.reshape(-1) * sample_loss
    return jnp.sum(sample_loss) / bsz

def setup_inputs(seed: int = 0):
    key = jax.random.key(seed)
    ks = jax.random.split(key, 12)
    B, s_dim, t_dim, feat_dim = 1024, 256, 256, 128
    n_data, K, num_pos = 100000, 2048, 5
    stdv = 1.0 / math.sqrt(feat_dim / 3)
    return {
        "f_s": jax.random.normal(ks[0], (B, s_dim), jnp.float32),
        "f_t": jax.random.normal(ks[1], (B, t_dim), jnp.float32),
        "sample_weights": jax.random.uniform(ks[2], (B,), jnp.float32),
        "idx": jax.random.randint(ks[3], (B, K + 1), 0, n_data),
        "batch_label": jax.random.randint(ks[4], (B,), 0, NUM_CLASSES),
        "num_pos": num_pos,
        "W_s": jax.random.normal(ks[5], (s_dim, feat_dim), jnp.float32) * 0.02,
        "b_s": jnp.zeros((feat_dim,), jnp.float32),
        "W_t": jax.random.normal(ks[6], (t_dim, feat_dim), jnp.float32) * 0.02,
        "b_t": jnp.zeros((feat_dim,), jnp.float32),
        "memory_v1": jax.random.uniform(ks[7], (n_data, feat_dim), jnp.float32) * (2 * stdv) - stdv,
        "memory_v2": jax.random.uniform(ks[8], (n_data, feat_dim), jnp.float32) * (2 * stdv) - stdv,
    }

def reference(f_s, f_t, sample_weights, idx, batch_label, num_pos, W_s, b_s, W_t, b_t, memory_v1, memory_v2):
    n_data, feat_dim = memory_v1.shape
    # Embed + Normalize (student/teacher projection heads)
    v1 = _l2norm(f_s @ W_s + b_s)
    v2 = _l2norm(f_t @ W_t + b_t)
    # class membership mask over memory (3 classes, modulo partition of train_class_idx)
    labels_all = jnp.arange(n_data) % NUM_CLASSES
    class_mask = (labels_all[None, :] == jnp.arange(NUM_CLASSES)[:, None]).astype(jnp.float32)
    batch_class_mask = class_mask[batch_label]
    mem1 = jax.lax.stop_gradient(memory_v1)
    mem2 = jax.lax.stop_gradient(memory_v2)
    # --- v1 memory: KNN positives ('neighbors' branch) ---
    weight_v1 = mem1[idx]  # [B, K+1, d]
    sim1 = batch_class_mask * _cos_sim(weight_v1[:, 0, :], mem1)  # [B, n_data]
    v1_sim_vals, v1_nbrs = jax.lax.top_k(sim1, NUM_POS)  # sort desc + narrow(num_pos)
    v1_knn_pos = mem1[v1_nbrs]  # [B, P, d]
    w_v1 = jnp.concatenate([v1_knn_pos, weight_v1[:, 1:, :]], axis=1)  # [B, P+K, d]
    out_v2 = jnp.exp(jnp.einsum('bkd,bd->bk', w_v1, v2) / T)
    # --- v2 memory: KNN positives ---
    weight_v2 = mem2[idx]
    sim2 = batch_class_mask * _cos_sim(weight_v2[:, 0, :], mem2)
    v2_sim_vals, v2_nbrs = jax.lax.top_k(sim2, NUM_POS)
    v2_knn_pos = mem2[v2_nbrs]
    w_v2 = jnp.concatenate([v2_knn_pos, weight_v2[:, 1:, :]], axis=1)
    out_v1 = jnp.exp(jnp.einsum('bkd,bd->bk', w_v2, v1) / T)
    # normalization constants (set from first batch, detached)
    Z_v1 = jax.lax.stop_gradient(jnp.mean(out_v1)) * n_data
    Z_v2 = jax.lax.stop_gradient(jnp.mean(out_v2)) * n_data
    out_v1 = out_v1 / Z_v1
    out_v2 = out_v2 / Z_v2
    loss_s = _contrast_loss_v2(sample_weights, out_v1, num_pos, v2_sim_vals, n_data)
    loss_t = _contrast_loss_v2(sample_weights, out_v2, num_pos, v1_sim_vals, n_data)
    return loss_s + loss_t

if __name__ == "__main__":
    import jax
    _d = setup_inputs()
    print(jax.jit(kernel)(*tuple(_d.values())))

</pallas_src>

<mosaic_0001>
#map = affine_map<(d0, d1) -> (0)>
module attributes {stable_mosaic.version = 14 : i64} {
  func.func @body(%arg0: i32, %arg1: i32, %arg2: memref<51380224xf32, #tpu.memory_space<hbm>>, %arg3: memref<1114112xi32, #tpu.memory_space<hbm>>, %arg4: memref<1114112xf32, #tpu.memory_space<hbm>>, %arg5: memref<2048xi32, #tpu.memory_space<vmem>>, %arg6: memref<2048xf32, #tpu.memory_space<vmem>>, %arg7: memref<!tpu.dma_semaphore, #tpu.memory_space<semaphore_mem>>) attributes {dimension_semantics = [#tpu.dimension_semantics<core_parallel>, #tpu.dimension_semantics<subcore_parallel>], iteration_bounds = array<i64: 2, 16>, scalar_prefetch = 0 : i64, scratch_operands = 3 : i64, tpu.core_type = #tpu.core_type<sc_vector_subcore>, window_params = [{transform_indices = #map}, {transform_indices = #map}, {transform_indices = #map}]} {
    %mul3A = arith.constant 2 : i32
    %mul3A_0 = arith.muli %arg1, %mul3A : i32
    %add3A = arith.addi %mul3A_0, %arg0 : i32
    %mul3A_1 = arith.constant 34816 : i32
    %mul3A_2 = arith.muli %add3A, %mul3A_1 : i32
    %scan3A = arith.constant 0 : i32
    %scan3A_3 = arith.constant 0 : i32
    %scan3A_4 = arith.constant 17 : i32
    %scan3A_5 = arith.addi %scan3A_3, %scan3A_4 : i32
    %scan3A_6 = arith.constant 1 : i32
    scf.for %scan3A_8 = %scan3A_3 to %scan3A_5 step %scan3A_6  : i32 {
      %mul3A_9 = arith.constant 2048 : i32
      %mul3A_10 = arith.muli %scan3A_8, %mul3A_9 : i32
      %add3A_11 = arith.addi %mul3A_2, %mul3A_10 : i32
      "tpu.region"() ({
        %run_scoped3A = tpu.sem_alloc : memref<!tpu.dma_semaphore, #tpu.memory_space<semaphore_mem>>
        %dma_start3A_202 = tpu.memref_slice %arg3[%add3A_11] : memref<1114112xi32, #tpu.memory_space<hbm>> -> memref<2048xi32, #tpu.memory_space<hbm>>
        %dma_start3A_203 = tpu.memref_slice %arg3[%add3A_11] : memref<1114112xi32, #tpu.memory_space<hbm>> -> memref<2048xi32, #tpu.memory_space<hbm>>
        tpu.enqueue_dma source(%dma_start3A_203 : memref<2048xi32, #tpu.memory_space<hbm>>) target(%arg5 : memref<2048xi32, #tpu.memory_space<vmem>>) target_semaphore(%run_scoped3A : memref<!tpu.dma_semaphore, #tpu.memory_space<semaphore_mem>>)
        %dma_wait3A_204 = tpu.memref_slice %arg3[%add3A_11] : memref<1114112xi32, #tpu.memory_space<hbm>> -> memref<2048xi32, #tpu.memory_space<hbm>>
        %dma_wait3A_205 = tpu.memref_slice %arg3[%add3A_11] : memref<1114112xi32, #tpu.memory_space<hbm>> -> memref<2048xi32, #tpu.memory_space<hbm>>
        tpu.wait_dma2 semaphore(%run_scoped3A : memref<!tpu.dma_semaphore, #tpu.memory_space<semaphore_mem>>) src(%dma_wait3A_205 : memref<2048xi32, #tpu.memory_space<hbm>>) dst(%arg5 : memref<2048xi32, #tpu.memory_space<vmem>>)
        tpu.yield
      }) : () -> ()
      %dma_start3A = arith.constant 0 : i32
      %dma_start3A_12 = tpu.memref_slice %arg6[%dma_start3A] : memref<2048xf32, #tpu.memory_space<vmem>> -> memref<128xf32, #tpu.memory_space<vmem>>
      %dma_start3A_13 = arith.constant 0 : i32
      %dma_start3A_14 = tpu.memref_slice %arg5[%dma_start3A_13] : memref<2048xi32, #tpu.memory_space<vmem>> -> memref<128xi32, #tpu.memory_space<vmem>>
      %dma_start3A_15 = arith.constant 0 : i32
      %dma_start3A_16 = tpu.memref_slice %arg2[%dma_start3A_15] : memref<51380224xf32, #tpu.memory_space<hbm>> -> memref<51380224xf32, #tpu.memory_space<hbm>>
      tpu.enqueue_indirect_dma source(%dma_start3A_16 : memref<51380224xf32, #tpu.memory_space<hbm>>) target(%dma_start3A_12 : memref<128xf32, #tpu.memory_space<vmem>>) offsets(%dma_start3A_14 : memref<128xi32, #tpu.memory_space<vmem>>) semaphore(%arg7 : memref<!tpu.dma_semaphore, #tpu.memory_space<semaphore_mem>>)
      %dma_start3A_17 = arith.constant 128 : i32
      %dma_start3A_18 = tpu.memref_slice %arg6[%dma_start3A_17] : memref<2048xf32, #tpu.memory_space<vmem>> -> memref<128xf32, #tpu.memory_space<vmem>>
      %dma_start3A_19 = arith.constant 128 : i32
      %dma_start3A_20 = tpu.memref_slice %arg5[%dma_start3A_19] : memref<2048xi32, #tpu.memory_space<vmem>> -> memref<128xi32, #tpu.memory_space<vmem>>
      %dma_start3A_21 = arith.constant 0 : i32
      %dma_start3A_22 = tpu.memref_slice %arg2[%dma_start3A_21] : memref<51380224xf32, #tpu.memory_space<hbm>> -> memref<51380224xf32, #tpu.memory_space<hbm>>
      tpu.enqueue_indirect_dma source(%dma_start3A_22 : memref<51380224xf32, #tpu.memory_space<hbm>>) target(%dma_start3A_18 : memref<128xf32, #tpu.memory_space<vmem>>) offsets(%dma_start3A_20 : memref<128xi32, #tpu.memory_space<vmem>>) semaphore(%arg7 : memref<!tpu.dma_semaphore, #tpu.memory_space<semaphore_mem>>)
      %dma_start3A_23 = arith.constant 256 : i32
      %dma_start3A_24 = tpu.memref_slice %arg6[%dma_start3A_23] : memref<2048xf32, #tpu.memory_space<vmem>> -> memref<128xf32, #tpu.memory_space<vmem>>
      %dma_start3A_25 = arith.constant 256 : i32
      %dma_start3A_26 = tpu.memref_slice %arg5[%dma_start3A_25] : memref<2048xi32, #tpu.memory_space<vmem>> -> memref<128xi32, #tpu.memory_space<vmem>>
      %dma_start3A_27 = arith.constant 0 : i32
      %dma_start3A_28 = tpu.memref_slice %arg2[%dma_start3A_27] : memref<51380224xf32, #tpu.memory_space<hbm>> -> memref<51380224xf32, #tpu.memory_space<hbm>>
      tpu.enqueue_indirect_dma source(%dma_start3A_28 : memref<51380224xf32, #tpu.memory_space<hbm>>) target(%dma_start3A_24 : memref<128xf32, #tpu.memory_space<vmem>>) offsets(%dma_start3A_26 : memref<128xi32, #tpu.memory_space<vmem>>) semaphore(%arg7 : memref<!tpu.dma_semaphore, #tpu.memory_space<semaphore_mem>>)
      %dma_start3A_29 = arith.constant 384 : i32
      %dma_start3A_30 = tpu.memref_slice %arg6[%dma_start3A_29] : memref<2048xf32, #tpu.memory_space<vmem>> -> memref<128xf32, #tpu.memory_space<vmem>>
      %dma_start3A_31 = arith.constant 384 : i32
      %dma_start3A_32 = tpu.memref_slice %arg5[%dma_start3A_31] : memref<2048xi32, #tpu.memory_space<vmem>> -> memref<128xi32, #tpu.memory_space<vmem>>
      %dma_start3A_33 = arith.constant 0 : i32
      %dma_start3A_34 = tpu.memref_slice %arg2[%dma_start3A_33] : memref<51380224xf32, #tpu.memory_space<hbm>> -> memref<51380224xf32, #tpu.memory_space<hbm>>
      tpu.enqueue_indirect_dma source(%dma_start3A_34 : memref<51380224xf32, #tpu.memory_space<hbm>>) target(%dma_start3A_30 : memref<128xf32, #tpu.memory_space<vmem>>) offsets(%dma_start3A_32 : memref<128xi32, #tpu.memory_space<vmem>>) semaphore(%arg7 : memref<!tpu.dma_semaphore, #tpu.memory_space<semaphore_mem>>)
      %dma_start3A_35 = arith.constant 512 : i32
      %dma_start3A_36 = tpu.memref_slice %arg6[%dma_start3A_35] : memref<2048xf32, #tpu.memory_space<vmem>> -> memref<128xf32, #tpu.memory_space<vmem>>
      %dma_start3A_37 = arith.constant 512 : i32
      %dma_start3A_38 = tpu.memref_slice %arg5[%dma_start3A_37] : memref<2048xi32, #tpu.memory_space<vmem>> -> memref<128xi32, #tpu.memory_space<vmem>>
      %dma_start3A_39 = arith.constant 0 : i32
      %dma_start3A_40 = tpu.memref_slice %arg2[%dma_start3A_39] : memref<51380224xf32, #tpu.memory_space<hbm>> -> memref<51380224xf32, #tpu.memory_space<hbm>>
      tpu.enqueue_indirect_dma source(%dma_start3A_40 : memref<51380224xf32, #tpu.memory_space<hbm>>) target(%dma_start3A_36 : memref<128xf32, #tpu.memory_space<vmem>>) offsets(%dma_start3A_38 : memref<128xi32, #tpu.memory_space<vmem>>) semaphore(%arg7 : memref<!tpu.dma_semaphore, #tpu.memory_space<semaphore_mem>>)
      %dma_start3A_41 = arith.constant 640 : i32
      %dma_start3A_42 = tpu.memref_slice %arg6[%dma_start3A_41] : memref<2048xf32, #tpu.memory_space<vmem>> -> memref<128xf32, #tpu.memory_space<vmem>>
      %dma_start3A_43 = arith.constant 640 : i32
      %dma_start3A_44 = tpu.memref_slice %arg5[%dma_start3A_43] : memref<2048xi32, #tpu.memory_space<vmem>> -> memref<128xi32, #tpu.memory_space<vmem>>
      %dma_start3A_45 = arith.constant 0 : i32
      %dma_start3A_46 = tpu.memref_slice %arg2[%dma_start3A_45] : memref<51380224xf32, #tpu.memory_space<hbm>> -> memref<51380224xf32, #tpu.memory_space<hbm>>
      tpu.enqueue_indirect_dma source(%dma_start3A_46 : memref<51380224xf32, #tpu.memory_space<hbm>>) target(%dma_start3A_42 : memref<128xf32, #tpu.memory_space<vmem>>) offsets(%dma_start3A_44 : memref<128xi32, #tpu.memory_space<vmem>>) semaphore(%arg7 : memref<!tpu.dma_semaphore, #tpu.memory_space<semaphore_mem>>)
      %dma_start3A_47 = arith.constant 768 : i32
      %dma_start3A_48 = tpu.memref_slice %arg6[%dma_start3A_47] : memref<2048xf32, #tpu.memory_space<vmem>> -> memref<128xf32, #tpu.memory_space<vmem>>
      %dma_start3A_49 = arith.constant 768 : i32
      %dma_start3A_50 = tpu.memref_slice %arg5[%dma_start3A_49] : memref<2048xi32, #tpu.memory_space<vmem>> -> memref<128xi32, #tpu.memory_space<vmem>>
      %dma_start3A_51 = arith.constant 0 : i32
      %dma_start3A_52 = tpu.memref_slice %arg2[%dma_start3A_51] : memref<51380224xf32, #tpu.memory_space<hbm>> -> memref<51380224xf32, #tpu.memory_space<hbm>>
      tpu.enqueue_indirect_dma source(%dma_start3A_52 : memref<51380224xf32, #tpu.memory_space<hbm>>) target(%dma_start3A_48 : memref<128xf32, #tpu.memory_space<vmem>>) offsets(%dma_start3A_50 : memref<128xi32, #tpu.memory_space<vmem>>) semaphore(%arg7 : memref<!tpu.dma_semaphore, #tpu.memory_space<semaphore_mem>>)
      %dma_start3A_53 = arith.constant 896 : i32
      %dma_start3A_54 = tpu.memref_slice %arg6[%dma_start3A_53] : memref<2048xf32, #tpu.memory_space<vmem>> -> memref<128xf32, #tpu.memory_space<vmem>>
      %dma_start3A_55 = arith.constant 896 : i32
      %dma_start3A_56 = tpu.memref_slice %arg5[%dma_start3A_55] : memref<2048xi32, #tpu.memory_space<vmem>> -> memref<128xi32, #tpu.memory_space<vmem>>
      %dma_start3A_57 = arith.constant 0 : i32
      %dma_start3A_58 = tpu.memref_slice %arg2[%dma_start3A_57] : memref<51380224xf32, #tpu.memory_space<hbm>> -> memref<51380224xf32, #tpu.memory_space<hbm>>
      tpu.enqueue_indirect_dma source(%dma_start3A_58 : memref<51380224xf32, #tpu.memory_space<hbm>>) target(%dma_start3A_54 : memref<128xf32, #tpu.memory_space<vmem>>) offsets(%dma_start3A_56 : memref<128xi32, #tpu.memory_space<vmem>>) semaphore(%arg7 : memref<!tpu.dma_semaphore, #tpu.memory_space<semaphore_mem>>)
      %dma_start3A_59 = arith.constant 1024 : i32
      %dma_start3A_60 = tpu.memref_slice %arg6[%dma_start3A_59] : memref<2048xf32, #tpu.memory_space<vmem>> -> memref<128xf32, #tpu.memory_space<vmem>>
      %dma_start3A_61 = arith.constant 1024 : i32
      %dma_start3A_62 = tpu.memref_slice %arg5[%dma_start3A_61] : memref<2048xi32, #tpu.memory_space<vmem>> -> memref<128xi32, #tpu.memory_space<vmem>>
      %dma_start3A_63 = arith.constant 0 : i32
      %dma_start3A_64 = tpu.memref_slice %arg2[%dma_start3A_63] : memref<51380224xf32, #tpu.memory_space<hbm>> -> memref<51380224xf32, #tpu.memory_space<hbm>>
      tpu.enqueue_indirect_dma source(%dma_start3A_64 : memref<51380224xf32, #tpu.memory_space<hbm>>) target(%dma_start3A_60 : memref<128xf32, #tpu.memory_space<vmem>>) offsets(%dma_start3A_62 : memref<128xi32, #tpu.memory_space<vmem>>) semaphore(%arg7 : memref<!tpu.dma_semaphore, #tpu.memory_space<semaphore_mem>>)
      %dma_start3A_65 = arith.constant 1152 : i32
      %dma_start3A_66 = tpu.memref_slice %arg6[%dma_start3A_65] : memref<2048xf32, #tpu.memory_space<vmem>> -> memref<128xf32, #tpu.memory_space<vmem>>
      %dma_start3A_67 = arith.constant 1152 : i32
      %dma_start3A_68 = tpu.memref_slice %arg5[%dma_start3A_67] : memref<2048xi32, #tpu.memory_space<vmem>> -> memref<128xi32, #tpu.memory_space<vmem>>
      %dma_start3A_69 = arith.constant 0 : i32
      %dma_start3A_70 = tpu.memref_slice %arg2[%dma_start3A_69] : memref<51380224xf32, #tpu.memory_space<hbm>> -> memref<51380224xf32, #tpu.memory_space<hbm>>
      tpu.enqueue_indirect_dma source(%dma_start3A_70 : memref<51380224xf32, #tpu.memory_space<hbm>>) target(%dma_start3A_66 : memref<128xf32, #tpu.memory_space<vmem>>) offsets(%dma_start3A_68 : memref<128xi32, #tpu.memory_space<vmem>>) semaphore(%arg7 : memref<!tpu.dma_semaphore, #tpu.memory_space<semaphore_mem>>)
      %dma_start3A_71 = arith.constant 1280 : i32
      %dma_start3A_72 = tpu.memref_slice %arg6[%dma_start3A_71] : memref<2048xf32, #tpu.memory_space<vmem>> -> memref<128xf32, #tpu.memory_space<vmem>>
      %dma_start3A_73 = arith.constant 1280 : i32
      %dma_start3A_74 = tpu.memref_slice %arg5[%dma_start3A_73] : memref<2048xi32, #tpu.memory_space<vmem>> -> memref<128xi32, #tpu.memory_space<vmem>>
      %dma_start3A_75 = arith.constant 0 : i32
      %dma_start3A_76 = tpu.memref_slice %arg2[%dma_start3A_75] : memref<51380224xf32, #tpu.memory_space<hbm>> -> memref<51380224xf32, #tpu.memory_space<hbm>>
      tpu.enqueue_indirect_dma source(%dma_start3A_76 : memref<51380224xf32, #tpu.memory_space<hbm>>) target(%dma_start3A_72 : memref<128xf32, #tpu.memory_space<vmem>>) offsets(%dma_start3A_74 : memref<128xi32, #tpu.memory_space<vmem>>) semaphore(%arg7 : memref<!tpu.dma_semaphore, #tpu.memory_space<semaphore_mem>>)
      %dma_start3A_77 = arith.constant 1408 : i32
      %dma_start3A_78 = tpu.memref_slice %arg6[%dma_start3A_77] : memref<2048xf32, #tpu.memory_space<vmem>> -> memref<128xf32, #tpu.memory_space<vmem>>
      %dma_start3A_79 = arith.constant 1408 : i32
      %dma_start3A_80 = tpu.memref_slice %arg5[%dma_start3A_79] : memref<2048xi32, #tpu.memory_space<vmem>> -> memref<128xi32, #tpu.memory_space<vmem>>
      %dma_start3A_81 = arith.constant 0 : i32
      %dma_start3A_82 = tpu.memref_slice %arg2[%dma_start3A_81] : memref<51380224xf32, #tpu.memory_space<hbm>> -> memref<51380224xf32, #tpu.memory_space<hbm>>
      tpu.enqueue_indirect_dma source(%dma_start3A_82 : memref<51380224xf32, #tpu.memory_space<hbm>>) target(%dma_start3A_78 : memref<128xf32, #tpu.memory_space<vmem>>) offsets(%dma_start3A_80 : memref<128xi32, #tpu.memory_space<vmem>>) semaphore(%arg7 : memref<!tpu.dma_semaphore, #tpu.memory_space<semaphore_mem>>)
      %dma_start3A_83 = arith.constant 1536 : i32
      %dma_start3A_84 = tpu.memref_slice %arg6[%dma_start3A_83] : memref<2048xf32, #tpu.memory_space<vmem>> -> memref<128xf32, #tpu.memory_space<vmem>>
      %dma_start3A_85 = arith.constant 1536 : i32
      %dma_start3A_86 = tpu.memref_slice %arg5[%dma_start3A_85] : memref<2048xi32, #tpu.memory_space<vmem>> -> memref<128xi32, #tpu.memory_space<vmem>>
      %dma_start3A_87 = arith.constant 0 : i32
      %dma_start3A_88 = tpu.memref_slice %arg2[%dma_start3A_87] : memref<51380224xf32, #tpu.memory_space<hbm>> -> memref<51380224xf32, #tpu.memory_space<hbm>>
      tpu.enqueue_indirect_dma source(%dma_start3A_88 : memref<51380224xf32, #tpu.memory_space<hbm>>) target(%dma_start3A_84 : memref<128xf32, #tpu.memory_space<vmem>>) offsets(%dma_start3A_86 : memref<128xi32, #tpu.memory_space<vmem>>) semaphore(%arg7 : memref<!tpu.dma_semaphore, #tpu.memory_space<semaphore_mem>>)
      %dma_start3A_89 = arith.constant 1664 : i32
      %dma_start3A_90 = tpu.memref_slice %arg6[%dma_start3A_89] : memref<2048xf32, #tpu.memory_space<vmem>> -> memref<128xf32, #tpu.memory_space<vmem>>
      %dma_start3A_91 = arith.constant 1664 : i32
      %dma_start3A_92 = tpu.memref_slice %arg5[%dma_start3A_91] : memref<2048xi32, #tpu.memory_space<vmem>> -> memref<128xi32, #tpu.memory_space<vmem>>
      %dma_start3A_93 = arith.constant 0 : i32
      %dma_start3A_94 = tpu.memref_slice %arg2[%dma_start3A_93] : memref<51380224xf32, #tpu.memory_space<hbm>> -> memref<51380224xf32, #tpu.memory_space<hbm>>
      tpu.enqueue_indirect_dma source(%dma_start3A_94 : memref<51380224xf32, #tpu.memory_space<hbm>>) target(%dma_start3A_90 : memref<128xf32, #tpu.memory_space<vmem>>) offsets(%dma_start3A_92 : memref<128xi32, #tpu.memory_space<vmem>>) semaphore(%arg7 : memref<!tpu.dma_semaphore, #tpu.memory_space<semaphore_mem>>)
      %dma_start3A_95 = arith.constant 1792 : i32
      %dma_start3A_96 = tpu.memref_slice %arg6[%dma_start3A_95] : memref<2048xf32, #tpu.memory_space<vmem>> -> memref<128xf32, #tpu.memory_space<vmem>>
      %dma_start3A_97 = arith.constant 1792 : i32
      %dma_start3A_98 = tpu.memref_slice %arg5[%dma_start3A_97] : memref<2048xi32, #tpu.memory_space<vmem>> -> memref<128xi32, #tpu.memory_space<vmem>>
      %dma_start3A_99 = arith.constant 0 : i32
      %dma_start3A_100 = tpu.memref_slice %arg2[%dma_start3A_99] : memref<51380224xf32, #tpu.memory_space<hbm>> -> memref<51380224xf32, #tpu.memory_space<hbm>>
      tpu.enqueue_indirect_dma source(%dma_start3A_100 : memref<51380224xf32, #tpu.memory_space<hbm>>) target(%dma_start3A_96 : memref<128xf32, #tpu.memory_space<vmem>>) offsets(%dma_start3A_98 : memref<128xi32, #tpu.memory_space<vmem>>) semaphore(%arg7 : memref<!tpu.dma_semaphore, #tpu.memory_space<semaphore_mem>>)
      %dma_start3A_101 = arith.constant 1920 : i32
      %dma_start3A_102 = tpu.memref_slice %arg6[%dma_start3A_101] : memref<2048xf32, #tpu.memory_space<vmem>> -> memref<128xf32, #tpu.memory_space<vmem>>
      %dma_start3A_103 = arith.constant 1920 : i32
      %dma_start3A_104 = tpu.memref_slice %arg5[%dma_start3A_103] : memref<2048xi32, #tpu.memory_space<vmem>> -> memref<128xi32, #tpu.memory_space<vmem>>
      %dma_start3A_105 = arith.constant 0 : i32
      %dma_start3A_106 = tpu.memref_slice %arg2[%dma_start3A_105] : memref<51380224xf32, #tpu.memory_space<hbm>> -> memref<51380224xf32, #tpu.memory_space<hbm>>
      tpu.enqueue_indirect_dma source(%dma_start3A_106 : memref<51380224xf32, #tpu.memory_space<hbm>>) target(%dma_start3A_102 : memref<128xf32, #tpu.memory_space<vmem>>) offsets(%dma_start3A_104 : memref<128xi32, #tpu.memory_space<vmem>>) semaphore(%arg7 : memref<!tpu.dma_semaphore, #tpu.memory_space<semaphore_mem>>)
      %dma_wait3A = arith.constant 0 : i32
      %dma_wait3A_107 = tpu.memref_slice %arg6[%dma_wait3A] : memref<2048xf32, #tpu.memory_space<vmem>> -> memref<128xf32, #tpu.memory_space<vmem>>
      %dma_wait3A_108 = arith.constant 0 : i32
      %dma_wait3A_109 = tpu.memref_slice %arg5[%dma_wait3A_108] : memref<2048xi32, #tpu.memory_space<vmem>> -> memref<128xi32, #tpu.memory_space<vmem>>
      %dma_wait3A_110 = arith.constant 0 : i32
      %dma_wait3A_111 = tpu.memref_slice %arg2[%dma_wait3A_110] : memref<51380224xf32, #tpu.memory_space<hbm>> -> memref<51380224xf32, #tpu.memory_space<hbm>>
      tpu.wait_indirect_dma semaphore(%arg7 : memref<!tpu.dma_semaphore, #tpu.memory_space<semaphore_mem>>) src(%dma_wait3A_111 : memref<51380224xf32, #tpu.memory_space<hbm>>) dst(%dma_wait3A_107 : memref<128xf32, #tpu.memory_space<vmem>>)
      %dma_wait3A_112 = arith.constant 128 : i32
      %dma_wait3A_113 = tpu.memref_slice %arg6[%dma_wait3A_112] : memref<2048xf32, #tpu.memory_space<vmem>> -> memref<128xf32, #tpu.memory_space<vmem>>
      %dma_wait3A_114 = arith.constant 128 : i32
      %dma_wait3A_115 = tpu.memref_slice %arg5[%dma_wait3A_114] : memref<2048xi32, #tpu.memory_space<vmem>> -> memref<128xi32, #tpu.memory_space<vmem>>
      %dma_wait3A_116 = arith.constant 0 : i32
      %dma_wait3A_117 = tpu.memref_slice %arg2[%dma_wait3A_116] : memref<51380224xf32, #tpu.memory_space<hbm>> -> memref<51380224xf32, #tpu.memory_space<hbm>>
      tpu.wait_indirect_dma semaphore(%arg7 : memref<!tpu.dma_semaphore, #tpu.memory_space<semaphore_mem>>) src(%dma_wait3A_117 : memref<51380224xf32, #tpu.memory_space<hbm>>) dst(%dma_wait3A_113 : memref<128xf32, #tpu.memory_space<vmem>>)
      %dma_wait3A_118 = arith.constant 256 : i32
      %dma_wait3A_119 = tpu.memref_slice %arg6[%dma_wait3A_118] : memref<2048xf32, #tpu.memory_space<vmem>> -> memref<128xf32, #tpu.memory_space<vmem>>
      %dma_wait3A_120 = arith.constant 256 : i32
      %dma_wait3A_121 = tpu.memref_slice %arg5[%dma_wait3A_120] : memref<2048xi32, #tpu.memory_space<vmem>> -> memref<128xi32, #tpu.memory_space<vmem>>
      %dma_wait3A_122 = arith.constant 0 : i32
      %dma_wait3A_123 = tpu.memref_slice %arg2[%dma_wait3A_122] : memref<51380224xf32, #tpu.memory_space<hbm>> -> memref<51380224xf32, #tpu.memory_space<hbm>>
      tpu.wait_indirect_dma semaphore(%arg7 : memref<!tpu.dma_semaphore, #tpu.memory_space<semaphore_mem>>) src(%dma_wait3A_123 : memref<51380224xf32, #tpu.memory_space<hbm>>) dst(%dma_wait3A_119 : memref<128xf32, #tpu.memory_space<vmem>>)
      %dma_wait3A_124 = arith.constant 384 : i32
      %dma_wait3A_125 = tpu.memref_slice %arg6[%dma_wait3A_124] : memref<2048xf32, #tpu.memory_space<vmem>> -> memref<128xf32, #tpu.memory_space<vmem>>
      %dma_wait3A_126 = arith.constant 384 : i32
      %dma_wait3A_127 = tpu.memref_slice %arg5[%dma_wait3A_126] : memref<2048xi32, #tpu.memory_space<vmem>> -> memref<128xi32, #tpu.memory_space<vmem>>
      %dma_wait3A_128 = arith.constant 0 : i32
      %dma_wait3A_129 = tpu.memref_slice %arg2[%dma_wait3A_128] : memref<51380224xf32, #tpu.memory_space<hbm>> -> memref<51380224xf32, #tpu.memory_space<hbm>>
      tpu.wait_indirect_dma semaphore(%arg7 : memref<!tpu.dma_semaphore, #tpu.memory_space<semaphore_mem>>) src(%dma_wait3A_129 : memref<51380224xf32, #tpu.memory_space<hbm>>) dst(%dma_wait3A_125 : memref<128xf32, #tpu.memory_space<vmem>>)
      %dma_wait3A_130 = arith.constant 512 : i32
      %dma_wait3A_131 = tpu.memref_slice %arg6[%dma_wait3A_130] : memref<2048xf32, #tpu.memory_space<vmem>> -> memref<128xf32, #tpu.memory_space<vmem>>
      %dma_wait3A_132 = arith.constant 512 : i32
      %dma_wait3A_133 = tpu.memref_slice %arg5[%dma_wait3A_132] : memref<2048xi32, #tpu.memory_space<vmem>> -> memref<128xi32, #tpu.memory_space<vmem>>
      %dma_wait3A_134 = arith.constant 0 : i32
      %dma_wait3A_135 = tpu.memref_slice %arg2[%dma_wait3A_134] : memref<51380224xf32, #tpu.memory_space<hbm>> -> memref<51380224xf32, #tpu.memory_space<hbm>>
      tpu.wait_indirect_dma semaphore(%arg7 : memref<!tpu.dma_semaphore, #tpu.memory_space<semaphore_mem>>) src(%dma_wait3A_135 : memref<51380224xf32, #tpu.memory_space<hbm>>) dst(%dma_wait3A_131 : memref<128xf32, #tpu.memory_space<vmem>>)
      %dma_wait3A_136 = arith.constant 640 : i32
      %dma_wait3A_137 = tpu.memref_slice %arg6[%dma_wait3A_136] : memref<2048xf32, #tpu.memory_space<vmem>> -> memref<128xf32, #tpu.memory_space<vmem>>
      %dma_wait3A_138 = arith.constant 640 : i32
      %dma_wait3A_139 = tpu.memref_slice %arg5[%dma_wait3A_138] : memref<2048xi32, #tpu.memory_space<vmem>> -> memref<128xi32, #tpu.memory_space<vmem>>
      %dma_wait3A_140 = arith.constant 0 : i32
      %dma_wait3A_141 = tpu.memref_slice %arg2[%dma_wait3A_140] : memref<51380224xf32, #tpu.memory_space<hbm>> -> memref<51380224xf32, #tpu.memory_space<hbm>>
      tpu.wait_indirect_dma semaphore(%arg7 : memref<!tpu.dma_semaphore, #tpu.memory_space<semaphore_mem>>) src(%dma_wait3A_141 : memref<51380224xf32, #tpu.memory_space<hbm>>) dst(%dma_wait3A_137 : memref<128xf32, #tpu.memory_space<vmem>>)
      %dma_wait3A_142 = arith.constant 768 : i32
      %dma_wait3A_143 = tpu.memref_slice %arg6[%dma_wait3A_142] : memref<2048xf32, #tpu.memory_space<vmem>> -> memref<128xf32, #tpu.memory_space<vmem>>
      %dma_wait3A_144 = arith.constant 768 : i32
      %dma_wait3A_145 = tpu.memref_slice %arg5[%dma_wait3A_144] : memref<2048xi32, #tpu.memory_space<vmem>> -> memref<128xi32, #tpu.memory_space<vmem>>
      %dma_wait3A_146 = arith.constant 0 : i32
      %dma_wait3A_147 = tpu.memref_slice %arg2[%dma_wait3A_146] : memref<51380224xf32, #tpu.memory_space<hbm>> -> memref<51380224xf32, #tpu.memory_space<hbm>>
      tpu.wait_indirect_dma semaphore(%arg7 : memref<!tpu.dma_semaphore, #tpu.memory_space<semaphore_mem>>) src(%dma_wait3A_147 : memref<51380224xf32, #tpu.memory_space<hbm>>) dst(%dma_wait3A_143 : memref<128xf32, #tpu.memory_space<vmem>>)
      %dma_wait3A_148 = arith.constant 896 : i32
      %dma_wait3A_149 = tpu.memref_slice %arg6[%dma_wait3A_148] : memref<2048xf32, #tpu.memory_space<vmem>> -> memref<128xf32, #tpu.memory_space<vmem>>
      %dma_wait3A_150 = arith.constant 896 : i32
      %dma_wait3A_151 = tpu.memref_slice %arg5[%dma_wait3A_150] : memref<2048xi32, #tpu.memory_space<vmem>> -> memref<128xi32, #tpu.memory_space<vmem>>
      %dma_wait3A_152 = arith.constant 0 : i32
      %dma_wait3A_153 = tpu.memref_slice %arg2[%dma_wait3A_152] : memref<51380224xf32, #tpu.memory_space<hbm>> -> memref<51380224xf32, #tpu.memory_space<hbm>>
      tpu.wait_indirect_dma semaphore(%arg7 : memref<!tpu.dma_semaphore, #tpu.memory_space<semaphore_mem>>) src(%dma_wait3A_153 : memref<51380224xf32, #tpu.memory_space<hbm>>) dst(%dma_wait3A_149 : memref<128xf32, #tpu.memory_space<vmem>>)
      %dma_wait3A_154 = arith.constant 1024 : i32
      %dma_wait3A_155 = tpu.memref_slice %arg6[%dma_wait3A_154] : memref<2048xf32, #tpu.memory_space<vmem>> -> memref<128xf32, #tpu.memory_space<vmem>>
      %dma_wait3A_156 = arith.constant 1024 : i32
      %dma_wait3A_157 = tpu.memref_slice %arg5[%dma_wait3A_156] : memref<2048xi32, #tpu.memory_space<vmem>> -> memref<128xi32, #tpu.memory_space<vmem>>
      %dma_wait3A_158 = arith.constant 0 : i32
      %dma_wait3A_159 = tpu.memref_slice %arg2[%dma_wait3A_158] : memref<51380224xf32, #tpu.memory_space<hbm>> -> memref<51380224xf32, #tpu.memory_space<hbm>>
      tpu.wait_indirect_dma semaphore(%arg7 : memref<!tpu.dma_semaphore, #tpu.memory_space<semaphore_mem>>) src(%dma_wait3A_159 : memref<51380224xf32, #tpu.memory_space<hbm>>) dst(%dma_wait3A_155 : memref<128xf32, #tpu.memory_space<vmem>>)
      %dma_wait3A_160 = arith.constant 1152 : i32
      %dma_wait3A_161 = tpu.memref_slice %arg6[%dma_wait3A_160] : memref<2048xf32, #tpu.memory_space<vmem>> -> memref<128xf32, #tpu.memory_space<vmem>>
      %dma_wait3A_162 = arith.constant 1152 : i32
      %dma_wait3A_163 = tpu.memref_slice %arg5[%dma_wait3A_162] : memref<2048xi32, #tpu.memory_space<vmem>> -> memref<128xi32, #tpu.memory_space<vmem>>
      %dma_wait3A_164 = arith.constant 0 : i32
      %dma_wait3A_165 = tpu.memref_slice %arg2[%dma_wait3A_164] : memref<51380224xf32, #tpu.memory_space<hbm>> -> memref<51380224xf32, #tpu.memory_space<hbm>>
      tpu.wait_indirect_dma semaphore(%arg7 : memref<!tpu.dma_semaphore, #tpu.memory_space<semaphore_mem>>) src(%dma_wait3A_165 : memref<51380224xf32, #tpu.memory_space<hbm>>) dst(%dma_wait3A_161 : memref<128xf32, #tpu.memory_space<vmem>>)
      %dma_wait3A_166 = arith.constant 1280 : i32
      %dma_wait3A_167 = tpu.memref_slice %arg6[%dma_wait3A_166] : memref<2048xf32, #tpu.memory_space<vmem>> -> memref<128xf32, #tpu.memory_space<vmem>>
      %dma_wait3A_168 = arith.constant 1280 : i32
      %dma_wait3A_169 = tpu.memref_slice %arg5[%dma_wait3A_168] : memref<2048xi32, #tpu.memory_space<vmem>> -> memref<128xi32, #tpu.memory_space<vmem>>
      %dma_wait3A_170 = arith.constant 0 : i32
      %dma_wait3A_171 = tpu.memref_slice %arg2[%dma_wait3A_170] : memref<51380224xf32, #tpu.memory_space<hbm>> -> memref<51380224xf32, #tpu.memory_space<hbm>>
      tpu.wait_indirect_dma semaphore(%arg7 : memref<!tpu.dma_semaphore, #tpu.memory_space<semaphore_mem>>) src(%dma_wait3A_171 : memref<51380224xf32, #tpu.memory_space<hbm>>) dst(%dma_wait3A_167 : memref<128xf32, #tpu.memory_space<vmem>>)
      %dma_wait3A_172 = arith.constant 1408 : i32
      %dma_wait3A_173 = tpu.memref_slice %arg6[%dma_wait3A_172] : memref<2048xf32, #tpu.memory_space<vmem>> -> memref<128xf32, #tpu.memory_space<vmem>>
      %dma_wait3A_174 = arith.constant 1408 : i32
      %dma_wait3A_175 = tpu.memref_slice %arg5[%dma_wait3A_174] : memref<2048xi32, #tpu.memory_space<vmem>> -> memref<128xi32, #tpu.memory_space<vmem>>
      %dma_wait3A_176 = arith.constant 0 : i32
      %dma_wait3A_177 = tpu.memref_slice %arg2[%dma_wait3A_176] : memref<51380224xf32, #tpu.memory_space<hbm>> -> memref<51380224xf32, #tpu.memory_space<hbm>>
      tpu.wait_indirect_dma semaphore(%arg7 : memref<!tpu.dma_semaphore, #tpu.memory_space<semaphore_mem>>) src(%dma_wait3A_177 : memref<51380224xf32, #tpu.memory_space<hbm>>) dst(%dma_wait3A_173 : memref<128xf32, #tpu.memory_space<vmem>>)
      %dma_wait3A_178 = arith.constant 1536 : i32
      %dma_wait3A_179 = tpu.memref_slice %arg6[%dma_wait3A_178] : memref<2048xf32, #tpu.memory_space<vmem>> -> memref<128xf32, #tpu.memory_space<vmem>>
      %dma_wait3A_180 = arith.constant 1536 : i32
      %dma_wait3A_181 = tpu.memref_slice %arg5[%dma_wait3A_180] : memref<2048xi32, #tpu.memory_space<vmem>> -> memref<128xi32, #tpu.memory_space<vmem>>
      %dma_wait3A_182 = arith.constant 0 : i32
      %dma_wait3A_183 = tpu.memref_slice %arg2[%dma_wait3A_182] : memref<51380224xf32, #tpu.memory_space<hbm>> -> memref<51380224xf32, #tpu.memory_space<hbm>>
      tpu.wait_indirect_dma semaphore(%arg7 : memref<!tpu.dma_semaphore, #tpu.memory_space<semaphore_mem>>) src(%dma_wait3A_183 : memref<51380224xf32, #tpu.memory_space<hbm>>) dst(%dma_wait3A_179 : memref<128xf32, #tpu.memory_space<vmem>>)
      %dma_wait3A_184 = arith.constant 1664 : i32
      %dma_wait3A_185 = tpu.memref_slice %arg6[%dma_wait3A_184] : memref<2048xf32, #tpu.memory_space<vmem>> -> memref<128xf32, #tpu.memory_space<vmem>>
      %dma_wait3A_186 = arith.constant 1664 : i32
      %dma_wait3A_187 = tpu.memref_slice %arg5[%dma_wait3A_186] : memref<2048xi32, #tpu.memory_space<vmem>> -> memref<128xi32, #tpu.memory_space<vmem>>
      %dma_wait3A_188 = arith.constant 0 : i32
      %dma_wait3A_189 = tpu.memref_slice %arg2[%dma_wait3A_188] : memref<51380224xf32, #tpu.memory_space<hbm>> -> memref<51380224xf32, #tpu.memory_space<hbm>>
      tpu.wait_indirect_dma semaphore(%arg7 : memref<!tpu.dma_semaphore, #tpu.memory_space<semaphore_mem>>) src(%dma_wait3A_189 : memref<51380224xf32, #tpu.memory_space<hbm>>) dst(%dma_wait3A_185 : memref<128xf32, #tpu.memory_space<vmem>>)
      %dma_wait3A_190 = arith.constant 1792 : i32
      %dma_wait3A_191 = tpu.memref_slice %arg6[%dma_wait3A_190] : memref<2048xf32, #tpu.memory_space<vmem>> -> memref<128xf32, #tpu.memory_space<vmem>>
      %dma_wait3A_192 = arith.constant 1792 : i32
      %dma_wait3A_193 = tpu.memref_slice %arg5[%dma_wait3A_192] : memref<2048xi32, #tpu.memory_space<vmem>> -> memref<128xi32, #tpu.memory_space<vmem>>
      %dma_wait3A_194 = arith.constant 0 : i32
      %dma_wait3A_195 = tpu.memref_slice %arg2[%dma_wait3A_194] : memref<51380224xf32, #tpu.memory_space<hbm>> -> memref<51380224xf32, #tpu.memory_space<hbm>>
      tpu.wait_indirect_dma semaphore(%arg7 : memref<!tpu.dma_semaphore, #tpu.memory_space<semaphore_mem>>) src(%dma_wait3A_195 : memref<51380224xf32, #tpu.memory_space<hbm>>) dst(%dma_wait3A_191 : memref<128xf32, #tpu.memory_space<vmem>>)
      %dma_wait3A_196 = arith.constant 1920 : i32
      %dma_wait3A_197 = tpu.memref_slice %arg6[%dma_wait3A_196] : memref<2048xf32, #tpu.memory_space<vmem>> -> memref<128xf32, #tpu.memory_space<vmem>>
      %dma_wait3A_198 = arith.constant 1920 : i32
      %dma_wait3A_199 = tpu.memref_slice %arg5[%dma_wait3A_198] : memref<2048xi32, #tpu.memory_space<vmem>> -> memref<128xi32, #tpu.memory_space<vmem>>
      %dma_wait3A_200 = arith.constant 0 : i32
      %dma_wait3A_201 = tpu.memref_slice %arg2[%dma_wait3A_200] : memref<51380224xf32, #tpu.memory_space<hbm>> -> memref<51380224xf32, #tpu.memory_space<hbm>>
      tpu.wait_indirect_dma semaphore(%arg7 : memref<!tpu.dma_semaphore, #tpu.memory_space<semaphore_mem>>) src(%dma_wait3A_201 : memref<51380224xf32, #tpu.memory_space<hbm>>) dst(%dma_wait3A_197 : memref<128xf32, #tpu.memory_space<vmem>>)
      "tpu.region"() ({
        %run_scoped3A = tpu.sem_alloc : memref<!tpu.dma_semaphore, #tpu.memory_space<semaphore_mem>>
        %dma_start3A_202 = tpu.memref_slice %arg4[%add3A_11] : memref<1114112xf32, #tpu.memory_space<hbm>> -> memref<2048xf32, #tpu.memory_space<hbm>>
        %dma_start3A_203 = tpu.memref_slice %arg4[%add3A_11] : memref<1114112xf32, #tpu.memory_space<hbm>> -> memref<2048xf32, #tpu.memory_space<hbm>>
        tpu.enqueue_dma source(%arg6 : memref<2048xf32, #tpu.memory_space<vmem>>) target(%dma_start3A_203 : memref<2048xf32, #tpu.memory_space<hbm>>) target_semaphore(%run_scoped3A : memref<!tpu.dma_semaphore, #tpu.memory_space<semaphore_mem>>)
        %dma_wait3A_204 = tpu.memref_slice %arg4[%add3A_11] : memref<1114112xf32, #tpu.memory_space<hbm>> -> memref<2048xf32, #tpu.memory_space<hbm>>
        %dma_wait3A_205 = tpu.memref_slice %arg4[%add3A_11] : memref<1114112xf32, #tpu.memory_space<hbm>> -> memref<2048xf32, #tpu.memory_space<hbm>>
        tpu.wait_dma2 semaphore(%run_scoped3A : memref<!tpu.dma_semaphore, #tpu.memory_space<semaphore_mem>>) src(%arg6 : memref<2048xf32, #tpu.memory_space<vmem>>) dst(%dma_wait3A_205 : memref<2048xf32, #tpu.memory_space<hbm>>)
        tpu.yield
      }) : () -> ()
    }
    %scan3A_7 = arith.constant 17 : i32
    return
  }
}

#map = affine_map<(d0, d1) -> (0)>
module attributes {stable_mosaic.version = 14 : i64} {
  func.func @body(%arg0: i32, %arg1: i32, %arg2: memref<51380224xf32, #tpu.memory_space<hbm>>, %arg3: memref<1114112xi32, #tpu.memory_space<hbm>>, %arg4: memref<1114112xf32, #tpu.memory_space<hbm>>, %arg5: memref<2048xi32, #tpu.memory_space<vmem>>, %arg6: memref<2048xf32, #tpu.memory_space<vmem>>, %arg7: memref<!tpu.dma_semaphore, #tpu.memory_space<semaphore_mem>>) attributes {dimension_semantics = [#tpu.dimension_semantics<core_parallel>, #tpu.dimension_semantics<subcore_parallel>], iteration_bounds = array<i64: 2, 16>, scalar_prefetch = 0 : i64, scratch_operands = 3 : i64, tpu.core_type = #tpu.core_type<sc_vector_subcore>, window_params = [{transform_indices = #map}, {transform_indices = #map}, {transform_indices = #map}]} {
    %mul3A = arith.constant 2 : i32
    %mul3A_0 = arith.muli %arg1, %mul3A : i32
    %add3A = arith.addi %mul3A_0, %arg0 : i32
    %mul3A_1 = arith.constant 34816 : i32
    %mul3A_2 = arith.muli %add3A, %mul3A_1 : i32
    %scan3A = arith.constant 0 : i32
    %scan3A_3 = arith.constant 0 : i32
    %scan3A_4 = arith.constant 17 : i32
    %scan3A_5 = arith.addi %scan3A_3, %scan3A_4 : i32
    %scan3A_6 = arith.constant 1 : i32
    scf.for %scan3A_8 = %scan3A_3 to %scan3A_5 step %scan3A_6  : i32 {
      %mul3A_9 = arith.constant 2048 : i32
      %mul3A_10 = arith.muli %scan3A_8, %mul3A_9 : i32
      %add3A_11 = arith.addi %mul3A_2, %mul3A_10 : i32
      "tpu.region"() ({
        %run_scoped3A = tpu.sem_alloc : memref<!tpu.dma_semaphore, #tpu.memory_space<semaphore_mem>>
        %dma_start3A_202 = tpu.memref_slice %arg3[%add3A_11] : memref<1114112xi32, #tpu.memory_space<hbm>> -> memref<2048xi32, #tpu.memory_space<hbm>>
        %dma_start3A_203 = tpu.memref_slice %arg3[%add3A_11] : memref<1114112xi32, #tpu.memory_space<hbm>> -> memref<2048xi32, #tpu.memory_space<hbm>>
        tpu.enqueue_dma source(%dma_start3A_203 : memref<2048xi32, #tpu.memory_space<hbm>>) target(%arg5 : memref<2048xi32, #tpu.memory_space<vmem>>) target_semaphore(%run_scoped3A : memref<!tpu.dma_semaphore, #tpu.memory_space<semaphore_mem>>)
        %dma_wait3A_204 = tpu.memref_slice %arg3[%add3A_11] : memref<1114112xi32, #tpu.memory_space<hbm>> -> memref<2048xi32, #tpu.memory_space<hbm>>
        %dma_wait3A_205 = tpu.memref_slice %arg3[%add3A_11] : memref<1114112xi32, #tpu.memory_space<hbm>> -> memref<2048xi32, #tpu.memory_space<hbm>>
        tpu.wait_dma2 semaphore(%run_scoped3A : memref<!tpu.dma_semaphore, #tpu.memory_space<semaphore_mem>>) src(%dma_wait3A_205 : memref<2048xi32, #tpu.memory_space<hbm>>) dst(%arg5 : memref<2048xi32, #tpu.memory_space<vmem>>)
        tpu.yield
      }) : () -> ()
      %dma_start3A = arith.constant 0 : i32
      %dma_start3A_12 = tpu.memref_slice %arg6[%dma_start3A] : memref<2048xf32, #tpu.memory_space<vmem>> -> memref<128xf32, #tpu.memory_space<vmem>>
      %dma_start3A_13 = arith.constant 0 : i32
      %dma_start3A_14 = tpu.memref_slice %arg5[%dma_start3A_13] : memref<2048xi32, #tpu.memory_space<vmem>> -> memref<128xi32, #tpu.memory_space<vmem>>
      %dma_start3A_15 = arith.constant 0 : i32
      %dma_start3A_16 = tpu.memref_slice %arg2[%dma_start3A_15] : memref<51380224xf32, #tpu.memory_space<hbm>> -> memref<51380224xf32, #tpu.memory_space<hbm>>
      tpu.enqueue_indirect_dma source(%dma_start3A_16 : memref<51380224xf32, #tpu.memory_space<hbm>>) target(%dma_start3A_12 : memref<128xf32, #tpu.memory_space<vmem>>) offsets(%dma_start3A_14 : memref<128xi32, #tpu.memory_space<vmem>>) semaphore(%arg7 : memref<!tpu.dma_semaphore, #tpu.memory_space<semaphore_mem>>)
      %dma_start3A_17 = arith.constant 128 : i32
      %dma_start3A_18 = tpu.memref_slice %arg6[%dma_start3A_17] : memref<2048xf32, #tpu.memory_space<vmem>> -> memref<128xf32, #tpu.memory_space<vmem>>
      %dma_start3A_19 = arith.constant 128 : i32
      %dma_start3A_20 = tpu.memref_slice %arg5[%dma_start3A_19] : memref<2048xi32, #tpu.memory_space<vmem>> -> memref<128xi32, #tpu.memory_space<vmem>>
      %dma_start3A_21 = arith.constant 0 : i32
      %dma_start3A_22 = tpu.memref_slice %arg2[%dma_start3A_21] : memref<51380224xf32, #tpu.memory_space<hbm>> -> memref<51380224xf32, #tpu.memory_space<hbm>>
      tpu.enqueue_indirect_dma source(%dma_start3A_22 : memref<51380224xf32, #tpu.memory_space<hbm>>) target(%dma_start3A_18 : memref<128xf32, #tpu.memory_space<vmem>>) offsets(%dma_start3A_20 : memref<128xi32, #tpu.memory_space<vmem>>) semaphore(%arg7 : memref<!tpu.dma_semaphore, #tpu.memory_space<semaphore_mem>>)
      %dma_start3A_23 = arith.constant 256 : i32
      %dma_start3A_24 = tpu.memref_slice %arg6[%dma_start3A_23] : memref<2048xf32, #tpu.memory_space<vmem>> -> memref<128xf32, #tpu.memory_space<vmem>>
      %dma_start3A_25 = arith.constant 256 : i32
      %dma_start3A_26 = tpu.memref_slice %arg5[%dma_start3A_25] : memref<2048xi32, #tpu.memory_space<vmem>> -> memref<128xi32, #tpu.memory_space<vmem>>
      %dma_start3A_27 = arith.constant 0 : i32
      %dma_start3A_28 = tpu.memref_slice %arg2[%dma_start3A_27] : memref<51380224xf32, #tpu.memory_space<hbm>> -> memref<51380224xf32, #tpu.memory_space<hbm>>
      tpu.enqueue_indirect_dma source(%dma_start3A_28 : memref<51380224xf32, #tpu.memory_space<hbm>>) target(%dma_start3A_24 : memref<128xf32, #tpu.memory_space<vmem>>) offsets(%dma_start3A_26 : memref<128xi32, #tpu.memory_space<vmem>>) semaphore(%arg7 : memref<!tpu.dma_semaphore, #tpu.memory_space<semaphore_mem>>)
      %dma_start3A_29 = arith.constant 384 : i32
      %dma_start3A_30 = tpu.memref_slice %arg6[%dma_start3A_29] : memref<2048xf32, #tpu.memory_space<vmem>> -> memref<128xf32, #tpu.memory_space<vmem>>
      %dma_start3A_31 = arith.constant 384 : i32
      %dma_start3A_32 = tpu.memref_slice %arg5[%dma_start3A_31] : memref<2048xi32, #tpu.memory_space<vmem>> -> memref<128xi32, #tpu.memory_space<vmem>>
      %dma_start3A_33 = arith.constant 0 : i32
      %dma_start3A_34 = tpu.memref_slice %arg2[%dma_start3A_33] : memref<51380224xf32, #tpu.memory_space<hbm>> -> memref<51380224xf32, #tpu.memory_space<hbm>>
      tpu.enqueue_indirect_dma source(%dma_start3A_34 : memref<51380224xf32, #tpu.memory_space<hbm>>) target(%dma_start3A_30 : memref<128xf32, #tpu.memory_space<vmem>>) offsets(%dma_start3A_32 : memref<128xi32, #tpu.memory_space<vmem>>) semaphore(%arg7 : memref<!tpu.dma_semaphore, #tpu.memory_space<semaphore_mem>>)
      %dma_start3A_35 = arith.constant 512 : i32
      %dma_start3A_36 = tpu.memref_slice %arg6[%dma_start3A_35] : memref<2048xf32, #tpu.memory_space<vmem>> -> memref<128xf32, #tpu.memory_space<vmem>>
      %dma_start3A_37 = arith.constant 512 : i32
      %dma_start3A_38 = tpu.memref_slice %arg5[%dma_start3A_37] : memref<2048xi32, #tpu.memory_space<vmem>> -> memref<128xi32, #tpu.memory_space<vmem>>
      %dma_start3A_39 = arith.constant 0 : i32
      %dma_start3A_40 = tpu.memref_slice %arg2[%dma_start3A_39] : memref<51380224xf32, #tpu.memory_space<hbm>> -> memref<51380224xf32, #tpu.memory_space<hbm>>
      tpu.enqueue_indirect_dma source(%dma_start3A_40 : memref<51380224xf32, #tpu.memory_space<hbm>>) target(%dma_start3A_36 : memref<128xf32, #tpu.memory_space<vmem>>) offsets(%dma_start3A_38 : memref<128xi32, #tpu.memory_space<vmem>>) semaphore(%arg7 : memref<!tpu.dma_semaphore, #tpu.memory_space<semaphore_mem>>)
      %dma_start3A_41 = arith.constant 640 : i32
      %dma_start3A_42 = tpu.memref_slice %arg6[%dma_start3A_41] : memref<2048xf32, #tpu.memory_space<vmem>> -> memref<128xf32, #tpu.memory_space<vmem>>
      %dma_start3A_43 = arith.constant 640 : i32
      %dma_start3A_44 = tpu.memref_slice %arg5[%dma_start3A_43] : memref<2048xi32, #tpu.memory_space<vmem>> -> memref<128xi32, #tpu.memory_space<vmem>>
      %dma_start3A_45 = arith.constant 0 : i32
      %dma_start3A_46 = tpu.memref_slice %arg2[%dma_start3A_45] : memref<51380224xf32, #tpu.memory_space<hbm>> -> memref<51380224xf32, #tpu.memory_space<hbm>>
      tpu.enqueue_indirect_dma source(%dma_start3A_46 : memref<51380224xf32, #tpu.memory_space<hbm>>) target(%dma_start3A_42 : memref<128xf32, #tpu.memory_space<vmem>>) offsets(%dma_start3A_44 : memref<128xi32, #tpu.memory_space<vmem>>) semaphore(%arg7 : memref<!tpu.dma_semaphore, #tpu.memory_space<semaphore_mem>>)
      %dma_start3A_47 = arith.constant 768 : i32
      %dma_start3A_48 = tpu.memref_slice %arg6[%dma_start3A_47] : memref<2048xf32, #tpu.memory_space<vmem>> -> memref<128xf32, #tpu.memory_space<vmem>>
      %dma_start3A_49 = arith.constant 768 : i32
      %dma_start3A_50 = tpu.memref_slice %arg5[%dma_start3A_49] : memref<2048xi32, #tpu.memory_space<vmem>> -> memref<128xi32, #tpu.memory_space<vmem>>
      %dma_start3A_51 = arith.constant 0 : i32
      %dma_start3A_52 = tpu.memref_slice %arg2[%dma_start3A_51] : memref<51380224xf32, #tpu.memory_space<hbm>> -> memref<51380224xf32, #tpu.memory_space<hbm>>
      tpu.enqueue_indirect_dma source(%dma_start3A_52 : memref<51380224xf32, #tpu.memory_space<hbm>>) target(%dma_start3A_48 : memref<128xf32, #tpu.memory_space<vmem>>) offsets(%dma_start3A_50 : memref<128xi32, #tpu.memory_space<vmem>>) semaphore(%arg7 : memref<!tpu.dma_semaphore, #tpu.memory_space<semaphore_mem>>)
      %dma_start3A_53 = arith.constant 896 : i32
      %dma_start3A_54 = tpu.memref_slice %arg6[%dma_start3A_53] : memref<2048xf32, #tpu.memory_space<vmem>> -> memref<128xf32, #tpu.memory_space<vmem>>
      %dma_start3A_55 = arith.constant 896 : i32
      %dma_start3A_56 = tpu.memref_slice %arg5[%dma_start3A_55] : memref<2048xi32, #tpu.memory_space<vmem>> -> memref<128xi32, #tpu.memory_space<vmem>>
      %dma_start3A_57 = arith.constant 0 : i32
      %dma_start3A_58 = tpu.memref_slice %arg2[%dma_start3A_57] : memref<51380224xf32, #tpu.memory_space<hbm>> -> memref<51380224xf32, #tpu.memory_space<hbm>>
      tpu.enqueue_indirect_dma source(%dma_start3A_58 : memref<51380224xf32, #tpu.memory_space<hbm>>) target(%dma_start3A_54 : memref<128xf32, #tpu.memory_space<vmem>>) offsets(%dma_start3A_56 : memref<128xi32, #tpu.memory_space<vmem>>) semaphore(%arg7 : memref<!tpu.dma_semaphore, #tpu.memory_space<semaphore_mem>>)
      %dma_start3A_59 = arith.constant 1024 : i32
      %dma_start3A_60 = tpu.memref_slice %arg6[%dma_start3A_59] : memref<2048xf32, #tpu.memory_space<vmem>> -> memref<128xf32, #tpu.memory_space<vmem>>
      %dma_start3A_61 = arith.constant 1024 : i32
      %dma_start3A_62 = tpu.memref_slice %arg5[%dma_start3A_61] : memref<2048xi32, #tpu.memory_space<vmem>> -> memref<128xi32, #tpu.memory_space<vmem>>
      %dma_start3A_63 = arith.constant 0 : i32
      %dma_start3A_64 = tpu.memref_slice %arg2[%dma_start3A_63] : memref<51380224xf32, #tpu.memory_space<hbm>> -> memref<51380224xf32, #tpu.memory_space<hbm>>
      tpu.enqueue_indirect_dma source(%dma_start3A_64 : memref<51380224xf32, #tpu.memory_space<hbm>>) target(%dma_start3A_60 : memref<128xf32, #tpu.memory_space<vmem>>) offsets(%dma_start3A_62 : memref<128xi32, #tpu.memory_space<vmem>>) semaphore(%arg7 : memref<!tpu.dma_semaphore, #tpu.memory_space<semaphore_mem>>)
      %dma_start3A_65 = arith.constant 1152 : i32
      %dma_start3A_66 = tpu.memref_slice %arg6[%dma_start3A_65] : memref<2048xf32, #tpu.memory_space<vmem>> -> memref<128xf32, #tpu.memory_space<vmem>>
      %dma_start3A_67 = arith.constant 1152 : i32
      %dma_start3A_68 = tpu.memref_slice %arg5[%dma_start3A_67] : memref<2048xi32, #tpu.memory_space<vmem>> -> memref<128xi32, #tpu.memory_space<vmem>>
      %dma_start3A_69 = arith.constant 0 : i32
      %dma_start3A_70 = tpu.memref_slice %arg2[%dma_start3A_69] : memref<51380224xf32, #tpu.memory_space<hbm>> -> memref<51380224xf32, #tpu.memory_space<hbm>>
      tpu.enqueue_indirect_dma source(%dma_start3A_70 : memref<51380224xf32, #tpu.memory_space<hbm>>) target(%dma_start3A_66 : memref<128xf32, #tpu.memory_space<vmem>>) offsets(%dma_start3A_68 : memref<128xi32, #tpu.memory_space<vmem>>) semaphore(%arg7 : memref<!tpu.dma_semaphore, #tpu.memory_space<semaphore_mem>>)
      %dma_start3A_71 = arith.constant 1280 : i32
      %dma_start3A_72 = tpu.memref_slice %arg6[%dma_start3A_71] : memref<2048xf32, #tpu.memory_space<vmem>> -> memref<128xf32, #tpu.memory_space<vmem>>
      %dma_start3A_73 = arith.constant 1280 : i32
      %dma_start3A_74 = tpu.memref_slice %arg5[%dma_start3A_73] : memref<2048xi32, #tpu.memory_space<vmem>> -> memref<128xi32, #tpu.memory_space<vmem>>
      %dma_start3A_75 = arith.constant 0 : i32
      %dma_start3A_76 = tpu.memref_slice %arg2[%dma_start3A_75] : memref<51380224xf32, #tpu.memory_space<hbm>> -> memref<51380224xf32, #tpu.memory_space<hbm>>
      tpu.enqueue_indirect_dma source(%dma_start3A_76 : memref<51380224xf32, #tpu.memory_space<hbm>>) target(%dma_start3A_72 : memref<128xf32, #tpu.memory_space<vmem>>) offsets(%dma_start3A_74 : memref<128xi32, #tpu.memory_space<vmem>>) semaphore(%arg7 : memref<!tpu.dma_semaphore, #tpu.memory_space<semaphore_mem>>)
      %dma_start3A_77 = arith.constant 1408 : i32
      %dma_start3A_78 = tpu.memref_slice %arg6[%dma_start3A_77] : memref<2048xf32, #tpu.memory_space<vmem>> -> memref<128xf32, #tpu.memory_space<vmem>>
      %dma_start3A_79 = arith.constant 1408 : i32
      %dma_start3A_80 = tpu.memref_slice %arg5[%dma_start3A_79] : memref<2048xi32, #tpu.memory_space<vmem>> -> memref<128xi32, #tpu.memory_space<vmem>>
      %dma_start3A_81 = arith.constant 0 : i32
      %dma_start3A_82 = tpu.memref_slice %arg2[%dma_start3A_81] : memref<51380224xf32, #tpu.memory_space<hbm>> -> memref<51380224xf32, #tpu.memory_space<hbm>>
      tpu.enqueue_indirect_dma source(%dma_start3A_82 : memref<51380224xf32, #tpu.memory_space<hbm>>) target(%dma_start3A_78 : memref<128xf32, #tpu.memory_space<vmem>>) offsets(%dma_start3A_80 : memref<128xi32, #tpu.memory_space<vmem>>) semaphore(%arg7 : memref<!tpu.dma_semaphore, #tpu.memory_space<semaphore_mem>>)
      %dma_start3A_83 = arith.constant 1536 : i32
      %dma_start3A_84 = tpu.memref_slice %arg6[%dma_start3A_83] : memref<2048xf32, #tpu.memory_space<vmem>> -> memref<128xf32, #tpu.memory_space<vmem>>
      %dma_start3A_85 = arith.constant 1536 : i32
      %dma_start3A_86 = tpu.memref_slice %arg5[%dma_start3A_85] : memref<2048xi32, #tpu.memory_space<vmem>> -> memref<128xi32, #tpu.memory_space<vmem>>
      %dma_start3A_87 = arith.constant 0 : i32
      %dma_start3A_88 = tpu.memref_slice %arg2[%dma_start3A_87] : memref<51380224xf32, #tpu.memory_space<hbm>> -> memref<51380224xf32, #tpu.memory_space<hbm>>
      tpu.enqueue_indirect_dma source(%dma_start3A_88 : memref<51380224xf32, #tpu.memory_space<hbm>>) target(%dma_start3A_84 : memref<128xf32, #tpu.memory_space<vmem>>) offsets(%dma_start3A_86 : memref<128xi32, #tpu.memory_space<vmem>>) semaphore(%arg7 : memref<!tpu.dma_semaphore, #tpu.memory_space<semaphore_mem>>)
      %dma_start3A_89 = arith.constant 1664 : i32
      %dma_start3A_90 = tpu.memref_slice %arg6[%dma_start3A_89] : memref<2048xf32, #tpu.memory_space<vmem>> -> memref<128xf32, #tpu.memory_space<vmem>>
      %dma_start3A_91 = arith.constant 1664 : i32
      %dma_start3A_92 = tpu.memref_slice %arg5[%dma_start3A_91] : memref<2048xi32, #tpu.memory_space<vmem>> -> memref<128xi32, #tpu.memory_space<vmem>>
      %dma_start3A_93 = arith.constant 0 : i32
      %dma_start3A_94 = tpu.memref_slice %arg2[%dma_start3A_93] : memref<51380224xf32, #tpu.memory_space<hbm>> -> memref<51380224xf32, #tpu.memory_space<hbm>>
      tpu.enqueue_indirect_dma source(%dma_start3A_94 : memref<51380224xf32, #tpu.memory_space<hbm>>) target(%dma_start3A_90 : memref<128xf32, #tpu.memory_space<vmem>>) offsets(%dma_start3A_92 : memref<128xi32, #tpu.memory_space<vmem>>) semaphore(%arg7 : memref<!tpu.dma_semaphore, #tpu.memory_space<semaphore_mem>>)
      %dma_start3A_95 = arith.constant 1792 : i32
      %dma_start3A_96 = tpu.memref_slice %arg6[%dma_start3A_95] : memref<2048xf32, #tpu.memory_space<vmem>> -> memref<128xf32, #tpu.memory_space<vmem>>
      %dma_start3A_97 = arith.constant 1792 : i32
      %dma_start3A_98 = tpu.memref_slice %arg5[%dma_start3A_97] : memref<2048xi32, #tpu.memory_space<vmem>> -> memref<128xi32, #tpu.memory_space<vmem>>
      %dma_start3A_99 = arith.constant 0 : i32
      %dma_start3A_100 = tpu.memref_slice %arg2[%dma_start3A_99] : memref<51380224xf32, #tpu.memory_space<hbm>> -> memref<51380224xf32, #tpu.memory_space<hbm>>
      tpu.enqueue_indirect_dma source(%dma_start3A_100 : memref<51380224xf32, #tpu.memory_space<hbm>>) target(%dma_start3A_96 : memref<128xf32, #tpu.memory_space<vmem>>) offsets(%dma_start3A_98 : memref<128xi32, #tpu.memory_space<vmem>>) semaphore(%arg7 : memref<!tpu.dma_semaphore, #tpu.memory_space<semaphore_mem>>)
      %dma_start3A_101 = arith.constant 1920 : i32
      %dma_start3A_102 = tpu.memref_slice %arg6[%dma_start3A_101] : memref<2048xf32, #tpu.memory_space<vmem>> -> memref<128xf32, #tpu.memory_space<vmem>>
      %dma_start3A_103 = arith.constant 1920 : i32
      %dma_start3A_104 = tpu.memref_slice %arg5[%dma_start3A_103] : memref<2048xi32, #tpu.memory_space<vmem>> -> memref<128xi32, #tpu.memory_space<vmem>>
      %dma_start3A_105 = arith.constant 0 : i32
      %dma_start3A_106 = tpu.memref_slice %arg2[%dma_start3A_105] : memref<51380224xf32, #tpu.memory_space<hbm>> -> memref<51380224xf32, #tpu.memory_space<hbm>>
      tpu.enqueue_indirect_dma source(%dma_start3A_106 : memref<51380224xf32, #tpu.memory_space<hbm>>) target(%dma_start3A_102 : memref<128xf32, #tpu.memory_space<vmem>>) offsets(%dma_start3A_104 : memref<128xi32, #tpu.memory_space<vmem>>) semaphore(%arg7 : memref<!tpu.dma_semaphore, #tpu.memory_space<semaphore_mem>>)
      %dma_wait3A = arith.constant 0 : i32
      %dma_wait3A_107 = tpu.memref_slice %arg6[%dma_wait3A] : memref<2048xf32, #tpu.memory_space<vmem>> -> memref<128xf32, #tpu.memory_space<vmem>>
      %dma_wait3A_108 = arith.constant 0 : i32
      %dma_wait3A_109 = tpu.memref_slice %arg5[%dma_wait3A_108] : memref<2048xi32, #tpu.memory_space<vmem>> -> memref<128xi32, #tpu.memory_space<vmem>>
      %dma_wait3A_110 = arith.constant 0 : i32
      %dma_wait3A_111 = tpu.memref_slice %arg2[%dma_wait3A_110] : memref<51380224xf32, #tpu.memory_space<hbm>> -> memref<51380224xf32, #tpu.memory_space<hbm>>
      tpu.wait_indirect_dma semaphore(%arg7 : memref<!tpu.dma_semaphore, #tpu.memory_space<semaphore_mem>>) src(%dma_wait3A_111 : memref<51380224xf32, #tpu.memory_space<hbm>>) dst(%dma_wait3A_107 : memref<128xf32, #tpu.memory_space<vmem>>)
      %dma_wait3A_112 = arith.constant 128 : i32
      %dma_wait3A_113 = tpu.memref_slice %arg6[%dma_wait3A_112] : memref<2048xf32, #tpu.memory_space<vmem>> -> memref<128xf32, #tpu.memory_space<vmem>>
      %dma_wait3A_114 = arith.constant 128 : i32
      %dma_wait3A_115 = tpu.memref_slice %arg5[%dma_wait3A_114] : memref<2048xi32, #tpu.memory_space<vmem>> -> memref<128xi32, #tpu.memory_space<vmem>>
      %dma_wait3A_116 = arith.constant 0 : i32
      %dma_wait3A_117 = tpu.memref_slice %arg2[%dma_wait3A_116] : memref<51380224xf32, #tpu.memory_space<hbm>> -> memref<51380224xf32, #tpu.memory_space<hbm>>
      tpu.wait_indirect_dma semaphore(%arg7 : memref<!tpu.dma_semaphore, #tpu.memory_space<semaphore_mem>>) src(%dma_wait3A_117 : memref<51380224xf32, #tpu.memory_space<hbm>>) dst(%dma_wait3A_113 : memref<128xf32, #tpu.memory_space<vmem>>)
      %dma_wait3A_118 = arith.constant 256 : i32
      %dma_wait3A_119 = tpu.memref_slice %arg6[%dma_wait3A_118] : memref<2048xf32, #tpu.memory_space<vmem>> -> memref<128xf32, #tpu.memory_space<vmem>>
      %dma_wait3A_120 = arith.constant 256 : i32
      %dma_wait3A_121 = tpu.memref_slice %arg5[%dma_wait3A_120] : memref<2048xi32, #tpu.memory_space<vmem>> -> memref<128xi32, #tpu.memory_space<vmem>>
      %dma_wait3A_122 = arith.constant 0 : i32
      %dma_wait3A_123 = tpu.memref_slice %arg2[%dma_wait3A_122] : memref<51380224xf32, #tpu.memory_space<hbm>> -> memref<51380224xf32, #tpu.memory_space<hbm>>
      tpu.wait_indirect_dma semaphore(%arg7 : memref<!tpu.dma_semaphore, #tpu.memory_space<semaphore_mem>>) src(%dma_wait3A_123 : memref<51380224xf32, #tpu.memory_space<hbm>>) dst(%dma_wait3A_119 : memref<128xf32, #tpu.memory_space<vmem>>)
      %dma_wait3A_124 = arith.constant 384 : i32
      %dma_wait3A_125 = tpu.memref_slice %arg6[%dma_wait3A_124] : memref<2048xf32, #tpu.memory_space<vmem>> -> memref<128xf32, #tpu.memory_space<vmem>>
      %dma_wait3A_126 = arith.constant 384 : i32
      %dma_wait3A_127 = tpu.memref_slice %arg5[%dma_wait3A_126] : memref<2048xi32, #tpu.memory_space<vmem>> -> memref<128xi32, #tpu.memory_space<vmem>>
      %dma_wait3A_128 = arith.constant 0 : i32
      %dma_wait3A_129 = tpu.memref_slice %arg2[%dma_wait3A_128] : memref<51380224xf32, #tpu.memory_space<hbm>> -> memref<51380224xf32, #tpu.memory_space<hbm>>
      tpu.wait_indirect_dma semaphore(%arg7 : memref<!tpu.dma_semaphore, #tpu.memory_space<semaphore_mem>>) src(%dma_wait3A_129 : memref<51380224xf32, #tpu.memory_space<hbm>>) dst(%dma_wait3A_125 : memref<128xf32, #tpu.memory_space<vmem>>)
      %dma_wait3A_130 = arith.constant 512 : i32
      %dma_wait3A_131 = tpu.memref_slice %arg6[%dma_wait3A_130] : memref<2048xf32, #tpu.memory_space<vmem>> -> memref<128xf32, #tpu.memory_space<vmem>>
      %dma_wait3A_132 = arith.constant 512 : i32
      %dma_wait3A_133 = tpu.memref_slice %arg5[%dma_wait3A_132] : memref<2048xi32, #tpu.memory_space<vmem>> -> memref<128xi32, #tpu.memory_space<vmem>>
      %dma_wait3A_134 = arith.constant 0 : i32
      %dma_wait3A_135 = tpu.memref_slice %arg2[%dma_wait3A_134] : memref<51380224xf32, #tpu.memory_space<hbm>> -> memref<51380224xf32, #tpu.memory_space<hbm>>
      tpu.wait_indirect_dma semaphore(%arg7 : memref<!tpu.dma_semaphore, #tpu.memory_space<semaphore_mem>>) src(%dma_wait3A_135 : memref<51380224xf32, #tpu.memory_space<hbm>>) dst(%dma_wait3A_131 : memref<128xf32, #tpu.memory_space<vmem>>)
      %dma_wait3A_136 = arith.constant 640 : i32
      %dma_wait3A_137 = tpu.memref_slice %arg6[%dma_wait3A_136] : memref<2048xf32, #tpu.memory_space<vmem>> -> memref<128xf32, #tpu.memory_space<vmem>>
      %dma_wait3A_138 = arith.constant 640 : i32
      %dma_wait3A_139 = tpu.memref_slice %arg5[%dma_wait3A_138] : memref<2048xi32, #tpu.memory_space<vmem>> -> memref<128xi32, #tpu.memory_space<vmem>>
      %dma_wait3A_140 = arith.constant 0 : i32
      %dma_wait3A_141 = tpu.memref_slice %arg2[%dma_wait3A_140] : memref<51380224xf32, #tpu.memory_space<hbm>> -> memref<51380224xf32, #tpu.memory_space<hbm>>
      tpu.wait_indirect_dma semaphore(%arg7 : memref<!tpu.dma_semaphore, #tpu.memory_space<semaphore_mem>>) src(%dma_wait3A_141 : memref<51380224xf32, #tpu.memory_space<hbm>>) dst(%dma_wait3A_137 : memref<128xf32, #tpu.memory_space<vmem>>)
      %dma_wait3A_142 = arith.constant 768 : i32
      %dma_wait3A_143 = tpu.memref_slice %arg6[%dma_wait3A_142] : memref<2048xf32, #tpu.memory_space<vmem>> -> memref<128xf32, #tpu.memory_space<vmem>>
      %dma_wait3A_144 = arith.constant 768 : i32
      %dma_wait3A_145 = tpu.memref_slice %arg5[%dma_wait3A_144] : memref<2048xi32, #tpu.memory_space<vmem>> -> memref<128xi32, #tpu.memory_space<vmem>>
      %dma_wait3A_146 = arith.constant 0 : i32
      %dma_wait3A_147 = tpu.memref_slice %arg2[%dma_wait3A_146] : memref<51380224xf32, #tpu.memory_space<hbm>> -> memref<51380224xf32, #tpu.memory_space<hbm>>
      tpu.wait_indirect_dma semaphore(%arg7 : memref<!tpu.dma_semaphore, #tpu.memory_space<semaphore_mem>>) src(%dma_wait3A_147 : memref<51380224xf32, #tpu.memory_space<hbm>>) dst(%dma_wait3A_143 : memref<128xf32, #tpu.memory_space<vmem>>)
      %dma_wait3A_148 = arith.constant 896 : i32
      %dma_wait3A_149 = tpu.memref_slice %arg6[%dma_wait3A_148] : memref<2048xf32, #tpu.memory_space<vmem>> -> memref<128xf32, #tpu.memory_space<vmem>>
      %dma_wait3A_150 = arith.constant 896 : i32
      %dma_wait3A_151 = tpu.memref_slice %arg5[%dma_wait3A_150] : memref<2048xi32, #tpu.memory_space<vmem>> -> memref<128xi32, #tpu.memory_space<vmem>>
      %dma_wait3A_152 = arith.constant 0 : i32
      %dma_wait3A_153 = tpu.memref_slice %arg2[%dma_wait3A_152] : memref<51380224xf32, #tpu.memory_space<hbm>> -> memref<51380224xf32, #tpu.memory_space<hbm>>
      tpu.wait_indirect_dma semaphore(%arg7 : memref<!tpu.dma_semaphore, #tpu.memory_space<semaphore_mem>>) src(%dma_wait3A_153 : memref<51380224xf32, #tpu.memory_space<hbm>>) dst(%dma_wait3A_149 : memref<128xf32, #tpu.memory_space<vmem>>)
      %dma_wait3A_154 = arith.constant 1024 : i32
      %dma_wait3A_155 = tpu.memref_slice %arg6[%dma_wait3A_154] : memref<2048xf32, #tpu.memory_space<vmem>> -> memref<128xf32, #tpu.memory_space<vmem>>
      %dma_wait3A_156 = arith.constant 1024 : i32
      %dma_wait3A_157 = tpu.memref_slice %arg5[%dma_wait3A_156] : memref<2048xi32, #tpu.memory_space<vmem>> -> memref<128xi32, #tpu.memory_space<vmem>>
      %dma_wait3A_158 = arith.constant 0 : i32
      %dma_wait3A_159 = tpu.memref_slice %arg2[%dma_wait3A_158] : memref<51380224xf32, #tpu.memory_space<hbm>> -> memref<51380224xf32, #tpu.memory_space<hbm>>
      tpu.wait_indirect_dma semaphore(%arg7 : memref<!tpu.dma_semaphore, #tpu.memory_space<semaphore_mem>>) src(%dma_wait3A_159 : memref<51380224xf32, #tpu.memory_space<hbm>>) dst(%dma_wait3A_155 : memref<128xf32, #tpu.memory_space<vmem>>)
      %dma_wait3A_160 = arith.constant 1152 : i32
      %dma_wait3A_161 = tpu.memref_slice %arg6[%dma_wait3A_160] : memref<2048xf32, #tpu.memory_space<vmem>> -> memref<128xf32, #tpu.memory_space<vmem>>
      %dma_wait3A_162 = arith.constant 1152 : i32
      %dma_wait3A_163 = tpu.memref_slice %arg5[%dma_wait3A_162] : memref<2048xi32, #tpu.memory_space<vmem>> -> memref<128xi32, #tpu.memory_space<vmem>>
      %dma_wait3A_164 = arith.constant 0 : i32
      %dma_wait3A_165 = tpu.memref_slice %arg2[%dma_wait3A_164] : memref<51380224xf32, #tpu.memory_space<hbm>> -> memref<51380224xf32, #tpu.memory_space<hbm>>
      tpu.wait_indirect_dma semaphore(%arg7 : memref<!tpu.dma_semaphore, #tpu.memory_space<semaphore_mem>>) src(%dma_wait3A_165 : memref<51380224xf32, #tpu.memory_space<hbm>>) dst(%dma_wait3A_161 : memref<128xf32, #tpu.memory_space<vmem>>)
      %dma_wait3A_166 = arith.constant 1280 : i32
      %dma_wait3A_167 = tpu.memref_slice %arg6[%dma_wait3A_166] : memref<2048xf32, #tpu.memory_space<vmem>> -> memref<128xf32, #tpu.memory_space<vmem>>
      %dma_wait3A_168 = arith.constant 1280 : i32
      %dma_wait3A_169 = tpu.memref_slice %arg5[%dma_wait3A_168] : memref<2048xi32, #tpu.memory_space<vmem>> -> memref<128xi32, #tpu.memory_space<vmem>>
      %dma_wait3A_170 = arith.constant 0 : i32
      %dma_wait3A_171 = tpu.memref_slice %arg2[%dma_wait3A_170] : memref<51380224xf32, #tpu.memory_space<hbm>> -> memref<51380224xf32, #tpu.memory_space<hbm>>
      tpu.wait_indirect_dma semaphore(%arg7 : memref<!tpu.dma_semaphore, #tpu.memory_space<semaphore_mem>>) src(%dma_wait3A_171 : memref<51380224xf32, #tpu.memory_space<hbm>>) dst(%dma_wait3A_167 : memref<128xf32, #tpu.memory_space<vmem>>)
      %dma_wait3A_172 = arith.constant 1408 : i32
      %dma_wait3A_173 = tpu.memref_slice %arg6[%dma_wait3A_172] : memref<2048xf32, #tpu.memory_space<vmem>> -> memref<128xf32, #tpu.memory_space<vmem>>
      %dma_wait3A_174 = arith.constant 1408 : i32
      %dma_wait3A_175 = tpu.memref_slice %arg5[%dma_wait3A_174] : memref<2048xi32, #tpu.memory_space<vmem>> -> memref<128xi32, #tpu.memory_space<vmem>>
      %dma_wait3A_176 = arith.constant 0 : i32
      %dma_wait3A_177 = tpu.memref_slice %arg2[%dma_wait3A_176] : memref<51380224xf32, #tpu.memory_space<hbm>> -> memref<51380224xf32, #tpu.memory_space<hbm>>
      tpu.wait_indirect_dma semaphore(%arg7 : memref<!tpu.dma_semaphore, #tpu.memory_space<semaphore_mem>>) src(%dma_wait3A_177 : memref<51380224xf32, #tpu.memory_space<hbm>>) dst(%dma_wait3A_173 : memref<128xf32, #tpu.memory_space<vmem>>)
      %dma_wait3A_178 = arith.constant 1536 : i32
      %dma_wait3A_179 = tpu.memref_slice %arg6[%dma_wait3A_178] : memref<2048xf32, #tpu.memory_space<vmem>> -> memref<128xf32, #tpu.memory_space<vmem>>
      %dma_wait3A_180 = arith.constant 1536 : i32
      %dma_wait3A_181 = tpu.memref_slice %arg5[%dma_wait3A_180] : memref<2048xi32, #tpu.memory_space<vmem>> -> memref<128xi32, #tpu.memory_space<vmem>>
      %dma_wait3A_182 = arith.constant 0 : i32
      %dma_wait3A_183 = tpu.memref_slice %arg2[%dma_wait3A_182] : memref<51380224xf32, #tpu.memory_space<hbm>> -> memref<51380224xf32, #tpu.memory_space<hbm>>
      tpu.wait_indirect_dma semaphore(%arg7 : memref<!tpu.dma_semaphore, #tpu.memory_space<semaphore_mem>>) src(%dma_wait3A_183 : memref<51380224xf32, #tpu.memory_space<hbm>>) dst(%dma_wait3A_179 : memref<128xf32, #tpu.memory_space<vmem>>)
      %dma_wait3A_184 = arith.constant 1664 : i32
      %dma_wait3A_185 = tpu.memref_slice %arg6[%dma_wait3A_184] : memref<2048xf32, #tpu.memory_space<vmem>> -> memref<128xf32, #tpu.memory_space<vmem>>
      %dma_wait3A_186 = arith.constant 1664 : i32
      %dma_wait3A_187 = tpu.memref_slice %arg5[%dma_wait3A_186] : memref<2048xi32, #tpu.memory_space<vmem>> -> memref<128xi32, #tpu.memory_space<vmem>>
      %dma_wait3A_188 = arith.constant 0 : i32
      %dma_wait3A_189 = tpu.memref_slice %arg2[%dma_wait3A_188] : memref<51380224xf32, #tpu.memory_space<hbm>> -> memref<51380224xf32, #tpu.memory_space<hbm>>
      tpu.wait_indirect_dma semaphore(%arg7 : memref<!tpu.dma_semaphore, #tpu.memory_space<semaphore_mem>>) src(%dma_wait3A_189 : memref<51380224xf32, #tpu.memory_space<hbm>>) dst(%dma_wait3A_185 : memref<128xf32, #tpu.memory_space<vmem>>)
      %dma_wait3A_190 = arith.constant 1792 : i32
      %dma_wait3A_191 = tpu.memref_slice %arg6[%dma_wait3A_190] : memref<2048xf32, #tpu.memory_space<vmem>> -> memref<128xf32, #tpu.memory_space<vmem>>
      %dma_wait3A_192 = arith.constant 1792 : i32
      %dma_wait3A_193 = tpu.memref_slice %arg5[%dma_wait3A_192] : memref<2048xi32, #tpu.memory_space<vmem>> -> memref<128xi32, #tpu.memory_space<vmem>>
      %dma_wait3A_194 = arith.constant 0 : i32
      %dma_wait3A_195 = tpu.memref_slice %arg2[%dma_wait3A_194] : memref<51380224xf32, #tpu.memory_space<hbm>> -> memref<51380224xf32, #tpu.memory_space<hbm>>
      tpu.wait_indirect_dma semaphore(%arg7 : memref<!tpu.dma_semaphore, #tpu.memory_space<semaphore_mem>>) src(%dma_wait3A_195 : memref<51380224xf32, #tpu.memory_space<hbm>>) dst(%dma_wait3A_191 : memref<128xf32, #tpu.memory_space<vmem>>)
      %dma_wait3A_196 = arith.constant 1920 : i32
      %dma_wait3A_197 = tpu.memref_slice %arg6[%dma_wait3A_196] : memref<2048xf32, #tpu.memory_space<vmem>> -> memref<128xf32, #tpu.memory_space<vmem>>
      %dma_wait3A_198 = arith.constant 1920 : i32
      %dma_wait3A_199 = tpu.memref_slice %arg5[%dma_wait3A_198] : memref<2048xi32, #tpu.memory_space<vmem>> -> memref<128xi32, #tpu.memory_space<vmem>>
      %dma_wait3A_200 = arith.constant 0 : i32
      %dma_wait3A_201 = tpu.memref_slice %arg2[%dma_wait3A_200] : memref<51380224xf32, #tpu.memory_space<hbm>> -> memref<51380224xf32, #tpu.memory_space<hbm>>
      tpu.wait_indirect_dma semaphore(%arg7 : memref<!tpu.dma_semaphore, #tpu.memory_space<semaphore_mem>>) src(%dma_wait3A_201 : memref<51380224xf32, #tpu.memory_space<hbm>>) dst(%dma_wait3A_197 : memref<128xf32, #tpu.memory_space<vmem>>)
      "tpu.region"() ({
        %run_scoped3A = tpu.sem_alloc : memref<!tpu.dma_semaphore, #tpu.memory_space<semaphore_mem>>
        %dma_start3A_202 = tpu.memref_slice %arg4[%add3A_11] : memref<1114112xf32, #tpu.memory_space<hbm>> -> memref<2048xf32, #tpu.memory_space<hbm>>
        %dma_start3A_203 = tpu.memref_slice %arg4[%add3A_11] : memref<1114112xf32, #tpu.memory_space<hbm>> -> memref<2048xf32, #tpu.memory_space<hbm>>
        tpu.enqueue_dma source(%arg6 : memref<2048xf32, #tpu.memory_space<vmem>>) target(%dma_start3A_203 : memref<2048xf32, #tpu.memory_space<hbm>>) target_semaphore(%run_scoped3A : memref<!tpu.dma_semaphore, #tpu.memory_space<semaphore_mem>>)
        %dma_wait3A_204 = tpu.memref_slice %arg4[%add3A_11] : memref<1114112xf32, #tpu.memory_space<hbm>> -> memref<2048xf32, #tpu.memory_space<hbm>>
        %dma_wait3A_205 = tpu.memref_slice %arg4[%add3A_11] : memref<1114112xf32, #tpu.memory_space<hbm>> -> memref<2048xf32, #tpu.memory_space<hbm>>
        tpu.wait_dma2 semaphore(%run_scoped3A : memref<!tpu.dma_semaphore, #tpu.memory_space<semaphore_mem>>) src(%arg6 : memref<2048xf32, #tpu.memory_space<vmem>>) dst(%dma_wait3A_205 : memref<2048xf32, #tpu.memory_space<hbm>>)
        tpu.yield
      }) : () -> ()
    }
    %scan3A_7 = arith.constant 17 : i32
    return
  }
}

#map = affine_map<(d0, d1) -> (0)>
module attributes {stable_mosaic.version = 14 : i64} {
  func.func @body(%arg0: i32, %arg1: i32, %arg2: memref<51380224xf32, #tpu.memory_space<hbm>>, %arg3: memref<1114112xi32, #tpu.memory_space<hbm>>, %arg4: memref<1114112xf32, #tpu.memory_space<hbm>>, %arg5: memref<2048xi32, #tpu.memory_space<vmem>>, %arg6: memref<2048xf32, #tpu.memory_space<vmem>>, %arg7: memref<!tpu.dma_semaphore, #tpu.memory_space<semaphore_mem>>) attributes {dimension_semantics = [#tpu.dimension_semantics<core_parallel>, #tpu.dimension_semantics<subcore_parallel>], iteration_bounds = array<i64: 2, 16>, scalar_prefetch = 0 : i64, scratch_operands = 3 : i64, tpu.core_type = #tpu.core_type<sc_vector_subcore>, window_params = [{transform_indices = #map}, {transform_indices = #map}, {transform_indices = #map}]} {
    %mul3A = arith.constant 2 : i32
    %mul3A_0 = arith.muli %arg1, %mul3A : i32
    %add3A = arith.addi %mul3A_0, %arg0 : i32
    %mul3A_1 = arith.constant 34816 : i32
    %mul3A_2 = arith.muli %add3A, %mul3A_1 : i32
    %scan3A = arith.constant 0 : i32
    %scan3A_3 = arith.constant 0 : i32
    %scan3A_4 = arith.constant 17 : i32
    %scan3A_5 = arith.addi %scan3A_3, %scan3A_4 : i32
    %scan3A_6 = arith.constant 1 : i32
    scf.for %scan3A_8 = %scan3A_3 to %scan3A_5 step %scan3A_6  : i32 {
      %mul3A_9 = arith.constant 2048 : i32
      %mul3A_10 = arith.muli %scan3A_8, %mul3A_9 : i32
      %add3A_11 = arith.addi %mul3A_2, %mul3A_10 : i32
      "tpu.region"() ({
        %run_scoped3A = tpu.sem_alloc : memref<!tpu.dma_semaphore, #tpu.memory_space<semaphore_mem>>
        %dma_start3A_202 = tpu.memref_slice %arg3[%add3A_11] : memref<1114112xi32, #tpu.memory_space<hbm>> -> memref<2048xi32, #tpu.memory_space<hbm>>
        %dma_start3A_203 = tpu.memref_slice %arg3[%add3A_11] : memref<1114112xi32, #tpu.memory_space<hbm>> -> memref<2048xi32, #tpu.memory_space<hbm>>
        tpu.enqueue_dma source(%dma_start3A_203 : memref<2048xi32, #tpu.memory_space<hbm>>) target(%arg5 : memref<2048xi32, #tpu.memory_space<vmem>>) target_semaphore(%run_scoped3A : memref<!tpu.dma_semaphore, #tpu.memory_space<semaphore_mem>>)
        %dma_wait3A_204 = tpu.memref_slice %arg3[%add3A_11] : memref<1114112xi32, #tpu.memory_space<hbm>> -> memref<2048xi32, #tpu.memory_space<hbm>>
        %dma_wait3A_205 = tpu.memref_slice %arg3[%add3A_11] : memref<1114112xi32, #tpu.memory_space<hbm>> -> memref<2048xi32, #tpu.memory_space<hbm>>
        tpu.wait_dma2 semaphore(%run_scoped3A : memref<!tpu.dma_semaphore, #tpu.memory_space<semaphore_mem>>) src(%dma_wait3A_205 : memref<2048xi32, #tpu.memory_space<hbm>>) dst(%arg5 : memref<2048xi32, #tpu.memory_space<vmem>>)
        tpu.yield
      }) : () -> ()
      %dma_start3A = arith.constant 0 : i32
      %dma_start3A_12 = tpu.memref_slice %arg6[%dma_start3A] : memref<2048xf32, #tpu.memory_space<vmem>> -> memref<128xf32, #tpu.memory_space<vmem>>
      %dma_start3A_13 = arith.constant 0 : i32
      %dma_start3A_14 = tpu.memref_slice %arg5[%dma_start3A_13] : memref<2048xi32, #tpu.memory_space<vmem>> -> memref<128xi32, #tpu.memory_space<vmem>>
      %dma_start3A_15 = arith.constant 0 : i32
      %dma_start3A_16 = tpu.memref_slice %arg2[%dma_start3A_15] : memref<51380224xf32, #tpu.memory_space<hbm>> -> memref<51380224xf32, #tpu.memory_space<hbm>>
      tpu.enqueue_indirect_dma source(%dma_start3A_16 : memref<51380224xf32, #tpu.memory_space<hbm>>) target(%dma_start3A_12 : memref<128xf32, #tpu.memory_space<vmem>>) offsets(%dma_start3A_14 : memref<128xi32, #tpu.memory_space<vmem>>) semaphore(%arg7 : memref<!tpu.dma_semaphore, #tpu.memory_space<semaphore_mem>>)
      %dma_start3A_17 = arith.constant 128 : i32
      %dma_start3A_18 = tpu.memref_slice %arg6[%dma_start3A_17] : memref<2048xf32, #tpu.memory_space<vmem>> -> memref<128xf32, #tpu.memory_space<vmem>>
      %dma_start3A_19 = arith.constant 128 : i32
      %dma_start3A_20 = tpu.memref_slice %arg5[%dma_start3A_19] : memref<2048xi32, #tpu.memory_space<vmem>> -> memref<128xi32, #tpu.memory_space<vmem>>
      %dma_start3A_21 = arith.constant 0 : i32
      %dma_start3A_22 = tpu.memref_slice %arg2[%dma_start3A_21] : memref<51380224xf32, #tpu.memory_space<hbm>> -> memref<51380224xf32, #tpu.memory_space<hbm>>
      tpu.enqueue_indirect_dma source(%dma_start3A_22 : memref<51380224xf32, #tpu.memory_space<hbm>>) target(%dma_start3A_18 : memref<128xf32, #tpu.memory_space<vmem>>) offsets(%dma_start3A_20 : memref<128xi32, #tpu.memory_space<vmem>>) semaphore(%arg7 : memref<!tpu.dma_semaphore, #tpu.memory_space<semaphore_mem>>)
      %dma_start3A_23 = arith.constant 256 : i32
      %dma_start3A_24 = tpu.memref_slice %arg6[%dma_start3A_23] : memref<2048xf32, #tpu.memory_space<vmem>> -> memref<128xf32, #tpu.memory_space<vmem>>
      %dma_start3A_25 = arith.constant 256 : i32
      %dma_start3A_26 = tpu.memref_slice %arg5[%dma_start3A_25] : memref<2048xi32, #tpu.memory_space<vmem>> -> memref<128xi32, #tpu.memory_space<vmem>>
      %dma_start3A_27 = arith.constant 0 : i32
      %dma_start3A_28 = tpu.memref_slice %arg2[%dma_start3A_27] : memref<51380224xf32, #tpu.memory_space<hbm>> -> memref<51380224xf32, #tpu.memory_space<hbm>>
      tpu.enqueue_indirect_dma source(%dma_start3A_28 : memref<51380224xf32, #tpu.memory_space<hbm>>) target(%dma_start3A_24 : memref<128xf32, #tpu.memory_space<vmem>>) offsets(%dma_start3A_26 : memref<128xi32, #tpu.memory_space<vmem>>) semaphore(%arg7 : memref<!tpu.dma_semaphore, #tpu.memory_space<semaphore_mem>>)
      %dma_start3A_29 = arith.constant 384 : i32
      %dma_start3A_30 = tpu.memref_slice %arg6[%dma_start3A_29] : memref<2048xf32, #tpu.memory_space<vmem>> -> memref<128xf32, #tpu.memory_space<vmem>>
      %dma_start3A_31 = arith.constant 384 : i32
      %dma_start3A_32 = tpu.memref_slice %arg5[%dma_start3A_31] : memref<2048xi32, #tpu.memory_space<vmem>> -> memref<128xi32, #tpu.memory_space<vmem>>
      %dma_start3A_33 = arith.constant 0 : i32
      %dma_start3A_34 = tpu.memref_slice %arg2[%dma_start3A_33] : memref<51380224xf32, #tpu.memory_space<hbm>> -> memref<51380224xf32, #tpu.memory_space<hbm>>
      tpu.enqueue_indirect_dma source(%dma_start3A_34 : memref<51380224xf32, #tpu.memory_space<hbm>>) target(%dma_start3A_30 : memref<128xf32, #tpu.memory_space<vmem>>) offsets(%dma_start3A_32 : memref<128xi32, #tpu.memory_space<vmem>>) semaphore(%arg7 : memref<!tpu.dma_semaphore, #tpu.memory_space<semaphore_mem>>)
      %dma_start3A_35 = arith.constant 512 : i32
      %dma_start3A_36 = tpu.memref_slice %arg6[%dma_start3A_35] : memref<2048xf32, #tpu.memory_space<vmem>> -> memref<128xf32, #tpu.memory_space<vmem>>
      %dma_start3A_37 = arith.constant 512 : i32
      %dma_start3A_38 = tpu.memref_slice %arg5[%dma_start3A_37] : memref<2048xi32, #tpu.memory_space<vmem>> -> memref<128xi32, #tpu.memory_space<vmem>>
      %dma_start3A_39 = arith.constant 0 : i32
      %dma_start3A_40 = tpu.memref_slice %arg2[%dma_start3A_39] : memref<51380224xf32, #tpu.memory_space<hbm>> -> memref<51380224xf32, #tpu.memory_space<hbm>>
      tpu.enqueue_indirect_dma source(%dma_start3A_40 : memref<51380224xf32, #tpu.memory_space<hbm>>) target(%dma_start3A_36 : memref<128xf32, #tpu.memory_space<vmem>>) offsets(%dma_start3A_38 : memref<128xi32, #tpu.memory_space<vmem>>) semaphore(%arg7 : memref<!tpu.dma_semaphore, #tpu.memory_space<semaphore_mem>>)
      %dma_start3A_41 = arith.constant 640 : i32
      %dma_start3A_42 = tpu.memref_slice %arg6[%dma_start3A_41] : memref<2048xf32, #tpu.memory_space<vmem>> -> memref<128xf32, #tpu.memory_space<vmem>>
      %dma_start3A_43 = arith.constant 640 : i32
      %dma_start3A_44 = tpu.memref_slice %arg5[%dma_start3A_43] : memref<2048xi32, #tpu.memory_space<vmem>> -> memref<128xi32, #tpu.memory_space<vmem>>
      %dma_start3A_45 = arith.constant 0 : i32
      %dma_start3A_46 = tpu.memref_slice %arg2[%dma_start3A_45] : memref<51380224xf32, #tpu.memory_space<hbm>> -> memref<51380224xf32, #tpu.memory_space<hbm>>
      tpu.enqueue_indirect_dma source(%dma_start3A_46 : memref<51380224xf32, #tpu.memory_space<hbm>>) target(%dma_start3A_42 : memref<128xf32, #tpu.memory_space<vmem>>) offsets(%dma_start3A_44 : memref<128xi32, #tpu.memory_space<vmem>>) semaphore(%arg7 : memref<!tpu.dma_semaphore, #tpu.memory_space<semaphore_mem>>)
      %dma_start3A_47 = arith.constant 768 : i32
      %dma_start3A_48 = tpu.memref_slice %arg6[%dma_start3A_47] : memref<2048xf32, #tpu.memory_space<vmem>> -> memref<128xf32, #tpu.memory_space<vmem>>
      %dma_start3A_49 = arith.constant 768 : i32
      %dma_start3A_50 = tpu.memref_slice %arg5[%dma_start3A_49] : memref<2048xi32, #tpu.memory_space<vmem>> -> memref<128xi32, #tpu.memory_space<vmem>>
      %dma_start3A_51 = arith.constant 0 : i32
      %dma_start3A_52 = tpu.memref_slice %arg2[%dma_start3A_51] : memref<51380224xf32, #tpu.memory_space<hbm>> -> memref<51380224xf32, #tpu.memory_space<hbm>>
      tpu.enqueue_indirect_dma source(%dma_start3A_52 : memref<51380224xf32, #tpu.memory_space<hbm>>) target(%dma_start3A_48 : memref<128xf32, #tpu.memory_space<vmem>>) offsets(%dma_start3A_50 : memref<128xi32, #tpu.memory_space<vmem>>) semaphore(%arg7 : memref<!tpu.dma_semaphore, #tpu.memory_space<semaphore_mem>>)
      %dma_start3A_53 = arith.constant 896 : i32
      %dma_start3A_54 = tpu.memref_slice %arg6[%dma_start3A_53] : memref<2048xf32, #tpu.memory_space<vmem>> -> memref<128xf32, #tpu.memory_space<vmem>>
      %dma_start3A_55 = arith.constant 896 : i32
      %dma_start3A_56 = tpu.memref_slice %arg5[%dma_start3A_55] : memref<2048xi32, #tpu.memory_space<vmem>> -> memref<128xi32, #tpu.memory_space<vmem>>
      %dma_start3A_57 = arith.constant 0 : i32
      %dma_start3A_58 = tpu.memref_slice %arg2[%dma_start3A_57] : memref<51380224xf32, #tpu.memory_space<hbm>> -> memref<51380224xf32, #tpu.memory_space<hbm>>
      tpu.enqueue_indirect_dma source(%dma_start3A_58 : memref<51380224xf32, #tpu.memory_space<hbm>>) target(%dma_start3A_54 : memref<128xf32, #tpu.memory_space<vmem>>) offsets(%dma_start3A_56 : memref<128xi32, #tpu.memory_space<vmem>>) semaphore(%arg7 : memref<!tpu.dma_semaphore, #tpu.memory_space<semaphore_mem>>)
      %dma_start3A_59 = arith.constant 1024 : i32
      %dma_start3A_60 = tpu.memref_slice %arg6[%dma_start3A_59] : memref<2048xf32, #tpu.memory_space<vmem>> -> memref<128xf32, #tpu.memory_space<vmem>>
      %dma_start3A_61 = arith.constant 1024 : i32
      %dma_start3A_62 = tpu.memref_slice %arg5[%dma_start3A_61] : memref<2048xi32, #tpu.memory_space<vmem>> -> memref<128xi32, #tpu.memory_space<vmem>>
      %dma_start3A_63 = arith.constant 0 : i32
      %dma_start3A_64 = tpu.memref_slice %arg2[%dma_start3A_63] : memref<51380224xf32, #tpu.memory_space<hbm>> -> memref<51380224xf32, #tpu.memory_space<hbm>>
      tpu.enqueue_indirect_dma source(%dma_start3A_64 : memref<51380224xf32, #tpu.memory_space<hbm>>) target(%dma_start3A_60 : memref<128xf32, #tpu.memory_space<vmem>>) offsets(%dma_start3A_62 : memref<128xi32, #tpu.memory_space<vmem>>) semaphore(%arg7 : memref<!tpu.dma_semaphore, #tpu.memory_space<semaphore_mem>>)
      %dma_start3A_65 = arith.constant 1152 : i32
      %dma_start3A_66 = tpu.memref_slice %arg6[%dma_start3A_65] : memref<2048xf32, #tpu.memory_space<vmem>> -> memref<128xf32, #tpu.memory_space<vmem>>
      %dma_start3A_67 = arith.constant 1152 : i32
      %dma_start3A_68 = tpu.memref_slice %arg5[%dma_start3A_67] : memref<2048xi32, #tpu.memory_space<vmem>> -> memref<128xi32, #tpu.memory_space<vmem>>
      %dma_start3A_69 = arith.constant 0 : i32
      %dma_start3A_70 = tpu.memref_slice %arg2[%dma_start3A_69] : memref<51380224xf32, #tpu.memory_space<hbm>> -> memref<51380224xf32, #tpu.memory_space<hbm>>
      tpu.enqueue_indirect_dma source(%dma_start3A_70 : memref<51380224xf32, #tpu.memory_space<hbm>>) target(%dma_start3A_66 : memref<128xf32, #tpu.memory_space<vmem>>) offsets(%dma_start3A_68 : memref<128xi32, #tpu.memory_space<vmem>>) semaphore(%arg7 : memref<!tpu.dma_semaphore, #tpu.memory_space<semaphore_mem>>)
      %dma_start3A_71 = arith.constant 1280 : i32
      %dma_start3A_72 = tpu.memref_slice %arg6[%dma_start3A_71] : memref<2048xf32, #tpu.memory_space<vmem>> -> memref<128xf32, #tpu.memory_space<vmem>>
      %dma_start3A_73 = arith.constant 1280 : i32
      %dma_start3A_74 = tpu.memref_slice %arg5[%dma_start3A_73] : memref<2048xi32, #tpu.memory_space<vmem>> -> memref<128xi32, #tpu.memory_space<vmem>>
      %dma_start3A_75 = arith.constant 0 : i32
      %dma_start3A_76 = tpu.memref_slice %arg2[%dma_start3A_75] : memref<51380224xf32, #tpu.memory_space<hbm>> -> memref<51380224xf32, #tpu.memory_space<hbm>>
      tpu.enqueue_indirect_dma source(%dma_start3A_76 : memref<51380224xf32, #tpu.memory_space<hbm>>) target(%dma_start3A_72 : memref<128xf32, #tpu.memory_space<vmem>>) offsets(%dma_start3A_74 : memref<128xi32, #tpu.memory_space<vmem>>) semaphore(%arg7 : memref<!tpu.dma_semaphore, #tpu.memory_space<semaphore_mem>>)
      %dma_start3A_77 = arith.constant 1408 : i32
      %dma_start3A_78 = tpu.memref_slice %arg6[%dma_start3A_77] : memref<2048xf32, #tpu.memory_space<vmem>> -> memref<128xf32, #tpu.memory_space<vmem>>
      %dma_start3A_79 = arith.constant 1408 : i32
      %dma_start3A_80 = tpu.memref_slice %arg5[%dma_start3A_79] : memref<2048xi32, #tpu.memory_space<vmem>> -> memref<128xi32, #tpu.memory_space<vmem>>
      %dma_start3A_81 = arith.constant 0 : i32
      %dma_start3A_82 = tpu.memref_slice %arg2[%dma_start3A_81] : memref<51380224xf32, #tpu.memory_space<hbm>> -> memref<51380224xf32, #tpu.memory_space<hbm>>
      tpu.enqueue_indirect_dma source(%dma_start3A_82 : memref<51380224xf32, #tpu.memory_space<hbm>>) target(%dma_start3A_78 : memref<128xf32, #tpu.memory_space<vmem>>) offsets(%dma_start3A_80 : memref<128xi32, #tpu.memory_space<vmem>>) semaphore(%arg7 : memref<!tpu.dma_semaphore, #tpu.memory_space<semaphore_mem>>)
      %dma_start3A_83 = arith.constant 1536 : i32
      %dma_start3A_84 = tpu.memref_slice %arg6[%dma_start3A_83] : memref<2048xf32, #tpu.memory_space<vmem>> -> memref<128xf32, #tpu.memory_space<vmem>>
      %dma_start3A_85 = arith.constant 1536 : i32
      %dma_start3A_86 = tpu.memref_slice %arg5[%dma_start3A_85] : memref<2048xi32, #tpu.memory_space<vmem>> -> memref<128xi32, #tpu.memory_space<vmem>>
      %dma_start3A_87 = arith.constant 0 : i32
      %dma_start3A_88 = tpu.memref_slice %arg2[%dma_start3A_87] : memref<51380224xf32, #tpu.memory_space<hbm>> -> memref<51380224xf32, #tpu.memory_space<hbm>>
      tpu.enqueue_indirect_dma source(%dma_start3A_88 : memref<51380224xf32, #tpu.memory_space<hbm>>) target(%dma_start3A_84 : memref<128xf32, #tpu.memory_space<vmem>>) offsets(%dma_start3A_86 : memref<128xi32, #tpu.memory_space<vmem>>) semaphore(%arg7 : memref<!tpu.dma_semaphore, #tpu.memory_space<semaphore_mem>>)
      %dma_start3A_89 = arith.constant 1664 : i32
      %dma_start3A_90 = tpu.memref_slice %arg6[%dma_start3A_89] : memref<2048xf32, #tpu.memory_space<vmem>> -> memref<128xf32, #tpu.memory_space<vmem>>
      %dma_start3A_91 = arith.constant 1664 : i32
      %dma_start3A_92 = tpu.memref_slice %arg5[%dma_start3A_91] : memref<2048xi32, #tpu.memory_space<vmem>> -> memref<128xi32, #tpu.memory_space<vmem>>
      %dma_start3A_93 = arith.constant 0 : i32
      %dma_start3A_94 = tpu.memref_slice %arg2[%dma_start3A_93] : memref<51380224xf32, #tpu.memory_space<hbm>> -> memref<51380224xf32, #tpu.memory_space<hbm>>
      tpu.enqueue_indirect_dma source(%dma_start3A_94 : memref<51380224xf32, #tpu.memory_space<hbm>>) target(%dma_start3A_90 : memref<128xf32, #tpu.memory_space<vmem>>) offsets(%dma_start3A_92 : memref<128xi32, #tpu.memory_space<vmem>>) semaphore(%arg7 : memref<!tpu.dma_semaphore, #tpu.memory_space<semaphore_mem>>)
      %dma_start3A_95 = arith.constant 1792 : i32
      %dma_start3A_96 = tpu.memref_slice %arg6[%dma_start3A_95] : memref<2048xf32, #tpu.memory_space<vmem>> -> memref<128xf32, #tpu.memory_space<vmem>>
      %dma_start3A_97 = arith.constant 1792 : i32
      %dma_start3A_98 = tpu.memref_slice %arg5[%dma_start3A_97] : memref<2048xi32, #tpu.memory_space<vmem>> -> memref<128xi32, #tpu.memory_space<vmem>>
      %dma_start3A_99 = arith.constant 0 : i32
      %dma_start3A_100 = tpu.memref_slice %arg2[%dma_start3A_99] : memref<51380224xf32, #tpu.memory_space<hbm>> -> memref<51380224xf32, #tpu.memory_space<hbm>>
      tpu.enqueue_indirect_dma source(%dma_start3A_100 : memref<51380224xf32, #tpu.memory_space<hbm>>) target(%dma_start3A_96 : memref<128xf32, #tpu.memory_space<vmem>>) offsets(%dma_start3A_98 : memref<128xi32, #tpu.memory_space<vmem>>) semaphore(%arg7 : memref<!tpu.dma_semaphore, #tpu.memory_space<semaphore_mem>>)
      %dma_start3A_101 = arith.constant 1920 : i32
      %dma_start3A_102 = tpu.memref_slice %arg6[%dma_start3A_101] : memref<2048xf32, #tpu.memory_space<vmem>> -> memref<128xf32, #tpu.memory_space<vmem>>
      %dma_start3A_103 = arith.constant 1920 : i32
      %dma_start3A_104 = tpu.memref_slice %arg5[%dma_start3A_103] : memref<2048xi32, #tpu.memory_space<vmem>> -> memref<128xi32, #tpu.memory_space<vmem>>
      %dma_start3A_105 = arith.constant 0 : i32
      %dma_start3A_106 = tpu.memref_slice %arg2[%dma_start3A_105] : memref<51380224xf32, #tpu.memory_space<hbm>> -> memref<51380224xf32, #tpu.memory_space<hbm>>
      tpu.enqueue_indirect_dma source(%dma_start3A_106 : memref<51380224xf32, #tpu.memory_space<hbm>>) target(%dma_start3A_102 : memref<128xf32, #tpu.memory_space<vmem>>) offsets(%dma_start3A_104 : memref<128xi32, #tpu.memory_space<vmem>>) semaphore(%arg7 : memref<!tpu.dma_semaphore, #tpu.memory_space<semaphore_mem>>)
      %dma_wait3A = arith.constant 0 : i32
      %dma_wait3A_107 = tpu.memref_slice %arg6[%dma_wait3A] : memref<2048xf32, #tpu.memory_space<vmem>> -> memref<128xf32, #tpu.memory_space<vmem>>
      %dma_wait3A_108 = arith.constant 0 : i32
      %dma_wait3A_109 = tpu.memref_slice %arg5[%dma_wait3A_108] : memref<2048xi32, #tpu.memory_space<vmem>> -> memref<128xi32, #tpu.memory_space<vmem>>
      %dma_wait3A_110 = arith.constant 0 : i32
      %dma_wait3A_111 = tpu.memref_slice %arg2[%dma_wait3A_110] : memref<51380224xf32, #tpu.memory_space<hbm>> -> memref<51380224xf32, #tpu.memory_space<hbm>>
      tpu.wait_indirect_dma semaphore(%arg7 : memref<!tpu.dma_semaphore, #tpu.memory_space<semaphore_mem>>) src(%dma_wait3A_111 : memref<51380224xf32, #tpu.memory_space<hbm>>) dst(%dma_wait3A_107 : memref<128xf32, #tpu.memory_space<vmem>>)
      %dma_wait3A_112 = arith.constant 128 : i32
      %dma_wait3A_113 = tpu.memref_slice %arg6[%dma_wait3A_112] : memref<2048xf32, #tpu.memory_space<vmem>> -> memref<128xf32, #tpu.memory_space<vmem>>
      %dma_wait3A_114 = arith.constant 128 : i32
      %dma_wait3A_115 = tpu.memref_slice %arg5[%dma_wait3A_114] : memref<2048xi32, #tpu.memory_space<vmem>> -> memref<128xi32, #tpu.memory_space<vmem>>
      %dma_wait3A_116 = arith.constant 0 : i32
      %dma_wait3A_117 = tpu.memref_slice %arg2[%dma_wait3A_116] : memref<51380224xf32, #tpu.memory_space<hbm>> -> memref<51380224xf32, #tpu.memory_space<hbm>>
      tpu.wait_indirect_dma semaphore(%arg7 : memref<!tpu.dma_semaphore, #tpu.memory_space<semaphore_mem>>) src(%dma_wait3A_117 : memref<51380224xf32, #tpu.memory_space<hbm>>) dst(%dma_wait3A_113 : memref<128xf32, #tpu.memory_space<vmem>>)
      %dma_wait3A_118 = arith.constant 256 : i32
      %dma_wait3A_119 = tpu.memref_slice %arg6[%dma_wait3A_118] : memref<2048xf32, #tpu.memory_space<vmem>> -> memref<128xf32, #tpu.memory_space<vmem>>
      %dma_wait3A_120 = arith.constant 256 : i32
      %dma_wait3A_121 = tpu.memref_slice %arg5[%dma_wait3A_120] : memref<2048xi32, #tpu.memory_space<vmem>> -> memref<128xi32, #tpu.memory_space<vmem>>
      %dma_wait3A_122 = arith.constant 0 : i32
      %dma_wait3A_123 = tpu.memref_slice %arg2[%dma_wait3A_122] : memref<51380224xf32, #tpu.memory_space<hbm>> -> memref<51380224xf32, #tpu.memory_space<hbm>>
      tpu.wait_indirect_dma semaphore(%arg7 : memref<!tpu.dma_semaphore, #tpu.memory_space<semaphore_mem>>) src(%dma_wait3A_123 : memref<51380224xf32, #tpu.memory_space<hbm>>) dst(%dma_wait3A_119 : memref<128xf32, #tpu.memory_space<vmem>>)
      %dma_wait3A_124 = arith.constant 384 : i32
      %dma_wait3A_125 = tpu.memref_slice %arg6[%dma_wait3A_124] : memref<2048xf32, #tpu.memory_space<vmem>> -> memref<128xf32, #tpu.memory_space<vmem>>
      %dma_wait3A_126 = arith.constant 384 : i32
      %dma_wait3A_127 = tpu.memref_slice %arg5[%dma_wait3A_126] : memref<2048xi32, #tpu.memory_space<vmem>> -> memref<128xi32, #tpu.memory_space<vmem>>
      %dma_wait3A_128 = arith.constant 0 : i32
      %dma_wait3A_129 = tpu.memref_slice %arg2[%dma_wait3A_128] : memref<51380224xf32, #tpu.memory_space<hbm>> -> memref<51380224xf32, #tpu.memory_space<hbm>>
      tpu.wait_indirect_dma semaphore(%arg7 : memref<!tpu.dma_semaphore, #tpu.memory_space<semaphore_mem>>) src(%dma_wait3A_129 : memref<51380224xf32, #tpu.memory_space<hbm>>) dst(%dma_wait3A_125 : memref<128xf32, #tpu.memory_space<vmem>>)
      %dma_wait3A_130 = arith.constant 512 : i32
      %dma_wait3A_131 = tpu.memref_slice %arg6[%dma_wait3A_130] : memref<2048xf32, #tpu.memory_space<vmem>> -> memref<128xf32, #tpu.memory_space<vmem>>
      %dma_wait3A_132 = arith.constant 512 : i32
      %dma_wait3A_133 = tpu.memref_slice %arg5[%dma_wait3A_132] : memref<2048xi32, #tpu.memory_space<vmem>> -> memref<128xi32, #tpu.memory_space<vmem>>
      %dma_wait3A_134 = arith.constant 0 : i32
      %dma_wait3A_135 = tpu.memref_slice %arg2[%dma_wait3A_134] : memref<51380224xf32, #tpu.memory_space<hbm>> -> memref<51380224xf32, #tpu.memory_space<hbm>>
      tpu.wait_indirect_dma semaphore(%arg7 : memref<!tpu.dma_semaphore, #tpu.memory_space<semaphore_mem>>) src(%dma_wait3A_135 : memref<51380224xf32, #tpu.memory_space<hbm>>) dst(%dma_wait3A_131 : memref<128xf32, #tpu.memory_space<vmem>>)
      %dma_wait3A_136 = arith.constant 640 : i32
      %dma_wait3A_137 = tpu.memref_slice %arg6[%dma_wait3A_136] : memref<2048xf32, #tpu.memory_space<vmem>> -> memref<128xf32, #tpu.memory_space<vmem>>
      %dma_wait3A_138 = arith.constant 640 : i32
      %dma_wait3A_139 = tpu.memref_slice %arg5[%dma_wait3A_138] : memref<2048xi32, #tpu.memory_space<vmem>> -> memref<128xi32, #tpu.memory_space<vmem>>
      %dma_wait3A_140 = arith.constant 0 : i32
      %dma_wait3A_141 = tpu.memref_slice %arg2[%dma_wait3A_140] : memref<51380224xf32, #tpu.memory_space<hbm>> -> memref<51380224xf32, #tpu.memory_space<hbm>>
      tpu.wait_indirect_dma semaphore(%arg7 : memref<!tpu.dma_semaphore, #tpu.memory_space<semaphore_mem>>) src(%dma_wait3A_141 : memref<51380224xf32, #tpu.memory_space<hbm>>) dst(%dma_wait3A_137 : memref<128xf32, #tpu.memory_space<vmem>>)
      %dma_wait3A_142 = arith.constant 768 : i32
      %dma_wait3A_143 = tpu.memref_slice %arg6[%dma_wait3A_142] : memref<2048xf32, #tpu.memory_space<vmem>> -> memref<128xf32, #tpu.memory_space<vmem>>
      %dma_wait3A_144 = arith.constant 768 : i32
      %dma_wait3A_145 = tpu.memref_slice %arg5[%dma_wait3A_144] : memref<2048xi32, #tpu.memory_space<vmem>> -> memref<128xi32, #tpu.memory_space<vmem>>
      %dma_wait3A_146 = arith.constant 0 : i32
      %dma_wait3A_147 = tpu.memref_slice %arg2[%dma_wait3A_146] : memref<51380224xf32, #tpu.memory_space<hbm>> -> memref<51380224xf32, #tpu.memory_space<hbm>>
      tpu.wait_indirect_dma semaphore(%arg7 : memref<!tpu.dma_semaphore, #tpu.memory_space<semaphore_mem>>) src(%dma_wait3A_147 : memref<51380224xf32, #tpu.memory_space<hbm>>) dst(%dma_wait3A_143 : memref<128xf32, #tpu.memory_space<vmem>>)
      %dma_wait3A_148 = arith.constant 896 : i32
      %dma_wait3A_149 = tpu.memref_slice %arg6[%dma_wait3A_148] : memref<2048xf32, #tpu.memory_space<vmem>> -> memref<128xf32, #tpu.memory_space<vmem>>
      %dma_wait3A_150 = arith.constant 896 : i32
      %dma_wait3A_151 = tpu.memref_slice %arg5[%dma_wait3A_150] : memref<2048xi32, #tpu.memory_space<vmem>> -> memref<128xi32, #tpu.memory_space<vmem>>
      %dma_wait3A_152 = arith.constant 0 : i32
      %dma_wait3A_153 = tpu.memref_slice %arg2[%dma_wait3A_152] : memref<51380224xf32, #tpu.memory_space<hbm>> -> memref<51380224xf32, #tpu.memory_space<hbm>>
      tpu.wait_indirect_dma semaphore(%arg7 : memref<!tpu.dma_semaphore, #tpu.memory_space<semaphore_mem>>) src(%dma_wait3A_153 : memref<51380224xf32, #tpu.memory_space<hbm>>) dst(%dma_wait3A_149 : memref<128xf32, #tpu.memory_space<vmem>>)
      %dma_wait3A_154 = arith.constant 1024 : i32
      %dma_wait3A_155 = tpu.memref_slice %arg6[%dma_wait3A_154] : memref<2048xf32, #tpu.memory_space<vmem>> -> memref<128xf32, #tpu.memory_space<vmem>>
      %dma_wait3A_156 = arith.constant 1024 : i32
      %dma_wait3A_157 = tpu.memref_slice %arg5[%dma_wait3A_156] : memref<2048xi32, #tpu.memory_space<vmem>> -> memref<128xi32, #tpu.memory_space<vmem>>
      %dma_wait3A_158 = arith.constant 0 : i32
      %dma_wait3A_159 = tpu.memref_slice %arg2[%dma_wait3A_158] : memref<51380224xf32, #tpu.memory_space<hbm>> -> memref<51380224xf32, #tpu.memory_space<hbm>>
      tpu.wait_indirect_dma semaphore(%arg7 : memref<!tpu.dma_semaphore, #tpu.memory_space<semaphore_mem>>) src(%dma_wait3A_159 : memref<51380224xf32, #tpu.memory_space<hbm>>) dst(%dma_wait3A_155 : memref<128xf32, #tpu.memory_space<vmem>>)
      %dma_wait3A_160 = arith.constant 1152 : i32
      %dma_wait3A_161 = tpu.memref_slice %arg6[%dma_wait3A_160] : memref<2048xf32, #tpu.memory_space<vmem>> -> memref<128xf32, #tpu.memory_space<vmem>>
      %dma_wait3A_162 = arith.constant 1152 : i32
      %dma_wait3A_163 = tpu.memref_slice %arg5[%dma_wait3A_162] : memref<2048xi32, #tpu.memory_space<vmem>> -> memref<128xi32, #tpu.memory_space<vmem>>
      %dma_wait3A_164 = arith.constant 0 : i32
      %dma_wait3A_165 = tpu.memref_slice %arg2[%dma_wait3A_164] : memref<51380224xf32, #tpu.memory_space<hbm>> -> memref<51380224xf32, #tpu.memory_space<hbm>>
      tpu.wait_indirect_dma semaphore(%arg7 : memref<!tpu.dma_semaphore, #tpu.memory_space<semaphore_mem>>) src(%dma_wait3A_165 : memref<51380224xf32, #tpu.memory_space<hbm>>) dst(%dma_wait3A_161 : memref<128xf32, #tpu.memory_space<vmem>>)
      %dma_wait3A_166 = arith.constant 1280 : i32
      %dma_wait3A_167 = tpu.memref_slice %arg6[%dma_wait3A_166] : memref<2048xf32, #tpu.memory_space<vmem>> -> memref<128xf32, #tpu.memory_space<vmem>>
      %dma_wait3A_168 = arith.constant 1280 : i32
      %dma_wait3A_169 = tpu.memref_slice %arg5[%dma_wait3A_168] : memref<2048xi32, #tpu.memory_space<vmem>> -> memref<128xi32, #tpu.memory_space<vmem>>
      %dma_wait3A_170 = arith.constant 0 : i32
      %dma_wait3A_171 = tpu.memref_slice %arg2[%dma_wait3A_170] : memref<51380224xf32, #tpu.memory_space<hbm>> -> memref<51380224xf32, #tpu.memory_space<hbm>>
      tpu.wait_indirect_dma semaphore(%arg7 : memref<!tpu.dma_semaphore, #tpu.memory_space<semaphore_mem>>) src(%dma_wait3A_171 : memref<51380224xf32, #tpu.memory_space<hbm>>) dst(%dma_wait3A_167 : memref<128xf32, #tpu.memory_space<vmem>>)
      %dma_wait3A_172 = arith.constant 1408 : i32
      %dma_wait3A_173 = tpu.memref_slice %arg6[%dma_wait3A_172] : memref<2048xf32, #tpu.memory_space<vmem>> -> memref<128xf32, #tpu.memory_space<vmem>>
      %dma_wait3A_174 = arith.constant 1408 : i32
      %dma_wait3A_175 = tpu.memref_slice %arg5[%dma_wait3A_174] : memref<2048xi32, #tpu.memory_space<vmem>> -> memref<128xi32, #tpu.memory_space<vmem>>
      %dma_wait3A_176 = arith.constant 0 : i32
      %dma_wait3A_177 = tpu.memref_slice %arg2[%dma_wait3A_176] : memref<51380224xf32, #tpu.memory_space<hbm>> -> memref<51380224xf32, #tpu.memory_space<hbm>>
      tpu.wait_indirect_dma semaphore(%arg7 : memref<!tpu.dma_semaphore, #tpu.memory_space<semaphore_mem>>) src(%dma_wait3A_177 : memref<51380224xf32, #tpu.memory_space<hbm>>) dst(%dma_wait3A_173 : memref<128xf32, #tpu.memory_space<vmem>>)
      %dma_wait3A_178 = arith.constant 1536 : i32
      %dma_wait3A_179 = tpu.memref_slice %arg6[%dma_wait3A_178] : memref<2048xf32, #tpu.memory_space<vmem>> -> memref<128xf32, #tpu.memory_space<vmem>>
      %dma_wait3A_180 = arith.constant 1536 : i32
      %dma_wait3A_181 = tpu.memref_slice %arg5[%dma_wait3A_180] : memref<2048xi32, #tpu.memory_space<vmem>> -> memref<128xi32, #tpu.memory_space<vmem>>
      %dma_wait3A_182 = arith.constant 0 : i32
      %dma_wait3A_183 = tpu.memref_slice %arg2[%dma_wait3A_182] : memref<51380224xf32, #tpu.memory_space<hbm>> -> memref<51380224xf32, #tpu.memory_space<hbm>>
      tpu.wait_indirect_dma semaphore(%arg7 : memref<!tpu.dma_semaphore, #tpu.memory_space<semaphore_mem>>) src(%dma_wait3A_183 : memref<51380224xf32, #tpu.memory_space<hbm>>) dst(%dma_wait3A_179 : memref<128xf32, #tpu.memory_space<vmem>>)
      %dma_wait3A_184 = arith.constant 1664 : i32
      %dma_wait3A_185 = tpu.memref_slice %arg6[%dma_wait3A_184] : memref<2048xf32, #tpu.memory_space<vmem>> -> memref<128xf32, #tpu.memory_space<vmem>>
      %dma_wait3A_186 = arith.constant 1664 : i32
      %dma_wait3A_187 = tpu.memref_slice %arg5[%dma_wait3A_186] : memref<2048xi32, #tpu.memory_space<vmem>> -> memref<128xi32, #tpu.memory_space<vmem>>
      %dma_wait3A_188 = arith.constant 0 : i32
      %dma_wait3A_189 = tpu.memref_slice %arg2[%dma_wait3A_188] : memref<51380224xf32, #tpu.memory_space<hbm>> -> memref<51380224xf32, #tpu.memory_space<hbm>>
      tpu.wait_indirect_dma semaphore(%arg7 : memref<!tpu.dma_semaphore, #tpu.memory_space<semaphore_mem>>) src(%dma_wait3A_189 : memref<51380224xf32, #tpu.memory_space<hbm>>) dst(%dma_wait3A_185 : memref<128xf32, #tpu.memory_space<vmem>>)
      %dma_wait3A_190 = arith.constant 1792 : i32
      %dma_wait3A_191 = tpu.memref_slice %arg6[%dma_wait3A_190] : memref<2048xf32, #tpu.memory_space<vmem>> -> memref<128xf32, #tpu.memory_space<vmem>>
      %dma_wait3A_192 = arith.constant 1792 : i32
      %dma_wait3A_193 = tpu.memref_slice %arg5[%dma_wait3A_192] : memref<2048xi32, #tpu.memory_space<vmem>> -> memref<128xi32, #tpu.memory_space<vmem>>
      %dma_wait3A_194 = arith.constant 0 : i32
      %dma_wait3A_195 = tpu.memref_slice %arg2[%dma_wait3A_194] : memref<51380224xf32, #tpu.memory_space<hbm>> -> memref<51380224xf32, #tpu.memory_space<hbm>>
      tpu.wait_indirect_dma semaphore(%arg7 : memref<!tpu.dma_semaphore, #tpu.memory_space<semaphore_mem>>) src(%dma_wait3A_195 : memref<51380224xf32, #tpu.memory_space<hbm>>) dst(%dma_wait3A_191 : memref<128xf32, #tpu.memory_space<vmem>>)
      %dma_wait3A_196 = arith.constant 1920 : i32
      %dma_wait3A_197 = tpu.memref_slice %arg6[%dma_wait3A_196] : memref<2048xf32, #tpu.memory_space<vmem>> -> memref<128xf32, #tpu.memory_space<vmem>>
      %dma_wait3A_198 = arith.constant 1920 : i32
      %dma_wait3A_199 = tpu.memref_slice %arg5[%dma_wait3A_198] : memref<2048xi32, #tpu.memory_space<vmem>> -> memref<128xi32, #tpu.memory_space<vmem>>
      %dma_wait3A_200 = arith.constant 0 : i32
      %dma_wait3A_201 = tpu.memref_slice %arg2[%dma_wait3A_200] : memref<51380224xf32, #tpu.memory_space<hbm>> -> memref<51380224xf32, #tpu.memory_space<hbm>>
      tpu.wait_indirect_dma semaphore(%arg7 : memref<!tpu.dma_semaphore, #tpu.memory_space<semaphore_mem>>) src(%dma_wait3A_201 : memref<51380224xf32, #tpu.memory_space<hbm>>) dst(%dma_wait3A_197 : memref<128xf32, #tpu.memory_space<vmem>>)
      "tpu.region"() ({
        %run_scoped3A = tpu.sem_alloc : memref<!tpu.dma_semaphore, #tpu.memory_space<semaphore_mem>>
        %dma_start3A_202 = tpu.memref_slice %arg4[%add3A_11] : memref<1114112xf32, #tpu.memory_space<hbm>> -> memref<2048xf32, #tpu.memory_space<hbm>>
        %dma_start3A_203 = tpu.memref_slice %arg4[%add3A_11] : memref<1114112xf32, #tpu.memory_space<hbm>> -> memref<2048xf32, #tpu.memory_space<hbm>>
        tpu.enqueue_dma source(%arg6 : memref<2048xf32, #tpu.memory_space<vmem>>) target(%dma_start3A_203 : memref<2048xf32, #tpu.memory_space<hbm>>) target_semaphore(%run_scoped3A : memref<!tpu.dma_semaphore, #tpu.memory_space<semaphore_mem>>)
        %dma_wait3A_204 = tpu.memref_slice %arg4[%add3A_11] : memref<1114112xf32, #tpu.memory_space<hbm>> -> memref<2048xf32, #tpu.memory_space<hbm>>
        %dma_wait3A_205 = tpu.memref_slice %arg4[%add3A_11] : memref<1114112xf32, #tpu.memory_space<hbm>> -> memref<2048xf32, #tpu.memory_space<hbm>>
        tpu.wait_dma2 semaphore(%run_scoped3A : memref<!tpu.dma_semaphore, #tpu.memory_space<semaphore_mem>>) src(%arg6 : memref<2048xf32, #tpu.memory_space<vmem>>) dst(%dma_wait3A_205 : memref<2048xf32, #tpu.memory_space<hbm>>)
        tpu.yield
      }) : () -> ()
    }
    %scan3A_7 = arith.constant 17 : i32
    return
  }
}

#map = affine_map<(d0, d1) -> (0)>
module attributes {stable_mosaic.version = 14 : i64} {
  func.func @body(%arg0: i32, %arg1: i32, %arg2: memref<51380224xf32, #tpu.memory_space<hbm>>, %arg3: memref<1114112xi32, #tpu.memory_space<hbm>>, %arg4: memref<1114112xf32, #tpu.memory_space<hbm>>, %arg5: memref<2048xi32, #tpu.memory_space<vmem>>, %arg6: memref<2048xf32, #tpu.memory_space<vmem>>, %arg7: memref<!tpu.dma_semaphore, #tpu.memory_space<semaphore_mem>>) attributes {dimension_semantics = [#tpu.dimension_semantics<core_parallel>, #tpu.dimension_semantics<subcore_parallel>], iteration_bounds = array<i64: 2, 16>, scalar_prefetch = 0 : i64, scratch_operands = 3 : i64, tpu.core_type = #tpu.core_type<sc_vector_subcore>, window_params = [{transform_indices = #map}, {transform_indices = #map}, {transform_indices = #map}]} {
    %mul3A = arith.constant 2 : i32
    %mul3A_0 = arith.muli %arg1, %mul3A : i32
    %add3A = arith.addi %mul3A_0, %arg0 : i32
    %mul3A_1 = arith.constant 34816 : i32
    %mul3A_2 = arith.muli %add3A, %mul3A_1 : i32
    %scan3A = arith.constant 0 : i32
    %scan3A_3 = arith.constant 0 : i32
    %scan3A_4 = arith.constant 17 : i32
    %scan3A_5 = arith.addi %scan3A_3, %scan3A_4 : i32
    %scan3A_6 = arith.constant 1 : i32
    scf.for %scan3A_8 = %scan3A_3 to %scan3A_5 step %scan3A_6  : i32 {
      %mul3A_9 = arith.constant 2048 : i32
      %mul3A_10 = arith.muli %scan3A_8, %mul3A_9 : i32
      %add3A_11 = arith.addi %mul3A_2, %mul3A_10 : i32
      "tpu.region"() ({
        %run_scoped3A = tpu.sem_alloc : memref<!tpu.dma_semaphore, #tpu.memory_space<semaphore_mem>>
        %dma_start3A_202 = tpu.memref_slice %arg3[%add3A_11] : memref<1114112xi32, #tpu.memory_space<hbm>> -> memref<2048xi32, #tpu.memory_space<hbm>>
        %dma_start3A_203 = tpu.memref_slice %arg3[%add3A_11] : memref<1114112xi32, #tpu.memory_space<hbm>> -> memref<2048xi32, #tpu.memory_space<hbm>>
        tpu.enqueue_dma source(%dma_start3A_203 : memref<2048xi32, #tpu.memory_space<hbm>>) target(%arg5 : memref<2048xi32, #tpu.memory_space<vmem>>) target_semaphore(%run_scoped3A : memref<!tpu.dma_semaphore, #tpu.memory_space<semaphore_mem>>)
        %dma_wait3A_204 = tpu.memref_slice %arg3[%add3A_11] : memref<1114112xi32, #tpu.memory_space<hbm>> -> memref<2048xi32, #tpu.memory_space<hbm>>
        %dma_wait3A_205 = tpu.memref_slice %arg3[%add3A_11] : memref<1114112xi32, #tpu.memory_space<hbm>> -> memref<2048xi32, #tpu.memory_space<hbm>>
        tpu.wait_dma2 semaphore(%run_scoped3A : memref<!tpu.dma_semaphore, #tpu.memory_space<semaphore_mem>>) src(%dma_wait3A_205 : memref<2048xi32, #tpu.memory_space<hbm>>) dst(%arg5 : memref<2048xi32, #tpu.memory_space<vmem>>)
        tpu.yield
      }) : () -> ()
      %dma_start3A = arith.constant 0 : i32
      %dma_start3A_12 = tpu.memref_slice %arg6[%dma_start3A] : memref<2048xf32, #tpu.memory_space<vmem>> -> memref<128xf32, #tpu.memory_space<vmem>>
      %dma_start3A_13 = arith.constant 0 : i32
      %dma_start3A_14 = tpu.memref_slice %arg5[%dma_start3A_13] : memref<2048xi32, #tpu.memory_space<vmem>> -> memref<128xi32, #tpu.memory_space<vmem>>
      %dma_start3A_15 = arith.constant 0 : i32
      %dma_start3A_16 = tpu.memref_slice %arg2[%dma_start3A_15] : memref<51380224xf32, #tpu.memory_space<hbm>> -> memref<51380224xf32, #tpu.memory_space<hbm>>
      tpu.enqueue_indirect_dma source(%dma_start3A_16 : memref<51380224xf32, #tpu.memory_space<hbm>>) target(%dma_start3A_12 : memref<128xf32, #tpu.memory_space<vmem>>) offsets(%dma_start3A_14 : memref<128xi32, #tpu.memory_space<vmem>>) semaphore(%arg7 : memref<!tpu.dma_semaphore, #tpu.memory_space<semaphore_mem>>)
      %dma_start3A_17 = arith.constant 128 : i32
      %dma_start3A_18 = tpu.memref_slice %arg6[%dma_start3A_17] : memref<2048xf32, #tpu.memory_space<vmem>> -> memref<128xf32, #tpu.memory_space<vmem>>
      %dma_start3A_19 = arith.constant 128 : i32
      %dma_start3A_20 = tpu.memref_slice %arg5[%dma_start3A_19] : memref<2048xi32, #tpu.memory_space<vmem>> -> memref<128xi32, #tpu.memory_space<vmem>>
      %dma_start3A_21 = arith.constant 0 : i32
      %dma_start3A_22 = tpu.memref_slice %arg2[%dma_start3A_21] : memref<51380224xf32, #tpu.memory_space<hbm>> -> memref<51380224xf32, #tpu.memory_space<hbm>>
      tpu.enqueue_indirect_dma source(%dma_start3A_22 : memref<51380224xf32, #tpu.memory_space<hbm>>) target(%dma_start3A_18 : memref<128xf32, #tpu.memory_space<vmem>>) offsets(%dma_start3A_20 : memref<128xi32, #tpu.memory_space<vmem>>) semaphore(%arg7 : memref<!tpu.dma_semaphore, #tpu.memory_space<semaphore_mem>>)
      %dma_start3A_23 = arith.constant 256 : i32
      %dma_start3A_24 = tpu.memref_slice %arg6[%dma_start3A_23] : memref<2048xf32, #tpu.memory_space<vmem>> -> memref<128xf32, #tpu.memory_space<vmem>>
      %dma_start3A_25 = arith.constant 256 : i32
      %dma_start3A_26 = tpu.memref_slice %arg5[%dma_start3A_25] : memref<2048xi32, #tpu.memory_space<vmem>> -> memref<128xi32, #tpu.memory_space<vmem>>
      %dma_start3A_27 = arith.constant 0 : i32
      %dma_start3A_28 = tpu.memref_slice %arg2[%dma_start3A_27] : memref<51380224xf32, #tpu.memory_space<hbm>> -> memref<51380224xf32, #tpu.memory_space<hbm>>
      tpu.enqueue_indirect_dma source(%dma_start3A_28 : memref<51380224xf32, #tpu.memory_space<hbm>>) target(%dma_start3A_24 : memref<128xf32, #tpu.memory_space<vmem>>) offsets(%dma_start3A_26 : memref<128xi32, #tpu.memory_space<vmem>>) semaphore(%arg7 : memref<!tpu.dma_semaphore, #tpu.memory_space<semaphore_mem>>)
      %dma_start3A_29 = arith.constant 384 : i32
      %dma_start3A_30 = tpu.memref_slice %arg6[%dma_start3A_29] : memref<2048xf32, #tpu.memory_space<vmem>> -> memref<128xf32, #tpu.memory_space<vmem>>
      %dma_start3A_31 = arith.constant 384 : i32
      %dma_start3A_32 = tpu.memref_slice %arg5[%dma_start3A_31] : memref<2048xi32, #tpu.memory_space<vmem>> -> memref<128xi32, #tpu.memory_space<vmem>>
      %dma_start3A_33 = arith.constant 0 : i32
      %dma_start3A_34 = tpu.memref_slice %arg2[%dma_start3A_33] : memref<51380224xf32, #tpu.memory_space<hbm>> -> memref<51380224xf32, #tpu.memory_space<hbm>>
      tpu.enqueue_indirect_dma source(%dma_start3A_34 : memref<51380224xf32, #tpu.memory_space<hbm>>) target(%dma_start3A_30 : memref<128xf32, #tpu.memory_space<vmem>>) offsets(%dma_start3A_32 : memref<128xi32, #tpu.memory_space<vmem>>) semaphore(%arg7 : memref<!tpu.dma_semaphore, #tpu.memory_space<semaphore_mem>>)
      %dma_start3A_35 = arith.constant 512 : i32
      %dma_start3A_36 = tpu.memref_slice %arg6[%dma_start3A_35] : memref<2048xf32, #tpu.memory_space<vmem>> -> memref<128xf32, #tpu.memory_space<vmem>>
      %dma_start3A_37 = arith.constant 512 : i32
      %dma_start3A_38 = tpu.memref_slice %arg5[%dma_start3A_37] : memref<2048xi32, #tpu.memory_space<vmem>> -> memref<128xi32, #tpu.memory_space<vmem>>
      %dma_start3A_39 = arith.constant 0 : i32
      %dma_start3A_40 = tpu.memref_slice %arg2[%dma_start3A_39] : memref<51380224xf32, #tpu.memory_space<hbm>> -> memref<51380224xf32, #tpu.memory_space<hbm>>
      tpu.enqueue_indirect_dma source(%dma_start3A_40 : memref<51380224xf32, #tpu.memory_space<hbm>>) target(%dma_start3A_36 : memref<128xf32, #tpu.memory_space<vmem>>) offsets(%dma_start3A_38 : memref<128xi32, #tpu.memory_space<vmem>>) semaphore(%arg7 : memref<!tpu.dma_semaphore, #tpu.memory_space<semaphore_mem>>)
      %dma_start3A_41 = arith.constant 640 : i32
      %dma_start3A_42 = tpu.memref_slice %arg6[%dma_start3A_41] : memref<2048xf32, #tpu.memory_space<vmem>> -> memref<128xf32, #tpu.memory_space<vmem>>
      %dma_start3A_43 = arith.constant 640 : i32
      %dma_start3A_44 = tpu.memref_slice %arg5[%dma_start3A_43] : memref<2048xi32, #tpu.memory_space<vmem>> -> memref<128xi32, #tpu.memory_space<vmem>>
      %dma_start3A_45 = arith.constant 0 : i32
      %dma_start3A_46 = tpu.memref_slice %arg2[%dma_start3A_45] : memref<51380224xf32, #tpu.memory_space<hbm>> -> memref<51380224xf32, #tpu.memory_space<hbm>>
      tpu.enqueue_indirect_dma source(%dma_start3A_46 : memref<51380224xf32, #tpu.memory_space<hbm>>) target(%dma_start3A_42 : memref<128xf32, #tpu.memory_space<vmem>>) offsets(%dma_start3A_44 : memref<128xi32, #tpu.memory_space<vmem>>) semaphore(%arg7 : memref<!tpu.dma_semaphore, #tpu.memory_space<semaphore_mem>>)
      %dma_start3A_47 = arith.constant 768 : i32
      %dma_start3A_48 = tpu.memref_slice %arg6[%dma_start3A_47] : memref<2048xf32, #tpu.memory_space<vmem>> -> memref<128xf32, #tpu.memory_space<vmem>>
      %dma_start3A_49 = arith.constant 768 : i32
      %dma_start3A_50 = tpu.memref_slice %arg5[%dma_start3A_49] : memref<2048xi32, #tpu.memory_space<vmem>> -> memref<128xi32, #tpu.memory_space<vmem>>
      %dma_start3A_51 = arith.constant 0 : i32
      %dma_start3A_52 = tpu.memref_slice %arg2[%dma_start3A_51] : memref<51380224xf32, #tpu.memory_space<hbm>> -> memref<51380224xf32, #tpu.memory_space<hbm>>
      tpu.enqueue_indirect_dma source(%dma_start3A_52 : memref<51380224xf32, #tpu.memory_space<hbm>>) target(%dma_start3A_48 : memref<128xf32, #tpu.memory_space<vmem>>) offsets(%dma_start3A_50 : memref<128xi32, #tpu.memory_space<vmem>>) semaphore(%arg7 : memref<!tpu.dma_semaphore, #tpu.memory_space<semaphore_mem>>)
      %dma_start3A_53 = arith.constant 896 : i32
      %dma_start3A_54 = tpu.memref_slice %arg6[%dma_start3A_53] : memref<2048xf32, #tpu.memory_space<vmem>> -> memref<128xf32, #tpu.memory_space<vmem>>
      %dma_start3A_55 = arith.constant 896 : i32
      %dma_start3A_56 = tpu.memref_slice %arg5[%dma_start3A_55] : memref<2048xi32, #tpu.memory_space<vmem>> -> memref<128xi32, #tpu.memory_space<vmem>>
      %dma_start3A_57 = arith.constant 0 : i32
      %dma_start3A_58 = tpu.memref_slice %arg2[%dma_start3A_57] : memref<51380224xf32, #tpu.memory_space<hbm>> -> memref<51380224xf32, #tpu.memory_space<hbm>>
      tpu.enqueue_indirect_dma source(%dma_start3A_58 : memref<51380224xf32, #tpu.memory_space<hbm>>) target(%dma_start3A_54 : memref<128xf32, #tpu.memory_space<vmem>>) offsets(%dma_start3A_56 : memref<128xi32, #tpu.memory_space<vmem>>) semaphore(%arg7 : memref<!tpu.dma_semaphore, #tpu.memory_space<semaphore_mem>>)
      %dma_start3A_59 = arith.constant 1024 : i32
      %dma_start3A_60 = tpu.memref_slice %arg6[%dma_start3A_59] : memref<2048xf32, #tpu.memory_space<vmem>> -> memref<128xf32, #tpu.memory_space<vmem>>
      %dma_start3A_61 = arith.constant 1024 : i32
      %dma_start3A_62 = tpu.memref_slice %arg5[%dma_start3A_61] : memref<2048xi32, #tpu.memory_space<vmem>> -> memref<128xi32, #tpu.memory_space<vmem>>
      %dma_start3A_63 = arith.constant 0 : i32
      %dma_start3A_64 = tpu.memref_slice %arg2[%dma_start3A_63] : memref<51380224xf32, #tpu.memory_space<hbm>> -> memref<51380224xf32, #tpu.memory_space<hbm>>
      tpu.enqueue_indirect_dma source(%dma_start3A_64 : memref<51380224xf32, #tpu.memory_space<hbm>>) target(%dma_start3A_60 : memref<128xf32, #tpu.memory_space<vmem>>) offsets(%dma_start3A_62 : memref<128xi32, #tpu.memory_space<vmem>>) semaphore(%arg7 : memref<!tpu.dma_semaphore, #tpu.memory_space<semaphore_mem>>)
      %dma_start3A_65 = arith.constant 1152 : i32
      %dma_start3A_66 = tpu.memref_slice %arg6[%dma_start3A_65] : memref<2048xf32, #tpu.memory_space<vmem>> -> memref<128xf32, #tpu.memory_space<vmem>>
      %dma_start3A_67 = arith.constant 1152 : i32
      %dma_start3A_68 = tpu.memref_slice %arg5[%dma_start3A_67] : memref<2048xi32, #tpu.memory_space<vmem>> -> memref<128xi32, #tpu.memory_space<vmem>>
      %dma_start3A_69 = arith.constant 0 : i32
      %dma_start3A_70 = tpu.memref_slice %arg2[%dma_start3A_69] : memref<51380224xf32, #tpu.memory_space<hbm>> -> memref<51380224xf32, #tpu.memory_space<hbm>>
      tpu.enqueue_indirect_dma source(%dma_start3A_70 : memref<51380224xf32, #tpu.memory_space<hbm>>) target(%dma_start3A_66 : memref<128xf32, #tpu.memory_space<vmem>>) offsets(%dma_start3A_68 : memref<128xi32, #tpu.memory_space<vmem>>) semaphore(%arg7 : memref<!tpu.dma_semaphore, #tpu.memory_space<semaphore_mem>>)
      %dma_start3A_71 = arith.constant 1280 : i32
      %dma_start3A_72 = tpu.memref_slice %arg6[%dma_start3A_71] : memref<2048xf32, #tpu.memory_space<vmem>> -> memref<128xf32, #tpu.memory_space<vmem>>
      %dma_start3A_73 = arith.constant 1280 : i32
      %dma_start3A_74 = tpu.memref_slice %arg5[%dma_start3A_73] : memref<2048xi32, #tpu.memory_space<vmem>> -> memref<128xi32, #tpu.memory_space<vmem>>
      %dma_start3A_75 = arith.constant 0 : i32
      %dma_start3A_76 = tpu.memref_slice %arg2[%dma_start3A_75] : memref<51380224xf32, #tpu.memory_space<hbm>> -> memref<51380224xf32, #tpu.memory_space<hbm>>
      tpu.enqueue_indirect_dma source(%dma_start3A_76 : memref<51380224xf32, #tpu.memory_space<hbm>>) target(%dma_start3A_72 : memref<128xf32, #tpu.memory_space<vmem>>) offsets(%dma_start3A_74 : memref<128xi32, #tpu.memory_space<vmem>>) semaphore(%arg7 : memref<!tpu.dma_semaphore, #tpu.memory_space<semaphore_mem>>)
      %dma_start3A_77 = arith.constant 1408 : i32
      %dma_start3A_78 = tpu.memref_slice %arg6[%dma_start3A_77] : memref<2048xf32, #tpu.memory_space<vmem>> -> memref<128xf32, #tpu.memory_space<vmem>>
      %dma_start3A_79 = arith.constant 1408 : i32
      %dma_start3A_80 = tpu.memref_slice %arg5[%dma_start3A_79] : memref<2048xi32, #tpu.memory_space<vmem>> -> memref<128xi32, #tpu.memory_space<vmem>>
      %dma_start3A_81 = arith.constant 0 : i32
      %dma_start3A_82 = tpu.memref_slice %arg2[%dma_start3A_81] : memref<51380224xf32, #tpu.memory_space<hbm>> -> memref<51380224xf32, #tpu.memory_space<hbm>>
      tpu.enqueue_indirect_dma source(%dma_start3A_82 : memref<51380224xf32, #tpu.memory_space<hbm>>) target(%dma_start3A_78 : memref<128xf32, #tpu.memory_space<vmem>>) offsets(%dma_start3A_80 : memref<128xi32, #tpu.memory_space<vmem>>) semaphore(%arg7 : memref<!tpu.dma_semaphore, #tpu.memory_space<semaphore_mem>>)
      %dma_start3A_83 = arith.constant 1536 : i32
      %dma_start3A_84 = tpu.memref_slice %arg6[%dma_start3A_83] : memref<2048xf32, #tpu.memory_space<vmem>> -> memref<128xf32, #tpu.memory_space<vmem>>
      %dma_start3A_85 = arith.constant 1536 : i32
      %dma_start3A_86 = tpu.memref_slice %arg5[%dma_start3A_85] : memref<2048xi32, #tpu.memory_space<vmem>> -> memref<128xi32, #tpu.memory_space<vmem>>
      %dma_start3A_87 = arith.constant 0 : i32
      %dma_start3A_88 = tpu.memref_slice %arg2[%dma_start3A_87] : memref<51380224xf32, #tpu.memory_space<hbm>> -> memref<51380224xf32, #tpu.memory_space<hbm>>
      tpu.enqueue_indirect_dma source(%dma_start3A_88 : memref<51380224xf32, #tpu.memory_space<hbm>>) target(%dma_start3A_84 : memref<128xf32, #tpu.memory_space<vmem>>) offsets(%dma_start3A_86 : memref<128xi32, #tpu.memory_space<vmem>>) semaphore(%arg7 : memref<!tpu.dma_semaphore, #tpu.memory_space<semaphore_mem>>)
      %dma_start3A_89 = arith.constant 1664 : i32
      %dma_start3A_90 = tpu.memref_slice %arg6[%dma_start3A_89] : memref<2048xf32, #tpu.memory_space<vmem>> -> memref<128xf32, #tpu.memory_space<vmem>>
      %dma_start3A_91 = arith.constant 1664 : i32
      %dma_start3A_92 = tpu.memref_slice %arg5[%dma_start3A_91] : memref<2048xi32, #tpu.memory_space<vmem>> -> memref<128xi32, #tpu.memory_space<vmem>>
      %dma_start3A_93 = arith.constant 0 : i32
      %dma_start3A_94 = tpu.memref_slice %arg2[%dma_start3A_93] : memref<51380224xf32, #tpu.memory_space<hbm>> -> memref<51380224xf32, #tpu.memory_space<hbm>>
      tpu.enqueue_indirect_dma source(%dma_start3A_94 : memref<51380224xf32, #tpu.memory_space<hbm>>) target(%dma_start3A_90 : memref<128xf32, #tpu.memory_space<vmem>>) offsets(%dma_start3A_92 : memref<128xi32, #tpu.memory_space<vmem>>) semaphore(%arg7 : memref<!tpu.dma_semaphore, #tpu.memory_space<semaphore_mem>>)
      %dma_start3A_95 = arith.constant 1792 : i32
      %dma_start3A_96 = tpu.memref_slice %arg6[%dma_start3A_95] : memref<2048xf32, #tpu.memory_space<vmem>> -> memref<128xf32, #tpu.memory_space<vmem>>
      %dma_start3A_97 = arith.constant 1792 : i32
      %dma_start3A_98 = tpu.memref_slice %arg5[%dma_start3A_97] : memref<2048xi32, #tpu.memory_space<vmem>> -> memref<128xi32, #tpu.memory_space<vmem>>
      %dma_start3A_99 = arith.constant 0 : i32
      %dma_start3A_100 = tpu.memref_slice %arg2[%dma_start3A_99] : memref<51380224xf32, #tpu.memory_space<hbm>> -> memref<51380224xf32, #tpu.memory_space<hbm>>
      tpu.enqueue_indirect_dma source(%dma_start3A_100 : memref<51380224xf32, #tpu.memory_space<hbm>>) target(%dma_start3A_96 : memref<128xf32, #tpu.memory_space<vmem>>) offsets(%dma_start3A_98 : memref<128xi32, #tpu.memory_space<vmem>>) semaphore(%arg7 : memref<!tpu.dma_semaphore, #tpu.memory_space<semaphore_mem>>)
      %dma_start3A_101 = arith.constant 1920 : i32
      %dma_start3A_102 = tpu.memref_slice %arg6[%dma_start3A_101] : memref<2048xf32, #tpu.memory_space<vmem>> -> memref<128xf32, #tpu.memory_space<vmem>>
      %dma_start3A_103 = arith.constant 1920 : i32
      %dma_start3A_104 = tpu.memref_slice %arg5[%dma_start3A_103] : memref<2048xi32, #tpu.memory_space<vmem>> -> memref<128xi32, #tpu.memory_space<vmem>>
      %dma_start3A_105 = arith.constant 0 : i32
      %dma_start3A_106 = tpu.memref_slice %arg2[%dma_start3A_105] : memref<51380224xf32, #tpu.memory_space<hbm>> -> memref<51380224xf32, #tpu.memory_space<hbm>>
      tpu.enqueue_indirect_dma source(%dma_start3A_106 : memref<51380224xf32, #tpu.memory_space<hbm>>) target(%dma_start3A_102 : memref<128xf32, #tpu.memory_space<vmem>>) offsets(%dma_start3A_104 : memref<128xi32, #tpu.memory_space<vmem>>) semaphore(%arg7 : memref<!tpu.dma_semaphore, #tpu.memory_space<semaphore_mem>>)
      %dma_wait3A = arith.constant 0 : i32
      %dma_wait3A_107 = tpu.memref_slice %arg6[%dma_wait3A] : memref<2048xf32, #tpu.memory_space<vmem>> -> memref<128xf32, #tpu.memory_space<vmem>>
      %dma_wait3A_108 = arith.constant 0 : i32
      %dma_wait3A_109 = tpu.memref_slice %arg5[%dma_wait3A_108] : memref<2048xi32, #tpu.memory_space<vmem>> -> memref<128xi32, #tpu.memory_space<vmem>>
      %dma_wait3A_110 = arith.constant 0 : i32
      %dma_wait3A_111 = tpu.memref_slice %arg2[%dma_wait3A_110] : memref<51380224xf32, #tpu.memory_space<hbm>> -> memref<51380224xf32, #tpu.memory_space<hbm>>
      tpu.wait_indirect_dma semaphore(%arg7 : memref<!tpu.dma_semaphore, #tpu.memory_space<semaphore_mem>>) src(%dma_wait3A_111 : memref<51380224xf32, #tpu.memory_space<hbm>>) dst(%dma_wait3A_107 : memref<128xf32, #tpu.memory_space<vmem>>)
      %dma_wait3A_112 = arith.constant 128 : i32
      %dma_wait3A_113 = tpu.memref_slice %arg6[%dma_wait3A_112] : memref<2048xf32, #tpu.memory_space<vmem>> -> memref<128xf32, #tpu.memory_space<vmem>>
      %dma_wait3A_114 = arith.constant 128 : i32
      %dma_wait3A_115 = tpu.memref_slice %arg5[%dma_wait3A_114] : memref<2048xi32, #tpu.memory_space<vmem>> -> memref<128xi32, #tpu.memory_space<vmem>>
      %dma_wait3A_116 = arith.constant 0 : i32
      %dma_wait3A_117 = tpu.memref_slice %arg2[%dma_wait3A_116] : memref<51380224xf32, #tpu.memory_space<hbm>> -> memref<51380224xf32, #tpu.memory_space<hbm>>
      tpu.wait_indirect_dma semaphore(%arg7 : memref<!tpu.dma_semaphore, #tpu.memory_space<semaphore_mem>>) src(%dma_wait3A_117 : memref<51380224xf32, #tpu.memory_space<hbm>>) dst(%dma_wait3A_113 : memref<128xf32, #tpu.memory_space<vmem>>)
      %dma_wait3A_118 = arith.constant 256 : i32
      %dma_wait3A_119 = tpu.memref_slice %arg6[%dma_wait3A_118] : memref<2048xf32, #tpu.memory_space<vmem>> -> memref<128xf32, #tpu.memory_space<vmem>>
      %dma_wait3A_120 = arith.constant 256 : i32
      %dma_wait3A_121 = tpu.memref_slice %arg5[%dma_wait3A_120] : memref<2048xi32, #tpu.memory_space<vmem>> -> memref<128xi32, #tpu.memory_space<vmem>>
      %dma_wait3A_122 = arith.constant 0 : i32
      %dma_wait3A_123 = tpu.memref_slice %arg2[%dma_wait3A_122] : memref<51380224xf32, #tpu.memory_space<hbm>> -> memref<51380224xf32, #tpu.memory_space<hbm>>
      tpu.wait_indirect_dma semaphore(%arg7 : memref<!tpu.dma_semaphore, #tpu.memory_space<semaphore_mem>>) src(%dma_wait3A_123 : memref<51380224xf32, #tpu.memory_space<hbm>>) dst(%dma_wait3A_119 : memref<128xf32, #tpu.memory_space<vmem>>)
      %dma_wait3A_124 = arith.constant 384 : i32
      %dma_wait3A_125 = tpu.memref_slice %arg6[%dma_wait3A_124] : memref<2048xf32, #tpu.memory_space<vmem>> -> memref<128xf32, #tpu.memory_space<vmem>>
      %dma_wait3A_126 = arith.constant 384 : i32
      %dma_wait3A_127 = tpu.memref_slice %arg5[%dma_wait3A_126] : memref<2048xi32, #tpu.memory_space<vmem>> -> memref<128xi32, #tpu.memory_space<vmem>>
      %dma_wait3A_128 = arith.constant 0 : i32
      %dma_wait3A_129 = tpu.memref_slice %arg2[%dma_wait3A_128] : memref<51380224xf32, #tpu.memory_space<hbm>> -> memref<51380224xf32, #tpu.memory_space<hbm>>
      tpu.wait_indirect_dma semaphore(%arg7 : memref<!tpu.dma_semaphore, #tpu.memory_space<semaphore_mem>>) src(%dma_wait3A_129 : memref<51380224xf32, #tpu.memory_space<hbm>>) dst(%dma_wait3A_125 : memref<128xf32, #tpu.memory_space<vmem>>)
      %dma_wait3A_130 = arith.constant 512 : i32
      %dma_wait3A_131 = tpu.memref_slice %arg6[%dma_wait3A_130] : memref<2048xf32, #tpu.memory_space<vmem>> -> memref<128xf32, #tpu.memory_space<vmem>>
      %dma_wait3A_132 = arith.constant 512 : i32
      %dma_wait3A_133 = tpu.memref_slice %arg5[%dma_wait3A_132] : memref<2048xi32, #tpu.memory_space<vmem>> -> memref<128xi32, #tpu.memory_space<vmem>>
      %dma_wait3A_134 = arith.constant 0 : i32
      %dma_wait3A_135 = tpu.memref_slice %arg2[%dma_wait3A_134] : memref<51380224xf32, #tpu.memory_space<hbm>> -> memref<51380224xf32, #tpu.memory_space<hbm>>
      tpu.wait_indirect_dma semaphore(%arg7 : memref<!tpu.dma_semaphore, #tpu.memory_space<semaphore_mem>>) src(%dma_wait3A_135 : memref<51380224xf32, #tpu.memory_space<hbm>>) dst(%dma_wait3A_131 : memref<128xf32, #tpu.memory_space<vmem>>)
      %dma_wait3A_136 = arith.constant 640 : i32
      %dma_wait3A_137 = tpu.memref_slice %arg6[%dma_wait3A_136] : memref<2048xf32, #tpu.memory_space<vmem>> -> memref<128xf32, #tpu.memory_space<vmem>>
      %dma_wait3A_138 = arith.constant 640 : i32
      %dma_wait3A_139 = tpu.memref_slice %arg5[%dma_wait3A_138] : memref<2048xi32, #tpu.memory_space<vmem>> -> memref<128xi32, #tpu.memory_space<vmem>>
      %dma_wait3A_140 = arith.constant 0 : i32
      %dma_wait3A_141 = tpu.memref_slice %arg2[%dma_wait3A_140] : memref<51380224xf32, #tpu.memory_space<hbm>> -> memref<51380224xf32, #tpu.memory_space<hbm>>
      tpu.wait_indirect_dma semaphore(%arg7 : memref<!tpu.dma_semaphore, #tpu.memory_space<semaphore_mem>>) src(%dma_wait3A_141 : memref<51380224xf32, #tpu.memory_space<hbm>>) dst(%dma_wait3A_137 : memref<128xf32, #tpu.memory_space<vmem>>)
      %dma_wait3A_142 = arith.constant 768 : i32
      %dma_wait3A_143 = tpu.memref_slice %arg6[%dma_wait3A_142] : memref<2048xf32, #tpu.memory_space<vmem>> -> memref<128xf32, #tpu.memory_space<vmem>>
      %dma_wait3A_144 = arith.constant 768 : i32
      %dma_wait3A_145 = tpu.memref_slice %arg5[%dma_wait3A_144] : memref<2048xi32, #tpu.memory_space<vmem>> -> memref<128xi32, #tpu.memory_space<vmem>>
      %dma_wait3A_146 = arith.constant 0 : i32
      %dma_wait3A_147 = tpu.memref_slice %arg2[%dma_wait3A_146] : memref<51380224xf32, #tpu.memory_space<hbm>> -> memref<51380224xf32, #tpu.memory_space<hbm>>
      tpu.wait_indirect_dma semaphore(%arg7 : memref<!tpu.dma_semaphore, #tpu.memory_space<semaphore_mem>>) src(%dma_wait3A_147 : memref<51380224xf32, #tpu.memory_space<hbm>>) dst(%dma_wait3A_143 : memref<128xf32, #tpu.memory_space<vmem>>)
      %dma_wait3A_148 = arith.constant 896 : i32
      %dma_wait3A_149 = tpu.memref_slice %arg6[%dma_wait3A_148] : memref<2048xf32, #tpu.memory_space<vmem>> -> memref<128xf32, #tpu.memory_space<vmem>>
      %dma_wait3A_150 = arith.constant 896 : i32
      %dma_wait3A_151 = tpu.memref_slice %arg5[%dma_wait3A_150] : memref<2048xi32, #tpu.memory_space<vmem>> -> memref<128xi32, #tpu.memory_space<vmem>>
      %dma_wait3A_152 = arith.constant 0 : i32
      %dma_wait3A_153 = tpu.memref_slice %arg2[%dma_wait3A_152] : memref<51380224xf32, #tpu.memory_space<hbm>> -> memref<51380224xf32, #tpu.memory_space<hbm>>
      tpu.wait_indirect_dma semaphore(%arg7 : memref<!tpu.dma_semaphore, #tpu.memory_space<semaphore_mem>>) src(%dma_wait3A_153 : memref<51380224xf32, #tpu.memory_space<hbm>>) dst(%dma_wait3A_149 : memref<128xf32, #tpu.memory_space<vmem>>)
      %dma_wait3A_154 = arith.constant 1024 : i32
      %dma_wait3A_155 = tpu.memref_slice %arg6[%dma_wait3A_154] : memref<2048xf32, #tpu.memory_space<vmem>> -> memref<128xf32, #tpu.memory_space<vmem>>
      %dma_wait3A_156 = arith.constant 1024 : i32
      %dma_wait3A_157 = tpu.memref_slice %arg5[%dma_wait3A_156] : memref<2048xi32, #tpu.memory_space<vmem>> -> memref<128xi32, #tpu.memory_space<vmem>>
      %dma_wait3A_158 = arith.constant 0 : i32
      %dma_wait3A_159 = tpu.memref_slice %arg2[%dma_wait3A_158] : memref<51380224xf32, #tpu.memory_space<hbm>> -> memref<51380224xf32, #tpu.memory_space<hbm>>
      tpu.wait_indirect_dma semaphore(%arg7 : memref<!tpu.dma_semaphore, #tpu.memory_space<semaphore_mem>>) src(%dma_wait3A_159 : memref<51380224xf32, #tpu.memory_space<hbm>>) dst(%dma_wait3A_155 : memref<128xf32, #tpu.memory_space<vmem>>)
      %dma_wait3A_160 = arith.constant 1152 : i32
      %dma_wait3A_161 = tpu.memref_slice %arg6[%dma_wait3A_160] : memref<2048xf32, #tpu.memory_space<vmem>> -> memref<128xf32, #tpu.memory_space<vmem>>
      %dma_wait3A_162 = arith.constant 1152 : i32
      %dma_wait3A_163 = tpu.memref_slice %arg5[%dma_wait3A_162] : memref<2048xi32, #tpu.memory_space<vmem>> -> memref<128xi32, #tpu.memory_space<vmem>>
      %dma_wait3A_164 = arith.constant 0 : i32
      %dma_wait3A_165 = tpu.memref_slice %arg2[%dma_wait3A_164] : memref<51380224xf32, #tpu.memory_space<hbm>> -> memref<51380224xf32, #tpu.memory_space<hbm>>
      tpu.wait_indirect_dma semaphore(%arg7 : memref<!tpu.dma_semaphore, #tpu.memory_space<semaphore_mem>>) src(%dma_wait3A_165 : memref<51380224xf32, #tpu.memory_space<hbm>>) dst(%dma_wait3A_161 : memref<128xf32, #tpu.memory_space<vmem>>)
      %dma_wait3A_166 = arith.constant 1280 : i32
      %dma_wait3A_167 = tpu.memref_slice %arg6[%dma_wait3A_166] : memref<2048xf32, #tpu.memory_space<vmem>> -> memref<128xf32, #tpu.memory_space<vmem>>
      %dma_wait3A_168 = arith.constant 1280 : i32
      %dma_wait3A_169 = tpu.memref_slice %arg5[%dma_wait3A_168] : memref<2048xi32, #tpu.memory_space<vmem>> -> memref<128xi32, #tpu.memory_space<vmem>>
      %dma_wait3A_170 = arith.constant 0 : i32
      %dma_wait3A_171 = tpu.memref_slice %arg2[%dma_wait3A_170] : memref<51380224xf32, #tpu.memory_space<hbm>> -> memref<51380224xf32, #tpu.memory_space<hbm>>
      tpu.wait_indirect_dma semaphore(%arg7 : memref<!tpu.dma_semaphore, #tpu.memory_space<semaphore_mem>>) src(%dma_wait3A_171 : memref<51380224xf32, #tpu.memory_space<hbm>>) dst(%dma_wait3A_167 : memref<128xf32, #tpu.memory_space<vmem>>)
      %dma_wait3A_172 = arith.constant 1408 : i32
      %dma_wait3A_173 = tpu.memref_slice %arg6[%dma_wait3A_172] : memref<2048xf32, #tpu.memory_space<vmem>> -> memref<128xf32, #tpu.memory_space<vmem>>
      %dma_wait3A_174 = arith.constant 1408 : i32
      %dma_wait3A_175 = tpu.memref_slice %arg5[%dma_wait3A_174] : memref<2048xi32, #tpu.memory_space<vmem>> -> memref<128xi32, #tpu.memory_space<vmem>>
      %dma_wait3A_176 = arith.constant 0 : i32
      %dma_wait3A_177 = tpu.memref_slice %arg2[%dma_wait3A_176] : memref<51380224xf32, #tpu.memory_space<hbm>> -> memref<51380224xf32, #tpu.memory_space<hbm>>
      tpu.wait_indirect_dma semaphore(%arg7 : memref<!tpu.dma_semaphore, #tpu.memory_space<semaphore_mem>>) src(%dma_wait3A_177 : memref<51380224xf32, #tpu.memory_space<hbm>>) dst(%dma_wait3A_173 : memref<128xf32, #tpu.memory_space<vmem>>)
      %dma_wait3A_178 = arith.constant 1536 : i32
      %dma_wait3A_179 = tpu.memref_slice %arg6[%dma_wait3A_178] : memref<2048xf32, #tpu.memory_space<vmem>> -> memref<128xf32, #tpu.memory_space<vmem>>
      %dma_wait3A_180 = arith.constant 1536 : i32
      %dma_wait3A_181 = tpu.memref_slice %arg5[%dma_wait3A_180] : memref<2048xi32, #tpu.memory_space<vmem>> -> memref<128xi32, #tpu.memory_space<vmem>>
      %dma_wait3A_182 = arith.constant 0 : i32
      %dma_wait3A_183 = tpu.memref_slice %arg2[%dma_wait3A_182] : memref<51380224xf32, #tpu.memory_space<hbm>> -> memref<51380224xf32, #tpu.memory_space<hbm>>
      tpu.wait_indirect_dma semaphore(%arg7 : memref<!tpu.dma_semaphore, #tpu.memory_space<semaphore_mem>>) src(%dma_wait3A_183 : memref<51380224xf32, #tpu.memory_space<hbm>>) dst(%dma_wait3A_179 : memref<128xf32, #tpu.memory_space<vmem>>)
      %dma_wait3A_184 = arith.constant 1664 : i32
      %dma_wait3A_185 = tpu.memref_slice %arg6[%dma_wait3A_184] : memref<2048xf32, #tpu.memory_space<vmem>> -> memref<128xf32, #tpu.memory_space<vmem>>
      %dma_wait3A_186 = arith.constant 1664 : i32
      %dma_wait3A_187 = tpu.memref_slice %arg5[%dma_wait3A_186] : memref<2048xi32, #tpu.memory_space<vmem>> -> memref<128xi32, #tpu.memory_space<vmem>>
      %dma_wait3A_188 = arith.constant 0 : i32
      %dma_wait3A_189 = tpu.memref_slice %arg2[%dma_wait3A_188] : memref<51380224xf32, #tpu.memory_space<hbm>> -> memref<51380224xf32, #tpu.memory_space<hbm>>
      tpu.wait_indirect_dma semaphore(%arg7 : memref<!tpu.dma_semaphore, #tpu.memory_space<semaphore_mem>>) src(%dma_wait3A_189 : memref<51380224xf32, #tpu.memory_space<hbm>>) dst(%dma_wait3A_185 : memref<128xf32, #tpu.memory_space<vmem>>)
      %dma_wait3A_190 = arith.constant 1792 : i32
      %dma_wait3A_191 = tpu.memref_slice %arg6[%dma_wait3A_190] : memref<2048xf32, #tpu.memory_space<vmem>> -> memref<128xf32, #tpu.memory_space<vmem>>
      %dma_wait3A_192 = arith.constant 1792 : i32
      %dma_wait3A_193 = tpu.memref_slice %arg5[%dma_wait3A_192] : memref<2048xi32, #tpu.memory_space<vmem>> -> memref<128xi32, #tpu.memory_space<vmem>>
      %dma_wait3A_194 = arith.constant 0 : i32
      %dma_wait3A_195 = tpu.memref_slice %arg2[%dma_wait3A_194] : memref<51380224xf32, #tpu.memory_space<hbm>> -> memref<51380224xf32, #tpu.memory_space<hbm>>
      tpu.wait_indirect_dma semaphore(%arg7 : memref<!tpu.dma_semaphore, #tpu.memory_space<semaphore_mem>>) src(%dma_wait3A_195 : memref<51380224xf32, #tpu.memory_space<hbm>>) dst(%dma_wait3A_191 : memref<128xf32, #tpu.memory_space<vmem>>)
      %dma_wait3A_196 = arith.constant 1920 : i32
      %dma_wait3A_197 = tpu.memref_slice %arg6[%dma_wait3A_196] : memref<2048xf32, #tpu.memory_space<vmem>> -> memref<128xf32, #tpu.memory_space<vmem>>
      %dma_wait3A_198 = arith.constant 1920 : i32
      %dma_wait3A_199 = tpu.memref_slice %arg5[%dma_wait3A_198] : memref<2048xi32, #tpu.memory_space<vmem>> -> memref<128xi32, #tpu.memory_space<vmem>>
      %dma_wait3A_200 = arith.constant 0 : i32
      %dma_wait3A_201 = tpu.memref_slice %arg2[%dma_wait3A_200] : memref<51380224xf32, #tpu.memory_space<hbm>> -> memref<51380224xf32, #tpu.memory_space<hbm>>
      tpu.wait_indirect_dma semaphore(%arg7 : memref<!tpu.dma_semaphore, #tpu.memory_space<semaphore_mem>>) src(%dma_wait3A_201 : memref<51380224xf32, #tpu.memory_space<hbm>>) dst(%dma_wait3A_197 : memref<128xf32, #tpu.memory_space<vmem>>)
      "tpu.region"() ({
        %run_scoped3A = tpu.sem_alloc : memref<!tpu.dma_semaphore, #tpu.memory_space<semaphore_mem>>
        %dma_start3A_202 = tpu.memref_slice %arg4[%add3A_11] : memref<1114112xf32, #tpu.memory_space<hbm>> -> memref<2048xf32, #tpu.memory_space<hbm>>
        %dma_start3A_203 = tpu.memref_slice %arg4[%add3A_11] : memref<1114112xf32, #tpu.memory_space<hbm>> -> memref<2048xf32, #tpu.memory_space<hbm>>
        tpu.enqueue_dma source(%arg6 : memref<2048xf32, #tpu.memory_space<vmem>>) target(%dma_start3A_203 : memref<2048xf32, #tpu.memory_space<hbm>>) target_semaphore(%run_scoped3A : memref<!tpu.dma_semaphore, #tpu.memory_space<semaphore_mem>>)
        %dma_wait3A_204 = tpu.memref_slice %arg4[%add3A_11] : memref<1114112xf32, #tpu.memory_space<hbm>> -> memref<2048xf32, #tpu.memory_space<hbm>>
        %dma_wait3A_205 = tpu.memref_slice %arg4[%add3A_11] : memref<1114112xf32, #tpu.memory_space<hbm>> -> memref<2048xf32, #tpu.memory_space<hbm>>
        tpu.wait_dma2 semaphore(%run_scoped3A : memref<!tpu.dma_semaphore, #tpu.memory_space<semaphore_mem>>) src(%arg6 : memref<2048xf32, #tpu.memory_space<vmem>>) dst(%dma_wait3A_205 : memref<2048xf32, #tpu.memory_space<hbm>>)
        tpu.yield
      }) : () -> ()
    }
    %scan3A_7 = arith.constant 17 : i32
    return
  }
}

module attributes {stable_mosaic.version = 14 : i64} {
  func.func @_embed_body(%arg0: memref<1024x256xf32, #tpu.memory_space<vmem>>, %arg1: memref<1024x256xf32, #tpu.memory_space<vmem>>, %arg2: memref<256x128xf32, #tpu.memory_space<vmem>>, %arg3: memref<1x128xf32, #tpu.memory_space<vmem>>, %arg4: memref<256x128xf32, #tpu.memory_space<vmem>>, %arg5: memref<1x128xf32, #tpu.memory_space<vmem>>, %arg6: memref<1024x128xf32, #tpu.memory_space<vmem>>, %arg7: memref<1024x128xf32, #tpu.memory_space<vmem>>, %arg8: memref<1024x128xf32, #tpu.memory_space<vmem>>, %arg9: memref<1024x128xf32, #tpu.memory_space<vmem>>, %arg10: memref<1024x128xf32, #tpu.memory_space<vmem>>, %arg11: memref<1024x128xf32, #tpu.memory_space<vmem>>) attributes {dimension_semantics = [], scalar_prefetch = 0 : i64, scratch_operands = 0 : i64, tpu.core_type = #tpu.core_type<tc>} {
    %get3A = arith.constant 0 : index
    %get3A_0 = arith.constant 0 : index
    %get3A_1 = vector.load %arg0[%get3A, %get3A_0] : memref<1024x256xf32, #tpu.memory_space<vmem>>, vector<1024x256xf32>
    %get3A_2 = arith.constant 0 : index
    %get3A_3 = arith.constant 0 : index
    %get3A_4 = vector.load %arg2[%get3A_2, %get3A_3] : memref<256x128xf32, #tpu.memory_space<vmem>>, vector<256x128xf32>
    %dot_general3A = arith.constant dense<0.000000e+00> : vector<1024x128xf32>
    %dot_general3A_5 = tpu.matmul %get3A_1, %get3A_4, %dot_general3A {dimension_numbers = #tpu.dot_dimension_numbers<[1], [0], [0], [1], [0, 0, 1, 1], [], []>, transpose_lhs_hint = false} : vector<1024x256xf32>, vector<256x128xf32>, vector<1024x128xf32> -> vector<1024x128xf32>
    %get3A_6 = arith.constant 0 : index
    %get3A_7 = arith.constant 0 : index
    %get3A_8 = vector.load %arg3[%get3A_6, %get3A_7] : memref<1x128xf32, #tpu.memory_space<vmem>>, vector<1x128xf32>
    %add3A = vector.broadcast %get3A_8 : vector<1x128xf32> to vector<1024x128xf32>
    %add3A_9 = arith.addf %dot_general3A_5, %add3A : vector<1024x128xf32>
    %mul3A = arith.mulf %add3A_9, %add3A_9 : vector<1024x128xf32>
    %reduce_sum3A = arith.constant dense<0.000000e+00> : vector<1024xf32>
    %reduce_sum3A_10 = vector.multi_reduction <add>, %mul3A, %reduce_sum3A [1] : vector<1024x128xf32> to vector<1024xf32>
    %broadcast_in_dim3A = vector.shape_cast %reduce_sum3A_10 : vector<1024xf32> to vector<1024x1xf32>
    %sqrt3A = math.sqrt %broadcast_in_dim3A : vector<1024x1xf32>
    %div3A = vector.broadcast %sqrt3A : vector<1024x1xf32> to vector<1024x128xf32>
    %div3A_11 = arith.divf %add3A_9, %div3A : vector<1024x128xf32>
    %swap3A = arith.constant 0 : index
    %swap3A_12 = arith.constant 0 : index
    %swap3A_13 = vector.load %arg8[%swap3A, %swap3A_12] : memref<1024x128xf32, #tpu.memory_space<vmem>>, vector<1024x128xf32>
    tpu.vector_store %arg8[%swap3A, %swap3A_12], %div3A_11 {strides = array<i32>} : memref<1024x128xf32, #tpu.memory_space<vmem>>, vector<1024x128xf32>,
    %get3A_14 = arith.constant 0 : index
    %get3A_15 = arith.constant 0 : index
    %get3A_16 = vector.load %arg1[%get3A_14, %get3A_15] : memref<1024x256xf32, #tpu.memory_space<vmem>>, vector<1024x256xf32>
    %get3A_17 = arith.constant 0 : index
    %get3A_18 = arith.constant 0 : index
    %get3A_19 = vector.load %arg4[%get3A_17, %get3A_18] : memref<256x128xf32, #tpu.memory_space<vmem>>, vector<256x128xf32>
    %dot_general3A_20 = arith.constant dense<0.000000e+00> : vector<1024x128xf32>
    %dot_general3A_21 = tpu.matmul %get3A_16, %get3A_19, %dot_general3A_20 {dimension_numbers = #tpu.dot_dimension_numbers<[1], [0], [0], [1], [0, 0, 1, 1], [], []>, transpose_lhs_hint = false} : vector<1024x256xf32>, vector<256x128xf32>, vector<1024x128xf32> -> vector<1024x128xf32>
    %get3A_22 = arith.constant 0 : index
    %get3A_23 = arith.constant 0 : index
    %get3A_24 = vector.load %arg5[%get3A_22, %get3A_23] : memref<1x128xf32, #tpu.memory_space<vmem>>, vector<1x128xf32>
    %add3A_25 = vector.broadcast %get3A_24 : vector<1x128xf32> to vector<1024x128xf32>
    %add3A_26 = arith.addf %dot_general3A_21, %add3A_25 : vector<1024x128xf32>
    %mul3A_27 = arith.mulf %add3A_26, %add3A_26 : vector<1024x128xf32>
    %reduce_sum3A_28 = arith.constant dense<0.000000e+00> : vector<1024xf32>
    %reduce_sum3A_29 = vector.multi_reduction <add>, %mul3A_27, %reduce_sum3A_28 [1] : vector<1024x128xf32> to vector<1024xf32>
    %broadcast_in_dim3A_30 = vector.shape_cast %reduce_sum3A_29 : vector<1024xf32> to vector<1024x1xf32>
    %sqrt3A_31 = math.sqrt %broadcast_in_dim3A_30 : vector<1024x1xf32>
    %div3A_32 = vector.broadcast %sqrt3A_31 : vector<1024x1xf32> to vector<1024x128xf32>
    %div3A_33 = arith.divf %add3A_26, %div3A_32 : vector<1024x128xf32>
    %swap3A_34 = arith.constant 0 : index
    %swap3A_35 = arith.constant 0 : index
    %swap3A_36 = vector.load %arg9[%swap3A_34, %swap3A_35] : memref<1024x128xf32, #tpu.memory_space<vmem>>, vector<1024x128xf32>
    tpu.vector_store %arg9[%swap3A_34, %swap3A_35], %div3A_33 {strides = array<i32>} : memref<1024x128xf32, #tpu.memory_space<vmem>>, vector<1024x128xf32>,
    %get3A_37 = arith.constant 0 : index
    %get3A_38 = arith.constant 0 : index
    %get3A_39 = vector.load %arg6[%get3A_37, %get3A_38] : memref<1024x128xf32, #tpu.memory_space<vmem>>, vector<1024x128xf32>
    %mul3A_40 = arith.mulf %get3A_39, %get3A_39 : vector<1024x128xf32>
    %reduce_sum3A_41 = arith.constant dense<0.000000e+00> : vector<1024xf32>
    %reduce_sum3A_42 = vector.multi_reduction <add>, %mul3A_40, %reduce_sum3A_41 [1] : vector<1024x128xf32> to vector<1024xf32>
    %broadcast_in_dim3A_43 = vector.shape_cast %reduce_sum3A_42 : vector<1024xf32> to vector<1024x1xf32>
    %sqrt3A_44 = math.sqrt %broadcast_in_dim3A_43 : vector<1024x1xf32>
    %add3A_45 = arith.constant 9.99999996E-13 : f32
    %add3A_46 = vector.broadcast %add3A_45 : f32 to vector<1024x1xf32>
    %add3A_47 = arith.addf %sqrt3A_44, %add3A_46 : vector<1024x1xf32>
    %div3A_48 = vector.broadcast %add3A_47 : vector<1024x1xf32> to vector<1024x128xf32>
    %div3A_49 = arith.divf %get3A_39, %div3A_48 : vector<1024x128xf32>
    %swap3A_50 = arith.constant 0 : index
    %swap3A_51 = arith.constant 0 : index
    %swap3A_52 = vector.load %arg10[%swap3A_50, %swap3A_51] : memref<1024x128xf32, #tpu.memory_space<vmem>>, vector<1024x128xf32>
    tpu.vector_store %arg10[%swap3A_50, %swap3A_51], %div3A_49 {strides = array<i32>} : memref<1024x128xf32, #tpu.memory_space<vmem>>, vector<1024x128xf32>,
    %get3A_53 = arith.constant 0 : index
    %get3A_54 = arith.constant 0 : index
    %get3A_55 = vector.load %arg7[%get3A_53, %get3A_54] : memref<1024x128xf32, #tpu.memory_space<vmem>>, vector<1024x128xf32>
    %mul3A_56 = arith.mulf %get3A_55, %get3A_55 : vector<1024x128xf32>
    %reduce_sum3A_57 = arith.constant dense<0.000000e+00> : vector<1024xf32>
    %reduce_sum3A_58 = vector.multi_reduction <add>, %mul3A_56, %reduce_sum3A_57 [1] : vector<1024x128xf32> to vector<1024xf32>
    %broadcast_in_dim3A_59 = vector.shape_cast %reduce_sum3A_58 : vector<1024xf32> to vector<1024x1xf32>
    %sqrt3A_60 = math.sqrt %broadcast_in_dim3A_59 : vector<1024x1xf32>
    %add3A_61 = arith.constant 9.99999996E-13 : f32
    %add3A_62 = vector.broadcast %add3A_61 : f32 to vector<1024x1xf32>
    %add3A_63 = arith.addf %sqrt3A_60, %add3A_62 : vector<1024x1xf32>
    %div3A_64 = vector.broadcast %add3A_63 : vector<1024x1xf32> to vector<1024x128xf32>
    %div3A_65 = arith.divf %get3A_55, %div3A_64 : vector<1024x128xf32>
    %swap3A_66 = arith.constant 0 : index
    %swap3A_67 = arith.constant 0 : index
    %swap3A_68 = vector.load %arg11[%swap3A_66, %swap3A_67] : memref<1024x128xf32, #tpu.memory_space<vmem>>, vector<1024x128xf32>
    tpu.vector_store %arg11[%swap3A_66, %swap3A_67], %div3A_65 {strides = array<i32>} : memref<1024x128xf32, #tpu.memory_space<vmem>>, vector<1024x128xf32>,
    return
  }
}

module attributes {stable_mosaic.version = 14 : i64} {
  func.func @_sim_body(%arg0: i32, %arg1: i32, %arg2: memref<256x128xf32, #tpu.memory_space<vmem>>, %arg3: memref<256x128xf32, #tpu.memory_space<vmem>>, %arg4: memref<256x1xi32, #tpu.memory_space<vmem>>, %arg5: memref<2048x128xf32, #tpu.memory_space<vmem>>, %arg6: memref<256x2048xf32, #tpu.memory_space<vmem>>, %arg7: memref<256x8xf32, #tpu.memory_space<vmem>>, %arg8: memref<256x8xi32, #tpu.memory_space<vmem>>, %arg9: memref<256x128xf32, #tpu.memory_space<vmem>>, %arg10: memref<256x128xi32, #tpu.memory_space<vmem>>) attributes {dimension_semantics = [#tpu.dimension_semantics<arbitrary>, #tpu.dimension_semantics<arbitrary>], iteration_bounds = array<i64: 2, 49>, scalar_prefetch = 0 : i64, scratch_operands = 2 : i64, tpu.core_type = #tpu.core_type<tc>, window_params = [{transform_indices = @transform_0, window_bounds = array<i64: 256, 128>}, {transform_indices = @transform_1, window_bounds = array<i64: 256, 128>}, {transform_indices = @transform_2, window_bounds = array<i64: 256, 1>}, {transform_indices = @transform_3, window_bounds = array<i64: 2048, 128>}, {transform_indices = @transform_4, window_bounds = array<i64: 256, 2048>}, {transform_indices = @transform_5, window_bounds = array<i64: 256, 8>}, {transform_indices = @transform_6, window_bounds = array<i64: 256, 8>}]} {
    %get3A = arith.constant 0 : index
    %get3A_0 = arith.constant 0 : index
    %get3A_1 = vector.load %arg5[%get3A, %get3A_0] : memref<2048x128xf32, #tpu.memory_space<vmem>>, vector<2048x128xf32>
    %get3A_2 = arith.constant 0 : index
    %get3A_3 = arith.constant 0 : index
    %get3A_4 = vector.load %arg2[%get3A_2, %get3A_3] : memref<256x128xf32, #tpu.memory_space<vmem>>, vector<256x128xf32>
    %dot_general3A = arith.constant dense<0.000000e+00> : vector<256x2048xf32>
    %dot_general3A_5 = tpu.matmul %get3A_4, %get3A_1, %dot_general3A {dimension_numbers = #tpu.dot_dimension_numbers<[1], [1], [0], [0], [0, 0, 1, 0], [], []>, transpose_lhs_hint = false} : vector<256x128xf32>, vector<2048x128xf32>, vector<256x2048xf32> -> vector<256x2048xf32>
    %get3A_6 = arith.constant 0 : index
    %get3A_7 = arith.constant 0 : index
    %get3A_8 = vector.load %arg3[%get3A_6, %get3A_7] : memref<256x128xf32, #tpu.memory_space<vmem>>, vector<256x128xf32>
    %dot_general3A_9 = arith.constant dense<0.000000e+00> : vector<256x2048xf32>
    %dot_general3A_10 = tpu.matmul %get3A_8, %get3A_1, %dot_general3A_9 {dimension_numbers = #tpu.dot_dimension_numbers<[1], [1], [0], [0], [0, 0, 1, 0], [], []>, transpose_lhs_hint = false} : vector<256x128xf32>, vector<2048x128xf32>, vector<256x2048xf32> -> vector<256x2048xf32>
    %swap3A = arith.constant 0 : index
    %swap3A_11 = arith.constant 0 : index
    %swap3A_12 = vector.load %arg6[%swap3A, %swap3A_11] : memref<256x2048xf32, #tpu.memory_space<vmem>>, vector<256x2048xf32>
    tpu.vector_store %arg6[%swap3A, %swap3A_11], %dot_general3A_10 {strides = array<i32>} : memref<256x2048xf32, #tpu.memory_space<vmem>>, vector<256x2048xf32>,
    %mul3A = arith.mulf %get3A_1, %get3A_1 : vector<2048x128xf32>
    %reduce_sum3A = arith.constant dense<0.000000e+00> : vector<2048xf32>
    %reduce_sum3A_13 = vector.multi_reduction <add>, %mul3A, %reduce_sum3A [1] : vector<2048x128xf32> to vector<2048xf32>
    %sqrt3A = math.sqrt %reduce_sum3A_13 : vector<2048xf32>
    %add3A = arith.constant 9.99999996E-13 : f32
    %add3A_14 = vector.broadcast %add3A : f32 to vector<2048xf32>
    %add3A_15 = arith.addf %sqrt3A, %add3A_14 : vector<2048xf32>
    %div3A = arith.constant 1.000000e+00 : f32
    %div3A_16 = vector.broadcast %div3A : f32 to vector<2048xf32>
    %div3A_17 = arith.divf %div3A_16, %add3A_15 : vector<2048xf32>
    %mul3A_18 = arith.constant 2048 : i32
    %mul3A_19 = arith.muli %arg1, %mul3A_18 : i32
    %iota3A = tpu.iota {dimensions = array<i32: 1>} : vector<1x2048xi32>
    %add3A_20 = vector.broadcast %mul3A_19 : i32 to vector<1x2048xi32>
    %add3A_21 = arith.addi %add3A_20, %iota3A : vector<1x2048xi32>
    %jit3A = arith.constant 3 : i32
    %eq3A = arith.constant 0 : i32
    %eq3A_22 = arith.cmpi eq, %jit3A, %eq3A : i32
    %jit3A_23 = arith.constant 1 : i32
    %select_n3A = arith.select %eq3A_22, %jit3A_23, %jit3A : i32
    %rem3A = vector.broadcast %select_n3A : i32 to vector<1x2048xi32>
    %rem3A_24 = arith.remsi %add3A_21, %rem3A : vector<1x2048xi32>
    %ne3A = arith.constant 0 : i32
    %ne3A_25 = vector.broadcast %ne3A : i32 to vector<1x2048xi32>
    %ne3A_26 = arith.cmpi ne, %rem3A_24, %ne3A_25 : vector<1x2048xi32>
    %lt3A = arith.constant 0 : i32
    %lt3A_27 = vector.broadcast %lt3A : i32 to vector<1x2048xi32>
    %lt3A_28 = arith.cmpi slt, %rem3A_24, %lt3A_27 : vector<1x2048xi32>
    %lt3A_29 = arith.constant 0 : i32
    %lt3A_30 = arith.cmpi slt, %select_n3A, %lt3A_29 : i32
    %ne3A_31 = vector.broadcast %lt3A_30 : i1 to vector<1x2048xi1>
    %ne3A_32 = vector.broadcast %ne3A_31 : vector<1x2048xi1> to vector<1x2048xi1>
    %ne3A_33 = arith.xori %lt3A_28, %ne3A_32 : vector<1x2048xi1>
    %and3A = arith.andi %ne3A_33, %ne3A_26 : vector<1x2048xi1>
    %add3A_34 = vector.broadcast %select_n3A : i32 to vector<1x2048xi32>
    %add3A_35 = arith.addi %rem3A_24, %add3A_34 : vector<1x2048xi32>
    %select_n3A_36 = arith.select %and3A, %add3A_35, %rem3A_24 : vector<1x2048xi1>, vector<1x2048xi32>
    %get3A_37 = arith.constant 0 : index
    %get3A_38 = arith.constant 0 : index
    %get3A_39 = vector.load %arg4[%get3A_37, %get3A_38] : memref<256x1xi32, #tpu.memory_space<vmem>>, vector<256x1xi32>
    %eq3A_40 = vector.broadcast %select_n3A_36 : vector<1x2048xi32> to vector<256x2048xi32>
    %eq3A_41 = vector.broadcast %get3A_39 : vector<256x1xi32> to vector<256x2048xi32>
    %eq3A_42 = arith.cmpi eq, %eq3A_40, %eq3A_41 : vector<256x2048xi32>
    %lt3A_43 = arith.constant 100000 : i32
    %lt3A_44 = vector.broadcast %lt3A_43 : i32 to vector<1x2048xi32>
    %lt3A_45 = arith.cmpi slt, %add3A_21, %lt3A_44 : vector<1x2048xi32>
    %jit3A_46 = arith.constant 0.000000e+00 : f32
    %jit3A_47 = arith.constant -1.000000e+30 : f32
    %broadcast_in_dim3A = vector.broadcast %jit3A_46 : f32 to vector<1x2048xf32>
    %broadcast_in_dim3A_48 = vector.broadcast %jit3A_47 : f32 to vector<1x2048xf32>
    %select_n3A_49 = arith.select %lt3A_45, %broadcast_in_dim3A, %broadcast_in_dim3A_48 : vector<1x2048xi1>, vector<1x2048xf32>
    %broadcast_in_dim3A_50 = vector.shape_cast %div3A_17 : vector<2048xf32> to vector<1x2048xf32>
    %mul3A_51 = vector.broadcast %broadcast_in_dim3A_50 : vector<1x2048xf32> to vector<256x2048xf32>
    %mul3A_52 = arith.mulf %dot_general3A_5, %mul3A_51 : vector<256x2048xf32>
    %broadcast_in_dim3A_53 = vector.shape_cast %select_n3A_49 : vector<1x2048xf32> to vector<1x2048xf32>
    %broadcast_in_dim3A_54 = vector.broadcast %broadcast_in_dim3A_53 : vector<1x2048xf32> to vector<256x2048xf32>
    %select_n3A_55 = arith.select %eq3A_42, %mul3A_52, %broadcast_in_dim3A_54 : vector<256x2048xi1>, vector<256x2048xf32>
    %mul3A_56 = arith.constant 2048 : i32
    %mul3A_57 = arith.muli %arg1, %mul3A_56 : i32
    %iota3A_58 = tpu.iota {dimensions = array<i32: 1>} : vector<256x128xi32>
    %add3A_59 = vector.broadcast %mul3A_57 : i32 to vector<256x128xi32>
    %add3A_60 = arith.addi %add3A_59, %iota3A_58 : vector<256x128xi32>
    %slice3A = vector.extract_strided_slice %select_n3A_55 {offsets = [0, 0], sizes = [256, 128], strides = [1, 1]} : vector<256x2048xf32> to vector<256x128xf32>
    %slice3A_61 = vector.extract_strided_slice %select_n3A_55 {offsets = [0, 128], sizes = [256, 128], strides = [1, 1]} : vector<256x2048xf32> to vector<256x128xf32>
    %gt3A = arith.cmpf ogt, %slice3A_61, %slice3A : vector<256x128xf32>
    %select_n3A_62 = arith.select %gt3A, %slice3A_61, %slice3A : vector<256x128xi1>, vector<256x128xf32>
    %add3A_63 = arith.constant 128 : i32
    %add3A_64 = vector.broadcast %add3A_63 : i32 to vector<256x128xi32>
    %add3A_65 = arith.addi %add3A_60, %add3A_64 : vector<256x128xi32>
    %select_n3A_66 = arith.select %gt3A, %add3A_65, %add3A_60 : vector<256x128xi1>, vector<256x128xi32>
    %slice3A_67 = vector.extract_strided_slice %select_n3A_55 {offsets = [0, 256], sizes = [256, 128], strides = [1, 1]} : vector<256x2048xf32> to vector<256x128xf32>
    %gt3A_68 = arith.cmpf ogt, %slice3A_67, %select_n3A_62 : vector<256x128xf32>
    %select_n3A_69 = arith.select %gt3A_68, %slice3A_67, %select_n3A_62 : vector<256x128xi1>, vector<256x128xf32>
    %add3A_70 = arith.constant 256 : i32
    %add3A_71 = vector.broadcast %add3A_70 : i32 to vector<256x128xi32>
    %add3A_72 = arith.addi %add3A_60, %add3A_71 : vector<256x128xi32>
    %select_n3A_73 = arith.select %gt3A_68, %add3A_72, %select_n3A_66 : vector<256x128xi1>, vector<256x128xi32>
    %slice3A_74 = vector.extract_strided_slice %select_n3A_55 {offsets = [0, 384], sizes = [256, 128], strides = [1, 1]} : vector<256x2048xf32> to vector<256x128xf32>
    %gt3A_75 = arith.cmpf ogt, %slice3A_74, %select_n3A_69 : vector<256x128xf32>
    %select_n3A_76 = arith.select %gt3A_75, %slice3A_74, %select_n3A_69 : vector<256x128xi1>, vector<256x128xf32>
    %add3A_77 = arith.constant 384 : i32
    %add3A_78 = vector.broadcast %add3A_77 : i32 to vector<256x128xi32>
    %add3A_79 = arith.addi %add3A_60, %add3A_78 : vector<256x128xi32>
    %select_n3A_80 = arith.select %gt3A_75, %add3A_79, %select_n3A_73 : vector<256x128xi1>, vector<256x128xi32>
    %slice3A_81 = vector.extract_strided_slice %select_n3A_55 {offsets = [0, 512], sizes = [256, 128], strides = [1, 1]} : vector<256x2048xf32> to vector<256x128xf32>
    %gt3A_82 = arith.cmpf ogt, %slice3A_81, %select_n3A_76 : vector<256x128xf32>
    %select_n3A_83 = arith.select %gt3A_82, %slice3A_81, %select_n3A_76 : vector<256x128xi1>, vector<256x128xf32>
    %add3A_84 = arith.constant 512 : i32
    %add3A_85 = vector.broadcast %add3A_84 : i32 to vector<256x128xi32>
    %add3A_86 = arith.addi %add3A_60, %add3A_85 : vector<256x128xi32>
    %select_n3A_87 = arith.select %gt3A_82, %add3A_86, %select_n3A_80 : vector<256x128xi1>, vector<256x128xi32>
    %slice3A_88 = vector.extract_strided_slice %select_n3A_55 {offsets = [0, 640], sizes = [256, 128], strides = [1, 1]} : vector<256x2048xf32> to vector<256x128xf32>
    %gt3A_89 = arith.cmpf ogt, %slice3A_88, %select_n3A_83 : vector<256x128xf32>
    %select_n3A_90 = arith.select %gt3A_89, %slice3A_88, %select_n3A_83 : vector<256x128xi1>, vector<256x128xf32>
    %add3A_91 = arith.constant 640 : i32
    %add3A_92 = vector.broadcast %add3A_91 : i32 to vector<256x128xi32>
    %add3A_93 = arith.addi %add3A_60, %add3A_92 : vector<256x128xi32>
    %select_n3A_94 = arith.select %gt3A_89, %add3A_93, %select_n3A_87 : vector<256x128xi1>, vector<256x128xi32>
    %slice3A_95 = vector.extract_strided_slice %select_n3A_55 {offsets = [0, 768], sizes = [256, 128], strides = [1, 1]} : vector<256x2048xf32> to vector<256x128xf32>
    %gt3A_96 = arith.cmpf ogt, %slice3A_95, %select_n3A_90 : vector<256x128xf32>
    %select_n3A_97 = arith.select %gt3A_96, %slice3A_95, %select_n3A_90 : vector<256x128xi1>, vector<256x128xf32>
    %add3A_98 = arith.constant 768 : i32
    %add3A_99 = vector.broadcast %add3A_98 : i32 to vector<256x128xi32>
    %add3A_100 = arith.addi %add3A_60, %add3A_99 : vector<256x128xi32>
    %select_n3A_101 = arith.select %gt3A_96, %add3A_100, %select_n3A_94 : vector<256x128xi1>, vector<256x128xi32>
    %slice3A_102 = vector.extract_strided_slice %select_n3A_55 {offsets = [0, 896], sizes = [256, 128], strides = [1, 1]} : vector<256x2048xf32> to vector<256x128xf32>
    %gt3A_103 = arith.cmpf ogt, %slice3A_102, %select_n3A_97 : vector<256x128xf32>
    %select_n3A_104 = arith.select %gt3A_103, %slice3A_102, %select_n3A_97 : vector<256x128xi1>, vector<256x128xf32>
    %add3A_105 = arith.constant 896 : i32
    %add3A_106 = vector.broadcast %add3A_105 : i32 to vector<256x128xi32>
    %add3A_107 = arith.addi %add3A_60, %add3A_106 : vector<256x128xi32>
    %select_n3A_108 = arith.select %gt3A_103, %add3A_107, %select_n3A_101 : vector<256x128xi1>, vector<256x128xi32>
    %slice3A_109 = vector.extract_strided_slice %select_n3A_55 {offsets = [0, 1024], sizes = [256, 128], strides = [1, 1]} : vector<256x2048xf32> to vector<256x128xf32>
    %gt3A_110 = arith.cmpf ogt, %slice3A_109, %select_n3A_104 : vector<256x128xf32>
    %select_n3A_111 = arith.select %gt3A_110, %slice3A_109, %select_n3A_104 : vector<256x128xi1>, vector<256x128xf32>
    %add3A_112 = arith.constant 1024 : i32
    %add3A_113 = vector.broadcast %add3A_112 : i32 to vector<256x128xi32>
    %add3A_114 = arith.addi %add3A_60, %add3A_113 : vector<256x128xi32>
    %select_n3A_115 = arith.select %gt3A_110, %add3A_114, %select_n3A_108 : vector<256x128xi1>, vector<256x128xi32>
    %slice3A_116 = vector.extract_strided_slice %select_n3A_55 {offsets = [0, 1152], sizes = [256, 128], strides = [1, 1]} : vector<256x2048xf32> to vector<256x128xf32>
    %gt3A_117 = arith.cmpf ogt, %slice3A_116, %select_n3A_111 : vector<256x128xf32>
    %select_n3A_118 = arith.select %gt3A_117, %slice3A_116, %select_n3A_111 : vector<256x128xi1>, vector<256x128xf32>
    %add3A_119 = arith.constant 1152 : i32
    %add3A_120 = vector.broadcast %add3A_119 : i32 to vector<256x128xi32>
    %add3A_121 = arith.addi %add3A_60, %add3A_120 : vector<256x128xi32>
    %select_n3A_122 = arith.select %gt3A_117, %add3A_121, %select_n3A_115 : vector<256x128xi1>, vector<256x128xi32>
    %slice3A_123 = vector.extract_strided_slice %select_n3A_55 {offsets = [0, 1280], sizes = [256, 128], strides = [1, 1]} : vector<256x2048xf32> to vector<256x128xf32>
    %gt3A_124 = arith.cmpf ogt, %slice3A_123, %select_n3A_118 : vector<256x128xf32>
    %select_n3A_125 = arith.select %gt3A_124, %slice3A_123, %select_n3A_118 : vector<256x128xi1>, vector<256x128xf32>
    %add3A_126 = arith.constant 1280 : i32
    %add3A_127 = vector.broadcast %add3A_126 : i32 to vector<256x128xi32>
    %add3A_128 = arith.addi %add3A_60, %add3A_127 : vector<256x128xi32>
    %select_n3A_129 = arith.select %gt3A_124, %add3A_128, %select_n3A_122 : vector<256x128xi1>, vector<256x128xi32>
    %slice3A_130 = vector.extract_strided_slice %select_n3A_55 {offsets = [0, 1408], sizes = [256, 128], strides = [1, 1]} : vector<256x2048xf32> to vector<256x128xf32>
    %gt3A_131 = arith.cmpf ogt, %slice3A_130, %select_n3A_125 : vector<256x128xf32>
    %select_n3A_132 = arith.select %gt3A_131, %slice3A_130, %select_n3A_125 : vector<256x128xi1>, vector<256x128xf32>
    %add3A_133 = arith.constant 1408 : i32
    %add3A_134 = vector.broadcast %add3A_133 : i32 to vector<256x128xi32>
    %add3A_135 = arith.addi %add3A_60, %add3A_134 : vector<256x128xi32>
    %select_n3A_136 = arith.select %gt3A_131, %add3A_135, %select_n3A_129 : vector<256x128xi1>, vector<256x128xi32>
    %slice3A_137 = vector.extract_strided_slice %select_n3A_55 {offsets = [0, 1536], sizes = [256, 128], strides = [1, 1]} : vector<256x2048xf32> to vector<256x128xf32>
    %gt3A_138 = arith.cmpf ogt, %slice3A_137, %select_n3A_132 : vector<256x128xf32>
    %select_n3A_139 = arith.select %gt3A_138, %slice3A_137, %select_n3A_132 : vector<256x128xi1>, vector<256x128xf32>
    %add3A_140 = arith.constant 1536 : i32
    %add3A_141 = vector.broadcast %add3A_140 : i32 to vector<256x128xi32>
    %add3A_142 = arith.addi %add3A_60, %add3A_141 : vector<256x128xi32>
    %select_n3A_143 = arith.select %gt3A_138, %add3A_142, %select_n3A_136 : vector<256x128xi1>, vector<256x128xi32>
    %slice3A_144 = vector.extract_strided_slice %select_n3A_55 {offsets = [0, 1664], sizes = [256, 128], strides = [1, 1]} : vector<256x2048xf32> to vector<256x128xf32>
    %gt3A_145 = arith.cmpf ogt, %slice3A_144, %select_n3A_139 : vector<256x128xf32>
    %select_n3A_146 = arith.select %gt3A_145, %slice3A_144, %select_n3A_139 : vector<256x128xi1>, vector<256x128xf32>
    %add3A_147 = arith.constant 1664 : i32
    %add3A_148 = vector.broadcast %add3A_147 : i32 to vector<256x128xi32>
    %add3A_149 = arith.addi %add3A_60, %add3A_148 : vector<256x128xi32>
    %select_n3A_150 = arith.select %gt3A_145, %add3A_149, %select_n3A_143 : vector<256x128xi1>, vector<256x128xi32>
    %slice3A_151 = vector.extract_strided_slice %select_n3A_55 {offsets = [0, 1792], sizes = [256, 128], strides = [1, 1]} : vector<256x2048xf32> to vector<256x128xf32>
    %gt3A_152 = arith.cmpf ogt, %slice3A_151, %select_n3A_146 : vector<256x128xf32>
    %select_n3A_153 = arith.select %gt3A_152, %slice3A_151, %select_n3A_146 : vector<256x128xi1>, vector<256x128xf32>
    %add3A_154 = arith.constant 1792 : i32
    %add3A_155 = vector.broadcast %add3A_154 : i32 to vector<256x128xi32>
    %add3A_156 = arith.addi %add3A_60, %add3A_155 : vector<256x128xi32>
    %select_n3A_157 = arith.select %gt3A_152, %add3A_156, %select_n3A_150 : vector<256x128xi1>, vector<256x128xi32>
    %slice3A_158 = vector.extract_strided_slice %select_n3A_55 {offsets = [0, 1920], sizes = [256, 128], strides = [1, 1]} : vector<256x2048xf32> to vector<256x128xf32>
    %gt3A_159 = arith.cmpf ogt, %slice3A_158, %select_n3A_153 : vector<256x128xf32>
    %select_n3A_160 = arith.select %gt3A_159, %slice3A_158, %select_n3A_153 : vector<256x128xi1>, vector<256x128xf32>
    %add3A_161 = arith.constant 1920 : i32
    %add3A_162 = vector.broadcast %add3A_161 : i32 to vector<256x128xi32>
    %add3A_163 = arith.addi %add3A_60, %add3A_162 : vector<256x128xi32>
    %select_n3A_164 = arith.select %gt3A_159, %add3A_163, %select_n3A_157 : vector<256x128xi1>, vector<256x128xi32>
    %eq3A_165 = arith.constant 0 : i32
    %eq3A_166 = arith.cmpi eq, %arg1, %eq3A_165 : i32
    %convert_element_type3A = arith.extui %eq3A_166 : i1 to i32
    %cond3A = arith.constant 0 : i32
    %cond3A_167 = arith.cmpi ne, %convert_element_type3A, %cond3A : i32
    scf.if %cond3A_167 {
      %broadcast_in_dim3A_273 = arith.constant -3.000000e+30 : f32
      %broadcast_in_dim3A_274 = vector.broadcast %broadcast_in_dim3A_273 : f32 to vector<256x128xf32>
      %swap3A_275 = arith.constant 0 : index
      %swap3A_276 = arith.constant 0 : index
      %swap3A_277 = vector.load %arg9[%swap3A_275, %swap3A_276] : memref<256x128xf32, #tpu.memory_space<vmem>>, vector<256x128xf32>
      tpu.vector_store %arg9[%swap3A_275, %swap3A_276], %broadcast_in_dim3A_274 {strides = array<i32>} : memref<256x128xf32, #tpu.memory_space<vmem>>, vector<256x128xf32>,
      %iota3A_278 = tpu.iota {dimensions = array<i32: 1>} : vector<256x128xi32>
      %add3A_279 = arith.constant 1073741824 : i32
      %add3A_280 = vector.broadcast %add3A_279 : i32 to vector<256x128xi32>
      %add3A_281 = arith.addi %add3A_280, %iota3A_278 : vector<256x128xi32>
      %swap3A_282 = arith.constant 0 : index
      %swap3A_283 = arith.constant 0 : index
      %swap3A_284 = vector.load %arg10[%swap3A_282, %swap3A_283] : memref<256x128xi32, #tpu.memory_space<vmem>>, vector<256x128xi32>
      tpu.vector_store %arg10[%swap3A_282, %swap3A_283], %add3A_281 {strides = array<i32>} : memref<256x128xi32, #tpu.memory_space<vmem>>, vector<256x128xi32>,
    } else {
    }
    %get3A_168 = arith.constant 0 : index
    %get3A_169 = arith.constant 0 : index
    %get3A_170 = vector.load %arg9[%get3A_168, %get3A_169] : memref<256x128xf32, #tpu.memory_space<vmem>>, vector<256x128xf32>
    %concatenate3A = tpu.concatenate %get3A_170, %select_n3A_160 in 1 : vector<256x128xf32>, vector<256x128xf32> -> vector<256x256xf32>
    %get3A_171 = arith.constant 0 : index
    %get3A_172 = arith.constant 0 : index
    %get3A_173 = vector.load %arg10[%get3A_171, %get3A_172] : memref<256x128xi32, #tpu.memory_space<vmem>>, vector<256x128xi32>
    %concatenate3A_174 = tpu.concatenate %get3A_173, %select_n3A_164 in 1 : vector<256x128xi32>, vector<256x128xi32> -> vector<256x256xi32>
    %reduce_max3A = arith.constant dense<0xFF800000> : vector<256xf32>
    %reduce_max3A_175 = vector.multi_reduction <maximumf>, %concatenate3A, %reduce_max3A [1] : vector<256x256xf32> to vector<256xf32>
    %broadcast_in_dim3A_176 = vector.shape_cast %reduce_max3A_175 : vector<256xf32> to vector<256x1xf32>
    %eq3A_177 = vector.broadcast %broadcast_in_dim3A_176 : vector<256x1xf32> to vector<256x256xf32>
    %eq3A_178 = arith.cmpf oeq, %concatenate3A, %eq3A_177 : vector<256x256xf32>
    %jit3A_179 = arith.constant 2147483647 : i32
    %broadcast_in_dim3A_180 = vector.broadcast %jit3A_179 : i32 to vector<256x256xi32>
    %select_n3A_181 = arith.select %eq3A_178, %concatenate3A_174, %broadcast_in_dim3A_180 : vector<256x256xi1>, vector<256x256xi32>
    %reduce_min3A = arith.constant dense<2147483647> : vector<256xi32>
    %reduce_min3A_182 = vector.multi_reduction <minsi>, %select_n3A_181, %reduce_min3A [1] : vector<256x256xi32> to vector<256xi32>
    %broadcast_in_dim3A_183 = vector.shape_cast %reduce_min3A_182 : vector<256xi32> to vector<256x1xi32>
    %eq3A_184 = vector.broadcast %broadcast_in_dim3A_183 : vector<256x1xi32> to vector<256x256xi32>
    %eq3A_185 = arith.cmpi eq, %concatenate3A_174, %eq3A_184 : vector<256x256xi32>
    %jit3A_186 = arith.constant -3.000000e+30 : f32
    %broadcast_in_dim3A_187 = vector.broadcast %jit3A_186 : f32 to vector<256x256xf32>
    %select_n3A_188 = arith.select %eq3A_185, %broadcast_in_dim3A_187, %concatenate3A : vector<256x256xi1>, vector<256x256xf32>
    %reduce_max3A_189 = arith.constant dense<0xFF800000> : vector<256xf32>
    %reduce_max3A_190 = vector.multi_reduction <maximumf>, %select_n3A_188, %reduce_max3A_189 [1] : vector<256x256xf32> to vector<256xf32>
    %broadcast_in_dim3A_191 = vector.shape_cast %reduce_max3A_190 : vector<256xf32> to vector<256x1xf32>
    %eq3A_192 = vector.broadcast %broadcast_in_dim3A_191 : vector<256x1xf32> to vector<256x256xf32>
    %eq3A_193 = arith.cmpf oeq, %select_n3A_188, %eq3A_192 : vector<256x256xf32>
    %jit3A_194 = arith.constant 2147483647 : i32
    %broadcast_in_dim3A_195 = vector.broadcast %jit3A_194 : i32 to vector<256x256xi32>
    %select_n3A_196 = arith.select %eq3A_193, %concatenate3A_174, %broadcast_in_dim3A_195 : vector<256x256xi1>, vector<256x256xi32>
    %reduce_min3A_197 = arith.constant dense<2147483647> : vector<256xi32>
    %reduce_min3A_198 = vector.multi_reduction <minsi>, %select_n3A_196, %reduce_min3A_197 [1] : vector<256x256xi32> to vector<256xi32>
    %broadcast_in_dim3A_199 = vector.shape_cast %reduce_min3A_198 : vector<256xi32> to vector<256x1xi32>
    %eq3A_200 = vector.broadcast %broadcast_in_dim3A_199 : vector<256x1xi32> to vector<256x256xi32>
    %eq3A_201 = arith.cmpi eq, %concatenate3A_174, %eq3A_200 : vector<256x256xi32>
    %jit3A_202 = arith.constant -3.000000e+30 : f32
    %broadcast_in_dim3A_203 = vector.broadcast %jit3A_202 : f32 to vector<256x256xf32>
    %select_n3A_204 = arith.select %eq3A_201, %broadcast_in_dim3A_203, %select_n3A_188 : vector<256x256xi1>, vector<256x256xf32>
    %reduce_max3A_205 = arith.constant dense<0xFF800000> : vector<256xf32>
    %reduce_max3A_206 = vector.multi_reduction <maximumf>, %select_n3A_204, %reduce_max3A_205 [1] : vector<256x256xf32> to vector<256xf32>
    %broadcast_in_dim3A_207 = vector.shape_cast %reduce_max3A_206 : vector<256xf32> to vector<256x1xf32>
    %eq3A_208 = vector.broadcast %broadcast_in_dim3A_207 : vector<256x1xf32> to vector<256x256xf32>
    %eq3A_209 = arith.cmpf oeq, %select_n3A_204, %eq3A_208 : vector<256x256xf32>
    %jit3A_210 = arith.constant 2147483647 : i32
    %broadcast_in_dim3A_211 = vector.broadcast %jit3A_210 : i32 to vector<256x256xi32>
    %select_n3A_212 = arith.select %eq3A_209, %concatenate3A_174, %broadcast_in_dim3A_211 : vector<256x256xi1>, vector<256x256xi32>
    %reduce_min3A_213 = arith.constant dense<2147483647> : vector<256xi32>
    %reduce_min3A_214 = vector.multi_reduction <minsi>, %select_n3A_212, %reduce_min3A_213 [1] : vector<256x256xi32> to vector<256xi32>
    %broadcast_in_dim3A_215 = vector.shape_cast %reduce_min3A_214 : vector<256xi32> to vector<256x1xi32>
    %eq3A_216 = vector.broadcast %broadcast_in_dim3A_215 : vector<256x1xi32> to vector<256x256xi32>
    %eq3A_217 = arith.cmpi eq, %concatenate3A_174, %eq3A_216 : vector<256x256xi32>
    %jit3A_218 = arith.constant -3.000000e+30 : f32
    %broadcast_in_dim3A_219 = vector.broadcast %jit3A_218 : f32 to vector<256x256xf32>
    %select_n3A_220 = arith.select %eq3A_217, %broadcast_in_dim3A_219, %select_n3A_204 : vector<256x256xi1>, vector<256x256xf32>
    %reduce_max3A_221 = arith.constant dense<0xFF800000> : vector<256xf32>
    %reduce_max3A_222 = vector.multi_reduction <maximumf>, %select_n3A_220, %reduce_max3A_221 [1] : vector<256x256xf32> to vector<256xf32>
    %broadcast_in_dim3A_223 = vector.shape_cast %reduce_max3A_222 : vector<256xf32> to vector<256x1xf32>
    %eq3A_224 = vector.broadcast %broadcast_in_dim3A_223 : vector<256x1xf32> to vector<256x256xf32>
    %eq3A_225 = arith.cmpf oeq, %select_n3A_220, %eq3A_224 : vector<256x256xf32>
    %jit3A_226 = arith.constant 2147483647 : i32
    %broadcast_in_dim3A_227 = vector.broadcast %jit3A_226 : i32 to vector<256x256xi32>
    %select_n3A_228 = arith.select %eq3A_225, %concatenate3A_174, %broadcast_in_dim3A_227 : vector<256x256xi1>, vector<256x256xi32>
    %reduce_min3A_229 = arith.constant dense<2147483647> : vector<256xi32>
    %reduce_min3A_230 = vector.multi_reduction <minsi>, %select_n3A_228, %reduce_min3A_229 [1] : vector<256x256xi32> to vector<256xi32>
    %broadcast_in_dim3A_231 = vector.shape_cast %reduce_min3A_230 : vector<256xi32> to vector<256x1xi32>
    %eq3A_232 = vector.broadcast %broadcast_in_dim3A_231 : vector<256x1xi32> to vector<256x256xi32>
    %eq3A_233 = arith.cmpi eq, %concatenate3A_174, %eq3A_232 : vector<256x256xi32>
    %jit3A_234 = arith.constant -3.000000e+30 : f32
    %broadcast_in_dim3A_235 = vector.broadcast %jit3A_234 : f32 to vector<256x256xf32>
    %select_n3A_236 = arith.select %eq3A_233, %broadcast_in_dim3A_235, %select_n3A_220 : vector<256x256xi1>, vector<256x256xf32>
    %reduce_max3A_237 = arith.constant dense<0xFF800000> : vector<256xf32>
    %reduce_max3A_238 = vector.multi_reduction <maximumf>, %select_n3A_236, %reduce_max3A_237 [1] : vector<256x256xf32> to vector<256xf32>
    %broadcast_in_dim3A_239 = vector.shape_cast %reduce_max3A_238 : vector<256xf32> to vector<256x1xf32>
    %eq3A_240 = vector.broadcast %broadcast_in_dim3A_239 : vector<256x1xf32> to vector<256x256xf32>
    %eq3A_241 = arith.cmpf oeq, %select_n3A_236, %eq3A_240 : vector<256x256xf32>
    %jit3A_242 = arith.constant 2147483647 : i32
    %broadcast_in_dim3A_243 = vector.broadcast %jit3A_242 : i32 to vector<256x256xi32>
    %select_n3A_244 = arith.select %eq3A_241, %concatenate3A_174, %broadcast_in_dim3A_243 : vector<256x256xi1>, vector<256x256xi32>
    %reduce_min3A_245 = arith.constant dense<2147483647> : vector<256xi32>
    %reduce_min3A_246 = vector.multi_reduction <minsi>, %select_n3A_244, %reduce_min3A_245 [1] : vector<256x256xi32> to vector<256xi32>
    %broadcast_in_dim3A_247 = vector.shape_cast %reduce_min3A_246 : vector<256xi32> to vector<256x1xi32>
    %concatenate3A_248 = tpu.concatenate %broadcast_in_dim3A_176, %broadcast_in_dim3A_191, %broadcast_in_dim3A_207, %broadcast_in_dim3A_223, %broadcast_in_dim3A_239 in 1 : vector<256x1xf32>, vector<256x1xf32>, vector<256x1xf32>, vector<256x1xf32>, vector<256x1xf32> -> vector<256x5xf32>
    %concatenate3A_249 = tpu.concatenate %broadcast_in_dim3A_183, %broadcast_in_dim3A_199, %broadcast_in_dim3A_215, %broadcast_in_dim3A_231, %broadcast_in_dim3A_247 in 1 : vector<256x1xi32>, vector<256x1xi32>, vector<256x1xi32>, vector<256x1xi32>, vector<256x1xi32> -> vector<256x5xi32>
    %broadcast_in_dim3A_250 = arith.constant -3.000000e+30 : f32
    %broadcast_in_dim3A_251 = vector.broadcast %broadcast_in_dim3A_250 : f32 to vector<256x128xf32>
    %swap3A_252 = arith.constant 0 : index
    %swap3A_253 = arith.constant 0 : index
    %swap3A_254 = vector.load %arg9[%swap3A_252, %swap3A_253] : memref<256x128xf32, #tpu.memory_space<vmem>>, vector<256x128xf32>
    tpu.vector_store %arg9[%swap3A_252, %swap3A_253], %broadcast_in_dim3A_251 {strides = array<i32>} : memref<256x128xf32, #tpu.memory_space<vmem>>, vector<256x128xf32>,
    %iota3A_255 = tpu.iota {dimensions = array<i32: 1>} : vector<256x128xi32>
    %add3A_256 = arith.constant 1073741824 : i32
    %add3A_257 = vector.broadcast %add3A_256 : i32 to vector<256x128xi32>
    %add3A_258 = arith.addi %add3A_257, %iota3A_255 : vector<256x128xi32>
    %swap3A_259 = arith.constant 0 : index
    %swap3A_260 = arith.constant 0 : index
    %swap3A_261 = vector.load %arg10[%swap3A_259, %swap3A_260] : memref<256x128xi32, #tpu.memory_space<vmem>>, vector<256x128xi32>
    tpu.vector_store %arg10[%swap3A_259, %swap3A_260], %add3A_258 {strides = array<i32>} : memref<256x128xi32, #tpu.memory_space<vmem>>, vector<256x128xi32>,
    %swap3A_262 = arith.constant 0 : index
    %swap3A_263 = arith.constant 0 : index
    %swap3A_264 = vector.load %arg9[%swap3A_262, %swap3A_263] : memref<256x128xf32, #tpu.memory_space<vmem>>, vector<256x5xf32>
    tpu.vector_store %arg9[%swap3A_262, %swap3A_263], %concatenate3A_248 {strides = array<i32>} : memref<256x128xf32, #tpu.memory_space<vmem>>, vector<256x5xf32>,
    %swap3A_265 = arith.constant 0 : index
    %swap3A_266 = arith.constant 0 : index
    %swap3A_267 = vector.load %arg10[%swap3A_265, %swap3A_266] : memref<256x128xi32, #tpu.memory_space<vmem>>, vector<256x5xi32>
    tpu.vector_store %arg10[%swap3A_265, %swap3A_266], %concatenate3A_249 {strides = array<i32>} : memref<256x128xi32, #tpu.memory_space<vmem>>, vector<256x5xi32>,
    %eq3A_268 = arith.constant 48 : i32
    %eq3A_269 = arith.cmpi eq, %arg1, %eq3A_268 : i32
    %convert_element_type3A_270 = arith.extui %eq3A_269 : i1 to i32
    %cond3A_271 = arith.constant 0 : i32
    %cond3A_272 = arith.cmpi ne, %convert_element_type3A_270, %cond3A_271 : i32
    scf.if %cond3A_272 {
      %broadcast_in_dim3A_273 = arith.constant 0.000000e+00 : f32
      %broadcast_in_dim3A_274 = vector.broadcast %broadcast_in_dim3A_273 : f32 to vector<256x3xf32>
      %concatenate3A_275 = tpu.concatenate %concatenate3A_248, %broadcast_in_dim3A_274 in 1 : vector<256x5xf32>, vector<256x3xf32> -> vector<256x8xf32>
      %swap3A_276 = arith.constant 0 : index
      %swap3A_277 = arith.constant 0 : index
      %swap3A_278 = vector.load %arg7[%swap3A_276, %swap3A_277] : memref<256x8xf32, #tpu.memory_space<vmem>>, vector<256x8xf32>
      tpu.vector_store %arg7[%swap3A_276, %swap3A_277], %concatenate3A_275 {strides = array<i32>} : memref<256x8xf32, #tpu.memory_space<vmem>>, vector<256x8xf32>,
      %broadcast_in_dim3A_279 = arith.constant 0 : i32
      %broadcast_in_dim3A_280 = vector.broadcast %broadcast_in_dim3A_279 : i32 to vector<256x3xi32>
      %concatenate3A_281 = tpu.concatenate %concatenate3A_249, %broadcast_in_dim3A_280 in 1 : vector<256x5xi32>, vector<256x3xi32> -> vector<256x8xi32>
      %swap3A_282 = arith.constant 0 : index
      %swap3A_283 = arith.constant 0 : index
      %swap3A_284 = vector.load %arg8[%swap3A_282, %swap3A_283] : memref<256x8xi32, #tpu.memory_space<vmem>>, vector<256x8xi32>
      tpu.vector_store %arg8[%swap3A_282, %swap3A_283], %concatenate3A_281 {strides = array<i32>} : memref<256x8xi32, #tpu.memory_space<vmem>>, vector<256x8xi32>,
    } else {
    }
    return
  }
  func.func @transform_0(%arg0: i32, %arg1: i32) -> (i32, i32) {
    %c0_i32 = arith.constant 0 : i32
    %c0_i32_0 = arith.constant 0 : i32
    return %arg0, %c0_i32 : i32, i32
  }
  func.func @transform_1(%arg0: i32, %arg1: i32) -> (i32, i32) {
    %c0_i32 = arith.constant 0 : i32
    %c0_i32_0 = arith.constant 0 : i32
    return %arg0, %c0_i32 : i32, i32
  }
  func.func @transform_2(%arg0: i32, %arg1: i32) -> (i32, i32) {
    %c0_i32 = arith.constant 0 : i32
    %c0_i32_0 = arith.constant 0 : i32
    return %arg0, %c0_i32 : i32, i32
  }
  func.func @transform_3(%arg0: i32, %arg1: i32) -> (i32, i32) {
    %c0_i32 = arith.constant 0 : i32
    %c0_i32_0 = arith.constant 0 : i32
    return %arg1, %c0_i32 : i32, i32
  }
  func.func @transform_4(%arg0: i32, %arg1: i32) -> (i32, i32) {
    %c0_i32 = arith.constant 0 : i32
    return %arg0, %arg1 : i32, i32
  }
  func.func @transform_5(%arg0: i32, %arg1: i32) -> (i32, i32) {
    %c0_i32 = arith.constant 0 : i32
    %c0_i32_0 = arith.constant 0 : i32
    return %arg0, %c0_i32 : i32, i32
  }
  func.func @transform_6(%arg0: i32, %arg1: i32) -> (i32, i32) {
    %c0_i32 = arith.constant 0 : i32
    %c0_i32_0 = arith.constant 0 : i32
    return %arg0, %c0_i32 : i32, i32
  }
}

module attributes {stable_mosaic.version = 14 : i64} {
  func.func @_prep_body(%arg0: i32, %arg1: memref<128x2049xi32, #tpu.memory_space<vmem>>, %arg2: memref<128x8xi32, #tpu.memory_space<vmem>>, %arg3: memref<128x2176xi32, #tpu.memory_space<vmem>>) attributes {dimension_semantics = [#tpu.dimension_semantics<arbitrary>], iteration_bounds = array<i64: 4>, scalar_prefetch = 0 : i64, scratch_operands = 0 : i64, tpu.core_type = #tpu.core_type<tc>, window_params = [{transform_indices = @transform_0, window_bounds = array<i64: 128, 2049>}, {transform_indices = @transform_1, window_bounds = array<i64: 128, 8>}, {transform_indices = @transform_2, window_bounds = array<i64: 128, 2176>}]} {
    %mul3A = arith.constant 128 : i32
    %mul3A_0 = arith.muli %arg0, %mul3A : i32
    %iota3A = tpu.iota {dimensions = array<i32: 0>} : vector<128x1xi32>
    %add3A = vector.broadcast %mul3A_0 : i32 to vector<128x1xi32>
    %add3A_1 = arith.addi %add3A, %iota3A : vector<128x1xi32>
    %mul3A_2 = arith.constant 100352 : i32
    %mul3A_3 = vector.broadcast %mul3A_2 : i32 to vector<128x1xi32>
    %mul3A_4 = arith.muli %add3A_1, %mul3A_3 : vector<128x1xi32>
    %get3A = arith.constant 0 : index
    %get3A_5 = arith.constant 0 : index
    %get3A_6 = vector.load %arg2[%get3A, %get3A_5] : memref<128x8xi32, #tpu.memory_space<vmem>>, vector<128x5xi32>
    %add3A_7 = vector.broadcast %mul3A_4 : vector<128x1xi32> to vector<128x5xi32>
    %add3A_8 = arith.addi %get3A_6, %add3A_7 : vector<128x5xi32>
    %swap3A = arith.constant 0 : index
    %swap3A_9 = arith.constant 0 : index
    %swap3A_10 = vector.load %arg3[%swap3A, %swap3A_9] : memref<128x2176xi32, #tpu.memory_space<vmem>>, vector<128x5xi32>
    tpu.vector_store %arg3[%swap3A, %swap3A_9], %add3A_8 {strides = array<i32>} : memref<128x2176xi32, #tpu.memory_space<vmem>>, vector<128x5xi32>,
    %get3A_11 = arith.constant 0 : index
    %get3A_12 = arith.constant 1 : index
    %get3A_13 = vector.load %arg1[%get3A_11, %get3A_12] : memref<128x2049xi32, #tpu.memory_space<vmem>>, vector<128x2048xi32>
    %add3A_14 = vector.broadcast %mul3A_4 : vector<128x1xi32> to vector<128x2048xi32>
    %add3A_15 = arith.addi %get3A_13, %add3A_14 : vector<128x2048xi32>
    %swap3A_16 = arith.constant 0 : index
    %swap3A_17 = arith.constant 5 : index
    %swap3A_18 = vector.load %arg3[%swap3A_16, %swap3A_17] : memref<128x2176xi32, #tpu.memory_space<vmem>>, vector<128x2048xi32>
    tpu.vector_store %arg3[%swap3A_16, %swap3A_17], %add3A_15 {strides = array<i32>} : memref<128x2176xi32, #tpu.memory_space<vmem>>, vector<128x2048xi32>,
    %broadcast_in_dim3A = vector.shape_cast %mul3A_4 : vector<128x1xi32> to vector<128x1xi32>
    %broadcast_in_dim3A_19 = vector.broadcast %broadcast_in_dim3A : vector<128x1xi32> to vector<128x123xi32>
    %swap3A_20 = arith.constant 0 : index
    %swap3A_21 = arith.constant 2053 : index
    %swap3A_22 = vector.load %arg3[%swap3A_20, %swap3A_21] : memref<128x2176xi32, #tpu.memory_space<vmem>>, vector<128x123xi32>
    tpu.vector_store %arg3[%swap3A_20, %swap3A_21], %broadcast_in_dim3A_19 {strides = array<i32>} : memref<128x2176xi32, #tpu.memory_space<vmem>>, vector<128x123xi32>,
    return
  }
  func.func @transform_0(%arg0: i32) -> (i32, i32) {
    %c0_i32 = arith.constant 0 : i32
    %c0_i32_0 = arith.constant 0 : i32
    return %arg0, %c0_i32 : i32, i32
  }
  func.func @transform_1(%arg0: i32) -> (i32, i32) {
    %c0_i32 = arith.constant 0 : i32
    %c0_i32_0 = arith.constant 0 : i32
    return %arg0, %c0_i32 : i32, i32
  }
  func.func @transform_2(%arg0: i32) -> (i32, i32) {
    %c0_i32 = arith.constant 0 : i32
    %c0_i32_0 = arith.constant 0 : i32
    return %arg0, %c0_i32 : i32, i32
  }
}

module attributes {stable_mosaic.version = 14 : i64} {
  func.func @_loss_body(%arg0: memref<1024x2176xf32, #tpu.memory_space<vmem>>, %arg1: memref<1024x2176xf32, #tpu.memory_space<vmem>>, %arg2: memref<1024x8xf32, #tpu.memory_space<vmem>>, %arg3: memref<1024x8xf32, #tpu.memory_space<vmem>>, %arg4: memref<1024x1xf32, #tpu.memory_space<vmem>>, %arg5: memref<1x1xf32, #tpu.memory_space<vmem>>) attributes {dimension_semantics = [], scalar_prefetch = 0 : i64, scratch_operands = 0 : i64, tpu.core_type = #tpu.core_type<tc>} {
    %iota3A = tpu.iota {dimensions = array<i32: 1>} : vector<1024x2176xi32>
    %lt3A = arith.constant 2053 : i32
    %lt3A_0 = vector.broadcast %lt3A : i32 to vector<1024x2176xi32>
    %lt3A_1 = arith.cmpi slt, %iota3A, %lt3A_0 : vector<1024x2176xi32>
    %ge3A = arith.constant 5 : i32
    %ge3A_2 = vector.broadcast %ge3A : i32 to vector<1024x2176xi32>
    %ge3A_3 = arith.cmpi sge, %iota3A, %ge3A_2 : vector<1024x2176xi32>
    %and3A = arith.andi %lt3A_1, %ge3A_3 : vector<1024x2176xi1>
    %get3A = arith.constant 0 : index
    %get3A_4 = arith.constant 0 : index
    %get3A_5 = vector.load %arg4[%get3A, %get3A_4] : memref<1024x1xf32, #tpu.memory_space<vmem>>, vector<1024x1xf32>
    %get3A_6 = arith.constant 0 : index
    %get3A_7 = arith.constant 0 : index
    %get3A_8 = vector.load %arg1[%get3A_6, %get3A_7] : memref<1024x2176xf32, #tpu.memory_space<vmem>>, vector<1024x2176xf32>
    %get3A_9 = arith.constant 0 : index
    %get3A_10 = arith.constant 0 : index
    %get3A_11 = vector.load %arg3[%get3A_9, %get3A_10] : memref<1024x8xf32, #tpu.memory_space<vmem>>, vector<1024x8xf32>
    %mul3A = arith.constant 14.2857141 : f32
    %mul3A_12 = vector.broadcast %mul3A : f32 to vector<1024x2176xf32>
    %mul3A_13 = arith.mulf %get3A_8, %mul3A_12 : vector<1024x2176xf32>
    %exp3A = math.exp %mul3A_13 : vector<1024x2176xf32>
    %jit3A = arith.constant 0.000000e+00 : f32
    %broadcast_in_dim3A = vector.broadcast %jit3A : f32 to vector<1024x2176xf32>
    %select_n3A = arith.select %lt3A_1, %exp3A, %broadcast_in_dim3A : vector<1024x2176xi1>, vector<1024x2176xf32>
    %reduce_sum3A = vector.shape_cast %select_n3A : vector<1024x2176xf32> to vector<1x1024x2176xf32>
    %reduce_sum3A_14 = arith.constant dense<0.000000e+00> : vector<1xf32>
    %reduce_sum3A_15 = vector.multi_reduction <add>, %reduce_sum3A, %reduce_sum3A_14 [1, 2] : vector<1x1024x2176xf32> to vector<1xf32>
    %reduce_sum3A_16 = vector.shape_cast %reduce_sum3A_15 : vector<1xf32> to vector<1x1x1xf32>
    %reduce_sum3A_17 = vector.extract %reduce_sum3A_16[0, 0, 0] : f32 from vector<1x1x1xf32>
    %div3A = arith.constant 0x4A005000 : f32
    %div3A_18 = arith.divf %reduce_sum3A_17, %div3A : f32
    %mul3A_19 = arith.constant 1.000000e+05 : f32
    %mul3A_20 = arith.mulf %div3A_18, %mul3A_19 : f32
    %div3A_21 = vector.broadcast %mul3A_20 : f32 to vector<1024x2176xf32>
    %div3A_22 = arith.divf %select_n3A, %div3A_21 : vector<1024x2176xf32>
    %slice3A = vector.extract_strided_slice %div3A_22 {offsets = [0, 0], sizes = [1024, 5], strides = [1, 1]} : vector<1024x2176xf32> to vector<1024x5xf32>
    %add3A = arith.constant 2.048000e-02 : f32
    %add3A_23 = vector.broadcast %add3A : f32 to vector<1024x5xf32>
    %add3A_24 = arith.addf %slice3A, %add3A_23 : vector<1024x5xf32>
    %add3A_25 = arith.constant 1.000000e-07 : f32
    %add3A_26 = vector.broadcast %add3A_25 : f32 to vector<1024x5xf32>
    %add3A_27 = arith.addf %add3A_24, %add3A_26 : vector<1024x5xf32>
    %div3A_28 = arith.divf %slice3A, %add3A_27 : vector<1024x5xf32>
    %log3A = math.log %div3A_28 : vector<1024x5xf32>
    %add3A_29 = arith.constant 2.048000e-02 : f32
    %add3A_30 = vector.broadcast %add3A_29 : f32 to vector<1024x2176xf32>
    %add3A_31 = arith.addf %div3A_22, %add3A_30 : vector<1024x2176xf32>
    %add3A_32 = arith.constant 1.000000e-07 : f32
    %add3A_33 = vector.broadcast %add3A_32 : f32 to vector<1024x2176xf32>
    %add3A_34 = arith.addf %add3A_31, %add3A_33 : vector<1024x2176xf32>
    %div3A_35 = arith.constant 2.048000e-02 : f32
    %div3A_36 = vector.broadcast %div3A_35 : f32 to vector<1024x2176xf32>
    %div3A_37 = arith.divf %div3A_36, %add3A_34 : vector<1024x2176xf32>
    %log3A_38 = math.log %div3A_37 : vector<1024x2176xf32>
    %jit3A_39 = arith.constant 0.000000e+00 : f32
    %broadcast_in_dim3A_40 = vector.broadcast %jit3A_39 : f32 to vector<1024x2176xf32>
    %select_n3A_41 = arith.select %and3A, %log3A_38, %broadcast_in_dim3A_40 : vector<1024x2176xi1>, vector<1024x2176xf32>
    %reduce_sum3A_42 = arith.constant dense<0.000000e+00> : vector<1024xf32>
    %reduce_sum3A_43 = vector.multi_reduction <add>, %select_n3A_41, %reduce_sum3A_42 [1] : vector<1024x2176xf32> to vector<1024xf32>
    %broadcast_in_dim3A_44 = vector.shape_cast %reduce_sum3A_43 : vector<1024xf32> to vector<1024x1xf32>
    %slice3A_45 = vector.extract_strided_slice %get3A_11 {offsets = [0, 0], sizes = [1024, 5], strides = [1, 1]} : vector<1024x8xf32> to vector<1024x5xf32>
    %add3A_46 = vector.broadcast %broadcast_in_dim3A_44 : vector<1024x1xf32> to vector<1024x5xf32>
    %add3A_47 = arith.addf %log3A, %add3A_46 : vector<1024x5xf32>
    %mul3A_48 = arith.mulf %add3A_47, %slice3A_45 : vector<1024x5xf32>
    %reduce_sum3A_49 = arith.constant dense<0.000000e+00> : vector<1024xf32>
    %reduce_sum3A_50 = vector.multi_reduction <add>, %mul3A_48, %reduce_sum3A_49 [1] : vector<1024x5xf32> to vector<1024xf32>
    %broadcast_in_dim3A_51 = vector.shape_cast %reduce_sum3A_50 : vector<1024xf32> to vector<1024x1xf32>
    %reduce_sum3A_52 = arith.constant dense<0.000000e+00> : vector<1024xf32>
    %reduce_sum3A_53 = vector.multi_reduction <add>, %slice3A_45, %reduce_sum3A_52 [1] : vector<1024x5xf32> to vector<1024xf32>
    %broadcast_in_dim3A_54 = vector.shape_cast %reduce_sum3A_53 : vector<1024xf32> to vector<1024x1xf32>
    %div3A_55 = arith.divf %broadcast_in_dim3A_51, %broadcast_in_dim3A_54 : vector<1024x1xf32>
    %neg3A = arith.constant 0.000000e+00 : f32
    %neg3A_56 = vector.broadcast %neg3A : f32 to vector<1024x1xf32>
    %neg3A_57 = arith.subf %neg3A_56, %div3A_55 : vector<1024x1xf32>
    %mul3A_58 = arith.mulf %neg3A_57, %get3A_5 : vector<1024x1xf32>
    %reduce_sum3A_59 = vector.shape_cast %mul3A_58 : vector<1024x1xf32> to vector<1x1024x1xf32>
    %reduce_sum3A_60 = arith.constant dense<0.000000e+00> : vector<1xf32>
    %reduce_sum3A_61 = vector.multi_reduction <add>, %reduce_sum3A_59, %reduce_sum3A_60 [1, 2] : vector<1x1024x1xf32> to vector<1xf32>
    %reduce_sum3A_62 = vector.shape_cast %reduce_sum3A_61 : vector<1xf32> to vector<1x1x1xf32>
    %reduce_sum3A_63 = vector.extract %reduce_sum3A_62[0, 0, 0] : f32 from vector<1x1x1xf32>
    %broadcast_in_dim3A_64 = vector.broadcast %reduce_sum3A_63 : f32 to vector<1x1xf32>
    %div3A_65 = arith.constant 1.024000e+03 : f32
    %div3A_66 = vector.broadcast %div3A_65 : f32 to vector<1x1xf32>
    %div3A_67 = arith.divf %broadcast_in_dim3A_64, %div3A_66 : vector<1x1xf32>
    %get3A_68 = arith.constant 0 : index
    %get3A_69 = arith.constant 0 : index
    %get3A_70 = vector.load %arg0[%get3A_68, %get3A_69] : memref<1024x2176xf32, #tpu.memory_space<vmem>>, vector<1024x2176xf32>
    %get3A_71 = arith.constant 0 : index
    %get3A_72 = arith.constant 0 : index
    %get3A_73 = vector.load %arg2[%get3A_71, %get3A_72] : memref<1024x8xf32, #tpu.memory_space<vmem>>, vector<1024x8xf32>
    %mul3A_74 = arith.constant 14.2857141 : f32
    %mul3A_75 = vector.broadcast %mul3A_74 : f32 to vector<1024x2176xf32>
    %mul3A_76 = arith.mulf %get3A_70, %mul3A_75 : vector<1024x2176xf32>
    %exp3A_77 = math.exp %mul3A_76 : vector<1024x2176xf32>
    %jit3A_78 = arith.constant 0.000000e+00 : f32
    %broadcast_in_dim3A_79 = vector.broadcast %jit3A_78 : f32 to vector<1024x2176xf32>
    %select_n3A_80 = arith.select %lt3A_1, %exp3A_77, %broadcast_in_dim3A_79 : vector<1024x2176xi1>, vector<1024x2176xf32>
    %reduce_sum3A_81 = vector.shape_cast %select_n3A_80 : vector<1024x2176xf32> to vector<1x1024x2176xf32>
    %reduce_sum3A_82 = arith.constant dense<0.000000e+00> : vector<1xf32>
    %reduce_sum3A_83 = vector.multi_reduction <add>, %reduce_sum3A_81, %reduce_sum3A_82 [1, 2] : vector<1x1024x2176xf32> to vector<1xf32>
    %reduce_sum3A_84 = vector.shape_cast %reduce_sum3A_83 : vector<1xf32> to vector<1x1x1xf32>
    %reduce_sum3A_85 = vector.extract %reduce_sum3A_84[0, 0, 0] : f32 from vector<1x1x1xf32>
    %div3A_86 = arith.constant 0x4A005000 : f32
    %div3A_87 = arith.divf %reduce_sum3A_85, %div3A_86 : f32
    %mul3A_88 = arith.constant 1.000000e+05 : f32
    %mul3A_89 = arith.mulf %div3A_87, %mul3A_88 : f32
    %div3A_90 = vector.broadcast %mul3A_89 : f32 to vector<1024x2176xf32>
    %div3A_91 = arith.divf %select_n3A_80, %div3A_90 : vector<1024x2176xf32>
    %slice3A_92 = vector.extract_strided_slice %div3A_91 {offsets = [0, 0], sizes = [1024, 5], strides = [1, 1]} : vector<1024x2176xf32> to vector<1024x5xf32>
    %add3A_93 = arith.constant 2.048000e-02 : f32
    %add3A_94 = vector.broadcast %add3A_93 : f32 to vector<1024x5xf32>
    %add3A_95 = arith.addf %slice3A_92, %add3A_94 : vector<1024x5xf32>
    %add3A_96 = arith.constant 1.000000e-07 : f32
    %add3A_97 = vector.broadcast %add3A_96 : f32 to vector<1024x5xf32>
    %add3A_98 = arith.addf %add3A_95, %add3A_97 : vector<1024x5xf32>
    %div3A_99 = arith.divf %slice3A_92, %add3A_98 : vector<1024x5xf32>
    %log3A_100 = math.log %div3A_99 : vector<1024x5xf32>
    %add3A_101 = arith.constant 2.048000e-02 : f32
    %add3A_102 = vector.broadcast %add3A_101 : f32 to vector<1024x2176xf32>
    %add3A_103 = arith.addf %div3A_91, %add3A_102 : vector<1024x2176xf32>
    %add3A_104 = arith.constant 1.000000e-07 : f32
    %add3A_105 = vector.broadcast %add3A_104 : f32 to vector<1024x2176xf32>
    %add3A_106 = arith.addf %add3A_103, %add3A_105 : vector<1024x2176xf32>
    %div3A_107 = arith.constant 2.048000e-02 : f32
    %div3A_108 = vector.broadcast %div3A_107 : f32 to vector<1024x2176xf32>
    %div3A_109 = arith.divf %div3A_108, %add3A_106 : vector<1024x2176xf32>
    %log3A_110 = math.log %div3A_109 : vector<1024x2176xf32>
    %jit3A_111 = arith.constant 0.000000e+00 : f32
    %broadcast_in_dim3A_112 = vector.broadcast %jit3A_111 : f32 to vector<1024x2176xf32>
    %select_n3A_113 = arith.select %and3A, %log3A_110, %broadcast_in_dim3A_112 : vector<1024x2176xi1>, vector<1024x2176xf32>
    %reduce_sum3A_114 = arith.constant dense<0.000000e+00> : vector<1024xf32>
    %reduce_sum3A_115 = vector.multi_reduction <add>, %select_n3A_113, %reduce_sum3A_114 [1] : vector<1024x2176xf32> to vector<1024xf32>
    %broadcast_in_dim3A_116 = vector.shape_cast %reduce_sum3A_115 : vector<1024xf32> to vector<1024x1xf32>
    %slice3A_117 = vector.extract_strided_slice %get3A_73 {offsets = [0, 0], sizes = [1024, 5], strides = [1, 1]} : vector<1024x8xf32> to vector<1024x5xf32>
    %add3A_118 = vector.broadcast %broadcast_in_dim3A_116 : vector<1024x1xf32> to vector<1024x5xf32>
    %add3A_119 = arith.addf %log3A_100, %add3A_118 : vector<1024x5xf32>
    %mul3A_120 = arith.mulf %add3A_119, %slice3A_117 : vector<1024x5xf32>
    %reduce_sum3A_121 = arith.constant dense<0.000000e+00> : vector<1024xf32>
    %reduce_sum3A_122 = vector.multi_reduction <add>, %mul3A_120, %reduce_sum3A_121 [1] : vector<1024x5xf32> to vector<1024xf32>
    %broadcast_in_dim3A_123 = vector.shape_cast %reduce_sum3A_122 : vector<1024xf32> to vector<1024x1xf32>
    %reduce_sum3A_124 = arith.constant dense<0.000000e+00> : vector<1024xf32>
    %reduce_sum3A_125 = vector.multi_reduction <add>, %slice3A_117, %reduce_sum3A_124 [1] : vector<1024x5xf32> to vector<1024xf32>
    %broadcast_in_dim3A_126 = vector.shape_cast %reduce_sum3A_125 : vector<1024xf32> to vector<1024x1xf32>
    %div3A_127 = arith.divf %broadcast_in_dim3A_123, %broadcast_in_dim3A_126 : vector<1024x1xf32>
    %neg3A_128 = arith.constant 0.000000e+00 : f32
    %neg3A_129 = vector.broadcast %neg3A_128 : f32 to vector<1024x1xf32>
    %neg3A_130 = arith.subf %neg3A_129, %div3A_127 : vector<1024x1xf32>
    %mul3A_131 = arith.mulf %neg3A_130, %get3A_5 : vector<1024x1xf32>
    %reduce_sum3A_132 = vector.shape_cast %mul3A_131 : vector<1024x1xf32> to vector<1x1024x1xf32>
    %reduce_sum3A_133 = arith.constant dense<0.000000e+00> : vector<1xf32>
    %reduce_sum3A_134 = vector.multi_reduction <add>, %reduce_sum3A_132, %reduce_sum3A_133 [1, 2] : vector<1x1024x1xf32> to vector<1xf32>
    %reduce_sum3A_135 = vector.shape_cast %reduce_sum3A_134 : vector<1xf32> to vector<1x1x1xf32>
    %reduce_sum3A_136 = vector.extract %reduce_sum3A_135[0, 0, 0] : f32 from vector<1x1x1xf32>
    %broadcast_in_dim3A_137 = vector.broadcast %reduce_sum3A_136 : f32 to vector<1x1xf32>
    %div3A_138 = arith.constant 1.024000e+03 : f32
    %div3A_139 = vector.broadcast %div3A_138 : f32 to vector<1x1xf32>
    %div3A_140 = arith.divf %broadcast_in_dim3A_137, %div3A_139 : vector<1x1xf32>
    %add3A_141 = arith.addf %div3A_67, %div3A_140 : vector<1x1xf32>
    %swap3A = arith.constant 0 : index
    %swap3A_142 = arith.constant 0 : index
    %swap3A_143 = vector.load %arg5[%swap3A, %swap3A_142] : memref<1x1xf32, #tpu.memory_space<vmem>>, vector<1x1xf32>
    tpu.vector_store %arg5[%swap3A, %swap3A_142], %add3A_141 {strides = array<i32>} : memref<1x1xf32, #tpu.memory_space<vmem>>, vector<1x1xf32>,
    return
  }
}

</mosaic_0001>

<sc_bundles>
// kernel: kernel.16.cloned.1.call-start
scs
__scs_entry_jumppad:
0x0: {  	(pc) =	sbr.rel $0x88, $3  }
0x1: {  	(tag) =	ssettag $0x0;
	lr =	simm.s32 $0x1  }
0x2: {  	[smem:$0x3F96] =	sst lr;
	_ =	strace $0xD0000000  }
0x3: {  	_ = 	snop  }
0x4: {  	_ = 	snop  }
0x5: {  	_ = 	snop  }
0x6: {  	_ = 	snop  }
0x7: {  	_ = 	snop  }
__scs_overlays_trampoline_lowered:
0x8: {  	[smem:$0x3FA5] =	sst s0  }
0x9: {  	[smem:$0x3FA6] =	sst s1  }
0xa: {  	[smem:$0x3FA7] =	sst s2  }
0xb: {  	[smem:$0x3FA8] =	sst s3  }
0xc: {  	[smem:$0x3FA9] =	sst s4  }
0xd: {  	[smem:$0x3FAA] =	sst s5  }
0xe: {  	[smem:$0x3FAB] =	sst s6  }
0xf: {  	[smem:$0x3FAC] =	sst s7  }
0x10: {  	[smem:$0x3FAD] =	sst s8  }
0x11: {  	[smem:$0x3FAE] =	sst s9;
	s0 =	simm.s32 @!p0 $0x0  }
0x12: {  	s1 =	sld [smem:$0x3F94];
	s0 =	simm.s32 @p0 $0x1  }
0x13: {  	[smem:$0x3FAF] =	sst s0;
	s0 =	simm.s32 @!p1 $0x0  }
0x14: {  	s2 =	sld [smem:$0x3F93];
	s0 =	simm.s32 @p1 $0x1  }
0x15: {  	[smem:$0x3FB0] =	sst s0;
	s0 =	simm.s32 @!p2 $0x0  }
0x16: {  	s3 =	sld [smem:$0x3FDB];
	s0 =	simm.s32 @p2 $0x1  }
0x17: {  	s4 =	simm.s32 $0x1BF5;
	[smem:$0x3FB2] =	sst s0  }
0x18: {  	s0 =	sld [smem:$0x3F95];
	_ =	swait.ge [sflag:s4], $0x0  }
0x19: {  	s7 =	sld [smem:$0x3F96]  }
0x1a: {  	s8 =	sadd.s32 $0xFFFFE003, lr  }
0x1b: {  	s9 =	sadd.s32 $0xFFFFFEF7, lr;
	s5 =	simm.s32 $0xFFFFFFFF;
	p2 =	slt.u32 s8, $0xFFFFF086  }
0x1c: {  	p1 =	slt.u32 s9, $0xF7A;
	s5 =	simm.s32 @!p2 $0x0  }
0x1d: {  	s5 =	simm.s32 @p1 $0x1;
	p0 =	seq.s32 s7, s2  }
0x1e: {  	s7 =	smul.u32 @!p0 $0xF7A, s2;
	p2 =	seq.s32 @!p0 s5, $0x0  }
0x1f: {  	s9 =	smul.u32 $0xF7A, s1;
	s8 =	simm.s32 @!p0 $0x1BF5;
	p2 =	por !p2, p0  }
0x20: {  	[sflag:s8] =	ssyncset.s32 @!p0 $0xFFFFF086;
	s6 =	sadd.s32 @!p0 s3, s7;
	s7 =	simm.s32 @!p0 $0x108  }
0x21: {  	s3 =	sadd.s32 s3, s9;
	s6 =	sadd.s32 @!p0 $0x88, s6;
	s7 =	simm.s32 @p2 $0x1082  }
0x22: {  	[simem:s7], [sflag:s8] =	dma.local @!p0 [hbm:s6], $0xF7A  }
0x23: {  	s9 =	sor.u32 $0xD0000000, s2;
	s6 =	simm.s32 $0x108;
	_ =	swait.ge @!p0 [sflag:s8], $0x0  }
0x24: {  	s3 =	sadd.s32 $0x88, s3;
	s6 =	simm.s32 @!p1 $0x1082;
	[sflag:s4] =	ssyncset.s32 $0xFFFFF086  }
0x25: {  	[simem:s6], [sflag:s4] =	dma.local [hbm:s3], $0xF7A  }
0x26: {  	[smem:$0x3F96] =	sst s1;
	(tag) =	ssettag s2;
	_ =	strace s9  }
0x27: {  	s1 =	sld [smem:$0x3FA6]  }
0x28: {  	s2 =	sld [smem:$0x3FA7]  }
0x29: {  	s4 =	sld [smem:$0x3FA9]  }
0x2a: {  	p0 =	seq.s32 s5, $0x0;
	s5 =	sld [smem:$0x3FAA]  }
0x2b: {  	s6 =	sld [smem:$0x3FAB]  }
0x2c: {  	s7 =	sld [smem:$0x3FAC]  }
0x2d: {  	s3 =	simm.s32 $0x108;
	s8 =	sld [smem:$0x3FAD]  }
0x2e: {  	s3 =	simm.s32 @!p0 $0x1082;
	s9 =	sld [smem:$0x3FAE]  }
0x2f: {  	lr =	sadd.s32 s0, s3;
	s0 =	sld [smem:$0x3FA5]  }
0x30: {  	s3 =	sld [smem:$0x3FA8]  }
0x31: {  	[smem:$0x3FB1] =	sst s10  }
0x32: {  	s10 =	sld [smem:$0x3FAF];
	_ =	sdelay $0x3  }
0x33: {  	p0 =	seq.s32 s10, $0x1;
	s10 =	sld [smem:$0x3FB1];
	_ =	sdelay $0x3  }
0x34: {  	[smem:$0x3FB1] =	sst s10  }
0x35: {  	s10 =	sld [smem:$0x3FB0];
	_ =	sdelay $0x3  }
0x36: {  	p1 =	seq.s32 s10, $0x1;
	s10 =	sld [smem:$0x3FB1];
	_ =	sdelay $0x3  }
0x37: {  	[smem:$0x3FB1] =	sst s10  }
0x38: {  	s10 =	sld [smem:$0x3FB2]  }
0x39: {  	_ = 	snop;
	(pc) =	sbr.ind lr, $3  }
0x3a: {  	_ = 	snop  }
0x3b: {  	_ = 	snop  }
0x3c: {  	p2 =	seq.s32 s10, $0x1;
	s10 =	sld [smem:$0x3FB1]  }
0x3d: {  	_ =	shalt  }
0x3e: {  	_ =	shalt  }
0x3f: {  	_ =	shalt  }
0x40: {  	_ =	shalt  }
0x41: {  	_ =	shalt  }
0x42: {  	_ =	shalt  }
0x43: {  	_ =	shalt  }
0x44: {  	_ =	shalt  }
0x45: {  	_ =	shalt  }
0x46: {  	_ =	shalt  }
0x47: {  	_ =	shalt  }
0x48: {  	_ =	shalt  }
0x49: {  	_ =	shalt  }
0x4a: {  	_ =	shalt  }
0x4b: {  	_ =	shalt  }
0x4c: {  	_ =	shalt  }
0x4d: {  	_ =	shalt  }
0x4e: {  	_ =	shalt  }
0x4f: {  	_ =	shalt  }
0x50: {  	_ =	shalt  }
0x51: {  	_ =	shalt  }
0x52: {  	_ =	shalt  }
0x53: {  	_ =	shalt  }
0x54: {  	_ =	shalt  }
0x55: {  	_ =	shalt  }
0x56: {  	_ =	shalt  }
0x57: {  	_ =	shalt  }
0x58: {  	_ =	shalt  }
0x59: {  	_ =	shalt  }
0x5a: {  	_ =	shalt  }
0x5b: {  	_ =	shalt  }
0x5c: {  	_ =	shalt  }
0x5d: {  	_ =	shalt  }
0x5e: {  	_ =	shalt  }
0x5f: {  	_ =	shalt  }
0x60: {  	_ =	shalt  }
0x61: {  	_ =	shalt  }
0x62: {  	_ =	shalt  }
0x63: {  	_ =	shalt  }
0x64: {  	_ =	shalt  }
0x65: {  	_ =	shalt  }
0x66: {  	_ =	shalt  }
0x67: {  	_ =	shalt  }
0x68: {  	_ =	shalt  }
0x69: {  	_ =	shalt  }
0x6a: {  	_ =	shalt  }
0x6b: {  	_ =	shalt  }
0x6c: {  	_ =	shalt  }
0x6d: {  	_ =	shalt  }
0x6e: {  	_ =	shalt  }
0x6f: {  	_ =	shalt  }
0x70: {  	_ =	shalt  }
0x71: {  	_ =	shalt  }
0x72: {  	_ =	shalt  }
0x73: {  	_ =	shalt  }
0x74: {  	_ =	shalt  }
0x75: {  	_ =	shalt  }
0x76: {  	_ =	shalt  }
0x77: {  	_ =	shalt  }
0x78: {  	_ =	shalt  }
0x79: {  	_ =	shalt  }
0x7a: {  	_ =	shalt  }
0x7b: {  	_ =	shalt  }
0x7c: {  	_ =	shalt  }
0x7d: {  	_ =	shalt  }
0x7e: {  	_ =	shalt  }
0x7f: {  	_ =	shalt  }
0x80: {  	_ =	shalt  }
0x81: {  	_ =	shalt  }
0x82: {  	_ =	shalt  }
0x83: {  	_ =	shalt  }
0x84: {  	_ =	shalt  }
0x85: {  	_ =	shalt  }
0x86: {  	_ =	shalt  }
0x87: {  	_ =	shalt  }
.Lfunc_end0:
.L_simem_size_0:
called_computation.4_lowered:
.L_overlay_start_0:
0x88: {  	s2 =	sld [smem:$0x3FD9]  }
0x89: {  	s3 =	sld [smem:$0x3FFE];
	_ =	sdelay $0x1  }
0x8a: {  	s1 =	srdreg.scid  }
0x8b: {  	s0 =	sand.u32 $0x1, s1  }
0x8c: {  	s17 =	sshll.u32 s0, $0xA;
	s2 =	sadd.s32 s3, s2  }
0x8d: {  	s2 =	sadd.s32 s2, s17  }
0x8e: {  	[smem:$0x3FBD] =	sst s2  }
0x8f: {  	_ = 	snop  }
0x90: {  	(tm) =	ssettm $0x1  }
0x91: {  	s18 =	sld [smem:$0x3FFB];
	_ =	sdelay $0x3  }
0x92: {  	_ =	strace s18  }
0x93: {  	s2 =	sld [smem:$0x3FFC];
	_ =	sdelay $0x3  }
0x94: {  	_ =	strace s2  }
0x95: {  	s2 =	sld [smem:$0x3FFD];
	_ =	sdelay $0x3  }
0x96: {  	_ =	strace s2  }
0x97: {  	_ =	strace $0x8FFFFFFF  }
0x98: {  	s19 =	sld [smem:$0x3FDB];
	_ =	sdelay $0x1  }
0x99: {  	s20 =	simm.s32 $_scs_section_size  }
0x9a: {  	s4 =	simm.s32 $_size__tile_overlayer_lowered;
	s5 =	simm.s32 $_tile_overlayer_lowered  }
0x9b: {  	s6 =	simm.s32 $0x1BFF;
	s21 =	sshll.u32 s5, $0x1;
	s3 =	sadd.s32 s20, s19  }
0x9c: {  	s22 =	simm.s32 $0x0;
	s4 =	sshll.u32 s4, $0x1;
	s5 =	sadd.s32 s21, s3  }
0x9d: {  	[timem:s22], [sflag:s6] =	dma.local [hbm:s5], s4  }
0x9e: {  	_ =	swait.ge [sflag:s6], s4  }
0x9f: {  	s4 =	ssub.s32 $0x0, s4;
	[sflag:s6] =	ssyncset.done $0x0  }
0xa0: {  	[sflag:s6] =	ssyncadd.s32 s4;
	_ =	sdelay $0x1  }
0xa1: {  	s23 =	simm.s32 $0x1B8B  }
0xa2: {  	_ =	swait.ge [sflag:s23], $0x1  }
0xa3: {  	[sflag:s23] =	ssyncset.done $0x0  }
0xa4: {  	[sflag:s23] =	ssyncadd.s32 $0xFFFFFFFF  }
0xa5: {  	s4 =	sld [smem:$0x0]  }
0xa6: {  	s5 =	sand.u32 $0xFFFFFFFE, s1  }
0xa7: {  	p0 =	sne.s32 s1, s5  }
0xa8: {  	s5 =	sshll.u32 @p0 s5, $0xE  }
0xa9: {  	s5 =	sadd.s32 @p0 $0x11B8D, s5;
	s6 =	sshll.u32 @p0 s4, $0x11  }
0xaa: {  	s5 =	sor.u32 @p0 s6, s5  }
0xab: {  	[sflag:s5] =	ssyncadd.remote.s32 @p0 $0x1;
	_ =	sdelay $0x1  }
0xac: {  	s5 =	simm.s32 @p0 $0x1B8D  }
0xad: {  	_ =	swait.eq @p0 [sflag:s5], $0x1  }
0xae: {  	[sflag:s5] =	ssyncadd.s32 @p0 $0xFFFFFFFF  }
0xaf: {  	s6 =	sshll.u32 @!p0 s1, $0xE  }
0xb0: {  	s6 =	sor.u32 @!p0 $0x4000, s6;
	s5 =	simm.s32 @!p0 $0x1B8D  }
0xb1: {  	s4 =	sshll.u32 @!p0 s4, $0x11;
	s6 =	sadd.s32 @!p0 $0x11B8D, s6;
	_ =	swait.eq @!p0 [sflag:s5], $0x1  }
0xb2: {  	s4 =	sor.u32 @!p0 s4, s6;
	[sflag:s5] =	ssyncadd.s32 @!p0 $0xFFFFFFFF  }
0xb3: {  	s25 =	simm.s32 $0x1B8E;
	s24 =	sld [smem:$0x3FFE];
	[sflag:s4] =	ssyncadd.remote.s32 @!p0 $0x1  }
0xb4: {  	s26 =	simm.s32 $execute0_lowered;
	[smem:$0x3FD2] =	sst s25  }
0xb5: {  	s5 =	sshll.u32 s26, $0x1;
	_ =	strace $0x80000058;
	[dreg:$0x1] =	wrdreg $0xFFFFFFFF  }
0xb6: {  	s28 =	simm.s32 $_size_execute0_lowered;
	s3 =	sadd.s32 s3, s5;
	[dreg:$0x0] =	wrdreg $0x0  }
0xb7: {  	s5 =	sshll.u32 s28, $0x1;
	[dreg:$0x2] =	wrdreg s3  }
0xb8: {  	[dreg:$0x3] =	wrdreg s5  }
0xb9: {  	[dreg:$0x4] =	wrdreg $0xC0  }
0xba: {  	_ =	task [dreg:s22], $0x5FFFF  }
0xbb: {  	[dreg:$0x1] =	wrdreg $0xFFFFFFFF  }
0xbc: {  	[dreg:$0x0] =	wrdreg $0x60  }
0xbd: {  	[dreg:$0x2] =	wrdreg s24  }
0xbe: {  	[dreg:$0x3] =	wrdreg $0xB  }
0xbf: {  	_ =	task.clear_ibuf [dreg:s22], $0x4FFFF;
	_ =	strace $0x90000058  }
0xc0: {  	s29 =	simm.s32 $0xB;
	_ =	strace $0x8000005A  }
0xc1: {  	_ =	swait.ge [sflag:s29], $0x1  }
0xc2: {  	[sflag:s29] =	ssyncadd.s32 $0xFFFFFFFF  }
0xc3: {  	_ =	strace $0x9000005A  }
0xc4: {  	_ =	sfence  }
0xc5: {  	s30 =	sld [smem:$0x0];
	_ =	sdelay $0x2  }
0xc6: {  	s31 =	sshll.u32 s1, $0xD;
	s1 =	sshrl.u32 s1, $0x2  }
0xc7: {  	s4 =	sand.u32 $0x4000, s31;
	s1 =	sadd.s32 s1, s30  }
0xc8: {  	s0 =	sor.u32 s4, s0;
	s1 =	sshll.u32 s1, $0x11  }
0xc9: {  	s0 =	sor.u32 s1, s0  }
0xca: {  	s0 =	sadd.s32 $0x8F2B, s0  }
0xcb: {  	[sflag:s0] =	ssyncadd.remote.s32 $0x1  }
0xcc: {  	_ =	sfence.sel $0xFFFF  }
0xcd: {  	[dreg:$0x0] =	wrdreg $0xFFFFFFFF;
	(pc) =	sbr.abs _section_cstart, $3  }
0xce: {  	[dreg:$0x1] =	wrdreg $0xFFFFFFFF  }
0xcf: {  	_ =	task.clear_ibuf [dreg:s22], $0x2FFFF;
	_ =	strace $0x9FFFFFFF  }
0xd0: {  	(tm) =	ssettm $0x7FFFFFFF  }
0xd1: {  	_ =	shalt  }
tec
execute0_lowered:
.L_overlay_start_1:
0x0: {  	(tag) =	ssettag $0x1  }
0x1: {  	s0 =	srdreg.scid  }
0x2: {  	s1 =	stileid.u32;
	s3 =	rddreg [dreg:$0x0];
	s19 =	simm.s32 $0x880  }
0x3: {  	s20 =	simm.s32 $0x100;
	s22 =	simm.s32 $0x900;
	s23 =	simm.s32 $0x180  }
0x4: {  	s24 =	simm.s32 $0x980;
	s5 =	simm.s32 $0x2;
	s25 =	simm.s32 $0x200  }
0x5: {  	s6 =	simm.s32 $0x80;
	s0 =	sand.u32 $0x1, s0;
	s1 =	smul.u32 $0x11000, s1  }
0x6: {  	s26 =	simm.s32 $0xA00;
	s7 =	simm.s32 $0x800;
	s2 =	smul.u32 $0x8800, s0  }
0x7: {  	s31 =	simm.s32 $0x280;
	s8 =	simm.s32 $0xA80;
	s9 =	simm.s32 $0x300  }
0x8: {  	s10 =	simm.s32 $0xB00;
	s1 =	sadd.s32 s2, s1;
	s2 =	simm.s32 $0x0  }
0x9: {  	s11 =	simm.s32 $0x380;
	s0 =	ssub.s32 $0x2, s0;
	[smem:$0x7FF] =	sst s2  }
0xa: {  	s21 =	sshrl.u32 s0, $0x1;
	_ =	strace $0x80000059;
	[dreg:$0x4] =	wrdreg s19  }
0xb: {  	s12 =	simm.s32 $0xB80;
	s0 =	ssub.s32 s0, s21;
	[dreg:$0x5] =	wrdreg s20  }
0xc: {  	s13 =	simm.s32 $0x400;
	s0 =	smax.u32 s0, $0x1;
	[dreg:$0x6] =	wrdreg s22  }
0xd: {  	s14 =	simm.s32 $0xC00;
	s15 =	simm.s32 $0x480;
	[dreg:$0xc] =	wrdreg s0  }
0xe: {  	s16 =	simm.s32 $0xC80;
	s17 =	simm.s32 $0x500;
	[dreg:$0x7] =	wrdreg s23  }
0xf: {  	s18 =	simm.s32 $0xD00;
	s28 =	simm.s32 $0x780;
	[dreg:$0x8] =	wrdreg s24  }
0x10: {  	s29 =	simm.s32 $0xF80;
	s30 =	simm.s32 $0x1;
	[dreg:$0x9] =	wrdreg s25  }
0x11: {  	s21 =	simm.s32 $0x600;
	s1 =	sshrl.u32 s1, $0x3;
	[dreg:$0xa] =	wrdreg s26  }
0x12: {  	s1 =	sadd.s32 s1, s3;
	s3 =	sadd.s32 $0x2044600, s3;
	[dreg:$0xb] =	wrdreg s31  }
0x13: {  	s19 =	simm.s32 $0x580;
	s20 =	simm.s32 $0xD80;
	s22 =	simm.s32 $0xE00  }
0x14: {  	s23 =	simm.s32 $0x680;
	s24 =	simm.s32 $0xE80;
	s4 =	sadd.s32 $0xF4800, s1  }
0x15: {  	s25 =	simm.s32 $0x700;
	s1 =	sadd.s32 $0x8600, s1;
	[dreg:$0x2] =	wrdreg s4  }
0x16: {  	s26 =	simm.s32 $0xF00;
	[dreg:$0x3] =	wrdreg s1;
	s1 =	simm.s32 $0x0  }
.LBB2_1:
0x17: {  	s0 =	rddreg [dreg:$0x3]  }
0x18: {  	[dreg:$0xd] =	wrdreg s1;
	s0 =	sadd.s32 $0x0, s0  }
0x19: {  	[tilespmem:s2], [sflag:$0x2] =	stream.linear.gather [hbm4b:s0+s2], $0x800, $0x38;
	[tilespmem:$0x1000] =	vst v63  }
0x1a: {  	_ =	swait.ge [sflag:s5], $0x800  }
0x1b: {  	s0 =	rddreg [dreg:$0x5]  }
0x1c: {  	[sflag:s5] =	ssyncset.done $0x0;
	s1 =	rddreg [dreg:$0x4]  }
0x1d: {  	s4 =	rddreg [dreg:$0x6];
	[sflag:s5] =	ssyncadd.s32 $0xFFFFF800  }
0x1e: {  	[tilespmem:s7], [sflag:$0x1] =	stream.indirect.gather [hbm4b:s3+s6], $0x1, s2, s6, $0xb8;
	[tilespmem:$0x1000] =	vst v63  }
0x1f: {  	s31 =	rddreg [dreg:$0x8]  }
0x20: {  	[tilespmem:s1], [sflag:$0x1] =	stream.indirect.gather [hbm4b:s3+s6], $0x1, s6, s6, $0xb8;
	[tilespmem:$0x1000] =	vst v63  }
0x21: {  	s1 =	rddreg [dreg:$0x7]  }
0x22: {  	[tilespmem:s4], [sflag:$0x1] =	stream.indirect.gather [hbm4b:s3+s6], $0x1, s0, s6, $0xb8;
	[tilespmem:$0x1000] =	vst v63  }
0x23: {  	s0 =	rddreg [dreg:$0xa]  }
0x24: {  	[tilespmem:s31], [sflag:$0x1] =	stream.indirect.gather [hbm4b:s3+s6], $0x1, s1, s6, $0xb8;
	[tilespmem:$0x1000] =	vst v63  }
0x25: {  	s4 =	rddreg [dreg:$0x9]  }
0x26: {  	[tilespmem:s0], [sflag:$0x1] =	stream.indirect.gather [hbm4b:s3+s6], $0x1, s4, s6, $0xb8;
	[tilespmem:$0x1000] =	vst v63  }
0x27: {  	s31 =	rddreg [dreg:$0xb]  }
0x28: {  	[tilespmem:s8], [sflag:$0x1] =	stream.indirect.gather [hbm4b:s3+s6], $0x1, s31, s6, $0xb8;
	[tilespmem:$0x1000] =	vst v63  }
0x29: {  	_ = 	snop  }
0x2a: {  	[tilespmem:s10], [sflag:$0x1] =	stream.indirect.gather [hbm4b:s3+s6], $0x1, s9, s6, $0xb8;
	[tilespmem:$0x1000] =	vst v63  }
0x2b: {  	_ = 	snop  }
0x2c: {  	[tilespmem:s12], [sflag:$0x1] =	stream.indirect.gather [hbm4b:s3+s6], $0x1, s11, s6, $0xb8;
	[tilespmem:$0x1000] =	vst v63  }
0x2d: {  	_ = 	snop  }
0x2e: {  	[tilespmem:s14], [sflag:$0x1] =	stream.indirect.gather [hbm4b:s3+s6], $0x1, s13, s6, $0xb8;
	[tilespmem:$0x1000] =	vst v63  }
0x2f: {  	_ = 	snop  }
0x30: {  	[tilespmem:s16], [sflag:$0x1] =	stream.indirect.gather [hbm4b:s3+s6], $0x1, s15, s6, $0xb8;
	[tilespmem:$0x1000] =	vst v63  }
0x31: {  	_ = 	snop  }
0x32: {  	[tilespmem:s18], [sflag:$0x1] =	stream.indirect.gather [hbm4b:s3+s6], $0x1, s17, s6, $0xb8;
	[tilespmem:$0x1000] =	vst v63  }
0x33: {  	_ = 	snop  }
0x34: {  	[tilespmem:s20], [sflag:$0x1] =	stream.indirect.gather [hbm4b:s3+s6], $0x1, s19, s6, $0xb8;
	[tilespmem:$0x1000] =	vst v63  }
0x35: {  	_ = 	snop  }
0x36: {  	[tilespmem:s22], [sflag:$0x1] =	stream.indirect.gather [hbm4b:s3+s6], $0x1, s21, s6, $0xb8;
	[tilespmem:$0x1000] =	vst v63  }
0x37: {  	_ = 	snop  }
0x38: {  	[tilespmem:s24], [sflag:$0x1] =	stream.indirect.gather [hbm4b:s3+s6], $0x1, s23, s6, $0xb8;
	[tilespmem:$0x1000] =	vst v63  }
0x39: {  	_ = 	snop  }
0x3a: {  	[tilespmem:s26], [sflag:$0x1] =	stream.indirect.gather [hbm4b:s3+s6], $0x1, s25, s6, $0xb8;
	[tilespmem:$0x1000] =	vst v63  }
0x3b: {  	_ = 	snop  }
0x3c: {  	[tilespmem:s29], [sflag:$0x1] =	stream.indirect.gather [hbm4b:s3+s6], $0x1, s28, s6, $0xb8;
	[tilespmem:$0x1000] =	vst v63  }
0x3d: {  	_ =	swait.ge [sflag:s30], $0x80  }
0x3e: {  	[sflag:s30] =	ssyncset.done $0x0  }
0x3f: {  	[sflag:s30] =	ssyncadd.s32 $0xFFFFFF80  }
0x40: {  	_ =	swait.ge [sflag:s30], $0x80  }
0x41: {  	[sflag:s30] =	ssyncset.done $0x0  }
0x42: {  	[sflag:s30] =	ssyncadd.s32 $0xFFFFFF80  }
0x43: {  	_ =	swait.ge [sflag:s30], $0x80  }
0x44: {  	[sflag:s30] =	ssyncset.done $0x0  }
0x45: {  	[sflag:s30] =	ssyncadd.s32 $0xFFFFFF80  }
0x46: {  	_ =	swait.ge [sflag:s30], $0x80  }
0x47: {  	[sflag:s30] =	ssyncset.done $0x0  }
0x48: {  	[sflag:s30] =	ssyncadd.s32 $0xFFFFFF80  }
0x49: {  	_ =	swait.ge [sflag:s30], $0x80  }
0x4a: {  	[sflag:s30] =	ssyncset.done $0x0  }
0x4b: {  	[sflag:s30] =	ssyncadd.s32 $0xFFFFFF80  }
0x4c: {  	_ =	swait.ge [sflag:s30], $0x80  }
0x4d: {  	[sflag:s30] =	ssyncset.done $0x0  }
0x4e: {  	[sflag:s30] =	ssyncadd.s32 $0xFFFFFF80  }
0x4f: {  	_ =	swait.ge [sflag:s30], $0x80  }
0x50: {  	[sflag:s30] =	ssyncset.done $0x0  }
0x51: {  	[sflag:s30] =	ssyncadd.s32 $0xFFFFFF80  }
0x52: {  	_ =	swait.ge [sflag:s30], $0x80  }
0x53: {  	[sflag:s30] =	ssyncset.done $0x0  }
0x54: {  	[sflag:s30] =	ssyncadd.s32 $0xFFFFFF80  }
0x55: {  	_ =	swait.ge [sflag:s30], $0x80  }
0x56: {  	[sflag:s30] =	ssyncset.done $0x0  }
0x57: {  	[sflag:s30] =	ssyncadd.s32 $0xFFFFFF80  }
0x58: {  	_ =	swait.ge [sflag:s30], $0x80  }
0x59: {  	[sflag:s30] =	ssyncset.done $0x0  }
0x5a: {  	[sflag:s30] =	ssyncadd.s32 $0xFFFFFF80  }
0x5b: {  	_ =	swait.ge [sflag:s30], $0x80  }
0x5c: {  	[sflag:s30] =	ssyncset.done $0x0  }
0x5d: {  	[sflag:s30] =	ssyncadd.s32 $0xFFFFFF80  }
0x5e: {  	_ =	swait.ge [sflag:s30], $0x80  }
0x5f: {  	[sflag:s30] =	ssyncset.done $0x0  }
0x60: {  	[sflag:s30] =	ssyncadd.s32 $0xFFFFFF80  }
0x61: {  	_ =	swait.ge [sflag:s30], $0x80  }
0x62: {  	[sflag:s30] =	ssyncset.done $0x0  }
0x63: {  	[sflag:s30] =	ssyncadd.s32 $0xFFFFFF80  }
0x64: {  	_ =	swait.ge [sflag:s30], $0x80  }
0x65: {  	[sflag:s30] =	ssyncset.done $0x0  }
0x66: {  	[sflag:s30] =	ssyncadd.s32 $0xFFFFFF80  }
0x67: {  	_ =	swait.ge [sflag:s30], $0x80  }
0x68: {  	[sflag:s30] =	ssyncset.done $0x0  }
0x69: {  	[sflag:s30] =	ssyncadd.s32 $0xFFFFFF80  }
0x6a: {  	_ =	swait.ge [sflag:s30], $0x80  }
0x6b: {  	s31 =	rddreg [dreg:$0x2];
	[sflag:s30] =	ssyncset.done $0x0  }
0x6c: {  	s1 =	simm.s32 $0x100;
	[sflag:s30] =	ssyncadd.s32 $0xFFFFFF80;
	s0 =	sadd.s32 $0x0, s31  }
.LBB2_2:
0x6d: {  	[hbm4b:s0+s2] =	stream.linear.scatter [tilespmem:s7], [sflag:$0x2], $0x800, $0x38;
	[tilespmem:$0x1000] =	vst v63  }
0x6e: {  	_ =	swait.ge [sflag:s5], $0x800  }
0x6f: {  	s0 =	smov.u32 s1;
	s4 =	rddreg [dreg:$0x3];
	[sflag:s5] =	ssyncset.done $0x0  }
0x70: {  	[sflag:s5] =	ssyncadd.s32 $0xFFFFF800;
	s4 =	sadd.s32 s0, s4  }
0x71: {  	[tilespmem:s2], [sflag:$0x2] =	stream.linear.gather [hbm4b:s4+s2], $0x800, $0x38;
	[tilespmem:$0x1000] =	vst v63  }
0x72: {  	_ =	swait.ge [sflag:s5], $0x800  }
0x73: {  	s4 =	rddreg [dreg:$0xa]  }
0x74: {  	s31 =	rddreg [dreg:$0x5];
	[sflag:s5] =	ssyncset.done $0x0  }
0x75: {  	s8 =	rddreg [dreg:$0x4];
	[sflag:s5] =	ssyncadd.s32 $0xFFFFF800  }
0x76: {  	[tilespmem:s7], [sflag:$0x1] =	stream.indirect.gather [hbm4b:s3+s6], $0x1, s2, s6, $0xb8;
	[tilespmem:$0x1000] =	vst v63  }
0x77: {  	s9 =	rddreg [dreg:$0x6]  }
0x78: {  	[tilespmem:s8], [sflag:$0x1] =	stream.indirect.gather [hbm4b:s3+s6], $0x1, s6, s6, $0xb8;
	[tilespmem:$0x1000] =	vst v63  }
0x79: {  	s10 =	rddreg [dreg:$0x8]  }
0x7a: {  	[tilespmem:s9], [sflag:$0x1] =	stream.indirect.gather [hbm4b:s3+s6], $0x1, s31, s6, $0xb8;
	[tilespmem:$0x1000] =	vst v63  }
0x7b: {  	s8 =	rddreg [dreg:$0x7]  }
0x7c: {  	[tilespmem:s10], [sflag:$0x1] =	stream.indirect.gather [hbm4b:s3+s6], $0x1, s8, s6, $0xb8;
	[tilespmem:$0x1000] =	vst v63  }
0x7d: {  	s9 =	rddreg [dreg:$0x9]  }
0x7e: {  	[tilespmem:s4], [sflag:$0x1] =	stream.indirect.gather [hbm4b:s3+s6], $0x1, s9, s6, $0xb8;
	[tilespmem:$0x1000] =	vst v63  }
0x7f: {  	s11 =	simm.s32 $0xA80;
	s31 =	rddreg [dreg:$0xb]  }
0x80: {  	[tilespmem:s11], [sflag:$0x1] =	stream.indirect.gather [hbm4b:s3+s6], $0x1, s31, s6, $0xb8;
	[tilespmem:$0x1000] =	vst v63  }
0x81: {  	s10 =	simm.s32 $0xB00;
	s9 =	simm.s32 $0x300  }
0x82: {  	[tilespmem:s10], [sflag:$0x1] =	stream.indirect.gather [hbm4b:s3+s6], $0x1, s9, s6, $0xb8;
	[tilespmem:$0x1000] =	vst v63  }
0x83: {  	s11 =	simm.s32 $0x380  }
0x84: {  	[tilespmem:s12], [sflag:$0x1] =	stream.indirect.gather [hbm4b:s3+s6], $0x1, s11, s6, $0xb8;
	[tilespmem:$0x1000] =	vst v63  }
0x85: {  	_ = 	snop  }
0x86: {  	[tilespmem:s14], [sflag:$0x1] =	stream.indirect.gather [hbm4b:s3+s6], $0x1, s13, s6, $0xb8;
	[tilespmem:$0x1000] =	vst v63  }
0x87: {  	_ = 	snop  }
0x88: {  	[tilespmem:s16], [sflag:$0x1] =	stream.indirect.gather [hbm4b:s3+s6], $0x1, s15, s6, $0xb8;
	[tilespmem:$0x1000] =	vst v63  }
0x89: {  	_ = 	snop  }
0x8a: {  	[tilespmem:s18], [sflag:$0x1] =	stream.indirect.gather [hbm4b:s3+s6], $0x1, s17, s6, $0xb8;
	[tilespmem:$0x1000] =	vst v63  }
0x8b: {  	_ = 	snop  }
0x8c: {  	[tilespmem:s20], [sflag:$0x1] =	stream.indirect.gather [hbm4b:s3+s6], $0x1, s19, s6, $0xb8;
	[tilespmem:$0x1000] =	vst v63  }
0x8d: {  	_ = 	snop  }
0x8e: {  	[tilespmem:s22], [sflag:$0x1] =	stream.indirect.gather [hbm4b:s3+s6], $0x1, s21, s6, $0xb8;
	[tilespmem:$0x1000] =	vst v63  }
0x8f: {  	_ = 	snop  }
0x90: {  	[tilespmem:s24], [sflag:$0x1] =	stream.indirect.gather [hbm4b:s3+s6], $0x1, s23, s6, $0xb8;
	[tilespmem:$0x1000] =	vst v63  }
0x91: {  	_ = 	snop  }
0x92: {  	[tilespmem:s26], [sflag:$0x1] =	stream.indirect.gather [hbm4b:s3+s6], $0x1, s25, s6, $0xb8;
	[tilespmem:$0x1000] =	vst v63  }
0x93: {  	_ = 	snop  }
0x94: {  	[tilespmem:s29], [sflag:$0x1] =	stream.indirect.gather [hbm4b:s3+s6], $0x1, s28, s6, $0xb8;
	[tilespmem:$0x1000] =	vst v63  }
0x95: {  	_ =	swait.ge [sflag:s30], $0x80  }
0x96: {  	[sflag:s30] =	ssyncset.done $0x0  }
0x97: {  	[sflag:s30] =	ssyncadd.s32 $0xFFFFFF80  }
0x98: {  	_ =	swait.ge [sflag:s30], $0x80  }
0x99: {  	[sflag:s30] =	ssyncset.done $0x0  }
0x9a: {  	[sflag:s30] =	ssyncadd.s32 $0xFFFFFF80  }
0x9b: {  	_ =	swait.ge [sflag:s30], $0x80  }
0x9c: {  	[sflag:s30] =	ssyncset.done $0x0  }
0x9d: {  	[sflag:s30] =	ssyncadd.s32 $0xFFFFFF80  }
0x9e: {  	_ =	swait.ge [sflag:s30], $0x80  }
0x9f: {  	[sflag:s30] =	ssyncset.done $0x0  }
0xa0: {  	[sflag:s30] =	ssyncadd.s32 $0xFFFFFF80  }
0xa1: {  	_ =	swait.ge [sflag:s30], $0x80  }
0xa2: {  	[sflag:s30] =	ssyncset.done $0x0  }
0xa3: {  	[sflag:s30] =	ssyncadd.s32 $0xFFFFFF80  }
0xa4: {  	_ =	swait.ge [sflag:s30], $0x80  }
0xa5: {  	[sflag:s30] =	ssyncset.done $0x0  }
0xa6: {  	[sflag:s30] =	ssyncadd.s32 $0xFFFFFF80  }
0xa7: {  	_ =	swait.ge [sflag:s30], $0x80  }
0xa8: {  	[sflag:s30] =	ssyncset.done $0x0  }
0xa9: {  	[sflag:s30] =	ssyncadd.s32 $0xFFFFFF80  }
0xaa: {  	_ =	swait.ge [sflag:s30], $0x80  }
0xab: {  	[sflag:s30] =	ssyncset.done $0x0  }
0xac: {  	[sflag:s30] =	ssyncadd.s32 $0xFFFFFF80  }
0xad: {  	_ =	swait.ge [sflag:s30], $0x80  }
0xae: {  	[sflag:s30] =	ssyncset.done $0x0  }
0xaf: {  	[sflag:s30] =	ssyncadd.s32 $0xFFFFFF80  }
0xb0: {  	_ =	swait.ge [sflag:s30], $0x80  }
0xb1: {  	[sflag:s30] =	ssyncset.done $0x0  }
0xb2: {  	[sflag:s30] =	ssyncadd.s32 $0xFFFFFF80  }
0xb3: {  	_ =	swait.ge [sflag:s30], $0x80  }
0xb4: {  	[sflag:s30] =	ssyncset.done $0x0  }
0xb5: {  	[sflag:s30] =	ssyncadd.s32 $0xFFFFFF80  }
0xb6: {  	_ =	swait.ge [sflag:s30], $0x80  }
0xb7: {  	[sflag:s30] =	ssyncset.done $0x0  }
0xb8: {  	[sflag:s30] =	ssyncadd.s32 $0xFFFFFF80  }
0xb9: {  	_ =	swait.ge [sflag:s30], $0x80  }
0xba: {  	[sflag:s30] =	ssyncset.done $0x0  }
0xbb: {  	[sflag:s30] =	ssyncadd.s32 $0xFFFFFF80  }
0xbc: {  	_ =	swait.ge [sflag:s30], $0x80  }
0xbd: {  	[sflag:s30] =	ssyncset.done $0x0  }
0xbe: {  	[sflag:s30] =	ssyncadd.s32 $0xFFFFFF80  }
0xbf: {  	p0 =	sne.s32 s1, $0x1000;
	_ =	swait.ge [sflag:s30], $0x80  }
.Ltmp0:
0xc0: {  	[sflag:s30] =	ssyncset.done $0x0;
	(pc) =	sbr.rel @p0 .LBB2_2-.Ltmp0, $4  }
0xc1: {  	[sflag:s30] =	ssyncadd.s32 $0xFFFFFF80  }
0xc2: {  	_ =	swait.ge [sflag:s30], $0x80  }
0xc3: {  	s1 =	sadd.s32 $0x100, s1;
	s31 =	rddreg [dreg:$0x2];
	[sflag:s30] =	ssyncset.done $0x0  }
0xc4: {  	s8 =	simm.s32 $0xA80;
	[sflag:s30] =	ssyncadd.s32 $0xFFFFFF80;
	s0 =	sadd.s32 s0, s31  }
0xc5: {  	[hbm4b:s0+s2] =	stream.linear.scatter [tilespmem:s7], [sflag:$0x2], $0x800, $0x38;
	[tilespmem:$0x1000] =	vst v63  }
0xc6: {  	_ =	swait.ge [sflag:s5], $0x800  }
0xc7: {  	s1 =	rddreg [dreg:$0xd]  }
0xc8: {  	s31 =	rddreg [dreg:$0xc];
	s1 =	sadd.s32 $0x1, s1  }
0xc9: {  	p0 =	sne.s32 s1, s31  }
.Ltmp1:
0xca: {  	_ = 	snop;
	(pc) =	sbr.rel @p0 .LBB2_1-.Ltmp1, $3  }
0xcb: {  	_ =	sdelay $0x1  }
0xcc: {  	[sflag:s5] =	ssyncset.done $0x0  }
0xcd: {  	[sflag:s5] =	ssyncadd.s32 $0xFFFFF800  }
0xce: {  	_ =	sfence.sel $0x180000  }
0xcf: {  	[bflag:$0x0] =	sbarrier.arrive $0xFFFF  }
0xd0: {  	_ =	strace $0x90000059  }
0xd1: {  	s0 =	stileid.u32;
	[bflag:$0x2] =	sbarrier.arrive $0xFFFF  }
0xd2: {  	p0 =	sne.s32 s0, $0x0;
	s0 =	rddreg [dreg:$0x1]  }
0xd3: {  	s0 =	sadd.s32 @!p0 $0x100000, s0  }
0xd4: {  	[sflag:s0] =	ssyncadd.tile.s32 @!p0 $0x1;
	_ =	shalt  }
.Lfunc_end2:
_tile_overlayer_lowered:
.L_overlay_start_2:
0xd5: {  	(tag) =	ssettag $0x2  }
0xd6: {  	s0 =	rddreg [dreg:$0x0];
	s2 =	stileid.u32  }
0xd7: {  	s1 =	rddreg [dreg:$0x1];
	p0 =	sne.s32 s2, $0x0  }
0xd8: {  	s3 =	rddreg [dreg:$0x2];
	[bflag:$0x3] =	sbarrier.arrive $0xFFFF;
	s2 =	simm.s32 @!p0 $0x1C02  }
0xd9: {  	[timem:s3], [sflag:s2] =	dma.local @!p0 [hbm:s0], s1  }
0xda: {  	s0 =	simm.s32 @!p0 $0x2  }
0xdb: {  	_ =	swait.ge @!p0 [sflag:s0], s1  }
0xdc: {  	s1 =	ssub.s32 @!p0 $0x0, s1;
	[sflag:s0] =	ssyncset.done @!p0 $0x0  }
0xdd: {  	[sflag:s0] =	ssyncadd.s32 @!p0 s1  }
0xde: {  	[bflag:$0x3] =	sbarrier.arrive $0xFFFF  }
0xdf: {  	_ =	shalt  }

// kernel: kernel.19.cloned.1.call-start
scs
__scs_entry_jumppad:
0x0: {  	(pc) =	sbr.rel $0x88, $3  }
0x1: {  	(tag) =	ssettag $0x0;
	lr =	simm.s32 $0x1  }
0x2: {  	[smem:$0x3F96] =	sst lr;
	_ =	strace $0xD0000000  }
0x3: {  	_ = 	snop  }
0x4: {  	_ = 	snop  }
0x5: {  	_ = 	snop  }
0x6: {  	_ = 	snop  }
0x7: {  	_ = 	snop  }
__scs_overlays_trampoline_lowered:
0x8: {  	[smem:$0x3FA5] =	sst s0  }
0x9: {  	[smem:$0x3FA6] =	sst s1  }
0xa: {  	[smem:$0x3FA7] =	sst s2  }
0xb: {  	[smem:$0x3FA8] =	sst s3  }
0xc: {  	[smem:$0x3FA9] =	sst s4  }
0xd: {  	[smem:$0x3FAA] =	sst s5  }
0xe: {  	[smem:$0x3FAB] =	sst s6  }
0xf: {  	[smem:$0x3FAC] =	sst s7  }
0x10: {  	[smem:$0x3FAD] =	sst s8  }
0x11: {  	[smem:$0x3FAE] =	sst s9;
	s0 =	simm.s32 @!p0 $0x0  }
0x12: {  	s1 =	sld [smem:$0x3F94];
	s0 =	simm.s32 @p0 $0x1  }
0x13: {  	[smem:$0x3FAF] =	sst s0;
	s0 =	simm.s32 @!p1 $0x0  }
0x14: {  	s2 =	sld [smem:$0x3F93];
	s0 =	simm.s32 @p1 $0x1  }
0x15: {  	[smem:$0x3FB0] =	sst s0;
	s0 =	simm.s32 @!p2 $0x0  }
0x16: {  	s3 =	sld [smem:$0x3FDB];
	s0 =	simm.s32 @p2 $0x1  }
0x17: {  	s4 =	simm.s32 $0x1BF5;
	[smem:$0x3FB2] =	sst s0  }
0x18: {  	s0 =	sld [smem:$0x3F95];
	_ =	swait.ge [sflag:s4], $0x0  }
0x19: {  	s7 =	sld [smem:$0x3F96]  }
0x1a: {  	s8 =	sadd.s32 $0xFFFFE003, lr  }
0x1b: {  	s9 =	sadd.s32 $0xFFFFFEF7, lr;
	s5 =	simm.s32 $0xFFFFFFFF;
	p2 =	slt.u32 s8, $0xFFFFF086  }
0x1c: {  	p1 =	slt.u32 s9, $0xF7A;
	s5 =	simm.s32 @!p2 $0x0  }
0x1d: {  	s5 =	simm.s32 @p1 $0x1;
	p0 =	seq.s32 s7, s2  }
0x1e: {  	s7 =	smul.u32 @!p0 $0xF7A, s2;
	p2 =	seq.s32 @!p0 s5, $0x0  }
0x1f: {  	s9 =	smul.u32 $0xF7A, s1;
	s8 =	simm.s32 @!p0 $0x1BF5;
	p2 =	por !p2, p0  }
0x20: {  	[sflag:s8] =	ssyncset.s32 @!p0 $0xFFFFF086;
	s6 =	sadd.s32 @!p0 s3, s7;
	s7 =	simm.s32 @!p0 $0x108  }
0x21: {  	s3 =	sadd.s32 s3, s9;
	s6 =	sadd.s32 @!p0 $0x88, s6;
	s7 =	simm.s32 @p2 $0x1082  }
0x22: {  	[simem:s7], [sflag:s8] =	dma.local @!p0 [hbm:s6], $0xF7A  }
0x23: {  	s9 =	sor.u32 $0xD0000000, s2;
	s6 =	simm.s32 $0x108;
	_ =	swait.ge @!p0 [sflag:s8], $0x0  }
0x24: {  	s3 =	sadd.s32 $0x88, s3;
	s6 =	simm.s32 @!p1 $0x1082;
	[sflag:s4] =	ssyncset.s32 $0xFFFFF086  }
0x25: {  	[simem:s6], [sflag:s4] =	dma.local [hbm:s3], $0xF7A  }
0x26: {  	[smem:$0x3F96] =	sst s1;
	(tag) =	ssettag s2;
	_ =	strace s9  }
0x27: {  	s1 =	sld [smem:$0x3FA6]  }
0x28: {  	s2 =	sld [smem:$0x3FA7]  }
0x29: {  	s4 =	sld [smem:$0x3FA9]  }
0x2a: {  	p0 =	seq.s32 s5, $0x0;
	s5 =	sld [smem:$0x3FAA]  }
0x2b: {  	s6 =	sld [smem:$0x3FAB]  }
0x2c: {  	s7 =	sld [smem:$0x3FAC]  }
0x2d: {  	s3 =	simm.s32 $0x108;
	s8 =	sld [smem:$0x3FAD]  }
0x2e: {  	s3 =	simm.s32 @!p0 $0x1082;
	s9 =	sld [smem:$0x3FAE]  }
0x2f: {  	lr =	sadd.s32 s0, s3;
	s0 =	sld [smem:$0x3FA5]  }
0x30: {  	s3 =	sld [smem:$0x3FA8]  }
0x31: {  	[smem:$0x3FB1] =	sst s10  }
0x32: {  	s10 =	sld [smem:$0x3FAF];
	_ =	sdelay $0x3  }
0x33: {  	p0 =	seq.s32 s10, $0x1;
	s10 =	sld [smem:$0x3FB1];
	_ =	sdelay $0x3  }
0x34: {  	[smem:$0x3FB1] =	sst s10  }
0x35: {  	s10 =	sld [smem:$0x3FB0];
	_ =	sdelay $0x3  }
0x36: {  	p1 =	seq.s32 s10, $0x1;
	s10 =	sld [smem:$0x3FB1];
	_ =	sdelay $0x3  }
0x37: {  	[smem:$0x3FB1] =	sst s10  }
0x38: {  	s10 =	sld [smem:$0x3FB2]  }
0x39: {  	_ = 	snop;
	(pc) =	sbr.ind lr, $3  }
0x3a: {  	_ = 	snop  }
0x3b: {  	_ = 	snop  }
0x3c: {  	p2 =	seq.s32 s10, $0x1;
	s10 =	sld [smem:$0x3FB1]  }
0x3d: {  	_ =	shalt  }
0x3e: {  	_ =	shalt  }
0x3f: {  	_ =	shalt  }
0x40: {  	_ =	shalt  }
0x41: {  	_ =	shalt  }
0x42: {  	_ =	shalt  }
0x43: {  	_ =	shalt  }
0x44: {  	_ =	shalt  }
0x45: {  	_ =	shalt  }
0x46: {  	_ =	shalt  }
0x47: {  	_ =	shalt  }
0x48: {  	_ =	shalt  }
0x49: {  	_ =	shalt  }
0x4a: {  	_ =	shalt  }
0x4b: {  	_ =	shalt  }
0x4c: {  	_ =	shalt  }
0x4d: {  	_ =	shalt  }
0x4e: {  	_ =	shalt  }
0x4f: {  	_ =	shalt  }
0x50: {  	_ =	shalt  }
0x51: {  	_ =	shalt  }
0x52: {  	_ =	shalt  }
0x53: {  	_ =	shalt  }
0x54: {  	_ =	shalt  }
0x55: {  	_ =	shalt  }
0x56: {  	_ =	shalt  }
0x57: {  	_ =	shalt  }
0x58: {  	_ =	shalt  }
0x59: {  	_ =	shalt  }
0x5a: {  	_ =	shalt  }
0x5b: {  	_ =	shalt  }
0x5c: {  	_ =	shalt  }
0x5d: {  	_ =	shalt  }
0x5e: {  	_ =	shalt  }
0x5f: {  	_ =	shalt  }
0x60: {  	_ =	shalt  }
0x61: {  	_ =	shalt  }
0x62: {  	_ =	shalt  }
0x63: {  	_ =	shalt  }
0x64: {  	_ =	shalt  }
0x65: {  	_ =	shalt  }
0x66: {  	_ =	shalt  }
0x67: {  	_ =	shalt  }
0x68: {  	_ =	shalt  }
0x69: {  	_ =	shalt  }
0x6a: {  	_ =	shalt  }
0x6b: {  	_ =	shalt  }
0x6c: {  	_ =	shalt  }
0x6d: {  	_ =	shalt  }
0x6e: {  	_ =	shalt  }
0x6f: {  	_ =	shalt  }
0x70: {  	_ =	shalt  }
0x71: {  	_ =	shalt  }
0x72: {  	_ =	shalt  }
0x73: {  	_ =	shalt  }
0x74: {  	_ =	shalt  }
0x75: {  	_ =	shalt  }
0x76: {  	_ =	shalt  }
0x77: {  	_ =	shalt  }
0x78: {  	_ =	shalt  }
0x79: {  	_ =	shalt  }
0x7a: {  	_ =	shalt  }
0x7b: {  	_ =	shalt  }
0x7c: {  	_ =	shalt  }
0x7d: {  	_ =	shalt  }
0x7e: {  	_ =	shalt  }
0x7f: {  	_ =	shalt  }
0x80: {  	_ =	shalt  }
0x81: {  	_ =	shalt  }
0x82: {  	_ =	shalt  }
0x83: {  	_ =	shalt  }
0x84: {  	_ =	shalt  }
0x85: {  	_ =	shalt  }
0x86: {  	_ =	shalt  }
0x87: {  	_ =	shalt  }
.Lfunc_end0:
.L_simem_size_0:
called_computation.5_lowered:
.L_overlay_start_0:
0x88: {  	s2 =	sld [smem:$0x3FD9]  }
0x89: {  	s3 =	sld [smem:$0x3FFE];
	_ =	sdelay $0x1  }
0x8a: {  	s1 =	srdreg.scid  }
0x8b: {  	s0 =	sand.u32 $0x1, s1  }
0x8c: {  	s17 =	sshll.u32 s0, $0xA;
	s2 =	sadd.s32 s3, s2  }
0x8d: {  	s2 =	sadd.s32 s2, s17  }
0x8e: {  	[smem:$0x3FBD] =	sst s2  }
0x8f: {  	_ = 	snop  }
0x90: {  	(tm) =	ssettm $0x1  }
0x91: {  	s18 =	sld [smem:$0x3FFB];
	_ =	sdelay $0x3  }
0x92: {  	_ =	strace s18  }
0x93: {  	s2 =	sld [smem:$0x3FFC];
	_ =	sdelay $0x3  }
0x94: {  	_ =	strace s2  }
0x95: {  	s2 =	sld [smem:$0x3FFD];
	_ =	sdelay $0x3  }
0x96: {  	_ =	strace s2  }
0x97: {  	_ =	strace $0x8FFFFFFF  }
0x98: {  	s19 =	sld [smem:$0x3FDB];
	_ =	sdelay $0x1  }
0x99: {  	s20 =	simm.s32 $_scs_section_size  }
0x9a: {  	s4 =	simm.s32 $_size__tile_overlayer_lowered;
	s5 =	simm.s32 $_tile_overlayer_lowered  }
0x9b: {  	s6 =	simm.s32 $0x1BFF;
	s21 =	sshll.u32 s5, $0x1;
	s3 =	sadd.s32 s20, s19  }
0x9c: {  	s22 =	simm.s32 $0x0;
	s4 =	sshll.u32 s4, $0x1;
	s5 =	sadd.s32 s21, s3  }
0x9d: {  	[timem:s22], [sflag:s6] =	dma.local [hbm:s5], s4  }
0x9e: {  	_ =	swait.ge [sflag:s6], s4  }
0x9f: {  	s4 =	ssub.s32 $0x0, s4;
	[sflag:s6] =	ssyncset.done $0x0  }
0xa0: {  	[sflag:s6] =	ssyncadd.s32 s4;
	_ =	sdelay $0x1  }
0xa1: {  	s23 =	simm.s32 $0x1B8B  }
0xa2: {  	_ =	swait.ge [sflag:s23], $0x1  }
0xa3: {  	[sflag:s23] =	ssyncset.done $0x0  }
0xa4: {  	[sflag:s23] =	ssyncadd.s32 $0xFFFFFFFF  }
0xa5: {  	s4 =	sld [smem:$0x0]  }
0xa6: {  	s5 =	sand.u32 $0xFFFFFFFE, s1  }
0xa7: {  	p0 =	sne.s32 s1, s5  }
0xa8: {  	s5 =	sshll.u32 @p0 s5, $0xE  }
0xa9: {  	s5 =	sadd.s32 @p0 $0x11B8D, s5;
	s6 =	sshll.u32 @p0 s4, $0x11  }
0xaa: {  	s5 =	sor.u32 @p0 s6, s5  }
0xab: {  	[sflag:s5] =	ssyncadd.remote.s32 @p0 $0x1;
	_ =	sdelay $0x1  }
0xac: {  	s5 =	simm.s32 @p0 $0x1B8D  }
0xad: {  	_ =	swait.eq @p0 [sflag:s5], $0x1  }
0xae: {  	[sflag:s5] =	ssyncadd.s32 @p0 $0xFFFFFFFF  }
0xaf: {  	s6 =	sshll.u32 @!p0 s1, $0xE  }
0xb0: {  	s6 =	sor.u32 @!p0 $0x4000, s6;
	s5 =	simm.s32 @!p0 $0x1B8D  }
0xb1: {  	s4 =	sshll.u32 @!p0 s4, $0x11;
	s6 =	sadd.s32 @!p0 $0x11B8D, s6;
	_ =	swait.eq @!p0 [sflag:s5], $0x1  }
0xb2: {  	s4 =	sor.u32 @!p0 s4, s6;
	[sflag:s5] =	ssyncadd.s32 @!p0 $0xFFFFFFFF  }
0xb3: {  	s25 =	simm.s32 $0x1B8E;
	s24 =	sld [smem:$0x3FFE];
	[sflag:s4] =	ssyncadd.remote.s32 @!p0 $0x1  }
0xb4: {  	s26 =	simm.s32 $execute0_lowered;
	[smem:$0x3FD2] =	sst s25  }
0xb5: {  	s5 =	sshll.u32 s26, $0x1;
	_ =	strace $0x8000005B;
	[dreg:$0x1] =	wrdreg $0xFFFFFFFF  }
0xb6: {  	s28 =	simm.s32 $_size_execute0_lowered;
	s3 =	sadd.s32 s3, s5;
	[dreg:$0x0] =	wrdreg $0x0  }
0xb7: {  	s5 =	sshll.u32 s28, $0x1;
	[dreg:$0x2] =	wrdreg s3  }
0xb8: {  	[dreg:$0x3] =	wrdreg s5  }
0xb9: {  	[dreg:$0x4] =	wrdreg $0xC0  }
0xba: {  	_ =	task [dreg:s22], $0x5FFFF  }
0xbb: {  	[dreg:$0x1] =	wrdreg $0xFFFFFFFF  }
0xbc: {  	[dreg:$0x0] =	wrdreg $0x60  }
0xbd: {  	[dreg:$0x2] =	wrdreg s24  }
0xbe: {  	[dreg:$0x3] =	wrdreg $0x9  }
0xbf: {  	_ =	task.clear_ibuf [dreg:s22], $0x4FFFF;
	_ =	strace $0x9000005B  }
0xc0: {  	s29 =	simm.s32 $0x9;
	_ =	strace $0x8000005D  }
0xc1: {  	_ =	swait.ge [sflag:s29], $0x1  }
0xc2: {  	[sflag:s29] =	ssyncadd.s32 $0xFFFFFFFF  }
0xc3: {  	_ =	strace $0x9000005D  }
0xc4: {  	_ =	sfence  }
0xc5: {  	s30 =	sld [smem:$0x0];
	_ =	sdelay $0x2  }
0xc6: {  	s31 =	sshll.u32 s1, $0xD;
	s1 =	sshrl.u32 s1, $0x2  }
0xc7: {  	s4 =	sand.u32 $0x4000, s31;
	s1 =	sadd.s32 s1, s30  }
0xc8: {  	s0 =	sor.u32 s4, s0;
	s1 =	sshll.u32 s1, $0x11  }
0xc9: {  	s0 =	sor.u32 s1, s0  }
0xca: {  	s0 =	sadd.s32 $0x8F2B, s0  }
0xcb: {  	[sflag:s0] =	ssyncadd.remote.s32 $0x1  }
0xcc: {  	_ =	sfence.sel $0xFFFF  }
0xcd: {  	[dreg:$0x0] =	wrdreg $0xFFFFFFFF;
	(pc) =	sbr.abs _section_cstart, $3  }
0xce: {  	[dreg:$0x1] =	wrdreg $0xFFFFFFFF  }
0xcf: {  	_ =	task.clear_ibuf [dreg:s22], $0x2FFFF;
	_ =	strace $0x9FFFFFFF  }
0xd0: {  	(tm) =	ssettm $0x7FFFFFFF  }
0xd1: {  	_ =	shalt  }
tec
execute0_lowered:
.L_overlay_start_1:
0x0: {  	(tag) =	ssettag $0x1  }
0x1: {  	s0 =	srdreg.scid  }
0x2: {  	s1 =	stileid.u32;
	s3 =	rddreg [dreg:$0x0];
	s19 =	simm.s32 $0x880  }
0x3: {  	s20 =	simm.s32 $0x100;
	s22 =	simm.s32 $0x900;
	s23 =	simm.s32 $0x180  }
0x4: {  	s24 =	simm.s32 $0x980;
	s5 =	simm.s32 $0x2;
	s25 =	simm.s32 $0x200  }
0x5: {  	s6 =	simm.s32 $0x80;
	s0 =	sand.u32 $0x1, s0;
	s1 =	smul.u32 $0x11000, s1  }
0x6: {  	s26 =	simm.s32 $0xA00;
	s7 =	simm.s32 $0x800;
	s2 =	smul.u32 $0x8800, s0  }
0x7: {  	s31 =	simm.s32 $0x280;
	s8 =	simm.s32 $0xA80;
	s9 =	simm.s32 $0x300  }
0x8: {  	s10 =	simm.s32 $0xB00;
	s1 =	sadd.s32 s2, s1;
	s2 =	simm.s32 $0x0  }
0x9: {  	s11 =	simm.s32 $0x380;
	s0 =	ssub.s32 $0x2, s0;
	[smem:$0x7FF] =	sst s2  }
0xa: {  	s21 =	sshrl.u32 s0, $0x1;
	_ =	strace $0x8000005C;
	[dreg:$0x4] =	wrdreg s19  }
0xb: {  	s12 =	simm.s32 $0xB80;
	s0 =	ssub.s32 s0, s21;
	[dreg:$0x5] =	wrdreg s20  }
0xc: {  	s13 =	simm.s32 $0x400;
	s0 =	smax.u32 s0, $0x1;
	[dreg:$0x6] =	wrdreg s22  }
0xd: {  	s14 =	simm.s32 $0xC00;
	s15 =	simm.s32 $0x480;
	[dreg:$0xc] =	wrdreg s0  }
0xe: {  	s16 =	simm.s32 $0xC80;
	s17 =	simm.s32 $0x500;
	[dreg:$0x7] =	wrdreg s23  }
0xf: {  	s18 =	simm.s32 $0xD00;
	s28 =	simm.s32 $0x780;
	[dreg:$0x8] =	wrdreg s24  }
0x10: {  	s29 =	simm.s32 $0xF80;
	s30 =	simm.s32 $0x1;
	[dreg:$0x9] =	wrdreg s25  }
0x11: {  	s21 =	simm.s32 $0x600;
	s1 =	sshrl.u32 s1, $0x3;
	[dreg:$0xa] =	wrdreg s26  }
0x12: {  	s1 =	sadd.s32 s1, s3;
	s3 =	sadd.s32 $0x2C84600, s3;
	[dreg:$0xb] =	wrdreg s31  }
0x13: {  	s19 =	simm.s32 $0x580;
	s20 =	simm.s32 $0xD80;
	s22 =	simm.s32 $0xE00  }
0x14: {  	s23 =	simm.s32 $0x680;
	s24 =	simm.s32 $0xE80;
	s4 =	sadd.s32 $0x116800, s1  }
0x15: {  	s25 =	simm.s32 $0x700;
	s1 =	sadd.s32 $0x8E800, s1;
	[dreg:$0x2] =	wrdreg s4  }
0x16: {  	s26 =	simm.s32 $0xF00;
	[dreg:$0x3] =	wrdreg s1;
	s1 =	simm.s32 $0x0  }
.LBB2_1:
0x17: {  	s0 =	rddreg [dreg:$0x3]  }
0x18: {  	[dreg:$0xd] =	wrdreg s1;
	s0 =	sadd.s32 $0x0, s0  }
0x19: {  	[tilespmem:s2], [sflag:$0x2] =	stream.linear.gather [hbm4b:s0+s2], $0x800, $0x38;
	[tilespmem:$0x1000] =	vst v63  }
0x1a: {  	_ =	swait.ge [sflag:s5], $0x800  }
0x1b: {  	s0 =	rddreg [dreg:$0x5]  }
0x1c: {  	[sflag:s5] =	ssyncset.done $0x0;
	s1 =	rddreg [dreg:$0x4]  }
0x1d: {  	s4 =	rddreg [dreg:$0x6];
	[sflag:s5] =	ssyncadd.s32 $0xFFFFF800  }
0x1e: {  	[tilespmem:s7], [sflag:$0x1] =	stream.indirect.gather [hbm4b:s3+s6], $0x1, s2, s6, $0xb8;
	[tilespmem:$0x1000] =	vst v63  }
0x1f: {  	s31 =	rddreg [dreg:$0x8]  }
0x20: {  	[tilespmem:s1], [sflag:$0x1] =	stream.indirect.gather [hbm4b:s3+s6], $0x1, s6, s6, $0xb8;
	[tilespmem:$0x1000] =	vst v63  }
0x21: {  	s1 =	rddreg [dreg:$0x7]  }
0x22: {  	[tilespmem:s4], [sflag:$0x1] =	stream.indirect.gather [hbm4b:s3+s6], $0x1, s0, s6, $0xb8;
	[tilespmem:$0x1000] =	vst v63  }
0x23: {  	s0 =	rddreg [dreg:$0xa]  }
0x24: {  	[tilespmem:s31], [sflag:$0x1] =	stream.indirect.gather [hbm4b:s3+s6], $0x1, s1, s6, $0xb8;
	[tilespmem:$0x1000] =	vst v63  }
0x25: {  	s4 =	rddreg [dreg:$0x9]  }
0x26: {  	[tilespmem:s0], [sflag:$0x1] =	stream.indirect.gather [hbm4b:s3+s6], $0x1, s4, s6, $0xb8;
	[tilespmem:$0x1000] =	vst v63  }
0x27: {  	s31 =	rddreg [dreg:$0xb]  }
0x28: {  	[tilespmem:s8], [sflag:$0x1] =	stream.indirect.gather [hbm4b:s3+s6], $0x1, s31, s6, $0xb8;
	[tilespmem:$0x1000] =	vst v63  }
0x29: {  	_ = 	snop  }
0x2a: {  	[tilespmem:s10], [sflag:$0x1] =	stream.indirect.gather [hbm4b:s3+s6], $0x1, s9, s6, $0xb8;
	[tilespmem:$0x1000] =	vst v63  }
0x2b: {  	_ = 	snop  }
0x2c: {  	[tilespmem:s12], [sflag:$0x1] =	stream.indirect.gather [hbm4b:s3+s6], $0x1, s11, s6, $0xb8;
	[tilespmem:$0x1000] =	vst v63  }
0x2d: {  	_ = 	snop  }
0x2e: {  	[tilespmem:s14], [sflag:$0x1] =	stream.indirect.gather [hbm4b:s3+s6], $0x1, s13, s6, $0xb8;
	[tilespmem:$0x1000] =	vst v63  }
0x2f: {  	_ = 	snop  }
0x30: {  	[tilespmem:s16], [sflag:$0x1] =	stream.indirect.gather [hbm4b:s3+s6], $0x1, s15, s6, $0xb8;
	[tilespmem:$0x1000] =	vst v63  }
0x31: {  	_ = 	snop  }
0x32: {  	[tilespmem:s18], [sflag:$0x1] =	stream.indirect.gather [hbm4b:s3+s6], $0x1, s17, s6, $0xb8;
	[tilespmem:$0x1000] =	vst v63  }
0x33: {  	_ = 	snop  }
0x34: {  	[tilespmem:s20], [sflag:$0x1] =	stream.indirect.gather [hbm4b:s3+s6], $0x1, s19, s6, $0xb8;
	[tilespmem:$0x1000] =	vst v63  }
0x35: {  	_ = 	snop  }
0x36: {  	[tilespmem:s22], [sflag:$0x1] =	stream.indirect.gather [hbm4b:s3+s6], $0x1, s21, s6, $0xb8;
	[tilespmem:$0x1000] =	vst v63  }
0x37: {  	_ = 	snop  }
0x38: {  	[tilespmem:s24], [sflag:$0x1] =	stream.indirect.gather [hbm4b:s3+s6], $0x1, s23, s6, $0xb8;
	[tilespmem:$0x1000] =	vst v63  }
0x39: {  	_ = 	snop  }
0x3a: {  	[tilespmem:s26], [sflag:$0x1] =	stream.indirect.gather [hbm4b:s3+s6], $0x1, s25, s6, $0xb8;
	[tilespmem:$0x1000] =	vst v63  }
0x3b: {  	_ = 	snop  }
0x3c: {  	[tilespmem:s29], [sflag:$0x1] =	stream.indirect.gather [hbm4b:s3+s6], $0x1, s28, s6, $0xb8;
	[tilespmem:$0x1000] =	vst v63  }
0x3d: {  	_ =	swait.ge [sflag:s30], $0x80  }
0x3e: {  	[sflag:s30] =	ssyncset.done $0x0  }
0x3f: {  	[sflag:s30] =	ssyncadd.s32 $0xFFFFFF80  }
0x40: {  	_ =	swait.ge [sflag:s30], $0x80  }
0x41: {  	[sflag:s30] =	ssyncset.done $0x0  }
0x42: {  	[sflag:s30] =	ssyncadd.s32 $0xFFFFFF80  }
0x43: {  	_ =	swait.ge [sflag:s30], $0x80  }
0x44: {  	[sflag:s30] =	ssyncset.done $0x0  }
0x45: {  	[sflag:s30] =	ssyncadd.s32 $0xFFFFFF80  }
0x46: {  	_ =	swait.ge [sflag:s30], $0x80  }
0x47: {  	[sflag:s30] =	ssyncset.done $0x0  }
0x48: {  	[sflag:s30] =	ssyncadd.s32 $0xFFFFFF80  }
0x49: {  	_ =	swait.ge [sflag:s30], $0x80  }
0x4a: {  	[sflag:s30] =	ssyncset.done $0x0  }
0x4b: {  	[sflag:s30] =	ssyncadd.s32 $0xFFFFFF80  }
0x4c: {  	_ =	swait.ge [sflag:s30], $0x80  }
0x4d: {  	[sflag:s30] =	ssyncset.done $0x0  }
0x4e: {  	[sflag:s30] =	ssyncadd.s32 $0xFFFFFF80  }
0x4f: {  	_ =	swait.ge [sflag:s30], $0x80  }
0x50: {  	[sflag:s30] =	ssyncset.done $0x0  }
0x51: {  	[sflag:s30] =	ssyncadd.s32 $0xFFFFFF80  }
0x52: {  	_ =	swait.ge [sflag:s30], $0x80  }
0x53: {  	[sflag:s30] =	ssyncset.done $0x0  }
0x54: {  	[sflag:s30] =	ssyncadd.s32 $0xFFFFFF80  }
0x55: {  	_ =	swait.ge [sflag:s30], $0x80  }
0x56: {  	[sflag:s30] =	ssyncset.done $0x0  }
0x57: {  	[sflag:s30] =	ssyncadd.s32 $0xFFFFFF80  }
0x58: {  	_ =	swait.ge [sflag:s30], $0x80  }
0x59: {  	[sflag:s30] =	ssyncset.done $0x0  }
0x5a: {  	[sflag:s30] =	ssyncadd.s32 $0xFFFFFF80  }
0x5b: {  	_ =	swait.ge [sflag:s30], $0x80  }
0x5c: {  	[sflag:s30] =	ssyncset.done $0x0  }
0x5d: {  	[sflag:s30] =	ssyncadd.s32 $0xFFFFFF80  }
0x5e: {  	_ =	swait.ge [sflag:s30], $0x80  }
0x5f: {  	[sflag:s30] =	ssyncset.done $0x0  }
0x60: {  	[sflag:s30] =	ssyncadd.s32 $0xFFFFFF80  }
0x61: {  	_ =	swait.ge [sflag:s30], $0x80  }
0x62: {  	[sflag:s30] =	ssyncset.done $0x0  }
0x63: {  	[sflag:s30] =	ssyncadd.s32 $0xFFFFFF80  }
0x64: {  	_ =	swait.ge [sflag:s30], $0x80  }
0x65: {  	[sflag:s30] =	ssyncset.done $0x0  }
0x66: {  	[sflag:s30] =	ssyncadd.s32 $0xFFFFFF80  }
0x67: {  	_ =	swait.ge [sflag:s30], $0x80  }
0x68: {  	[sflag:s30] =	ssyncset.done $0x0  }
0x69: {  	[sflag:s30] =	ssyncadd.s32 $0xFFFFFF80  }
0x6a: {  	_ =	swait.ge [sflag:s30], $0x80  }
0x6b: {  	s31 =	rddreg [dreg:$0x2];
	[sflag:s30] =	ssyncset.done $0x0  }
0x6c: {  	s1 =	simm.s32 $0x100;
	[sflag:s30] =	ssyncadd.s32 $0xFFFFFF80;
	s0 =	sadd.s32 $0x0, s31  }
.LBB2_2:
0x6d: {  	[hbm4b:s0+s2] =	stream.linear.scatter [tilespmem:s7], [sflag:$0x2], $0x800, $0x38;
	[tilespmem:$0x1000] =	vst v63  }
0x6e: {  	_ =	swait.ge [sflag:s5], $0x800  }
0x6f: {  	s0 =	smov.u32 s1;
	s4 =	rddreg [dreg:$0x3];
	[sflag:s5] =	ssyncset.done $0x0  }
0x70: {  	[sflag:s5] =	ssyncadd.s32 $0xFFFFF800;
	s4 =	sadd.s32 s0, s4  }
0x71: {  	[tilespmem:s2], [sflag:$0x2] =	stream.linear.gather [hbm4b:s4+s2], $0x800, $0x38;
	[tilespmem:$0x1000] =	vst v63  }
0x72: {  	_ =	swait.ge [sflag:s5], $0x800  }
0x73: {  	s4 =	rddreg [dreg:$0xa]  }
0x74: {  	s31 =	rddreg [dreg:$0x5];
	[sflag:s5] =	ssyncset.done $0x0  }
0x75: {  	s8 =	rddreg [dreg:$0x4];
	[sflag:s5] =	ssyncadd.s32 $0xFFFFF800  }
0x76: {  	[tilespmem:s7], [sflag:$0x1] =	stream.indirect.gather [hbm4b:s3+s6], $0x1, s2, s6, $0xb8;
	[tilespmem:$0x1000] =	vst v63  }
0x77: {  	s9 =	rddreg [dreg:$0x6]  }
0x78: {  	[tilespmem:s8], [sflag:$0x1] =	stream.indirect.gather [hbm4b:s3+s6], $0x1, s6, s6, $0xb8;
	[tilespmem:$0x1000] =	vst v63  }
0x79: {  	s10 =	rddreg [dreg:$0x8]  }
0x7a: {  	[tilespmem:s9], [sflag:$0x1] =	stream.indirect.gather [hbm4b:s3+s6], $0x1, s31, s6, $0xb8;
	[tilespmem:$0x1000] =	vst v63  }
0x7b: {  	s8 =	rddreg [dreg:$0x7]  }
0x7c: {  	[tilespmem:s10], [sflag:$0x1] =	stream.indirect.gather [hbm4b:s3+s6], $0x1, s8, s6, $0xb8;
	[tilespmem:$0x1000] =	vst v63  }
0x7d: {  	s9 =	rddreg [dreg:$0x9]  }
0x7e: {  	[tilespmem:s4], [sflag:$0x1] =	stream.indirect.gather [hbm4b:s3+s6], $0x1, s9, s6, $0xb8;
	[tilespmem:$0x1000] =	vst v63  }
0x7f: {  	s11 =	simm.s32 $0xA80;
	s31 =	rddreg [dreg:$0xb]  }
0x80: {  	[tilespmem:s11], [sflag:$0x1] =	stream.indirect.gather [hbm4b:s3+s6], $0x1, s31, s6, $0xb8;
	[tilespmem:$0x1000] =	vst v63  }
0x81: {  	s10 =	simm.s32 $0xB00;
	s9 =	simm.s32 $0x300  }
0x82: {  	[tilespmem:s10], [sflag:$0x1] =	stream.indirect.gather [hbm4b:s3+s6], $0x1, s9, s6, $0xb8;
	[tilespmem:$0x1000] =	vst v63  }
0x83: {  	s11 =	simm.s32 $0x380  }
0x84: {  	[tilespmem:s12], [sflag:$0x1] =	stream.indirect.gather [hbm4b:s3+s6], $0x1, s11, s6, $0xb8;
	[tilespmem:$0x1000] =	vst v63  }
0x85: {  	_ = 	snop  }
0x86: {  	[tilespmem:s14], [sflag:$0x1] =	stream.indirect.gather [hbm4b:s3+s6], $0x1, s13, s6, $0xb8;
	[tilespmem:$0x1000] =	vst v63  }
0x87: {  	_ = 	snop  }
0x88: {  	[tilespmem:s16], [sflag:$0x1] =	stream.indirect.gather [hbm4b:s3+s6], $0x1, s15, s6, $0xb8;
	[tilespmem:$0x1000] =	vst v63  }
0x89: {  	_ = 	snop  }
0x8a: {  	[tilespmem:s18], [sflag:$0x1] =	stream.indirect.gather [hbm4b:s3+s6], $0x1, s17, s6, $0xb8;
	[tilespmem:$0x1000] =	vst v63  }
0x8b: {  	_ = 	snop  }
0x8c: {  	[tilespmem:s20], [sflag:$0x1] =	stream.indirect.gather [hbm4b:s3+s6], $0x1, s19, s6, $0xb8;
	[tilespmem:$0x1000] =	vst v63  }
0x8d: {  	_ = 	snop  }
0x8e: {  	[tilespmem:s22], [sflag:$0x1] =	stream.indirect.gather [hbm4b:s3+s6], $0x1, s21, s6, $0xb8;
	[tilespmem:$0x1000] =	vst v63  }
0x8f: {  	_ = 	snop  }
0x90: {  	[tilespmem:s24], [sflag:$0x1] =	stream.indirect.gather [hbm4b:s3+s6], $0x1, s23, s6, $0xb8;
	[tilespmem:$0x1000] =	vst v63  }
0x91: {  	_ = 	snop  }
0x92: {  	[tilespmem:s26], [sflag:$0x1] =	stream.indirect.gather [hbm4b:s3+s6], $0x1, s25, s6, $0xb8;
	[tilespmem:$0x1000] =	vst v63  }
0x93: {  	_ = 	snop  }
0x94: {  	[tilespmem:s29], [sflag:$0x1] =	stream.indirect.gather [hbm4b:s3+s6], $0x1, s28, s6, $0xb8;
	[tilespmem:$0x1000] =	vst v63  }
0x95: {  	_ =	swait.ge [sflag:s30], $0x80  }
0x96: {  	[sflag:s30] =	ssyncset.done $0x0  }
0x97: {  	[sflag:s30] =	ssyncadd.s32 $0xFFFFFF80  }
0x98: {  	_ =	swait.ge [sflag:s30], $0x80  }
0x99: {  	[sflag:s30] =	ssyncset.done $0x0  }
0x9a: {  	[sflag:s30] =	ssyncadd.s32 $0xFFFFFF80  }
0x9b: {  	_ =	swait.ge [sflag:s30], $0x80  }
0x9c: {  	[sflag:s30] =	ssyncset.done $0x0  }
0x9d: {  	[sflag:s30] =	ssyncadd.s32 $0xFFFFFF80  }
0x9e: {  	_ =	swait.ge [sflag:s30], $0x80  }
0x9f: {  	[sflag:s30] =	ssyncset.done $0x0  }
0xa0: {  	[sflag:s30] =	ssyncadd.s32 $0xFFFFFF80  }
0xa1: {  	_ =	swait.ge [sflag:s30], $0x80  }
0xa2: {  	[sflag:s30] =	ssyncset.done $0x0  }
0xa3: {  	[sflag:s30] =	ssyncadd.s32 $0xFFFFFF80  }
0xa4: {  	_ =	swait.ge [sflag:s30], $0x80  }
0xa5: {  	[sflag:s30] =	ssyncset.done $0x0  }
0xa6: {  	[sflag:s30] =	ssyncadd.s32 $0xFFFFFF80  }
0xa7: {  	_ =	swait.ge [sflag:s30], $0x80  }
0xa8: {  	[sflag:s30] =	ssyncset.done $0x0  }
0xa9: {  	[sflag:s30] =	ssyncadd.s32 $0xFFFFFF80  }
0xaa: {  	_ =	swait.ge [sflag:s30], $0x80  }
0xab: {  	[sflag:s30] =	ssyncset.done $0x0  }
0xac: {  	[sflag:s30] =	ssyncadd.s32 $0xFFFFFF80  }
0xad: {  	_ =	swait.ge [sflag:s30], $0x80  }
0xae: {  	[sflag:s30] =	ssyncset.done $0x0  }
0xaf: {  	[sflag:s30] =	ssyncadd.s32 $0xFFFFFF80  }
0xb0: {  	_ =	swait.ge [sflag:s30], $0x80  }
0xb1: {  	[sflag:s30] =	ssyncset.done $0x0  }
0xb2: {  	[sflag:s30] =	ssyncadd.s32 $0xFFFFFF80  }
0xb3: {  	_ =	swait.ge [sflag:s30], $0x80  }
0xb4: {  	[sflag:s30] =	ssyncset.done $0x0  }
0xb5: {  	[sflag:s30] =	ssyncadd.s32 $0xFFFFFF80  }
0xb6: {  	_ =	swait.ge [sflag:s30], $0x80  }
0xb7: {  	[sflag:s30] =	ssyncset.done $0x0  }
0xb8: {  	[sflag:s30] =	ssyncadd.s32 $0xFFFFFF80  }
0xb9: {  	_ =	swait.ge [sflag:s30], $0x80  }
0xba: {  	[sflag:s30] =	ssyncset.done $0x0  }
0xbb: {  	[sflag:s30] =	ssyncadd.s32 $0xFFFFFF80  }
0xbc: {  	_ =	swait.ge [sflag:s30], $0x80  }
0xbd: {  	[sflag:s30] =	ssyncset.done $0x0  }
0xbe: {  	[sflag:s30] =	ssyncadd.s32 $0xFFFFFF80  }
0xbf: {  	p0 =	sne.s32 s1, $0x1000;
	_ =	swait.ge [sflag:s30], $0x80  }
.Ltmp0:
0xc0: {  	[sflag:s30] =	ssyncset.done $0x0;
	(pc) =	sbr.rel @p0 .LBB2_2-.Ltmp0, $4  }
0xc1: {  	[sflag:s30] =	ssyncadd.s32 $0xFFFFFF80  }
0xc2: {  	_ =	swait.ge [sflag:s30], $0x80  }
0xc3: {  	s1 =	sadd.s32 $0x100, s1;
	s31 =	rddreg [dreg:$0x2];
	[sflag:s30] =	ssyncset.done $0x0  }
0xc4: {  	s8 =	simm.s32 $0xA80;
	[sflag:s30] =	ssyncadd.s32 $0xFFFFFF80;
	s0 =	sadd.s32 s0, s31  }
0xc5: {  	[hbm4b:s0+s2] =	stream.linear.scatter [tilespmem:s7], [sflag:$0x2], $0x800, $0x38;
	[tilespmem:$0x1000] =	vst v63  }
0xc6: {  	_ =	swait.ge [sflag:s5], $0x800  }
0xc7: {  	s1 =	rddreg [dreg:$0xd]  }
0xc8: {  	s31 =	rddreg [dreg:$0xc];
	s1 =	sadd.s32 $0x1, s1  }
0xc9: {  	p0 =	sne.s32 s1, s31  }
.Ltmp1:
0xca: {  	_ = 	snop;
	(pc) =	sbr.rel @p0 .LBB2_1-.Ltmp1, $3  }
0xcb: {  	_ =	sdelay $0x1  }
0xcc: {  	[sflag:s5] =	ssyncset.done $0x0  }
0xcd: {  	[sflag:s5] =	ssyncadd.s32 $0xFFFFF800  }
0xce: {  	_ =	sfence.sel $0x180000  }
0xcf: {  	[bflag:$0x0] =	sbarrier.arrive $0xFFFF  }
0xd0: {  	_ =	strace $0x9000005C  }
0xd1: {  	s0 =	stileid.u32;
	[bflag:$0x2] =	sbarrier.arrive $0xFFFF  }
0xd2: {  	p0 =	sne.s32 s0, $0x0;
	s0 =	rddreg [dreg:$0x1]  }
0xd3: {  	s0 =	sadd.s32 @!p0 $0x100000, s0  }
0xd4: {  	[sflag:s0] =	ssyncadd.tile.s32 @!p0 $0x1;
	_ =	shalt  }
.Lfunc_end2:
_tile_overlayer_lowered:
.L_overlay_start_2:
0xd5: {  	(tag) =	ssettag $0x2  }
0xd6: {  	s0 =	rddreg [dreg:$0x0];
	s2 =	stileid.u32  }
0xd7: {  	s1 =	rddreg [dreg:$0x1];
	p0 =	sne.s32 s2, $0x0  }
0xd8: {  	s3 =	rddreg [dreg:$0x2];
	[bflag:$0x3] =	sbarrier.arrive $0xFFFF;
	s2 =	simm.s32 @!p0 $0x1C02  }
0xd9: {  	[timem:s3], [sflag:s2] =	dma.local @!p0 [hbm:s0], s1  }
0xda: {  	s0 =	simm.s32 @!p0 $0x2  }
0xdb: {  	_ =	swait.ge @!p0 [sflag:s0], s1  }
0xdc: {  	s1 =	ssub.s32 @!p0 $0x0, s1;
	[sflag:s0] =	ssyncset.done @!p0 $0x0  }
0xdd: {  	[sflag:s0] =	ssyncadd.s32 @!p0 s1  }
0xde: {  	[bflag:$0x3] =	sbarrier.arrive $0xFFFF  }
0xdf: {  	_ =	shalt  }

// kernel: kernel.22.cloned.1.call-start
scs
__scs_entry_jumppad:
0x0: {  	(pc) =	sbr.rel $0x88, $3  }
0x1: {  	(tag) =	ssettag $0x0;
	lr =	simm.s32 $0x1  }
0x2: {  	[smem:$0x3F96] =	sst lr;
	_ =	strace $0xD0000000  }
0x3: {  	_ = 	snop  }
0x4: {  	_ = 	snop  }
0x5: {  	_ = 	snop  }
0x6: {  	_ = 	snop  }
0x7: {  	_ = 	snop  }
__scs_overlays_trampoline_lowered:
0x8: {  	[smem:$0x3FA5] =	sst s0  }
0x9: {  	[smem:$0x3FA6] =	sst s1  }
0xa: {  	[smem:$0x3FA7] =	sst s2  }
0xb: {  	[smem:$0x3FA8] =	sst s3  }
0xc: {  	[smem:$0x3FA9] =	sst s4  }
0xd: {  	[smem:$0x3FAA] =	sst s5  }
0xe: {  	[smem:$0x3FAB] =	sst s6  }
0xf: {  	[smem:$0x3FAC] =	sst s7  }
0x10: {  	[smem:$0x3FAD] =	sst s8  }
0x11: {  	[smem:$0x3FAE] =	sst s9;
	s0 =	simm.s32 @!p0 $0x0  }
0x12: {  	s1 =	sld [smem:$0x3F94];
	s0 =	simm.s32 @p0 $0x1  }
0x13: {  	[smem:$0x3FAF] =	sst s0;
	s0 =	simm.s32 @!p1 $0x0  }
0x14: {  	s2 =	sld [smem:$0x3F93];
	s0 =	simm.s32 @p1 $0x1  }
0x15: {  	[smem:$0x3FB0] =	sst s0;
	s0 =	simm.s32 @!p2 $0x0  }
0x16: {  	s3 =	sld [smem:$0x3FDB];
	s0 =	simm.s32 @p2 $0x1  }
0x17: {  	s4 =	simm.s32 $0x1BF5;
	[smem:$0x3FB2] =	sst s0  }
0x18: {  	s0 =	sld [smem:$0x3F95];
	_ =	swait.ge [sflag:s4], $0x0  }
0x19: {  	s7 =	sld [smem:$0x3F96]  }
0x1a: {  	s8 =	sadd.s32 $0xFFFFE003, lr  }
0x1b: {  	s9 =	sadd.s32 $0xFFFFFEF7, lr;
	s5 =	simm.s32 $0xFFFFFFFF;
	p2 =	slt.u32 s8, $0xFFFFF086  }
0x1c: {  	p1 =	slt.u32 s9, $0xF7A;
	s5 =	simm.s32 @!p2 $0x0  }
0x1d: {  	s5 =	simm.s32 @p1 $0x1;
	p0 =	seq.s32 s7, s2  }
0x1e: {  	s7 =	smul.u32 @!p0 $0xF7A, s2;
	p2 =	seq.s32 @!p0 s5, $0x0  }
0x1f: {  	s9 =	smul.u32 $0xF7A, s1;
	s8 =	simm.s32 @!p0 $0x1BF5;
	p2 =	por !p2, p0  }
0x20: {  	[sflag:s8] =	ssyncset.s32 @!p0 $0xFFFFF086;
	s6 =	sadd.s32 @!p0 s3, s7;
	s7 =	simm.s32 @!p0 $0x108  }
0x21: {  	s3 =	sadd.s32 s3, s9;
	s6 =	sadd.s32 @!p0 $0x88, s6;
	s7 =	simm.s32 @p2 $0x1082  }
0x22: {  	[simem:s7], [sflag:s8] =	dma.local @!p0 [hbm:s6], $0xF7A  }
0x23: {  	s9 =	sor.u32 $0xD0000000, s2;
	s6 =	simm.s32 $0x108;
	_ =	swait.ge @!p0 [sflag:s8], $0x0  }
0x24: {  	s3 =	sadd.s32 $0x88, s3;
	s6 =	simm.s32 @!p1 $0x1082;
	[sflag:s4] =	ssyncset.s32 $0xFFFFF086  }
0x25: {  	[simem:s6], [sflag:s4] =	dma.local [hbm:s3], $0xF7A  }
0x26: {  	[smem:$0x3F96] =	sst s1;
	(tag) =	ssettag s2;
	_ =	strace s9  }
0x27: {  	s1 =	sld [smem:$0x3FA6]  }
0x28: {  	s2 =	sld [smem:$0x3FA7]  }
0x29: {  	s4 =	sld [smem:$0x3FA9]  }
0x2a: {  	p0 =	seq.s32 s5, $0x0;
	s5 =	sld [smem:$0x3FAA]  }
0x2b: {  	s6 =	sld [smem:$0x3FAB]  }
0x2c: {  	s7 =	sld [smem:$0x3FAC]  }
0x2d: {  	s3 =	simm.s32 $0x108;
	s8 =	sld [smem:$0x3FAD]  }
0x2e: {  	s3 =	simm.s32 @!p0 $0x1082;
	s9 =	sld [smem:$0x3FAE]  }
0x2f: {  	lr =	sadd.s32 s0, s3;
	s0 =	sld [smem:$0x3FA5]  }
0x30: {  	s3 =	sld [smem:$0x3FA8]  }
0x31: {  	[smem:$0x3FB1] =	sst s10  }
0x32: {  	s10 =	sld [smem:$0x3FAF];
	_ =	sdelay $0x3  }
0x33: {  	p0 =	seq.s32 s10, $0x1;
	s10 =	sld [smem:$0x3FB1];
	_ =	sdelay $0x3  }
0x34: {  	[smem:$0x3FB1] =	sst s10  }
0x35: {  	s10 =	sld [smem:$0x3FB0];
	_ =	sdelay $0x3  }
0x36: {  	p1 =	seq.s32 s10, $0x1;
	s10 =	sld [smem:$0x3FB1];
	_ =	sdelay $0x3  }
0x37: {  	[smem:$0x3FB1] =	sst s10  }
0x38: {  	s10 =	sld [smem:$0x3FB2]  }
0x39: {  	_ = 	snop;
	(pc) =	sbr.ind lr, $3  }
0x3a: {  	_ = 	snop  }
0x3b: {  	_ = 	snop  }
0x3c: {  	p2 =	seq.s32 s10, $0x1;
	s10 =	sld [smem:$0x3FB1]  }
0x3d: {  	_ =	shalt  }
0x3e: {  	_ =	shalt  }
0x3f: {  	_ =	shalt  }
0x40: {  	_ =	shalt  }
0x41: {  	_ =	shalt  }
0x42: {  	_ =	shalt  }
0x43: {  	_ =	shalt  }
0x44: {  	_ =	shalt  }
0x45: {  	_ =	shalt  }
0x46: {  	_ =	shalt  }
0x47: {  	_ =	shalt  }
0x48: {  	_ =	shalt  }
0x49: {  	_ =	shalt  }
0x4a: {  	_ =	shalt  }
0x4b: {  	_ =	shalt  }
0x4c: {  	_ =	shalt  }
0x4d: {  	_ =	shalt  }
0x4e: {  	_ =	shalt  }
0x4f: {  	_ =	shalt  }
0x50: {  	_ =	shalt  }
0x51: {  	_ =	shalt  }
0x52: {  	_ =	shalt  }
0x53: {  	_ =	shalt  }
0x54: {  	_ =	shalt  }
0x55: {  	_ =	shalt  }
0x56: {  	_ =	shalt  }
0x57: {  	_ =	shalt  }
0x58: {  	_ =	shalt  }
0x59: {  	_ =	shalt  }
0x5a: {  	_ =	shalt  }
0x5b: {  	_ =	shalt  }
0x5c: {  	_ =	shalt  }
0x5d: {  	_ =	shalt  }
0x5e: {  	_ =	shalt  }
0x5f: {  	_ =	shalt  }
0x60: {  	_ =	shalt  }
0x61: {  	_ =	shalt  }
0x62: {  	_ =	shalt  }
0x63: {  	_ =	shalt  }
0x64: {  	_ =	shalt  }
0x65: {  	_ =	shalt  }
0x66: {  	_ =	shalt  }
0x67: {  	_ =	shalt  }
0x68: {  	_ =	shalt  }
0x69: {  	_ =	shalt  }
0x6a: {  	_ =	shalt  }
0x6b: {  	_ =	shalt  }
0x6c: {  	_ =	shalt  }
0x6d: {  	_ =	shalt  }
0x6e: {  	_ =	shalt  }
0x6f: {  	_ =	shalt  }
0x70: {  	_ =	shalt  }
0x71: {  	_ =	shalt  }
0x72: {  	_ =	shalt  }
0x73: {  	_ =	shalt  }
0x74: {  	_ =	shalt  }
0x75: {  	_ =	shalt  }
0x76: {  	_ =	shalt  }
0x77: {  	_ =	shalt  }
0x78: {  	_ =	shalt  }
0x79: {  	_ =	shalt  }
0x7a: {  	_ =	shalt  }
0x7b: {  	_ =	shalt  }
0x7c: {  	_ =	shalt  }
0x7d: {  	_ =	shalt  }
0x7e: {  	_ =	shalt  }
0x7f: {  	_ =	shalt  }
0x80: {  	_ =	shalt  }
0x81: {  	_ =	shalt  }
0x82: {  	_ =	shalt  }
0x83: {  	_ =	shalt  }
0x84: {  	_ =	shalt  }
0x85: {  	_ =	shalt  }
0x86: {  	_ =	shalt  }
0x87: {  	_ =	shalt  }
.Lfunc_end0:
.L_simem_size_0:
called_computation.6_lowered:
.L_overlay_start_0:
0x88: {  	s2 =	sld [smem:$0x3FD9]  }
0x89: {  	s3 =	sld [smem:$0x3FFE];
	_ =	sdelay $0x1  }
0x8a: {  	s1 =	srdreg.scid  }
0x8b: {  	s0 =	sand.u32 $0x1, s1  }
0x8c: {  	s17 =	sshll.u32 s0, $0xA;
	s2 =	sadd.s32 s3, s2  }
0x8d: {  	s2 =	sadd.s32 s2, s17  }
0x8e: {  	[smem:$0x3FBD] =	sst s2  }
0x8f: {  	_ = 	snop  }
0x90: {  	(tm) =	ssettm $0x1  }
0x91: {  	s18 =	sld [smem:$0x3FFB];
	_ =	sdelay $0x3  }
0x92: {  	_ =	strace s18  }
0x93: {  	s2 =	sld [smem:$0x3FFC];
	_ =	sdelay $0x3  }
0x94: {  	_ =	strace s2  }
0x95: {  	s2 =	sld [smem:$0x3FFD];
	_ =	sdelay $0x3  }
0x96: {  	_ =	strace s2  }
0x97: {  	_ =	strace $0x8FFFFFFF  }
0x98: {  	s19 =	sld [smem:$0x3FDB];
	_ =	sdelay $0x1  }
0x99: {  	s20 =	simm.s32 $_scs_section_size  }
0x9a: {  	s4 =	simm.s32 $_size__tile_overlayer_lowered;
	s5 =	simm.s32 $_tile_overlayer_lowered  }
0x9b: {  	s6 =	simm.s32 $0x1BFF;
	s21 =	sshll.u32 s5, $0x1;
	s3 =	sadd.s32 s20, s19  }
0x9c: {  	s22 =	simm.s32 $0x0;
	s4 =	sshll.u32 s4, $0x1;
	s5 =	sadd.s32 s21, s3  }
0x9d: {  	[timem:s22], [sflag:s6] =	dma.local [hbm:s5], s4  }
0x9e: {  	_ =	swait.ge [sflag:s6], s4  }
0x9f: {  	s4 =	ssub.s32 $0x0, s4;
	[sflag:s6] =	ssyncset.done $0x0  }
0xa0: {  	[sflag:s6] =	ssyncadd.s32 s4;
	_ =	sdelay $0x1  }
0xa1: {  	s23 =	simm.s32 $0x1B8B  }
0xa2: {  	_ =	swait.ge [sflag:s23], $0x1  }
0xa3: {  	[sflag:s23] =	ssyncset.done $0x0  }
0xa4: {  	[sflag:s23] =	ssyncadd.s32 $0xFFFFFFFF  }
0xa5: {  	s4 =	sld [smem:$0x0]  }
0xa6: {  	s5 =	sand.u32 $0xFFFFFFFE, s1  }
0xa7: {  	p0 =	sne.s32 s1, s5  }
0xa8: {  	s5 =	sshll.u32 @p0 s5, $0xE  }
0xa9: {  	s5 =	sadd.s32 @p0 $0x11B8D, s5;
	s6 =	sshll.u32 @p0 s4, $0x11  }
0xaa: {  	s5 =	sor.u32 @p0 s6, s5  }
0xab: {  	[sflag:s5] =	ssyncadd.remote.s32 @p0 $0x1;
	_ =	sdelay $0x1  }
0xac: {  	s5 =	simm.s32 @p0 $0x1B8D  }
0xad: {  	_ =	swait.eq @p0 [sflag:s5], $0x1  }
0xae: {  	[sflag:s5] =	ssyncadd.s32 @p0 $0xFFFFFFFF  }
0xaf: {  	s6 =	sshll.u32 @!p0 s1, $0xE  }
0xb0: {  	s6 =	sor.u32 @!p0 $0x4000, s6;
	s5 =	simm.s32 @!p0 $0x1B8D  }
0xb1: {  	s4 =	sshll.u32 @!p0 s4, $0x11;
	s6 =	sadd.s32 @!p0 $0x11B8D, s6;
	_ =	swait.eq @!p0 [sflag:s5], $0x1  }
0xb2: {  	s4 =	sor.u32 @!p0 s4, s6;
	[sflag:s5] =	ssyncadd.s32 @!p0 $0xFFFFFFFF  }
0xb3: {  	s25 =	simm.s32 $0x1B8E;
	s24 =	sld [smem:$0x3FFE];
	[sflag:s4] =	ssyncadd.remote.s32 @!p0 $0x1  }
0xb4: {  	s26 =	simm.s32 $execute0_lowered;
	[smem:$0x3FD2] =	sst s25  }
0xb5: {  	s5 =	sshll.u32 s26, $0x1;
	_ =	strace $0x80000052;
	[dreg:$0x1] =	wrdreg $0xFFFFFFFF  }
0xb6: {  	s28 =	simm.s32 $_size_execute0_lowered;
	s3 =	sadd.s32 s3, s5;
	[dreg:$0x0] =	wrdreg $0x0  }
0xb7: {  	s5 =	sshll.u32 s28, $0x1;
	[dreg:$0x2] =	wrdreg s3  }
0xb8: {  	[dreg:$0x3] =	wrdreg s5  }
0xb9: {  	[dreg:$0x4] =	wrdreg $0xC0  }
0xba: {  	_ =	task [dreg:s22], $0x5FFFF  }
0xbb: {  	[dreg:$0x1] =	wrdreg $0xFFFFFFFF  }
0xbc: {  	[dreg:$0x0] =	wrdreg $0x60  }
0xbd: {  	[dreg:$0x2] =	wrdreg s24  }
0xbe: {  	[dreg:$0x3] =	wrdreg $0xA  }
0xbf: {  	_ =	task.clear_ibuf [dreg:s22], $0x4FFFF;
	_ =	strace $0x90000052  }
0xc0: {  	s29 =	simm.s32 $0xA;
	_ =	strace $0x80000054  }
0xc1: {  	_ =	swait.ge [sflag:s29], $0x1  }
0xc2: {  	[sflag:s29] =	ssyncadd.s32 $0xFFFFFFFF  }
0xc3: {  	_ =	strace $0x90000054  }
0xc4: {  	_ =	sfence  }
0xc5: {  	s30 =	sld [smem:$0x0];
	_ =	sdelay $0x2  }
0xc6: {  	s31 =	sshll.u32 s1, $0xD;
	s1 =	sshrl.u32 s1, $0x2  }
0xc7: {  	s4 =	sand.u32 $0x4000, s31;
	s1 =	sadd.s32 s1, s30  }
0xc8: {  	s0 =	sor.u32 s4, s0;
	s1 =	sshll.u32 s1, $0x11  }
0xc9: {  	s0 =	sor.u32 s1, s0  }
0xca: {  	s0 =	sadd.s32 $0x8F2B, s0  }
0xcb: {  	[sflag:s0] =	ssyncadd.remote.s32 $0x1  }
0xcc: {  	_ =	sfence.sel $0xFFFF  }
0xcd: {  	[dreg:$0x0] =	wrdreg $0xFFFFFFFF;
	(pc) =	sbr.abs _section_cstart, $3  }
0xce: {  	[dreg:$0x1] =	wrdreg $0xFFFFFFFF  }
0xcf: {  	_ =	task.clear_ibuf [dreg:s22], $0x2FFFF;
	_ =	strace $0x9FFFFFFF  }
0xd0: {  	(tm) =	ssettm $0x7FFFFFFF  }
0xd1: {  	_ =	shalt  }
tec
execute0_lowered:
.L_overlay_start_1:
0x0: {  	(tag) =	ssettag $0x1  }
0x1: {  	s0 =	srdreg.scid  }
0x2: {  	s1 =	stileid.u32;
	s3 =	rddreg [dreg:$0x0];
	s19 =	simm.s32 $0x880  }
0x3: {  	s20 =	simm.s32 $0x100;
	s22 =	simm.s32 $0x900;
	s23 =	simm.s32 $0x180  }
0x4: {  	s24 =	simm.s32 $0x980;
	s5 =	simm.s32 $0x2;
	s25 =	simm.s32 $0x200  }
0x5: {  	s6 =	simm.s32 $0x80;
	s0 =	sand.u32 $0x1, s0;
	s1 =	smul.u32 $0x11000, s1  }
0x6: {  	s26 =	simm.s32 $0xA00;
	s7 =	simm.s32 $0x800;
	s2 =	smul.u32 $0x8800, s0  }
0x7: {  	s31 =	simm.s32 $0x280;
	s8 =	simm.s32 $0xA80;
	s9 =	simm.s32 $0x300  }
0x8: {  	s10 =	simm.s32 $0xB00;
	s1 =	sadd.s32 s2, s1;
	s2 =	simm.s32 $0x0  }
0x9: {  	s11 =	simm.s32 $0x380;
	s0 =	ssub.s32 $0x2, s0;
	[smem:$0x7FF] =	sst s2  }
0xa: {  	s21 =	sshrl.u32 s0, $0x1;
	_ =	strace $0x80000053;
	[dreg:$0x4] =	wrdreg s19  }
0xb: {  	s12 =	simm.s32 $0xB80;
	s0 =	ssub.s32 s0, s21;
	[dreg:$0x5] =	wrdreg s20  }
0xc: {  	s13 =	simm.s32 $0x400;
	s0 =	smax.u32 s0, $0x1;
	[dreg:$0x6] =	wrdreg s22  }
0xd: {  	s14 =	simm.s32 $0xC00;
	s15 =	simm.s32 $0x480;
	[dreg:$0xc] =	wrdreg s0  }
0xe: {  	s16 =	simm.s32 $0xC80;
	s17 =	simm.s32 $0x500;
	[dreg:$0x7] =	wrdreg s23  }
0xf: {  	s18 =	simm.s32 $0xD00;
	s28 =	simm.s32 $0x780;
	[dreg:$0x8] =	wrdreg s24  }
0x10: {  	s29 =	simm.s32 $0xF80;
	s30 =	simm.s32 $0x1;
	[dreg:$0x9] =	wrdreg s25  }
0x11: {  	s21 =	simm.s32 $0x600;
	s1 =	sshrl.u32 s1, $0x3;
	[dreg:$0xa] =	wrdreg s26  }
0x12: {  	s1 =	sadd.s32 s1, s3;
	s3 =	sadd.s32 $0x7C2600, s3;
	[dreg:$0xb] =	wrdreg s31  }
0x13: {  	s19 =	simm.s32 $0x580;
	s20 =	simm.s32 $0xD80;
	s22 =	simm.s32 $0xE00  }
0x14: {  	s23 =	simm.s32 $0x680;
	s24 =	simm.s32 $0xE80;
	s4 =	sadd.s32 $0x6C800, s1  }
0x15: {  	s25 =	simm.s32 $0x700;
	s1 =	sadd.s32 $0x4A800, s1;
	[dreg:$0x2] =	wrdreg s4  }
0x16: {  	s26 =	simm.s32 $0xF00;
	[dreg:$0x3] =	wrdreg s1;
	s1 =	simm.s32 $0x0  }
.LBB2_1:
0x17: {  	s0 =	rddreg [dreg:$0x3]  }
0x18: {  	[dreg:$0xd] =	wrdreg s1;
	s0 =	sadd.s32 $0x0, s0  }
0x19: {  	[tilespmem:s2], [sflag:$0x2] =	stream.linear.gather [hbm4b:s0+s2], $0x800, $0x38;
	[tilespmem:$0x1000] =	vst v63  }
0x1a: {  	_ =	swait.ge [sflag:s5], $0x800  }
0x1b: {  	s0 =	rddreg [dreg:$0x5]  }
0x1c: {  	[sflag:s5] =	ssyncset.done $0x0;
	s1 =	rddreg [dreg:$0x4]  }
0x1d: {  	s4 =	rddreg [dreg:$0x6];
	[sflag:s5] =	ssyncadd.s32 $0xFFFFF800  }
0x1e: {  	[tilespmem:s7], [sflag:$0x1] =	stream.indirect.gather [hbm4b:s3+s6], $0x1, s2, s6, $0xb8;
	[tilespmem:$0x1000] =	vst v63  }
0x1f: {  	s31 =	rddreg [dreg:$0x8]  }
0x20: {  	[tilespmem:s1], [sflag:$0x1] =	stream.indirect.gather [hbm4b:s3+s6], $0x1, s6, s6, $0xb8;
	[tilespmem:$0x1000] =	vst v63  }
0x21: {  	s1 =	rddreg [dreg:$0x7]  }
0x22: {  	[tilespmem:s4], [sflag:$0x1] =	stream.indirect.gather [hbm4b:s3+s6], $0x1, s0, s6, $0xb8;
	[tilespmem:$0x1000] =	vst v63  }
0x23: {  	s0 =	rddreg [dreg:$0xa]  }
0x24: {  	[tilespmem:s31], [sflag:$0x1] =	stream.indirect.gather [hbm4b:s3+s6], $0x1, s1, s6, $0xb8;
	[tilespmem:$0x1000] =	vst v63  }
0x25: {  	s4 =	rddreg [dreg:$0x9]  }
0x26: {  	[tilespmem:s0], [sflag:$0x1] =	stream.indirect.gather [hbm4b:s3+s6], $0x1, s4, s6, $0xb8;
	[tilespmem:$0x1000] =	vst v63  }
0x27: {  	s31 =	rddreg [dreg:$0xb]  }
0x28: {  	[tilespmem:s8], [sflag:$0x1] =	stream.indirect.gather [hbm4b:s3+s6], $0x1, s31, s6, $0xb8;
	[tilespmem:$0x1000] =	vst v63  }
0x29: {  	_ = 	snop  }
0x2a: {  	[tilespmem:s10], [sflag:$0x1] =	stream.indirect.gather [hbm4b:s3+s6], $0x1, s9, s6, $0xb8;
	[tilespmem:$0x1000] =	vst v63  }
0x2b: {  	_ = 	snop  }
0x2c: {  	[tilespmem:s12], [sflag:$0x1] =	stream.indirect.gather [hbm4b:s3+s6], $0x1, s11, s6, $0xb8;
	[tilespmem:$0x1000] =	vst v63  }
0x2d: {  	_ = 	snop  }
0x2e: {  	[tilespmem:s14], [sflag:$0x1] =	stream.indirect.gather [hbm4b:s3+s6], $0x1, s13, s6, $0xb8;
	[tilespmem:$0x1000] =	vst v63  }
0x2f: {  	_ = 	snop  }
0x30: {  	[tilespmem:s16], [sflag:$0x1] =	stream.indirect.gather [hbm4b:s3+s6], $0x1, s15, s6, $0xb8;
	[tilespmem:$0x1000] =	vst v63  }
0x31: {  	_ = 	snop  }
0x32: {  	[tilespmem:s18], [sflag:$0x1] =	stream.indirect.gather [hbm4b:s3+s6], $0x1, s17, s6, $0xb8;
	[tilespmem:$0x1000] =	vst v63  }
0x33: {  	_ = 	snop  }
0x34: {  	[tilespmem:s20], [sflag:$0x1] =	stream.indirect.gather [hbm4b:s3+s6], $0x1, s19, s6, $0xb8;
	[tilespmem:$0x1000] =	vst v63  }
0x35: {  	_ = 	snop  }
0x36: {  	[tilespmem:s22], [sflag:$0x1] =	stream.indirect.gather [hbm4b:s3+s6], $0x1, s21, s6, $0xb8;
	[tilespmem:$0x1000] =	vst v63  }
0x37: {  	_ = 	snop  }
0x38: {  	[tilespmem:s24], [sflag:$0x1] =	stream.indirect.gather [hbm4b:s3+s6], $0x1, s23, s6, $0xb8;
	[tilespmem:$0x1000] =	vst v63  }
0x39: {  	_ = 	snop  }
0x3a: {  	[tilespmem:s26], [sflag:$0x1] =	stream.indirect.gather [hbm4b:s3+s6], $0x1, s25, s6, $0xb8;
	[tilespmem:$0x1000] =	vst v63  }
0x3b: {  	_ = 	snop  }
0x3c: {  	[tilespmem:s29], [sflag:$0x1] =	stream.indirect.gather [hbm4b:s3+s6], $0x1, s28, s6, $0xb8;
	[tilespmem:$0x1000] =	vst v63  }
0x3d: {  	_ =	swait.ge [sflag:s30], $0x80  }
0x3e: {  	[sflag:s30] =	ssyncset.done $0x0  }
0x3f: {  	[sflag:s30] =	ssyncadd.s32 $0xFFFFFF80  }
0x40: {  	_ =	swait.ge [sflag:s30], $0x80  }
0x41: {  	[sflag:s30] =	ssyncset.done $0x0  }
0x42: {  	[sflag:s30] =	ssyncadd.s32 $0xFFFFFF80  }
0x43: {  	_ =	swait.ge [sflag:s30], $0x80  }
0x44: {  	[sflag:s30] =	ssyncset.done $0x0  }
0x45: {  	[sflag:s30] =	ssyncadd.s32 $0xFFFFFF80  }
0x46: {  	_ =	swait.ge [sflag:s30], $0x80  }
0x47: {  	[sflag:s30] =	ssyncset.done $0x0  }
0x48: {  	[sflag:s30] =	ssyncadd.s32 $0xFFFFFF80  }
0x49: {  	_ =	swait.ge [sflag:s30], $0x80  }
0x4a: {  	[sflag:s30] =	ssyncset.done $0x0  }
0x4b: {  	[sflag:s30] =	ssyncadd.s32 $0xFFFFFF80  }
0x4c: {  	_ =	swait.ge [sflag:s30], $0x80  }
0x4d: {  	[sflag:s30] =	ssyncset.done $0x0  }
0x4e: {  	[sflag:s30] =	ssyncadd.s32 $0xFFFFFF80  }
0x4f: {  	_ =	swait.ge [sflag:s30], $0x80  }
0x50: {  	[sflag:s30] =	ssyncset.done $0x0  }
0x51: {  	[sflag:s30] =	ssyncadd.s32 $0xFFFFFF80  }
0x52: {  	_ =	swait.ge [sflag:s30], $0x80  }
0x53: {  	[sflag:s30] =	ssyncset.done $0x0  }
0x54: {  	[sflag:s30] =	ssyncadd.s32 $0xFFFFFF80  }
0x55: {  	_ =	swait.ge [sflag:s30], $0x80  }
0x56: {  	[sflag:s30] =	ssyncset.done $0x0  }
0x57: {  	[sflag:s30] =	ssyncadd.s32 $0xFFFFFF80  }
0x58: {  	_ =	swait.ge [sflag:s30], $0x80  }
0x59: {  	[sflag:s30] =	ssyncset.done $0x0  }
0x5a: {  	[sflag:s30] =	ssyncadd.s32 $0xFFFFFF80  }
0x5b: {  	_ =	swait.ge [sflag:s30], $0x80  }
0x5c: {  	[sflag:s30] =	ssyncset.done $0x0  }
0x5d: {  	[sflag:s30] =	ssyncadd.s32 $0xFFFFFF80  }
0x5e: {  	_ =	swait.ge [sflag:s30], $0x80  }
0x5f: {  	[sflag:s30] =	ssyncset.done $0x0  }
0x60: {  	[sflag:s30] =	ssyncadd.s32 $0xFFFFFF80  }
0x61: {  	_ =	swait.ge [sflag:s30], $0x80  }
0x62: {  	[sflag:s30] =	ssyncset.done $0x0  }
0x63: {  	[sflag:s30] =	ssyncadd.s32 $0xFFFFFF80  }
0x64: {  	_ =	swait.ge [sflag:s30], $0x80  }
0x65: {  	[sflag:s30] =	ssyncset.done $0x0  }
0x66: {  	[sflag:s30] =	ssyncadd.s32 $0xFFFFFF80  }
0x67: {  	_ =	swait.ge [sflag:s30], $0x80  }
0x68: {  	[sflag:s30] =	ssyncset.done $0x0  }
0x69: {  	[sflag:s30] =	ssyncadd.s32 $0xFFFFFF80  }
0x6a: {  	_ =	swait.ge [sflag:s30], $0x80  }
0x6b: {  	s31 =	rddreg [dreg:$0x2];
	[sflag:s30] =	ssyncset.done $0x0  }
0x6c: {  	s1 =	simm.s32 $0x100;
	[sflag:s30] =	ssyncadd.s32 $0xFFFFFF80;
	s0 =	sadd.s32 $0x0, s31  }
.LBB2_2:
0x6d: {  	[hbm4b:s0+s2] =	stream.linear.scatter [tilespmem:s7], [sflag:$0x2], $0x800, $0x38;
	[tilespmem:$0x1000] =	vst v63  }
0x6e: {  	_ =	swait.ge [sflag:s5], $0x800  }
0x6f: {  	s0 =	smov.u32 s1;
	s4 =	rddreg [dreg:$0x3];
	[sflag:s5] =	ssyncset.done $0x0  }
0x70: {  	[sflag:s5] =	ssyncadd.s32 $0xFFFFF800;
	s4 =	sadd.s32 s0, s4  }
0x71: {  	[tilespmem:s2], [sflag:$0x2] =	stream.linear.gather [hbm4b:s4+s2], $0x800, $0x38;
	[tilespmem:$0x1000] =	vst v63  }
0x72: {  	_ =	swait.ge [sflag:s5], $0x800  }
0x73: {  	s4 =	rddreg [dreg:$0xa]  }
0x74: {  	s31 =	rddreg [dreg:$0x5];
	[sflag:s5] =	ssyncset.done $0x0  }
0x75: {  	s8 =	rddreg [dreg:$0x4];
	[sflag:s5] =	ssyncadd.s32 $0xFFFFF800  }
0x76: {  	[tilespmem:s7], [sflag:$0x1] =	stream.indirect.gather [hbm4b:s3+s6], $0x1, s2, s6, $0xb8;
	[tilespmem:$0x1000] =	vst v63  }
0x77: {  	s9 =	rddreg [dreg:$0x6]  }
0x78: {  	[tilespmem:s8], [sflag:$0x1] =	stream.indirect.gather [hbm4b:s3+s6], $0x1, s6, s6, $0xb8;
	[tilespmem:$0x1000] =	vst v63  }
0x79: {  	s10 =	rddreg [dreg:$0x8]  }
0x7a: {  	[tilespmem:s9], [sflag:$0x1] =	stream.indirect.gather [hbm4b:s3+s6], $0x1, s31, s6, $0xb8;
	[tilespmem:$0x1000] =	vst v63  }
0x7b: {  	s8 =	rddreg [dreg:$0x7]  }
0x7c: {  	[tilespmem:s10], [sflag:$0x1] =	stream.indirect.gather [hbm4b:s3+s6], $0x1, s8, s6, $0xb8;
	[tilespmem:$0x1000] =	vst v63  }
0x7d: {  	s9 =	rddreg [dreg:$0x9]  }
0x7e: {  	[tilespmem:s4], [sflag:$0x1] =	stream.indirect.gather [hbm4b:s3+s6], $0x1, s9, s6, $0xb8;
	[tilespmem:$0x1000] =	vst v63  }
0x7f: {  	s11 =	simm.s32 $0xA80;
	s31 =	rddreg [dreg:$0xb]  }
0x80: {  	[tilespmem:s11], [sflag:$0x1] =	stream.indirect.gather [hbm4b:s3+s6], $0x1, s31, s6, $0xb8;
	[tilespmem:$0x1000] =	vst v63  }
0x81: {  	s10 =	simm.s32 $0xB00;
	s9 =	simm.s32 $0x300  }
0x82: {  	[tilespmem:s10], [sflag:$0x1] =	stream.indirect.gather [hbm4b:s3+s6], $0x1, s9, s6, $0xb8;
	[tilespmem:$0x1000] =	vst v63  }
0x83: {  	s11 =	simm.s32 $0x380  }
0x84: {  	[tilespmem:s12], [sflag:$0x1] =	stream.indirect.gather [hbm4b:s3+s6], $0x1, s11, s6, $0xb8;
	[tilespmem:$0x1000] =	vst v63  }
0x85: {  	_ = 	snop  }
0x86: {  	[tilespmem:s14], [sflag:$0x1] =	stream.indirect.gather [hbm4b:s3+s6], $0x1, s13, s6, $0xb8;
	[tilespmem:$0x1000] =	vst v63  }
0x87: {  	_ = 	snop  }
0x88: {  	[tilespmem:s16], [sflag:$0x1] =	stream.indirect.gather [hbm4b:s3+s6], $0x1, s15, s6, $0xb8;
	[tilespmem:$0x1000] =	vst v63  }
0x89: {  	_ = 	snop  }
0x8a: {  	[tilespmem:s18], [sflag:$0x1] =	stream.indirect.gather [hbm4b:s3+s6], $0x1, s17, s6, $0xb8;
	[tilespmem:$0x1000] =	vst v63  }
0x8b: {  	_ = 	snop  }
0x8c: {  	[tilespmem:s20], [sflag:$0x1] =	stream.indirect.gather [hbm4b:s3+s6], $0x1, s19, s6, $0xb8;
	[tilespmem:$0x1000] =	vst v63  }
0x8d: {  	_ = 	snop  }
0x8e: {  	[tilespmem:s22], [sflag:$0x1] =	stream.indirect.gather [hbm4b:s3+s6], $0x1, s21, s6, $0xb8;
	[tilespmem:$0x1000] =	vst v63  }
0x8f: {  	_ = 	snop  }
0x90: {  	[tilespmem:s24], [sflag:$0x1] =	stream.indirect.gather [hbm4b:s3+s6], $0x1, s23, s6, $0xb8;
	[tilespmem:$0x1000] =	vst v63  }
0x91: {  	_ = 	snop  }
0x92: {  	[tilespmem:s26], [sflag:$0x1] =	stream.indirect.gather [hbm4b:s3+s6], $0x1, s25, s6, $0xb8;
	[tilespmem:$0x1000] =	vst v63  }
0x93: {  	_ = 	snop  }
0x94: {  	[tilespmem:s29], [sflag:$0x1] =	stream.indirect.gather [hbm4b:s3+s6], $0x1, s28, s6, $0xb8;
	[tilespmem:$0x1000] =	vst v63  }
0x95: {  	_ =	swait.ge [sflag:s30], $0x80  }
0x96: {  	[sflag:s30] =	ssyncset.done $0x0  }
0x97: {  	[sflag:s30] =	ssyncadd.s32 $0xFFFFFF80  }
0x98: {  	_ =	swait.ge [sflag:s30], $0x80  }
0x99: {  	[sflag:s30] =	ssyncset.done $0x0  }
0x9a: {  	[sflag:s30] =	ssyncadd.s32 $0xFFFFFF80  }
0x9b: {  	_ =	swait.ge [sflag:s30], $0x80  }
0x9c: {  	[sflag:s30] =	ssyncset.done $0x0  }
0x9d: {  	[sflag:s30] =	ssyncadd.s32 $0xFFFFFF80  }
0x9e: {  	_ =	swait.ge [sflag:s30], $0x80  }
0x9f: {  	[sflag:s30] =	ssyncset.done $0x0  }
0xa0: {  	[sflag:s30] =	ssyncadd.s32 $0xFFFFFF80  }
0xa1: {  	_ =	swait.ge [sflag:s30], $0x80  }
0xa2: {  	[sflag:s30] =	ssyncset.done $0x0  }
0xa3: {  	[sflag:s30] =	ssyncadd.s32 $0xFFFFFF80  }
0xa4: {  	_ =	swait.ge [sflag:s30], $0x80  }
0xa5: {  	[sflag:s30] =	ssyncset.done $0x0  }
0xa6: {  	[sflag:s30] =	ssyncadd.s32 $0xFFFFFF80  }
0xa7: {  	_ =	swait.ge [sflag:s30], $0x80  }
0xa8: {  	[sflag:s30] =	ssyncset.done $0x0  }
0xa9: {  	[sflag:s30] =	ssyncadd.s32 $0xFFFFFF80  }
0xaa: {  	_ =	swait.ge [sflag:s30], $0x80  }
0xab: {  	[sflag:s30] =	ssyncset.done $0x0  }
0xac: {  	[sflag:s30] =	ssyncadd.s32 $0xFFFFFF80  }
0xad: {  	_ =	swait.ge [sflag:s30], $0x80  }
0xae: {  	[sflag:s30] =	ssyncset.done $0x0  }
0xaf: {  	[sflag:s30] =	ssyncadd.s32 $0xFFFFFF80  }
0xb0: {  	_ =	swait.ge [sflag:s30], $0x80  }
0xb1: {  	[sflag:s30] =	ssyncset.done $0x0  }
0xb2: {  	[sflag:s30] =	ssyncadd.s32 $0xFFFFFF80  }
0xb3: {  	_ =	swait.ge [sflag:s30], $0x80  }
0xb4: {  	[sflag:s30] =	ssyncset.done $0x0  }
0xb5: {  	[sflag:s30] =	ssyncadd.s32 $0xFFFFFF80  }
0xb6: {  	_ =	swait.ge [sflag:s30], $0x80  }
0xb7: {  	[sflag:s30] =	ssyncset.done $0x0  }
0xb8: {  	[sflag:s30] =	ssyncadd.s32 $0xFFFFFF80  }
0xb9: {  	_ =	swait.ge [sflag:s30], $0x80  }
0xba: {  	[sflag:s30] =	ssyncset.done $0x0  }
0xbb: {  	[sflag:s30] =	ssyncadd.s32 $0xFFFFFF80  }
0xbc: {  	_ =	swait.ge [sflag:s30], $0x80  }
0xbd: {  	[sflag:s30] =	ssyncset.done $0x0  }
0xbe: {  	[sflag:s30] =	ssyncadd.s32 $0xFFFFFF80  }
0xbf: {  	p0 =	sne.s32 s1, $0x1000;
	_ =	swait.ge [sflag:s30], $0x80  }
.Ltmp0:
0xc0: {  	[sflag:s30] =	ssyncset.done $0x0;
	(pc) =	sbr.rel @p0 .LBB2_2-.Ltmp0, $4  }
0xc1: {  	[sflag:s30] =	ssyncadd.s32 $0xFFFFFF80  }
0xc2: {  	_ =	swait.ge [sflag:s30], $0x80  }
0xc3: {  	s1 =	sadd.s32 $0x100, s1;
	s31 =	rddreg [dreg:$0x2];
	[sflag:s30] =	ssyncset.done $0x0  }
0xc4: {  	s8 =	simm.s32 $0xA80;
	[sflag:s30] =	ssyncadd.s32 $0xFFFFFF80;
	s0 =	sadd.s32 s0, s31  }
0xc5: {  	[hbm4b:s0+s2] =	stream.linear.scatter [tilespmem:s7], [sflag:$0x2], $0x800, $0x38;
	[tilespmem:$0x1000] =	vst v63  }
0xc6: {  	_ =	swait.ge [sflag:s5], $0x800  }
0xc7: {  	s1 =	rddreg [dreg:$0xd]  }
0xc8: {  	s31 =	rddreg [dreg:$0xc];
	s1 =	sadd.s32 $0x1, s1  }
0xc9: {  	p0 =	sne.s32 s1, s31  }
.Ltmp1:
0xca: {  	_ = 	snop;
	(pc) =	sbr.rel @p0 .LBB2_1-.Ltmp1, $3  }
0xcb: {  	_ =	sdelay $0x1  }
0xcc: {  	[sflag:s5] =	ssyncset.done $0x0  }
0xcd: {  	[sflag:s5] =	ssyncadd.s32 $0xFFFFF800  }
0xce: {  	_ =	sfence.sel $0x180000  }
0xcf: {  	[bflag:$0x0] =	sbarrier.arrive $0xFFFF  }
0xd0: {  	_ =	strace $0x90000053  }
0xd1: {  	s0 =	stileid.u32;
	[bflag:$0x2] =	sbarrier.arrive $0xFFFF  }
0xd2: {  	p0 =	sne.s32 s0, $0x0;
	s0 =	rddreg [dreg:$0x1]  }
0xd3: {  	s0 =	sadd.s32 @!p0 $0x100000, s0  }
0xd4: {  	[sflag:s0] =	ssyncadd.tile.s32 @!p0 $0x1;
	_ =	shalt  }
.Lfunc_end2:
_tile_overlayer_lowered:
.L_overlay_start_2:
0xd5: {  	(tag) =	ssettag $0x2  }
0xd6: {  	s0 =	rddreg [dreg:$0x0];
	s2 =	stileid.u32  }
0xd7: {  	s1 =	rddreg [dreg:$0x1];
	p0 =	sne.s32 s2, $0x0  }
0xd8: {  	s3 =	rddreg [dreg:$0x2];
	[bflag:$0x3] =	sbarrier.arrive $0xFFFF;
	s2 =	simm.s32 @!p0 $0x1C02  }
0xd9: {  	[timem:s3], [sflag:s2] =	dma.local @!p0 [hbm:s0], s1  }
0xda: {  	s0 =	simm.s32 @!p0 $0x2  }
0xdb: {  	_ =	swait.ge @!p0 [sflag:s0], s1  }
0xdc: {  	s1 =	ssub.s32 @!p0 $0x0, s1;
	[sflag:s0] =	ssyncset.done @!p0 $0x0  }
0xdd: {  	[sflag:s0] =	ssyncadd.s32 @!p0 s1  }
0xde: {  	[bflag:$0x3] =	sbarrier.arrive $0xFFFF  }
0xdf: {  	_ =	shalt  }

// kernel: kernel.25.cloned.1.call-start
scs
__scs_entry_jumppad:
0x0: {  	(pc) =	sbr.rel $0x88, $3  }
0x1: {  	(tag) =	ssettag $0x0;
	lr =	simm.s32 $0x1  }
0x2: {  	[smem:$0x3F96] =	sst lr;
	_ =	strace $0xD0000000  }
0x3: {  	_ = 	snop  }
0x4: {  	_ = 	snop  }
0x5: {  	_ = 	snop  }
0x6: {  	_ = 	snop  }
0x7: {  	_ = 	snop  }
__scs_overlays_trampoline_lowered:
0x8: {  	[smem:$0x3FA5] =	sst s0  }
0x9: {  	[smem:$0x3FA6] =	sst s1  }
0xa: {  	[smem:$0x3FA7] =	sst s2  }
0xb: {  	[smem:$0x3FA8] =	sst s3  }
0xc: {  	[smem:$0x3FA9] =	sst s4  }
0xd: {  	[smem:$0x3FAA] =	sst s5  }
0xe: {  	[smem:$0x3FAB] =	sst s6  }
0xf: {  	[smem:$0x3FAC] =	sst s7  }
0x10: {  	[smem:$0x3FAD] =	sst s8  }
0x11: {  	[smem:$0x3FAE] =	sst s9;
	s0 =	simm.s32 @!p0 $0x0  }
0x12: {  	s1 =	sld [smem:$0x3F94];
	s0 =	simm.s32 @p0 $0x1  }
0x13: {  	[smem:$0x3FAF] =	sst s0;
	s0 =	simm.s32 @!p1 $0x0  }
0x14: {  	s2 =	sld [smem:$0x3F93];
	s0 =	simm.s32 @p1 $0x1  }
0x15: {  	[smem:$0x3FB0] =	sst s0;
	s0 =	simm.s32 @!p2 $0x0  }
0x16: {  	s3 =	sld [smem:$0x3FDB];
	s0 =	simm.s32 @p2 $0x1  }
0x17: {  	s4 =	simm.s32 $0x1BF5;
	[smem:$0x3FB2] =	sst s0  }
0x18: {  	s0 =	sld [smem:$0x3F95];
	_ =	swait.ge [sflag:s4], $0x0  }
0x19: {  	s7 =	sld [smem:$0x3F96]  }
0x1a: {  	s8 =	sadd.s32 $0xFFFFE003, lr  }
0x1b: {  	s9 =	sadd.s32 $0xFFFFFEF7, lr;
	s5 =	simm.s32 $0xFFFFFFFF;
	p2 =	slt.u32 s8, $0xFFFFF086  }
0x1c: {  	p1 =	slt.u32 s9, $0xF7A;
	s5 =	simm.s32 @!p2 $0x0  }
0x1d: {  	s5 =	simm.s32 @p1 $0x1;
	p0 =	seq.s32 s7, s2  }
0x1e: {  	s7 =	smul.u32 @!p0 $0xF7A, s2;
	p2 =	seq.s32 @!p0 s5, $0x0  }
0x1f: {  	s9 =	smul.u32 $0xF7A, s1;
	s8 =	simm.s32 @!p0 $0x1BF5;
	p2 =	por !p2, p0  }
0x20: {  	[sflag:s8] =	ssyncset.s32 @!p0 $0xFFFFF086;
	s6 =	sadd.s32 @!p0 s3, s7;
	s7 =	simm.s32 @!p0 $0x108  }
0x21: {  	s3 =	sadd.s32 s3, s9;
	s6 =	sadd.s32 @!p0 $0x88, s6;
	s7 =	simm.s32 @p2 $0x1082  }
0x22: {  	[simem:s7], [sflag:s8] =	dma.local @!p0 [hbm:s6], $0xF7A  }
0x23: {  	s9 =	sor.u32 $0xD0000000, s2;
	s6 =	simm.s32 $0x108;
	_ =	swait.ge @!p0 [sflag:s8], $0x0  }
0x24: {  	s3 =	sadd.s32 $0x88, s3;
	s6 =	simm.s32 @!p1 $0x1082;
	[sflag:s4] =	ssyncset.s32 $0xFFFFF086  }
0x25: {  	[simem:s6], [sflag:s4] =	dma.local [hbm:s3], $0xF7A  }
0x26: {  	[smem:$0x3F96] =	sst s1;
	(tag) =	ssettag s2;
	_ =	strace s9  }
0x27: {  	s1 =	sld [smem:$0x3FA6]  }
0x28: {  	s2 =	sld [smem:$0x3FA7]  }
0x29: {  	s4 =	sld [smem:$0x3FA9]  }
0x2a: {  	p0 =	seq.s32 s5, $0x0;
	s5 =	sld [smem:$0x3FAA]  }
0x2b: {  	s6 =	sld [smem:$0x3FAB]  }
0x2c: {  	s7 =	sld [smem:$0x3FAC]  }
0x2d: {  	s3 =	simm.s32 $0x108;
	s8 =	sld [smem:$0x3FAD]  }
0x2e: {  	s3 =	simm.s32 @!p0 $0x1082;
	s9 =	sld [smem:$0x3FAE]  }
0x2f: {  	lr =	sadd.s32 s0, s3;
	s0 =	sld [smem:$0x3FA5]  }
0x30: {  	s3 =	sld [smem:$0x3FA8]  }
0x31: {  	[smem:$0x3FB1] =	sst s10  }
0x32: {  	s10 =	sld [smem:$0x3FAF];
	_ =	sdelay $0x3  }
0x33: {  	p0 =	seq.s32 s10, $0x1;
	s10 =	sld [smem:$0x3FB1];
	_ =	sdelay $0x3  }
0x34: {  	[smem:$0x3FB1] =	sst s10  }
0x35: {  	s10 =	sld [smem:$0x3FB0];
	_ =	sdelay $0x3  }
0x36: {  	p1 =	seq.s32 s10, $0x1;
	s10 =	sld [smem:$0x3FB1];
	_ =	sdelay $0x3  }
0x37: {  	[smem:$0x3FB1] =	sst s10  }
0x38: {  	s10 =	sld [smem:$0x3FB2]  }
0x39: {  	_ = 	snop;
	(pc) =	sbr.ind lr, $3  }
0x3a: {  	_ = 	snop  }
0x3b: {  	_ = 	snop  }
0x3c: {  	p2 =	seq.s32 s10, $0x1;
	s10 =	sld [smem:$0x3FB1]  }
0x3d: {  	_ =	shalt  }
0x3e: {  	_ =	shalt  }
0x3f: {  	_ =	shalt  }
0x40: {  	_ =	shalt  }
0x41: {  	_ =	shalt  }
0x42: {  	_ =	shalt  }
0x43: {  	_ =	shalt  }
0x44: {  	_ =	shalt  }
0x45: {  	_ =	shalt  }
0x46: {  	_ =	shalt  }
0x47: {  	_ =	shalt  }
0x48: {  	_ =	shalt  }
0x49: {  	_ =	shalt  }
0x4a: {  	_ =	shalt  }
0x4b: {  	_ =	shalt  }
0x4c: {  	_ =	shalt  }
0x4d: {  	_ =	shalt  }
0x4e: {  	_ =	shalt  }
0x4f: {  	_ =	shalt  }
0x50: {  	_ =	shalt  }
0x51: {  	_ =	shalt  }
0x52: {  	_ =	shalt  }
0x53: {  	_ =	shalt  }
0x54: {  	_ =	shalt  }
0x55: {  	_ =	shalt  }
0x56: {  	_ =	shalt  }
0x57: {  	_ =	shalt  }
0x58: {  	_ =	shalt  }
0x59: {  	_ =	shalt  }
0x5a: {  	_ =	shalt  }
0x5b: {  	_ =	shalt  }
0x5c: {  	_ =	shalt  }
0x5d: {  	_ =	shalt  }
0x5e: {  	_ =	shalt  }
0x5f: {  	_ =	shalt  }
0x60: {  	_ =	shalt  }
0x61: {  	_ =	shalt  }
0x62: {  	_ =	shalt  }
0x63: {  	_ =	shalt  }
0x64: {  	_ =	shalt  }
0x65: {  	_ =	shalt  }
0x66: {  	_ =	shalt  }
0x67: {  	_ =	shalt  }
0x68: {  	_ =	shalt  }
0x69: {  	_ =	shalt  }
0x6a: {  	_ =	shalt  }
0x6b: {  	_ =	shalt  }
0x6c: {  	_ =	shalt  }
0x6d: {  	_ =	shalt  }
0x6e: {  	_ =	shalt  }
0x6f: {  	_ =	shalt  }
0x70: {  	_ =	shalt  }
0x71: {  	_ =	shalt  }
0x72: {  	_ =	shalt  }
0x73: {  	_ =	shalt  }
0x74: {  	_ =	shalt  }
0x75: {  	_ =	shalt  }
0x76: {  	_ =	shalt  }
0x77: {  	_ =	shalt  }
0x78: {  	_ =	shalt  }
0x79: {  	_ =	shalt  }
0x7a: {  	_ =	shalt  }
0x7b: {  	_ =	shalt  }
0x7c: {  	_ =	shalt  }
0x7d: {  	_ =	shalt  }
0x7e: {  	_ =	shalt  }
0x7f: {  	_ =	shalt  }
0x80: {  	_ =	shalt  }
0x81: {  	_ =	shalt  }
0x82: {  	_ =	shalt  }
0x83: {  	_ =	shalt  }
0x84: {  	_ =	shalt  }
0x85: {  	_ =	shalt  }
0x86: {  	_ =	shalt  }
0x87: {  	_ =	shalt  }
.Lfunc_end0:
.L_simem_size_0:
called_computation.7_lowered:
.L_overlay_start_0:
0x88: {  	s2 =	sld [smem:$0x3FD9]  }
0x89: {  	s3 =	sld [smem:$0x3FFE];
	_ =	sdelay $0x1  }
0x8a: {  	s1 =	srdreg.scid  }
0x8b: {  	s0 =	sand.u32 $0x1, s1  }
0x8c: {  	s17 =	sshll.u32 s0, $0xA;
	s2 =	sadd.s32 s3, s2  }
0x8d: {  	s2 =	sadd.s32 s2, s17  }
0x8e: {  	[smem:$0x3FBD] =	sst s2  }
0x8f: {  	_ = 	snop  }
0x90: {  	(tm) =	ssettm $0x1  }
0x91: {  	s18 =	sld [smem:$0x3FFB];
	_ =	sdelay $0x3  }
0x92: {  	_ =	strace s18  }
0x93: {  	s2 =	sld [smem:$0x3FFC];
	_ =	sdelay $0x3  }
0x94: {  	_ =	strace s2  }
0x95: {  	s2 =	sld [smem:$0x3FFD];
	_ =	sdelay $0x3  }
0x96: {  	_ =	strace s2  }
0x97: {  	_ =	strace $0x8FFFFFFF  }
0x98: {  	s19 =	sld [smem:$0x3FDB];
	_ =	sdelay $0x1  }
0x99: {  	s20 =	simm.s32 $_scs_section_size  }
0x9a: {  	s4 =	simm.s32 $_size__tile_overlayer_lowered;
	s5 =	simm.s32 $_tile_overlayer_lowered  }
0x9b: {  	s6 =	simm.s32 $0x1BFF;
	s21 =	sshll.u32 s5, $0x1;
	s3 =	sadd.s32 s20, s19  }
0x9c: {  	s22 =	simm.s32 $0x0;
	s4 =	sshll.u32 s4, $0x1;
	s5 =	sadd.s32 s21, s3  }
0x9d: {  	[timem:s22], [sflag:s6] =	dma.local [hbm:s5], s4  }
0x9e: {  	_ =	swait.ge [sflag:s6], s4  }
0x9f: {  	s4 =	ssub.s32 $0x0, s4;
	[sflag:s6] =	ssyncset.done $0x0  }
0xa0: {  	[sflag:s6] =	ssyncadd.s32 s4;
	_ =	sdelay $0x1  }
0xa1: {  	s23 =	simm.s32 $0x1B8B  }
0xa2: {  	_ =	swait.ge [sflag:s23], $0x1  }
0xa3: {  	[sflag:s23] =	ssyncset.done $0x0  }
0xa4: {  	[sflag:s23] =	ssyncadd.s32 $0xFFFFFFFF  }
0xa5: {  	s4 =	sld [smem:$0x0]  }
0xa6: {  	s5 =	sand.u32 $0xFFFFFFFE, s1  }
0xa7: {  	p0 =	sne.s32 s1, s5  }
0xa8: {  	s5 =	sshll.u32 @p0 s5, $0xE  }
0xa9: {  	s5 =	sadd.s32 @p0 $0x11B8D, s5;
	s6 =	sshll.u32 @p0 s4, $0x11  }
0xaa: {  	s5 =	sor.u32 @p0 s6, s5  }
0xab: {  	[sflag:s5] =	ssyncadd.remote.s32 @p0 $0x1;
	_ =	sdelay $0x1  }
0xac: {  	s5 =	simm.s32 @p0 $0x1B8D  }
0xad: {  	_ =	swait.eq @p0 [sflag:s5], $0x1  }
0xae: {  	[sflag:s5] =	ssyncadd.s32 @p0 $0xFFFFFFFF  }
0xaf: {  	s6 =	sshll.u32 @!p0 s1, $0xE  }
0xb0: {  	s6 =	sor.u32 @!p0 $0x4000, s6;
	s5 =	simm.s32 @!p0 $0x1B8D  }
0xb1: {  	s4 =	sshll.u32 @!p0 s4, $0x11;
	s6 =	sadd.s32 @!p0 $0x11B8D, s6;
	_ =	swait.eq @!p0 [sflag:s5], $0x1  }
0xb2: {  	s4 =	sor.u32 @!p0 s4, s6;
	[sflag:s5] =	ssyncadd.s32 @!p0 $0xFFFFFFFF  }
0xb3: {  	s25 =	simm.s32 $0x1B8E;
	s24 =	sld [smem:$0x3FFE];
	[sflag:s4] =	ssyncadd.remote.s32 @!p0 $0x1  }
0xb4: {  	s26 =	simm.s32 $execute0_lowered;
	[smem:$0x3FD2] =	sst s25  }
0xb5: {  	s5 =	sshll.u32 s26, $0x1;
	_ =	strace $0x80000055;
	[dreg:$0x1] =	wrdreg $0xFFFFFFFF  }
0xb6: {  	s28 =	simm.s32 $_size_execute0_lowered;
	s3 =	sadd.s32 s3, s5;
	[dreg:$0x0] =	wrdreg $0x0  }
0xb7: {  	s5 =	sshll.u32 s28, $0x1;
	[dreg:$0x2] =	wrdreg s3  }
0xb8: {  	[dreg:$0x3] =	wrdreg s5  }
0xb9: {  	[dreg:$0x4] =	wrdreg $0xC0  }
0xba: {  	_ =	task [dreg:s22], $0x5FFFF  }
0xbb: {  	[dreg:$0x1] =	wrdreg $0xFFFFFFFF  }
0xbc: {  	[dreg:$0x0] =	wrdreg $0x60  }
0xbd: {  	[dreg:$0x2] =	wrdreg s24  }
0xbe: {  	[dreg:$0x3] =	wrdreg $0xC  }
0xbf: {  	_ =	task.clear_ibuf [dreg:s22], $0x4FFFF;
	_ =	strace $0x90000055  }
0xc0: {  	s29 =	simm.s32 $0xC;
	_ =	strace $0x80000057  }
0xc1: {  	_ =	swait.ge [sflag:s29], $0x1  }
0xc2: {  	[sflag:s29] =	ssyncadd.s32 $0xFFFFFFFF  }
0xc3: {  	_ =	strace $0x90000057  }
0xc4: {  	_ =	sfence  }
0xc5: {  	s30 =	sld [smem:$0x0];
	_ =	sdelay $0x2  }
0xc6: {  	s31 =	sshll.u32 s1, $0xD;
	s1 =	sshrl.u32 s1, $0x2  }
0xc7: {  	s4 =	sand.u32 $0x4000, s31;
	s1 =	sadd.s32 s1, s30  }
0xc8: {  	s0 =	sor.u32 s4, s0;
	s1 =	sshll.u32 s1, $0x11  }
0xc9: {  	s0 =	sor.u32 s1, s0  }
0xca: {  	s0 =	sadd.s32 $0x8F2B, s0  }
0xcb: {  	[sflag:s0] =	ssyncadd.remote.s32 $0x1  }
0xcc: {  	_ =	sfence.sel $0xFFFF  }
0xcd: {  	[dreg:$0x0] =	wrdreg $0xFFFFFFFF;
	(pc) =	sbr.abs _section_cstart, $3  }
0xce: {  	[dreg:$0x1] =	wrdreg $0xFFFFFFFF  }
0xcf: {  	_ =	task.clear_ibuf [dreg:s22], $0x2FFFF;
	_ =	strace $0x9FFFFFFF  }
0xd0: {  	(tm) =	ssettm $0x7FFFFFFF  }
0xd1: {  	_ =	shalt  }
tec
execute0_lowered:
.L_overlay_start_1:
0x0: {  	(tag) =	ssettag $0x1  }
0x1: {  	s0 =	srdreg.scid  }
0x2: {  	s1 =	stileid.u32;
	s3 =	rddreg [dreg:$0x0];
	s19 =	simm.s32 $0x880  }
0x3: {  	s20 =	simm.s32 $0x100;
	s22 =	simm.s32 $0x900;
	s23 =	simm.s32 $0x180  }
0x4: {  	s24 =	simm.s32 $0x980;
	s5 =	simm.s32 $0x2;
	s25 =	simm.s32 $0x200  }
0x5: {  	s6 =	simm.s32 $0x80;
	s0 =	sand.u32 $0x1, s0;
	s1 =	smul.u32 $0x11000, s1  }
0x6: {  	s26 =	simm.s32 $0xA00;
	s7 =	simm.s32 $0x800;
	s2 =	smul.u32 $0x8800, s0  }
0x7: {  	s31 =	simm.s32 $0x280;
	s8 =	simm.s32 $0xA80;
	s9 =	simm.s32 $0x300  }
0x8: {  	s10 =	simm.s32 $0xB00;
	s1 =	sadd.s32 s2, s1;
	s2 =	simm.s32 $0x0  }
0x9: {  	s11 =	simm.s32 $0x380;
	s0 =	ssub.s32 $0x2, s0;
	[smem:$0x7FF] =	sst s2  }
0xa: {  	s21 =	sshrl.u32 s0, $0x1;
	_ =	strace $0x80000056;
	[dreg:$0x4] =	wrdreg s19  }
0xb: {  	s12 =	simm.s32 $0xB80;
	s0 =	ssub.s32 s0, s21;
	[dreg:$0x5] =	wrdreg s20  }
0xc: {  	s13 =	simm.s32 $0x400;
	s0 =	smax.u32 s0, $0x1;
	[dreg:$0x6] =	wrdreg s22  }
0xd: {  	s14 =	simm.s32 $0xC00;
	s15 =	simm.s32 $0x480;
	[dreg:$0xc] =	wrdreg s0  }
0xe: {  	s16 =	simm.s32 $0xC80;
	s17 =	simm.s32 $0x500;
	[dreg:$0x7] =	wrdreg s23  }
0xf: {  	s18 =	simm.s32 $0xD00;
	s28 =	simm.s32 $0x780;
	[dreg:$0x8] =	wrdreg s24  }
0x10: {  	s29 =	simm.s32 $0xF80;
	s30 =	simm.s32 $0x1;
	[dreg:$0x9] =	wrdreg s25  }
0x11: {  	s21 =	simm.s32 $0x600;
	s1 =	sshrl.u32 s1, $0x3;
	[dreg:$0xa] =	wrdreg s26  }
0x12: {  	s1 =	sadd.s32 s1, s3;
	s3 =	sadd.s32 $0x1404600, s3;
	[dreg:$0xb] =	wrdreg s31  }
0x13: {  	s19 =	simm.s32 $0x580;
	s20 =	simm.s32 $0xD80;
	s22 =	simm.s32 $0xE00  }
0x14: {  	s23 =	simm.s32 $0x680;
	s24 =	simm.s32 $0xE80;
	s4 =	sadd.s32 $0xD2800, s1  }
0x15: {  	s25 =	simm.s32 $0x700;
	s1 =	sadd.s32 $0xB0800, s1;
	[dreg:$0x2] =	wrdreg s4  }
0x16: {  	s26 =	simm.s32 $0xF00;
	[dreg:$0x3] =	wrdreg s1;
	s1 =	simm.s32 $0x0  }
.LBB2_1:
0x17: {  	s0 =	rddreg [dreg:$0x3]  }
0x18: {  	[dreg:$0xd] =	wrdreg s1;
	s0 =	sadd.s32 $0x0, s0  }
0x19: {  	[tilespmem:s2], [sflag:$0x2] =	stream.linear.gather [hbm4b:s0+s2], $0x800, $0x38;
	[tilespmem:$0x1000] =	vst v63  }
0x1a: {  	_ =	swait.ge [sflag:s5], $0x800  }
0x1b: {  	s0 =	rddreg [dreg:$0x5]  }
0x1c: {  	[sflag:s5] =	ssyncset.done $0x0;
	s1 =	rddreg [dreg:$0x4]  }
0x1d: {  	s4 =	rddreg [dreg:$0x6];
	[sflag:s5] =	ssyncadd.s32 $0xFFFFF800  }
0x1e: {  	[tilespmem:s7], [sflag:$0x1] =	stream.indirect.gather [hbm4b:s3+s6], $0x1, s2, s6, $0xb8;
	[tilespmem:$0x1000] =	vst v63  }
0x1f: {  	s31 =	rddreg [dreg:$0x8]  }
0x20: {  	[tilespmem:s1], [sflag:$0x1] =	stream.indirect.gather [hbm4b:s3+s6], $0x1, s6, s6, $0xb8;
	[tilespmem:$0x1000] =	vst v63  }
0x21: {  	s1 =	rddreg [dreg:$0x7]  }
0x22: {  	[tilespmem:s4], [sflag:$0x1] =	stream.indirect.gather [hbm4b:s3+s6], $0x1, s0, s6, $0xb8;
	[tilespmem:$0x1000] =	vst v63  }
0x23: {  	s0 =	rddreg [dreg:$0xa]  }
0x24: {  	[tilespmem:s31], [sflag:$0x1] =	stream.indirect.gather [hbm4b:s3+s6], $0x1, s1, s6, $0xb8;
	[tilespmem:$0x1000] =	vst v63  }
0x25: {  	s4 =	rddreg [dreg:$0x9]  }
0x26: {  	[tilespmem:s0], [sflag:$0x1] =	stream.indirect.gather [hbm4b:s3+s6], $0x1, s4, s6, $0xb8;
	[tilespmem:$0x1000] =	vst v63  }
0x27: {  	s31 =	rddreg [dreg:$0xb]  }
0x28: {  	[tilespmem:s8], [sflag:$0x1] =	stream.indirect.gather [hbm4b:s3+s6], $0x1, s31, s6, $0xb8;
	[tilespmem:$0x1000] =	vst v63  }
0x29: {  	_ = 	snop  }
0x2a: {  	[tilespmem:s10], [sflag:$0x1] =	stream.indirect.gather [hbm4b:s3+s6], $0x1, s9, s6, $0xb8;
	[tilespmem:$0x1000] =	vst v63  }
0x2b: {  	_ = 	snop  }
0x2c: {  	[tilespmem:s12], [sflag:$0x1] =	stream.indirect.gather [hbm4b:s3+s6], $0x1, s11, s6, $0xb8;
	[tilespmem:$0x1000] =	vst v63  }
0x2d: {  	_ = 	snop  }
0x2e: {  	[tilespmem:s14], [sflag:$0x1] =	stream.indirect.gather [hbm4b:s3+s6], $0x1, s13, s6, $0xb8;
	[tilespmem:$0x1000] =	vst v63  }
0x2f: {  	_ = 	snop  }
0x30: {  	[tilespmem:s16], [sflag:$0x1] =	stream.indirect.gather [hbm4b:s3+s6], $0x1, s15, s6, $0xb8;
	[tilespmem:$0x1000] =	vst v63  }
0x31: {  	_ = 	snop  }
0x32: {  	[tilespmem:s18], [sflag:$0x1] =	stream.indirect.gather [hbm4b:s3+s6], $0x1, s17, s6, $0xb8;
	[tilespmem:$0x1000] =	vst v63  }
0x33: {  	_ = 	snop  }
0x34: {  	[tilespmem:s20], [sflag:$0x1] =	stream.indirect.gather [hbm4b:s3+s6], $0x1, s19, s6, $0xb8;
	[tilespmem:$0x1000] =	vst v63  }
0x35: {  	_ = 	snop  }
0x36: {  	[tilespmem:s22], [sflag:$0x1] =	stream.indirect.gather [hbm4b:s3+s6], $0x1, s21, s6, $0xb8;
	[tilespmem:$0x1000] =	vst v63  }
0x37: {  	_ = 	snop  }
0x38: {  	[tilespmem:s24], [sflag:$0x1] =	stream.indirect.gather [hbm4b:s3+s6], $0x1, s23, s6, $0xb8;
	[tilespmem:$0x1000] =	vst v63  }
0x39: {  	_ = 	snop  }
0x3a: {  	[tilespmem:s26], [sflag:$0x1] =	stream.indirect.gather [hbm4b:s3+s6], $0x1, s25, s6, $0xb8;
	[tilespmem:$0x1000] =	vst v63  }
0x3b: {  	_ = 	snop  }
0x3c: {  	[tilespmem:s29], [sflag:$0x1] =	stream.indirect.gather [hbm4b:s3+s6], $0x1, s28, s6, $0xb8;
	[tilespmem:$0x1000] =	vst v63  }
0x3d: {  	_ =	swait.ge [sflag:s30], $0x80  }
0x3e: {  	[sflag:s30] =	ssyncset.done $0x0  }
0x3f: {  	[sflag:s30] =	ssyncadd.s32 $0xFFFFFF80  }
0x40: {  	_ =	swait.ge [sflag:s30], $0x80  }
0x41: {  	[sflag:s30] =	ssyncset.done $0x0  }
0x42: {  	[sflag:s30] =	ssyncadd.s32 $0xFFFFFF80  }
0x43: {  	_ =	swait.ge [sflag:s30], $0x80  }
0x44: {  	[sflag:s30] =	ssyncset.done $0x0  }
0x45: {  	[sflag:s30] =	ssyncadd.s32 $0xFFFFFF80  }
0x46: {  	_ =	swait.ge [sflag:s30], $0x80  }
0x47: {  	[sflag:s30] =	ssyncset.done $0x0  }
0x48: {  	[sflag:s30] =	ssyncadd.s32 $0xFFFFFF80  }
0x49: {  	_ =	swait.ge [sflag:s30], $0x80  }
0x4a: {  	[sflag:s30] =	ssyncset.done $0x0  }
0x4b: {  	[sflag:s30] =	ssyncadd.s32 $0xFFFFFF80  }
0x4c: {  	_ =	swait.ge [sflag:s30], $0x80  }
0x4d: {  	[sflag:s30] =	ssyncset.done $0x0  }
0x4e: {  	[sflag:s30] =	ssyncadd.s32 $0xFFFFFF80  }
0x4f: {  	_ =	swait.ge [sflag:s30], $0x80  }
0x50: {  	[sflag:s30] =	ssyncset.done $0x0  }
0x51: {  	[sflag:s30] =	ssyncadd.s32 $0xFFFFFF80  }
0x52: {  	_ =	swait.ge [sflag:s30], $0x80  }
0x53: {  	[sflag:s30] =	ssyncset.done $0x0  }
0x54: {  	[sflag:s30] =	ssyncadd.s32 $0xFFFFFF80  }
0x55: {  	_ =	swait.ge [sflag:s30], $0x80  }
0x56: {  	[sflag:s30] =	ssyncset.done $0x0  }
0x57: {  	[sflag:s30] =	ssyncadd.s32 $0xFFFFFF80  }
0x58: {  	_ =	swait.ge [sflag:s30], $0x80  }
0x59: {  	[sflag:s30] =	ssyncset.done $0x0  }
0x5a: {  	[sflag:s30] =	ssyncadd.s32 $0xFFFFFF80  }
0x5b: {  	_ =	swait.ge [sflag:s30], $0x80  }
0x5c: {  	[sflag:s30] =	ssyncset.done $0x0  }
0x5d: {  	[sflag:s30] =	ssyncadd.s32 $0xFFFFFF80  }
0x5e: {  	_ =	swait.ge [sflag:s30], $0x80  }
0x5f: {  	[sflag:s30] =	ssyncset.done $0x0  }
0x60: {  	[sflag:s30] =	ssyncadd.s32 $0xFFFFFF80  }
0x61: {  	_ =	swait.ge [sflag:s30], $0x80  }
0x62: {  	[sflag:s30] =	ssyncset.done $0x0  }
0x63: {  	[sflag:s30] =	ssyncadd.s32 $0xFFFFFF80  }
0x64: {  	_ =	swait.ge [sflag:s30], $0x80  }
0x65: {  	[sflag:s30] =	ssyncset.done $0x0  }
0x66: {  	[sflag:s30] =	ssyncadd.s32 $0xFFFFFF80  }
0x67: {  	_ =	swait.ge [sflag:s30], $0x80  }
0x68: {  	[sflag:s30] =	ssyncset.done $0x0  }
0x69: {  	[sflag:s30] =	ssyncadd.s32 $0xFFFFFF80  }
0x6a: {  	_ =	swait.ge [sflag:s30], $0x80  }
0x6b: {  	s31 =	rddreg [dreg:$0x2];
	[sflag:s30] =	ssyncset.done $0x0  }
0x6c: {  	s1 =	simm.s32 $0x100;
	[sflag:s30] =	ssyncadd.s32 $0xFFFFFF80;
	s0 =	sadd.s32 $0x0, s31  }
.LBB2_2:
0x6d: {  	[hbm4b:s0+s2] =	stream.linear.scatter [tilespmem:s7], [sflag:$0x2], $0x800, $0x38;
	[tilespmem:$0x1000] =	vst v63  }
0x6e: {  	_ =	swait.ge [sflag:s5], $0x800  }
0x6f: {  	s0 =	smov.u32 s1;
	s4 =	rddreg [dreg:$0x3];
	[sflag:s5] =	ssyncset.done $0x0  }
0x70: {  	[sflag:s5] =	ssyncadd.s32 $0xFFFFF800;
	s4 =	sadd.s32 s0, s4  }
0x71: {  	[tilespmem:s2], [sflag:$0x2] =	stream.linear.gather [hbm4b:s4+s2], $0x800, $0x38;
	[tilespmem:$0x1000] =	vst v63  }
0x72: {  	_ =	swait.ge [sflag:s5], $0x800  }
0x73: {  	s4 =	rddreg [dreg:$0xa]  }
0x74: {  	s31 =	rddreg [dreg:$0x5];
	[sflag:s5] =	ssyncset.done $0x0  }
0x75: {  	s8 =	rddreg [dreg:$0x4];
	[sflag:s5] =	ssyncadd.s32 $0xFFFFF800  }
0x76: {  	[tilespmem:s7], [sflag:$0x1] =	stream.indirect.gather [hbm4b:s3+s6], $0x1, s2, s6, $0xb8;
	[tilespmem:$0x1000] =	vst v63  }
0x77: {  	s9 =	rddreg [dreg:$0x6]  }
0x78: {  	[tilespmem:s8], [sflag:$0x1] =	stream.indirect.gather [hbm4b:s3+s6], $0x1, s6, s6, $0xb8;
	[tilespmem:$0x1000] =	vst v63  }
0x79: {  	s10 =	rddreg [dreg:$0x8]  }
0x7a: {  	[tilespmem:s9], [sflag:$0x1] =	stream.indirect.gather [hbm4b:s3+s6], $0x1, s31, s6, $0xb8;
	[tilespmem:$0x1000] =	vst v63  }
0x7b: {  	s8 =	rddreg [dreg:$0x7]  }
0x7c: {  	[tilespmem:s10], [sflag:$0x1] =	stream.indirect.gather [hbm4b:s3+s6], $0x1, s8, s6, $0xb8;
	[tilespmem:$0x1000] =	vst v63  }
0x7d: {  	s9 =	rddreg [dreg:$0x9]  }
0x7e: {  	[tilespmem:s4], [sflag:$0x1] =	stream.indirect.gather [hbm4b:s3+s6], $0x1, s9, s6, $0xb8;
	[tilespmem:$0x1000] =	vst v63  }
0x7f: {  	s11 =	simm.s32 $0xA80;
	s31 =	rddreg [dreg:$0xb]  }
0x80: {  	[tilespmem:s11], [sflag:$0x1] =	stream.indirect.gather [hbm4b:s3+s6], $0x1, s31, s6, $0xb8;
	[tilespmem:$0x1000] =	vst v63  }
0x81: {  	s10 =	simm.s32 $0xB00;
	s9 =	simm.s32 $0x300  }
0x82: {  	[tilespmem:s10], [sflag:$0x1] =	stream.indirect.gather [hbm4b:s3+s6], $0x1, s9, s6, $0xb8;
	[tilespmem:$0x1000] =	vst v63  }
0x83: {  	s11 =	simm.s32 $0x380  }
0x84: {  	[tilespmem:s12], [sflag:$0x1] =	stream.indirect.gather [hbm4b:s3+s6], $0x1, s11, s6, $0xb8;
	[tilespmem:$0x1000] =	vst v63  }
0x85: {  	_ = 	snop  }
0x86: {  	[tilespmem:s14], [sflag:$0x1] =	stream.indirect.gather [hbm4b:s3+s6], $0x1, s13, s6, $0xb8;
	[tilespmem:$0x1000] =	vst v63  }
0x87: {  	_ = 	snop  }
0x88: {  	[tilespmem:s16], [sflag:$0x1] =	stream.indirect.gather [hbm4b:s3+s6], $0x1, s15, s6, $0xb8;
	[tilespmem:$0x1000] =	vst v63  }
0x89: {  	_ = 	snop  }
0x8a: {  	[tilespmem:s18], [sflag:$0x1] =	stream.indirect.gather [hbm4b:s3+s6], $0x1, s17, s6, $0xb8;
	[tilespmem:$0x1000] =	vst v63  }
0x8b: {  	_ = 	snop  }
0x8c: {  	[tilespmem:s20], [sflag:$0x1] =	stream.indirect.gather [hbm4b:s3+s6], $0x1, s19, s6, $0xb8;
	[tilespmem:$0x1000] =	vst v63  }
0x8d: {  	_ = 	snop  }
0x8e: {  	[tilespmem:s22], [sflag:$0x1] =	stream.indirect.gather [hbm4b:s3+s6], $0x1, s21, s6, $0xb8;
	[tilespmem:$0x1000] =	vst v63  }
0x8f: {  	_ = 	snop  }
0x90: {  	[tilespmem:s24], [sflag:$0x1] =	stream.indirect.gather [hbm4b:s3+s6], $0x1, s23, s6, $0xb8;
	[tilespmem:$0x1000] =	vst v63  }
0x91: {  	_ = 	snop  }
0x92: {  	[tilespmem:s26], [sflag:$0x1] =	stream.indirect.gather [hbm4b:s3+s6], $0x1, s25, s6, $0xb8;
	[tilespmem:$0x1000] =	vst v63  }
0x93: {  	_ = 	snop  }
0x94: {  	[tilespmem:s29], [sflag:$0x1] =	stream.indirect.gather [hbm4b:s3+s6], $0x1, s28, s6, $0xb8;
	[tilespmem:$0x1000] =	vst v63  }
0x95: {  	_ =	swait.ge [sflag:s30], $0x80  }
0x96: {  	[sflag:s30] =	ssyncset.done $0x0  }
0x97: {  	[sflag:s30] =	ssyncadd.s32 $0xFFFFFF80  }
0x98: {  	_ =	swait.ge [sflag:s30], $0x80  }
0x99: {  	[sflag:s30] =	ssyncset.done $0x0  }
0x9a: {  	[sflag:s30] =	ssyncadd.s32 $0xFFFFFF80  }
0x9b: {  	_ =	swait.ge [sflag:s30], $0x80  }
0x9c: {  	[sflag:s30] =	ssyncset.done $0x0  }
0x9d: {  	[sflag:s30] =	ssyncadd.s32 $0xFFFFFF80  }
0x9e: {  	_ =	swait.ge [sflag:s30], $0x80  }
0x9f: {  	[sflag:s30] =	ssyncset.done $0x0  }
0xa0: {  	[sflag:s30] =	ssyncadd.s32 $0xFFFFFF80  }
0xa1: {  	_ =	swait.ge [sflag:s30], $0x80  }
0xa2: {  	[sflag:s30] =	ssyncset.done $0x0  }
0xa3: {  	[sflag:s30] =	ssyncadd.s32 $0xFFFFFF80  }
0xa4: {  	_ =	swait.ge [sflag:s30], $0x80  }
0xa5: {  	[sflag:s30] =	ssyncset.done $0x0  }
0xa6: {  	[sflag:s30] =	ssyncadd.s32 $0xFFFFFF80  }
0xa7: {  	_ =	swait.ge [sflag:s30], $0x80  }
0xa8: {  	[sflag:s30] =	ssyncset.done $0x0  }
0xa9: {  	[sflag:s30] =	ssyncadd.s32 $0xFFFFFF80  }
0xaa: {  	_ =	swait.ge [sflag:s30], $0x80  }
0xab: {  	[sflag:s30] =	ssyncset.done $0x0  }
0xac: {  	[sflag:s30] =	ssyncadd.s32 $0xFFFFFF80  }
0xad: {  	_ =	swait.ge [sflag:s30], $0x80  }
0xae: {  	[sflag:s30] =	ssyncset.done $0x0  }
0xaf: {  	[sflag:s30] =	ssyncadd.s32 $0xFFFFFF80  }
0xb0: {  	_ =	swait.ge [sflag:s30], $0x80  }
0xb1: {  	[sflag:s30] =	ssyncset.done $0x0  }
0xb2: {  	[sflag:s30] =	ssyncadd.s32 $0xFFFFFF80  }
0xb3: {  	_ =	swait.ge [sflag:s30], $0x80  }
0xb4: {  	[sflag:s30] =	ssyncset.done $0x0  }
0xb5: {  	[sflag:s30] =	ssyncadd.s32 $0xFFFFFF80  }
0xb6: {  	_ =	swait.ge [sflag:s30], $0x80  }
0xb7: {  	[sflag:s30] =	ssyncset.done $0x0  }
0xb8: {  	[sflag:s30] =	ssyncadd.s32 $0xFFFFFF80  }
0xb9: {  	_ =	swait.ge [sflag:s30], $0x80  }
0xba: {  	[sflag:s30] =	ssyncset.done $0x0  }
0xbb: {  	[sflag:s30] =	ssyncadd.s32 $0xFFFFFF80  }
0xbc: {  	_ =	swait.ge [sflag:s30], $0x80  }
0xbd: {  	[sflag:s30] =	ssyncset.done $0x0  }
0xbe: {  	[sflag:s30] =	ssyncadd.s32 $0xFFFFFF80  }
0xbf: {  	p0 =	sne.s32 s1, $0x1000;
	_ =	swait.ge [sflag:s30], $0x80  }
.Ltmp0:
0xc0: {  	[sflag:s30] =	ssyncset.done $0x0;
	(pc) =	sbr.rel @p0 .LBB2_2-.Ltmp0, $4  }
0xc1: {  	[sflag:s30] =	ssyncadd.s32 $0xFFFFFF80  }
0xc2: {  	_ =	swait.ge [sflag:s30], $0x80  }
0xc3: {  	s1 =	sadd.s32 $0x100, s1;
	s31 =	rddreg [dreg:$0x2];
	[sflag:s30] =	ssyncset.done $0x0  }
0xc4: {  	s8 =	simm.s32 $0xA80;
	[sflag:s30] =	ssyncadd.s32 $0xFFFFFF80;
	s0 =	sadd.s32 s0, s31  }
0xc5: {  	[hbm4b:s0+s2] =	stream.linear.scatter [tilespmem:s7], [sflag:$0x2], $0x800, $0x38;
	[tilespmem:$0x1000] =	vst v63  }
0xc6: {  	_ =	swait.ge [sflag:s5], $0x800  }
0xc7: {  	s1 =	rddreg [dreg:$0xd]  }
0xc8: {  	s31 =	rddreg [dreg:$0xc];
	s1 =	sadd.s32 $0x1, s1  }
0xc9: {  	p0 =	sne.s32 s1, s31  }
.Ltmp1:
0xca: {  	_ = 	snop;
	(pc) =	sbr.rel @p0 .LBB2_1-.Ltmp1, $3  }
0xcb: {  	_ =	sdelay $0x1  }
0xcc: {  	[sflag:s5] =	ssyncset.done $0x0  }
0xcd: {  	[sflag:s5] =	ssyncadd.s32 $0xFFFFF800  }
0xce: {  	_ =	sfence.sel $0x180000  }
0xcf: {  	[bflag:$0x0] =	sbarrier.arrive $0xFFFF  }
0xd0: {  	_ =	strace $0x90000056  }
0xd1: {  	s0 =	stileid.u32;
	[bflag:$0x2] =	sbarrier.arrive $0xFFFF  }
0xd2: {  	p0 =	sne.s32 s0, $0x0;
	s0 =	rddreg [dreg:$0x1]  }
0xd3: {  	s0 =	sadd.s32 @!p0 $0x100000, s0  }
0xd4: {  	[sflag:s0] =	ssyncadd.tile.s32 @!p0 $0x1;
	_ =	shalt  }
.Lfunc_end2:
_tile_overlayer_lowered:
.L_overlay_start_2:
0xd5: {  	(tag) =	ssettag $0x2  }
0xd6: {  	s0 =	rddreg [dreg:$0x0];
	s2 =	stileid.u32  }
0xd7: {  	s1 =	rddreg [dreg:$0x1];
	p0 =	sne.s32 s2, $0x0  }
0xd8: {  	s3 =	rddreg [dreg:$0x2];
	[bflag:$0x3] =	sbarrier.arrive $0xFFFF;
	s2 =	simm.s32 @!p0 $0x1C02  }
0xd9: {  	[timem:s3], [sflag:s2] =	dma.local @!p0 [hbm:s0], s1  }
0xda: {  	s0 =	simm.s32 @!p0 $0x2  }
0xdb: {  	_ =	swait.ge @!p0 [sflag:s0], s1  }
0xdc: {  	s1 =	ssub.s32 @!p0 $0x0, s1;
	[sflag:s0] =	ssyncset.done @!p0 $0x0  }
0xdd: {  	[sflag:s0] =	ssyncadd.s32 @!p0 s1  }
0xde: {  	[bflag:$0x3] =	sbarrier.arrive $0xFFFF  }
0xdf: {  	_ =	shalt  }

// kernel: sparse-core-data-format-call.1.cloned.1.call-start
scs
called_computation.1_lowered:
.L_overlay_start_0:
0x0: {  	s2 =	sld [smem:$0x3FD9]  }
0x1: {  	s3 =	sld [smem:$0x3FFE];
	_ =	sdelay $0x1  }
0x2: {  	s1 =	srdreg.scid  }
0x3: {  	s0 =	sand.u32 $0x1, s1  }
0x4: {  	s18 =	sshll.u32 s0, $0xA;
	s2 =	sadd.s32 s3, s2  }
0x5: {  	s2 =	sadd.s32 s2, s18  }
0x6: {  	[smem:$0x3FBD] =	sst s2  }
0x7: {  	_ = 	snop  }
0x8: {  	(tm) =	ssettm $0x1  }
0x9: {  	s19 =	sld [smem:$0x3FFB];
	_ =	sdelay $0x3  }
0xa: {  	_ =	strace s19  }
0xb: {  	s2 =	sld [smem:$0x3FFC];
	_ =	sdelay $0x3  }
0xc: {  	_ =	strace s2  }
0xd: {  	s2 =	sld [smem:$0x3FFD];
	_ =	sdelay $0x3  }
0xe: {  	_ =	strace s2  }
0xf: {  	_ =	strace $0x8FFFFFFF  }
0x10: {  	s20 =	sld [smem:$0x3FDB];
	_ =	sdelay $0x1  }
0x11: {  	s21 =	simm.s32 $_scs_section_size  }
0x12: {  	s4 =	simm.s32 $_size__tile_overlayer_lowered;
	s5 =	simm.s32 $_tile_overlayer_lowered  }
0x13: {  	s6 =	simm.s32 $0x1BFF;
	s22 =	sshll.u32 s5, $0x1;
	s3 =	sadd.s32 s21, s20  }
0x14: {  	s23 =	simm.s32 $0x0;
	s4 =	sshll.u32 s4, $0x1;
	s5 =	sadd.s32 s22, s3  }
0x15: {  	[timem:s23], [sflag:s6] =	dma.local [hbm:s5], s4  }
0x16: {  	_ =	swait.ge [sflag:s6], s4  }
0x17: {  	s4 =	ssub.s32 $0x0, s4;
	[sflag:s6] =	ssyncset.done $0x0  }
0x18: {  	[sflag:s6] =	ssyncadd.s32 s4;
	_ =	sdelay $0x1  }
0x19: {  	s24 =	simm.s32 $0x1B8B  }
0x1a: {  	_ =	swait.ge [sflag:s24], $0x1  }
0x1b: {  	[sflag:s24] =	ssyncset.done $0x0  }
0x1c: {  	[sflag:s24] =	ssyncadd.s32 $0xFFFFFFFF  }
0x1d: {  	s4 =	sld [smem:$0x0]  }
0x1e: {  	s5 =	sand.u32 $0xFFFFFFFE, s1  }
0x1f: {  	p0 =	sne.s32 s1, s5  }
0x20: {  	s5 =	sshll.u32 @p0 s5, $0xE  }
0x21: {  	s5 =	sadd.s32 @p0 $0x11B8D, s5;
	s6 =	sshll.u32 @p0 s4, $0x11  }
0x22: {  	s5 =	sor.u32 @p0 s6, s5  }
0x23: {  	[sflag:s5] =	ssyncadd.remote.s32 @p0 $0x1;
	_ =	sdelay $0x1  }
0x24: {  	s5 =	simm.s32 @p0 $0x1B8D  }
0x25: {  	_ =	swait.eq @p0 [sflag:s5], $0x1  }
0x26: {  	[sflag:s5] =	ssyncadd.s32 @p0 $0xFFFFFFFF  }
0x27: {  	s6 =	sshll.u32 @!p0 s1, $0xE  }
0x28: {  	s6 =	sor.u32 @!p0 $0x4000, s6;
	s5 =	simm.s32 @!p0 $0x1B8D  }
0x29: {  	s4 =	sshll.u32 @!p0 s4, $0x11;
	s6 =	sadd.s32 @!p0 $0x11B8D, s6;
	_ =	swait.eq @!p0 [sflag:s5], $0x1  }
0x2a: {  	s4 =	sor.u32 @!p0 s4, s6;
	[sflag:s5] =	ssyncadd.s32 @!p0 $0xFFFFFFFF  }
0x2b: {  	s26 =	simm.s32 $0x1B8E;
	s25 =	sld [smem:$0x3FFE];
	[sflag:s4] =	ssyncadd.remote.s32 @!p0 $0x1  }
0x2c: {  	s27 =	simm.s32 $execute0_lowered;
	[smem:$0x3FD2] =	sst s26  }
0x2d: {  	s5 =	sshll.u32 s27, $0x1;
	_ =	strace $0x80000049;
	[dreg:$0x1] =	wrdreg $0xFFFFFFFF  }
0x2e: {  	s28 =	simm.s32 $_size_execute0_lowered;
	s3 =	sadd.s32 s3, s5;
	[dreg:$0x0] =	wrdreg $0x0  }
0x2f: {  	s5 =	sshll.u32 s28, $0x1;
	[dreg:$0x2] =	wrdreg s3  }
0x30: {  	[dreg:$0x3] =	wrdreg s5  }
0x31: {  	[dreg:$0x4] =	wrdreg $0xC0  }
0x32: {  	_ =	task [dreg:s23], $0x5FFFF  }
0x33: {  	[dreg:$0x1] =	wrdreg $0xFFFFFFFF  }
0x34: {  	[dreg:$0x0] =	wrdreg $0x60  }
0x35: {  	[dreg:$0x2] =	wrdreg s25  }
0x36: {  	[dreg:$0x3] =	wrdreg $0xC  }
0x37: {  	_ =	task.clear_ibuf [dreg:s23], $0x4FFFF;
	_ =	strace $0x90000049  }
0x38: {  	s29 =	simm.s32 $0xC;
	_ =	strace $0x8000004B  }
0x39: {  	_ =	swait.ge [sflag:s29], $0x1  }
0x3a: {  	[sflag:s29] =	ssyncadd.s32 $0xFFFFFFFF  }
0x3b: {  	_ =	strace $0x9000004B  }
0x3c: {  	_ =	sfence  }
0x3d: {  	s30 =	sld [smem:$0x0];
	_ =	sdelay $0x2  }
0x3e: {  	s31 =	sshll.u32 s1, $0xD;
	s1 =	sshrl.u32 s1, $0x2  }
0x3f: {  	s4 =	sand.u32 $0x4000, s31;
	s1 =	sadd.s32 s1, s30  }
0x40: {  	s0 =	sor.u32 s4, s0;
	s1 =	sshll.u32 s1, $0x11  }
0x41: {  	s0 =	sor.u32 s1, s0  }
0x42: {  	s0 =	sadd.s32 $0x8F2B, s0  }
0x43: {  	[sflag:s0] =	ssyncadd.remote.s32 $0x1  }
0x44: {  	_ =	sfence.sel $0xFFFF  }
0x45: {  	[dreg:$0x0] =	wrdreg $0xFFFFFFFF;
	(pc) =	sbr.abs _section_cstart, $3  }
0x46: {  	[dreg:$0x1] =	wrdreg $0xFFFFFFFF  }
0x47: {  	_ =	task.clear_ibuf [dreg:s23], $0x2FFFF;
	_ =	strace $0x9FFFFFFF  }
0x48: {  	(tm) =	ssettm $0x7FFFFFFF  }
0x49: {  	_ =	shalt  }
tec
execute0_lowered:
.L_overlay_start_1:
0x0: {  	(tag) =	ssettag $0x1  }
0x1: {  	s1 =	rddreg [dreg:$0x0]  }
0x2: {  	s0 =	rddreg [dreg:$0x1]  }
0x3: {  	_ =	strace $0x8000004A;
	s4 =	srdreg.scid;
	s6 =	simm.s32 $0x2  }
0x4: {  	s11 =	simm.s32 $0x0;
	p0 =	por $0x0, $0x0;
	s7 =	simm.s32 $0x18800  }
.Ltmp0:
0x5: {  	s12 =	simm.s32 $0x0;
	s9 =	simm.s32 $0x0;
	(pc) =	sbr.rel .LBB1_1-.Ltmp0, $4  }
0x6: {  	s2 =	sadd.s32 $0xDE4600, s1;
	s3 =	sadd.s32 $0x1404600, s1;
	s5 =	sshll.u32 s4, $0x4  }
0x7: {  	s1 =	stileid.u32;
	s4 =	simm.s32 $0x1;
	s5 =	sand.u32 $0x10, s5  }
0x8: {  	s8 =	simm.s32 $0x0;
	[sflag:s4] =	ssyncpa.u1 $0x0;
	s5 =	sor.u32 s1, s5  }
0x9: {  	[sflag:s6] =	ssyncpa.u1 $0x0;
	s6 =	simm.s32 $0x800;
	s10 =	smov.u32 s5  }
.LBB1_7:
0xa: {  	s13 =	sadd.s32 $0x10, s9  }
0xb: {  	s11 =	sadd.s32 $0x20, s10;
	s15 =	smov.u32 s10;
	p2 =	sgt.s32 s13, $0x30F  }
0xc: {  	p1 =	slt.u32 s8, $0x2;
	s15 =	smov.u32 @p2 s11  }
0xd: {  	s8 =	sadd.s32 $0x1, s8;
	s13 =	simm.s32 @p2 $0x0;
	p2 =	sgt.s32 s15, $0x3F  }
0xe: {  	s15 =	smov.u32 @p2 s5;
	p2 =	sne.s32 s8, $0x64  }
.Ltmp1:
0xf: {  	_ = 	snop;
	(pc) =	sbr.rel @!p2 .LBB1_8-.Ltmp1, $4  }
0x10: {  	s14 =	simm.s32 @!p1 $0x2  }
0x11: {  	s12 =	smov.u32 s10;
	_ =	swait.ge @!p1 [sflag:s14], $0x4000  }
0x12: {  	p0 =	por !p0, !p0;
	s11 =	smov.u32 s9;
	[sflag:s14] =	ssyncset.done @!p1 $0x0  }
0x13: {  	s9 =	smov.u32 s13;
	[sflag:s14] =	ssyncadd.s32 @!p1 $0xFFFFC000;
	s10 =	smov.u32 s15  }
.LBB1_1:
0x14: {  	p1 =	sgt.u32 s8, $0x61  }
0x15: {  	s13 =	smul.u32 @!p1 $0x18800, s10  }
0x16: {  	s14 =	sxor.u32 @!p1 $0xFFFFFFFF, s8  }
0x17: {  	s15 =	sshll.u32 @!p1 s9, $0x7;
	s14 =	sshll.u32 @!p1 s14, $0xE;
	s13 =	sadd.s32 @!p1 s2, s13  }
0x18: {  	s14 =	sand.u32 @!p1 $0x4000, s14;
	s13 =	sadd.s32 @!p1 s15, s13;
	s15 =	simm.s32 @!p1 $0x0  }
0x19: {  	[tilespmem:s14], [sflag:$0x1] =	stream.linear.gather @!p1 [hbm4b:s13+s15], $0x4000, $0x38;
	[tilespmem:$0x10000] =	vst v63  }
0x1a: {  	p1 =	seq.s32 s8, $0x0  }
0x1b: {  	p2 =	seq.s32 @!p1 s8, $0x63  }
0x1c: {  	p1 =	por p1, p2  }
.Ltmp2:
0x1d: {  	_ = 	snop;
	(pc) =	sbr.rel @p1 .LBB1_7-.Ltmp2, $1  }
0x1e: {  	_ =	sdelay $0x3  }
0x1f: {  	s13 =	simm.s32 $0x1;
	_ =	swait.ge [sflag:s4], $0x4000;
	s16 =	sshll.u32 s8, $0xE  }
0x20: {  	s13 =	simm.s32 @!p0 $0x0;
	[sflag:s4] =	ssyncset.done $0x0;
	s31 =	sand.u32 $0x4000, s16  }
0x21: {  	s16 =	simm.s32 $0x0;
	s13 =	sshll.u32 s13, $0xE;
	[sflag:s4] =	ssyncadd.s32 $0xFFFFC000  }
0x22: {  	s14 =	sor.u32 $0x8040, s13;
	s15 =	sor.u32 $0x40, s13;
	s13 =	sor.u32 $0x8000, s31  }
.LBB1_3:
0x23: {  	v0 =	vmov s15;
	_ =	sdelay $0x3  }
0x24: {  	s18 =	simm.s32 $0x0  }
0x25: {  	v6 =	vld.idx.msk [tilespmem:v0+s18+$0x30 ss:$0x1], $0xffff  }
0x26: {  	v7 =	vld.idx.msk [tilespmem:v0+s18+$0xFFFFFFC0 ss:$0x1], $0xffff  }
0x27: {  	v5 =	vld.idx.msk [tilespmem:v0+s18+$0xFFFFFFD0 ss:$0x1], $0xffff  }
0x28: {  	v4 =	vld.idx.msk [tilespmem:v0+s18+$0xFFFFFFE0 ss:$0x1], $0xffff  }
0x29: {  	v3 =	vld.idx.msk [tilespmem:v0+s18+$0xFFFFFFF0 ss:$0x1], $0xffff  }
0x2a: {  	v1 =	vld.idx.msk [tilespmem:v0+s18+$0x0 ss:$0x1], $0xffff  }
0x2b: {  	v2 =	vld.idx.msk [tilespmem:v0+s18+$0x10 ss:$0x1], $0xffff;
	[tilespmem:s14+$0x30] =	vst v6  }
0x2c: {  	s17 =	simm.s32 $0x80;
	s19 =	simm.s32 $0x400;
	[tilespmem:s14+$0xFFFFFFC0] =	vst v7;
	v6 =	vld.idx.msk [tilespmem:v0+s18+$0x20 ss:$0x1], $0xffff;
	s18 =	smov.u32 s14  }
.LBB1_4:
0x2d: {  	p1 =	sne.s32 s19, $0xE00;
	v7 =	vld.idx.msk [tilespmem:v0+s17+$0x30 ss:$0x1], $0xffff;
	[tilespmem:s18+$0xFFFFFFD0] =	vst v5  }
0x2e: {  	v8 =	vld.idx.msk [tilespmem:v0+s17+$0xFFFFFFC0 ss:$0x1], $0xffff;
	[tilespmem:s18+$0xFFFFFFE0] =	vst v4  }
0x2f: {  	v5 =	vld.idx.msk [tilespmem:v0+s17+$0xFFFFFFD0 ss:$0x1], $0xffff;
	[tilespmem:s18+$0xFFFFFFF0] =	vst v3  }
.Ltmp3:
0x30: {  	v4 =	vld.idx.msk [tilespmem:v0+s17+$0xFFFFFFE0 ss:$0x1], $0xffff;
	[tilespmem:s18+$0x0] =	vst v1;
	(pc) =	sbr.rel @p1 .LBB1_4-.Ltmp3, $4  }
0x31: {  	v3 =	vld.idx.msk [tilespmem:v0+s17+$0xFFFFFFF0 ss:$0x1], $0xffff;
	[tilespmem:s18+$0x10] =	vst v2  }
0x32: {  	v1 =	vld.idx.msk [tilespmem:v0+s17+$0x0 ss:$0x1], $0xffff;
	[tilespmem:s18+$0x20] =	vst v6;
	s18 =	sadd.s32 $0x800, s18  }
0x33: {  	v2 =	vld.idx.msk [tilespmem:v0+s17+$0x10 ss:$0x1], $0xffff;
	[tilespmem:s18+$0x30] =	vst v7  }
0x34: {  	[tilespmem:s18+$0xFFFFFFC0] =	vst v8;
	v6 =	vld.idx.msk [tilespmem:v0+s17+$0x20 ss:$0x1], $0xffff;
	s17 =	sshra.s32 s19, $0x2;
	s19 =	sadd.s32 $0x200, s19  }
0x35: {  	_ =	sdelay $0x2  }
0x36: {  	[tilespmem:s18+$0xFFFFFFD0] =	vst v5  }
0x37: {  	v56 =	vld.idx.msk [tilespmem:v0+s17+$0x30 ss:$0x1], $0xffff;
	[tilespmem:s18+$0xFFFFFFE0] =	vst v4  }
0x38: {  	v57 =	vld.idx.msk [tilespmem:v0+s17+$0xFFFFFFC0 ss:$0x1], $0xffff;
	[tilespmem:s18+$0xFFFFFFF0] =	vst v3  }
0x39: {  	v58 =	vld.idx.msk [tilespmem:v0+s17+$0xFFFFFFD0 ss:$0x1], $0xffff;
	[tilespmem:s18+$0x0] =	vst v1  }
0x3a: {  	v59 =	vld.idx.msk [tilespmem:v0+s17+$0xFFFFFFE0 ss:$0x1], $0xffff;
	[tilespmem:s18+$0x10] =	vst v2  }
0x3b: {  	v60 =	vld.idx.msk [tilespmem:v0+s17+$0xFFFFFFF0 ss:$0x1], $0xffff;
	s31 =	sadd.s32 $0x800, s18;
	[tilespmem:s18+$0x20] =	vst v6  }
0x3c: {  	v61 =	vld.idx.msk [tilespmem:v0+s17+$0x0 ss:$0x1], $0xffff;
	[tilespmem:s31+$0x30] =	vst v56  }
0x3d: {  	v62 =	vld.idx.msk [tilespmem:v0+s17+$0x10 ss:$0x1], $0xffff;
	s16 =	sadd.s32 $0x1, s16;
	[tilespmem:s31+$0xFFFFFFC0] =	vst v57  }
0x3e: {  	v63 =	vld.idx.msk [tilespmem:v0+s17+$0x20 ss:$0x1], $0xffff;
	p1 =	sne.s32 s16, $0x10;
	[tilespmem:s31+$0xFFFFFFD0] =	vst v58  }
.Ltmp4:
0x3f: {  	[tilespmem:s31+$0xFFFFFFE0] =	vst v59;
	(pc) =	sbr.rel @p1 .LBB1_3-.Ltmp4, $4  }
0x40: {  	[tilespmem:s31+$0xFFFFFFF0] =	vst v60  }
0x41: {  	[tilespmem:s31+$0x0] =	vst v61  }
0x42: {  	[tilespmem:s31+$0x10] =	vst v62  }
0x43: {  	s14 =	sadd.s32 $0x80, s14;
	s15 =	sadd.s32 $0x400, s15;
	[tilespmem:s31+$0x20] =	vst v63  }
0x44: {  	s11 =	sand.u32 $0x1FFFFFF, s11  }
0x45: {  	s14 =	smulhi.u32 $0x14E5E0B, s11;
	_ =	sdelay $0x1  }
0x46: {  	s12 =	smul.u32 $0x18800, s12;
	s14 =	sshrl.u32 s14, $0x2  }
0x47: {  	s14 =	smul.u32 $0x310, s14  }
.Ltmp5:
0x48: {  	_ = 	snop;
	(pc) =	sbr.rel .LBB1_7-.Ltmp5, $4  }
0x49: {  	s11 =	ssub.s32 s11, s14  }
0x4a: {  	s12 =	sadd.s32 s3, s12;
	s11 =	sshll.u32 s11, $0x4  }
0x4b: {  	s11 =	sadd.s32 s11, s12  }
0x4c: {  	[hbm4b:s11+s6] =	stream.strided.scatter [tilespmem:s13], [sflag:$0x2], $0x4000, s7, s6, $0x38;
	[tilespmem:$0x10000] =	vst v63  }
.LBB1_8:
0x4d: {  	_ =	sfence.sel $0x180000  }
0x4e: {  	s2 =	simm.s32 $0x1;
	[bflag:$0x0] =	sbarrier.arrive $0xFFFF  }
0x4f: {  	s31 =	simm.s32 $0x2;
	[sflag:s2] =	ssyncpa.u1 $0x1  }
0x50: {  	[sflag:s31] =	ssyncpa.u1 $0x1  }
0x51: {  	p0 =	sne.s32 s1, $0x0;
	_ =	strace $0x9000004A  }
0x52: {  	s0 =	sadd.s32 @!p0 $0x100000, s0;
	[bflag:$0x2] =	sbarrier.arrive $0xFFFF  }
0x53: {  	[sflag:s0] =	ssyncadd.tile.s32 @!p0 $0x1;
	_ =	shalt  }
.Lfunc_end1:
_tile_overlayer_lowered:
.L_overlay_start_2:
0x54: {  	(tag) =	ssettag $0x2  }
0x55: {  	s0 =	rddreg [dreg:$0x0];
	s2 =	stileid.u32  }
0x56: {  	s1 =	rddreg [dreg:$0x1];
	p0 =	sne.s32 s2, $0x0  }
0x57: {  	s3 =	rddreg [dreg:$0x2];
	[bflag:$0x3] =	sbarrier.arrive $0xFFFF;
	s2 =	simm.s32 @!p0 $0x1C01  }
0x58: {  	[timem:s3], [sflag:s2] =	dma.local @!p0 [hbm:s0], s1  }
0x59: {  	s0 =	simm.s32 @!p0 $0x1  }
0x5a: {  	_ =	swait.ge @!p0 [sflag:s0], s1  }
0x5b: {  	s1 =	ssub.s32 @!p0 $0x0, s1;
	[sflag:s0] =	ssyncset.done @!p0 $0x0  }
0x5c: {  	[sflag:s0] =	ssyncadd.s32 @!p0 s1  }
0x5d: {  	[bflag:$0x3] =	sbarrier.arrive $0xFFFF  }
0x5e: {  	_ =	shalt  }

// kernel: sparse-core-data-format-call.2.cloned.1.call-start
scs
called_computation.2_lowered:
.L_overlay_start_0:
0x0: {  	s2 =	sld [smem:$0x3FD9]  }
0x1: {  	s3 =	sld [smem:$0x3FFE];
	_ =	sdelay $0x1  }
0x2: {  	s1 =	srdreg.scid  }
0x3: {  	s0 =	sand.u32 $0x1, s1  }
0x4: {  	s18 =	sshll.u32 s0, $0xA;
	s2 =	sadd.s32 s3, s2  }
0x5: {  	s2 =	sadd.s32 s2, s18  }
0x6: {  	[smem:$0x3FBD] =	sst s2  }
0x7: {  	_ = 	snop  }
0x8: {  	(tm) =	ssettm $0x1  }
0x9: {  	s19 =	sld [smem:$0x3FFB];
	_ =	sdelay $0x3  }
0xa: {  	_ =	strace s19  }
0xb: {  	s2 =	sld [smem:$0x3FFC];
	_ =	sdelay $0x3  }
0xc: {  	_ =	strace s2  }
0xd: {  	s2 =	sld [smem:$0x3FFD];
	_ =	sdelay $0x3  }
0xe: {  	_ =	strace s2  }
0xf: {  	_ =	strace $0x8FFFFFFF  }
0x10: {  	s20 =	sld [smem:$0x3FDB];
	_ =	sdelay $0x1  }
0x11: {  	s21 =	simm.s32 $_scs_section_size  }
0x12: {  	s4 =	simm.s32 $_size__tile_overlayer_lowered;
	s5 =	simm.s32 $_tile_overlayer_lowered  }
0x13: {  	s6 =	simm.s32 $0x1BFF;
	s22 =	sshll.u32 s5, $0x1;
	s3 =	sadd.s32 s21, s20  }
0x14: {  	s23 =	simm.s32 $0x0;
	s4 =	sshll.u32 s4, $0x1;
	s5 =	sadd.s32 s22, s3  }
0x15: {  	[timem:s23], [sflag:s6] =	dma.local [hbm:s5], s4  }
0x16: {  	_ =	swait.ge [sflag:s6], s4  }
0x17: {  	s4 =	ssub.s32 $0x0, s4;
	[sflag:s6] =	ssyncset.done $0x0  }
0x18: {  	[sflag:s6] =	ssyncadd.s32 s4;
	_ =	sdelay $0x1  }
0x19: {  	s24 =	simm.s32 $0x1B8B  }
0x1a: {  	_ =	swait.ge [sflag:s24], $0x1  }
0x1b: {  	[sflag:s24] =	ssyncset.done $0x0  }
0x1c: {  	[sflag:s24] =	ssyncadd.s32 $0xFFFFFFFF  }
0x1d: {  	s4 =	sld [smem:$0x0]  }
0x1e: {  	s5 =	sand.u32 $0xFFFFFFFE, s1  }
0x1f: {  	p0 =	sne.s32 s1, s5  }
0x20: {  	s5 =	sshll.u32 @p0 s5, $0xE  }
0x21: {  	s5 =	sadd.s32 @p0 $0x11B8D, s5;
	s6 =	sshll.u32 @p0 s4, $0x11  }
0x22: {  	s5 =	sor.u32 @p0 s6, s5  }
0x23: {  	[sflag:s5] =	ssyncadd.remote.s32 @p0 $0x1;
	_ =	sdelay $0x1  }
0x24: {  	s5 =	simm.s32 @p0 $0x1B8D  }
0x25: {  	_ =	swait.eq @p0 [sflag:s5], $0x1  }
0x26: {  	[sflag:s5] =	ssyncadd.s32 @p0 $0xFFFFFFFF  }
0x27: {  	s6 =	sshll.u32 @!p0 s1, $0xE  }
0x28: {  	s6 =	sor.u32 @!p0 $0x4000, s6;
	s5 =	simm.s32 @!p0 $0x1B8D  }
0x29: {  	s4 =	sshll.u32 @!p0 s4, $0x11;
	s6 =	sadd.s32 @!p0 $0x11B8D, s6;
	_ =	swait.eq @!p0 [sflag:s5], $0x1  }
0x2a: {  	s4 =	sor.u32 @!p0 s4, s6;
	[sflag:s5] =	ssyncadd.s32 @!p0 $0xFFFFFFFF  }
0x2b: {  	s26 =	simm.s32 $0x1B8E;
	s25 =	sld [smem:$0x3FFE];
	[sflag:s4] =	ssyncadd.remote.s32 @!p0 $0x1  }
0x2c: {  	s27 =	simm.s32 $execute0_lowered;
	[smem:$0x3FD2] =	sst s26  }
0x2d: {  	s5 =	sshll.u32 s27, $0x1;
	_ =	strace $0x8000004C;
	[dreg:$0x1] =	wrdreg $0xFFFFFFFF  }
0x2e: {  	s28 =	simm.s32 $_size_execute0_lowered;
	s3 =	sadd.s32 s3, s5;
	[dreg:$0x0] =	wrdreg $0x0  }
0x2f: {  	s5 =	sshll.u32 s28, $0x1;
	[dreg:$0x2] =	wrdreg s3  }
0x30: {  	[dreg:$0x3] =	wrdreg s5  }
0x31: {  	[dreg:$0x4] =	wrdreg $0xC0  }
0x32: {  	_ =	task [dreg:s23], $0x5FFFF  }
0x33: {  	[dreg:$0x1] =	wrdreg $0xFFFFFFFF  }
0x34: {  	[dreg:$0x0] =	wrdreg $0x60  }
0x35: {  	[dreg:$0x2] =	wrdreg s25  }
0x36: {  	[dreg:$0x3] =	wrdreg $0xB  }
0x37: {  	_ =	task.clear_ibuf [dreg:s23], $0x4FFFF;
	_ =	strace $0x9000004C  }
0x38: {  	s29 =	simm.s32 $0xB;
	_ =	strace $0x8000004E  }
0x39: {  	_ =	swait.ge [sflag:s29], $0x1  }
0x3a: {  	[sflag:s29] =	ssyncadd.s32 $0xFFFFFFFF  }
0x3b: {  	_ =	strace $0x9000004E  }
0x3c: {  	_ =	sfence  }
0x3d: {  	s30 =	sld [smem:$0x0];
	_ =	sdelay $0x2  }
0x3e: {  	s31 =	sshll.u32 s1, $0xD;
	s1 =	sshrl.u32 s1, $0x2  }
0x3f: {  	s4 =	sand.u32 $0x4000, s31;
	s1 =	sadd.s32 s1, s30  }
0x40: {  	s0 =	sor.u32 s4, s0;
	s1 =	sshll.u32 s1, $0x11  }
0x41: {  	s0 =	sor.u32 s1, s0  }
0x42: {  	s0 =	sadd.s32 $0x8F2B, s0  }
0x43: {  	[sflag:s0] =	ssyncadd.remote.s32 $0x1  }
0x44: {  	_ =	sfence.sel $0xFFFF  }
0x45: {  	[dreg:$0x0] =	wrdreg $0xFFFFFFFF;
	(pc) =	sbr.abs _section_cstart, $3  }
0x46: {  	[dreg:$0x1] =	wrdreg $0xFFFFFFFF  }
0x47: {  	_ =	task.clear_ibuf [dreg:s23], $0x2FFFF;
	_ =	strace $0x9FFFFFFF  }
0x48: {  	(tm) =	ssettm $0x7FFFFFFF  }
0x49: {  	_ =	shalt  }
tec
execute0_lowered:
.L_overlay_start_1:
0x0: {  	(tag) =	ssettag $0x1  }
0x1: {  	s1 =	rddreg [dreg:$0x0]  }
0x2: {  	s0 =	rddreg [dreg:$0x1]  }
0x3: {  	_ =	strace $0x8000004D;
	s4 =	srdreg.scid;
	s6 =	simm.s32 $0x2  }
0x4: {  	s11 =	simm.s32 $0x0;
	p0 =	por $0x0, $0x0;
	s7 =	simm.s32 $0x18800  }
.Ltmp0:
0x5: {  	s12 =	simm.s32 $0x0;
	s9 =	simm.s32 $0x0;
	(pc) =	sbr.rel .LBB1_1-.Ltmp0, $4  }
0x6: {  	s2 =	sadd.s32 $0x1A24600, s1;
	s3 =	sadd.s32 $0x2044600, s1;
	s5 =	sshll.u32 s4, $0x4  }
0x7: {  	s1 =	stileid.u32;
	s4 =	simm.s32 $0x1;
	s5 =	sand.u32 $0x10, s5  }
0x8: {  	s8 =	simm.s32 $0x0;
	[sflag:s4] =	ssyncpa.u1 $0x0;
	s5 =	sor.u32 s1, s5  }
0x9: {  	[sflag:s6] =	ssyncpa.u1 $0x0;
	s6 =	simm.s32 $0x800;
	s10 =	smov.u32 s5  }
.LBB1_7:
0xa: {  	s13 =	sadd.s32 $0x10, s9  }
0xb: {  	s11 =	sadd.s32 $0x20, s10;
	s15 =	smov.u32 s10;
	p2 =	sgt.s32 s13, $0x30F  }
0xc: {  	p1 =	slt.u32 s8, $0x2;
	s15 =	smov.u32 @p2 s11  }
0xd: {  	s8 =	sadd.s32 $0x1, s8;
	s13 =	simm.s32 @p2 $0x0;
	p2 =	sgt.s32 s15, $0x3F  }
0xe: {  	s15 =	smov.u32 @p2 s5;
	p2 =	sne.s32 s8, $0x64  }
.Ltmp1:
0xf: {  	_ = 	snop;
	(pc) =	sbr.rel @!p2 .LBB1_8-.Ltmp1, $4  }
0x10: {  	s14 =	simm.s32 @!p1 $0x2  }
0x11: {  	s12 =	smov.u32 s10;
	_ =	swait.ge @!p1 [sflag:s14], $0x4000  }
0x12: {  	p0 =	por !p0, !p0;
	s11 =	smov.u32 s9;
	[sflag:s14] =	ssyncset.done @!p1 $0x0  }
0x13: {  	s9 =	smov.u32 s13;
	[sflag:s14] =	ssyncadd.s32 @!p1 $0xFFFFC000;
	s10 =	smov.u32 s15  }
.LBB1_1:
0x14: {  	p1 =	sgt.u32 s8, $0x61  }
0x15: {  	s13 =	smul.u32 @!p1 $0x18800, s10  }
0x16: {  	s14 =	sxor.u32 @!p1 $0xFFFFFFFF, s8  }
0x17: {  	s15 =	sshll.u32 @!p1 s9, $0x7;
	s14 =	sshll.u32 @!p1 s14, $0xE;
	s13 =	sadd.s32 @!p1 s2, s13  }
0x18: {  	s14 =	sand.u32 @!p1 $0x4000, s14;
	s13 =	sadd.s32 @!p1 s15, s13;
	s15 =	simm.s32 @!p1 $0x0  }
0x19: {  	[tilespmem:s14], [sflag:$0x1] =	stream.linear.gather @!p1 [hbm4b:s13+s15], $0x4000, $0x38;
	[tilespmem:$0x10000] =	vst v63  }
0x1a: {  	p1 =	seq.s32 s8, $0x0  }
0x1b: {  	p2 =	seq.s32 @!p1 s8, $0x63  }
0x1c: {  	p1 =	por p1, p2  }
.Ltmp2:
0x1d: {  	_ = 	snop;
	(pc) =	sbr.rel @p1 .LBB1_7-.Ltmp2, $1  }
0x1e: {  	_ =	sdelay $0x3  }
0x1f: {  	s13 =	simm.s32 $0x1;
	_ =	swait.ge [sflag:s4], $0x4000;
	s16 =	sshll.u32 s8, $0xE  }
0x20: {  	s13 =	simm.s32 @!p0 $0x0;
	[sflag:s4] =	ssyncset.done $0x0;
	s31 =	sand.u32 $0x4000, s16  }
0x21: {  	s16 =	simm.s32 $0x0;
	s13 =	sshll.u32 s13, $0xE;
	[sflag:s4] =	ssyncadd.s32 $0xFFFFC000  }
0x22: {  	s14 =	sor.u32 $0x8040, s13;
	s15 =	sor.u32 $0x40, s13;
	s13 =	sor.u32 $0x8000, s31  }
.LBB1_3:
0x23: {  	v0 =	vmov s15;
	_ =	sdelay $0x3  }
0x24: {  	s18 =	simm.s32 $0x0  }
0x25: {  	v6 =	vld.idx.msk [tilespmem:v0+s18+$0x30 ss:$0x1], $0xffff  }
0x26: {  	v7 =	vld.idx.msk [tilespmem:v0+s18+$0xFFFFFFC0 ss:$0x1], $0xffff  }
0x27: {  	v5 =	vld.idx.msk [tilespmem:v0+s18+$0xFFFFFFD0 ss:$0x1], $0xffff  }
0x28: {  	v4 =	vld.idx.msk [tilespmem:v0+s18+$0xFFFFFFE0 ss:$0x1], $0xffff  }
0x29: {  	v3 =	vld.idx.msk [tilespmem:v0+s18+$0xFFFFFFF0 ss:$0x1], $0xffff  }
0x2a: {  	v1 =	vld.idx.msk [tilespmem:v0+s18+$0x0 ss:$0x1], $0xffff  }
0x2b: {  	v2 =	vld.idx.msk [tilespmem:v0+s18+$0x10 ss:$0x1], $0xffff;
	[tilespmem:s14+$0x30] =	vst v6  }
0x2c: {  	s17 =	simm.s32 $0x80;
	s19 =	simm.s32 $0x400;
	[tilespmem:s14+$0xFFFFFFC0] =	vst v7;
	v6 =	vld.idx.msk [tilespmem:v0+s18+$0x20 ss:$0x1], $0xffff;
	s18 =	smov.u32 s14  }
.LBB1_4:
0x2d: {  	p1 =	sne.s32 s19, $0xE00;
	v7 =	vld.idx.msk [tilespmem:v0+s17+$0x30 ss:$0x1], $0xffff;
	[tilespmem:s18+$0xFFFFFFD0] =	vst v5  }
0x2e: {  	v8 =	vld.idx.msk [tilespmem:v0+s17+$0xFFFFFFC0 ss:$0x1], $0xffff;
	[tilespmem:s18+$0xFFFFFFE0] =	vst v4  }
0x2f: {  	v5 =	vld.idx.msk [tilespmem:v0+s17+$0xFFFFFFD0 ss:$0x1], $0xffff;
	[tilespmem:s18+$0xFFFFFFF0] =	vst v3  }
.Ltmp3:
0x30: {  	v4 =	vld.idx.msk [tilespmem:v0+s17+$0xFFFFFFE0 ss:$0x1], $0xffff;
	[tilespmem:s18+$0x0] =	vst v1;
	(pc) =	sbr.rel @p1 .LBB1_4-.Ltmp3, $4  }
0x31: {  	v3 =	vld.idx.msk [tilespmem:v0+s17+$0xFFFFFFF0 ss:$0x1], $0xffff;
	[tilespmem:s18+$0x10] =	vst v2  }
0x32: {  	v1 =	vld.idx.msk [tilespmem:v0+s17+$0x0 ss:$0x1], $0xffff;
	[tilespmem:s18+$0x20] =	vst v6;
	s18 =	sadd.s32 $0x800, s18  }
0x33: {  	v2 =	vld.idx.msk [tilespmem:v0+s17+$0x10 ss:$0x1], $0xffff;
	[tilespmem:s18+$0x30] =	vst v7  }
0x34: {  	[tilespmem:s18+$0xFFFFFFC0] =	vst v8;
	v6 =	vld.idx.msk [tilespmem:v0+s17+$0x20 ss:$0x1], $0xffff;
	s17 =	sshra.s32 s19, $0x2;
	s19 =	sadd.s32 $0x200, s19  }
0x35: {  	_ =	sdelay $0x2  }
0x36: {  	[tilespmem:s18+$0xFFFFFFD0] =	vst v5  }
0x37: {  	v56 =	vld.idx.msk [tilespmem:v0+s17+$0x30 ss:$0x1], $0xffff;
	[tilespmem:s18+$0xFFFFFFE0] =	vst v4  }
0x38: {  	v57 =	vld.idx.msk [tilespmem:v0+s17+$0xFFFFFFC0 ss:$0x1], $0xffff;
	[tilespmem:s18+$0xFFFFFFF0] =	vst v3  }
0x39: {  	v58 =	vld.idx.msk [tilespmem:v0+s17+$0xFFFFFFD0 ss:$0x1], $0xffff;
	[tilespmem:s18+$0x0] =	vst v1  }
0x3a: {  	v59 =	vld.idx.msk [tilespmem:v0+s17+$0xFFFFFFE0 ss:$0x1], $0xffff;
	[tilespmem:s18+$0x10] =	vst v2  }
0x3b: {  	v60 =	vld.idx.msk [tilespmem:v0+s17+$0xFFFFFFF0 ss:$0x1], $0xffff;
	s31 =	sadd.s32 $0x800, s18;
	[tilespmem:s18+$0x20] =	vst v6  }
0x3c: {  	v61 =	vld.idx.msk [tilespmem:v0+s17+$0x0 ss:$0x1], $0xffff;
	[tilespmem:s31+$0x30] =	vst v56  }
0x3d: {  	v62 =	vld.idx.msk [tilespmem:v0+s17+$0x10 ss:$0x1], $0xffff;
	s16 =	sadd.s32 $0x1, s16;
	[tilespmem:s31+$0xFFFFFFC0] =	vst v57  }
0x3e: {  	v63 =	vld.idx.msk [tilespmem:v0+s17+$0x20 ss:$0x1], $0xffff;
	p1 =	sne.s32 s16, $0x10;
	[tilespmem:s31+$0xFFFFFFD0] =	vst v58  }
.Ltmp4:
0x3f: {  	[tilespmem:s31+$0xFFFFFFE0] =	vst v59;
	(pc) =	sbr.rel @p1 .LBB1_3-.Ltmp4, $4  }
0x40: {  	[tilespmem:s31+$0xFFFFFFF0] =	vst v60  }
0x41: {  	[tilespmem:s31+$0x0] =	vst v61  }
0x42: {  	[tilespmem:s31+$0x10] =	vst v62  }
0x43: {  	s14 =	sadd.s32 $0x80, s14;
	s15 =	sadd.s32 $0x400, s15;
	[tilespmem:s31+$0x20] =	vst v63  }
0x44: {  	s11 =	sand.u32 $0x1FFFFFF, s11  }
0x45: {  	s14 =	smulhi.u32 $0x14E5E0B, s11;
	_ =	sdelay $0x1  }
0x46: {  	s12 =	smul.u32 $0x18800, s12;
	s14 =	sshrl.u32 s14, $0x2  }
0x47: {  	s14 =	smul.u32 $0x310, s14  }
.Ltmp5:
0x48: {  	_ = 	snop;
	(pc) =	sbr.rel .LBB1_7-.Ltmp5, $4  }
0x49: {  	s11 =	ssub.s32 s11, s14  }
0x4a: {  	s12 =	sadd.s32 s3, s12;
	s11 =	sshll.u32 s11, $0x4  }
0x4b: {  	s11 =	sadd.s32 s11, s12  }
0x4c: {  	[hbm4b:s11+s6] =	stream.strided.scatter [tilespmem:s13], [sflag:$0x2], $0x4000, s7, s6, $0x38;
	[tilespmem:$0x10000] =	vst v63  }
.LBB1_8:
0x4d: {  	_ =	sfence.sel $0x180000  }
0x4e: {  	s2 =	simm.s32 $0x1;
	[bflag:$0x0] =	sbarrier.arrive $0xFFFF  }
0x4f: {  	s31 =	simm.s32 $0x2;
	[sflag:s2] =	ssyncpa.u1 $0x1  }
0x50: {  	[sflag:s31] =	ssyncpa.u1 $0x1  }
0x51: {  	p0 =	sne.s32 s1, $0x0;
	_ =	strace $0x9000004D  }
0x52: {  	s0 =	sadd.s32 @!p0 $0x100000, s0;
	[bflag:$0x2] =	sbarrier.arrive $0xFFFF  }
0x53: {  	[sflag:s0] =	ssyncadd.tile.s32 @!p0 $0x1;
	_ =	shalt  }
.Lfunc_end1:
_tile_overlayer_lowered:
.L_overlay_start_2:
0x54: {  	(tag) =	ssettag $0x2  }
0x55: {  	s0 =	rddreg [dreg:$0x0];
	s2 =	stileid.u32  }
0x56: {  	s1 =	rddreg [dreg:$0x1];
	p0 =	sne.s32 s2, $0x0  }
0x57: {  	s3 =	rddreg [dreg:$0x2];
	[bflag:$0x3] =	sbarrier.arrive $0xFFFF;
	s2 =	simm.s32 @!p0 $0x1C01  }
0x58: {  	[timem:s3], [sflag:s2] =	dma.local @!p0 [hbm:s0], s1  }
0x59: {  	s0 =	simm.s32 @!p0 $0x1  }
0x5a: {  	_ =	swait.ge @!p0 [sflag:s0], s1  }
0x5b: {  	s1 =	ssub.s32 @!p0 $0x0, s1;
	[sflag:s0] =	ssyncset.done @!p0 $0x0  }
0x5c: {  	[sflag:s0] =	ssyncadd.s32 @!p0 s1  }
0x5d: {  	[bflag:$0x3] =	sbarrier.arrive $0xFFFF  }
0x5e: {  	_ =	shalt  }

// kernel: sparse-core-data-format-call.3.cloned.1.call-start
scs
called_computation.3_lowered:
.L_overlay_start_0:
0x0: {  	s2 =	sld [smem:$0x3FD9]  }
0x1: {  	s3 =	sld [smem:$0x3FFE];
	_ =	sdelay $0x1  }
0x2: {  	s1 =	srdreg.scid  }
0x3: {  	s0 =	sand.u32 $0x1, s1  }
0x4: {  	s18 =	sshll.u32 s0, $0xA;
	s2 =	sadd.s32 s3, s2  }
0x5: {  	s2 =	sadd.s32 s2, s18  }
0x6: {  	[smem:$0x3FBD] =	sst s2  }
0x7: {  	_ = 	snop  }
0x8: {  	(tm) =	ssettm $0x1  }
0x9: {  	s19 =	sld [smem:$0x3FFB];
	_ =	sdelay $0x3  }
0xa: {  	_ =	strace s19  }
0xb: {  	s2 =	sld [smem:$0x3FFC];
	_ =	sdelay $0x3  }
0xc: {  	_ =	strace s2  }
0xd: {  	s2 =	sld [smem:$0x3FFD];
	_ =	sdelay $0x3  }
0xe: {  	_ =	strace s2  }
0xf: {  	_ =	strace $0x8FFFFFFF  }
0x10: {  	s20 =	sld [smem:$0x3FDB];
	_ =	sdelay $0x1  }
0x11: {  	s21 =	simm.s32 $_scs_section_size  }
0x12: {  	s4 =	simm.s32 $_size__tile_overlayer_lowered;
	s5 =	simm.s32 $_tile_overlayer_lowered  }
0x13: {  	s6 =	simm.s32 $0x1BFF;
	s22 =	sshll.u32 s5, $0x1;
	s3 =	sadd.s32 s21, s20  }
0x14: {  	s23 =	simm.s32 $0x0;
	s4 =	sshll.u32 s4, $0x1;
	s5 =	sadd.s32 s22, s3  }
0x15: {  	[timem:s23], [sflag:s6] =	dma.local [hbm:s5], s4  }
0x16: {  	_ =	swait.ge [sflag:s6], s4  }
0x17: {  	s4 =	ssub.s32 $0x0, s4;
	[sflag:s6] =	ssyncset.done $0x0  }
0x18: {  	[sflag:s6] =	ssyncadd.s32 s4;
	_ =	sdelay $0x1  }
0x19: {  	s24 =	simm.s32 $0x1B8B  }
0x1a: {  	_ =	swait.ge [sflag:s24], $0x1  }
0x1b: {  	[sflag:s24] =	ssyncset.done $0x0  }
0x1c: {  	[sflag:s24] =	ssyncadd.s32 $0xFFFFFFFF  }
0x1d: {  	s4 =	sld [smem:$0x0]  }
0x1e: {  	s5 =	sand.u32 $0xFFFFFFFE, s1  }
0x1f: {  	p0 =	sne.s32 s1, s5  }
0x20: {  	s5 =	sshll.u32 @p0 s5, $0xE  }
0x21: {  	s5 =	sadd.s32 @p0 $0x11B8D, s5;
	s6 =	sshll.u32 @p0 s4, $0x11  }
0x22: {  	s5 =	sor.u32 @p0 s6, s5  }
0x23: {  	[sflag:s5] =	ssyncadd.remote.s32 @p0 $0x1;
	_ =	sdelay $0x1  }
0x24: {  	s5 =	simm.s32 @p0 $0x1B8D  }
0x25: {  	_ =	swait.eq @p0 [sflag:s5], $0x1  }
0x26: {  	[sflag:s5] =	ssyncadd.s32 @p0 $0xFFFFFFFF  }
0x27: {  	s6 =	sshll.u32 @!p0 s1, $0xE  }
0x28: {  	s6 =	sor.u32 @!p0 $0x4000, s6;
	s5 =	simm.s32 @!p0 $0x1B8D  }
0x29: {  	s4 =	sshll.u32 @!p0 s4, $0x11;
	s6 =	sadd.s32 @!p0 $0x11B8D, s6;
	_ =	swait.eq @!p0 [sflag:s5], $0x1  }
0x2a: {  	s4 =	sor.u32 @!p0 s4, s6;
	[sflag:s5] =	ssyncadd.s32 @!p0 $0xFFFFFFFF  }
0x2b: {  	s26 =	simm.s32 $0x1B8E;
	s25 =	sld [smem:$0x3FFE];
	[sflag:s4] =	ssyncadd.remote.s32 @!p0 $0x1  }
0x2c: {  	s27 =	simm.s32 $execute0_lowered;
	[smem:$0x3FD2] =	sst s26  }
0x2d: {  	s5 =	sshll.u32 s27, $0x1;
	_ =	strace $0x8000004F;
	[dreg:$0x1] =	wrdreg $0xFFFFFFFF  }
0x2e: {  	s28 =	simm.s32 $_size_execute0_lowered;
	s3 =	sadd.s32 s3, s5;
	[dreg:$0x0] =	wrdreg $0x0  }
0x2f: {  	s5 =	sshll.u32 s28, $0x1;
	[dreg:$0x2] =	wrdreg s3  }
0x30: {  	[dreg:$0x3] =	wrdreg s5  }
0x31: {  	[dreg:$0x4] =	wrdreg $0xC0  }
0x32: {  	_ =	task [dreg:s23], $0x5FFFF  }
0x33: {  	[dreg:$0x1] =	wrdreg $0xFFFFFFFF  }
0x34: {  	[dreg:$0x0] =	wrdreg $0x60  }
0x35: {  	[dreg:$0x2] =	wrdreg s25  }
0x36: {  	[dreg:$0x3] =	wrdreg $0x9  }
0x37: {  	_ =	task.clear_ibuf [dreg:s23], $0x4FFFF;
	_ =	strace $0x9000004F  }
0x38: {  	s29 =	simm.s32 $0x9;
	_ =	strace $0x80000051  }
0x39: {  	_ =	swait.ge [sflag:s29], $0x1  }
0x3a: {  	[sflag:s29] =	ssyncadd.s32 $0xFFFFFFFF  }
0x3b: {  	_ =	strace $0x90000051  }
0x3c: {  	_ =	sfence  }
0x3d: {  	s30 =	sld [smem:$0x0];
	_ =	sdelay $0x2  }
0x3e: {  	s31 =	sshll.u32 s1, $0xD;
	s1 =	sshrl.u32 s1, $0x2  }
0x3f: {  	s4 =	sand.u32 $0x4000, s31;
	s1 =	sadd.s32 s1, s30  }
0x40: {  	s0 =	sor.u32 s4, s0;
	s1 =	sshll.u32 s1, $0x11  }
0x41: {  	s0 =	sor.u32 s1, s0  }
0x42: {  	s0 =	sadd.s32 $0x8F2B, s0  }
0x43: {  	[sflag:s0] =	ssyncadd.remote.s32 $0x1  }
0x44: {  	_ =	sfence.sel $0xFFFF  }
0x45: {  	[dreg:$0x0] =	wrdreg $0xFFFFFFFF;
	(pc) =	sbr.abs _section_cstart, $3  }
0x46: {  	[dreg:$0x1] =	wrdreg $0xFFFFFFFF  }
0x47: {  	_ =	task.clear_ibuf [dreg:s23], $0x2FFFF;
	_ =	strace $0x9FFFFFFF  }
0x48: {  	(tm) =	ssettm $0x7FFFFFFF  }
0x49: {  	_ =	shalt  }
tec
execute0_lowered:
.L_overlay_start_1:
0x0: {  	(tag) =	ssettag $0x1  }
0x1: {  	s1 =	rddreg [dreg:$0x0]  }
0x2: {  	s0 =	rddreg [dreg:$0x1]  }
0x3: {  	_ =	strace $0x80000050;
	s4 =	srdreg.scid;
	s6 =	simm.s32 $0x2  }
0x4: {  	s11 =	simm.s32 $0x0;
	p0 =	por $0x0, $0x0;
	s7 =	simm.s32 $0x18800  }
.Ltmp0:
0x5: {  	s12 =	simm.s32 $0x0;
	s9 =	simm.s32 $0x0;
	(pc) =	sbr.rel .LBB1_1-.Ltmp0, $4  }
0x6: {  	s2 =	sadd.s32 $0x2664600, s1;
	s3 =	sadd.s32 $0x2C84600, s1;
	s5 =	sshll.u32 s4, $0x4  }
0x7: {  	s1 =	stileid.u32;
	s4 =	simm.s32 $0x1;
	s5 =	sand.u32 $0x10, s5  }
0x8: {  	s8 =	simm.s32 $0x0;
	[sflag:s4] =	ssyncpa.u1 $0x0;
	s5 =	sor.u32 s1, s5  }
0x9: {  	[sflag:s6] =	ssyncpa.u1 $0x0;
	s6 =	simm.s32 $0x800;
	s10 =	smov.u32 s5  }
.LBB1_7:
0xa: {  	s13 =	sadd.s32 $0x10, s9  }
0xb: {  	s11 =	sadd.s32 $0x20, s10;
	s15 =	smov.u32 s10;
	p2 =	sgt.s32 s13, $0x30F  }
0xc: {  	p1 =	slt.u32 s8, $0x2;
	s15 =	smov.u32 @p2 s11  }
0xd: {  	s8 =	sadd.s32 $0x1, s8;
	s13 =	simm.s32 @p2 $0x0;
	p2 =	sgt.s32 s15, $0x3F  }
0xe: {  	s15 =	smov.u32 @p2 s5;
	p2 =	sne.s32 s8, $0x64  }
.Ltmp1:
0xf: {  	_ = 	snop;
	(pc) =	sbr.rel @!p2 .LBB1_8-.Ltmp1, $4  }
0x10: {  	s14 =	simm.s32 @!p1 $0x2  }
0x11: {  	s12 =	smov.u32 s10;
	_ =	swait.ge @!p1 [sflag:s14], $0x4000  }
0x12: {  	p0 =	por !p0, !p0;
	s11 =	smov.u32 s9;
	[sflag:s14] =	ssyncset.done @!p1 $0x0  }
0x13: {  	s9 =	smov.u32 s13;
	[sflag:s14] =	ssyncadd.s32 @!p1 $0xFFFFC000;
	s10 =	smov.u32 s15  }
.LBB1_1:
0x14: {  	p1 =	sgt.u32 s8, $0x61  }
0x15: {  	s13 =	smul.u32 @!p1 $0x18800, s10  }
0x16: {  	s14 =	sxor.u32 @!p1 $0xFFFFFFFF, s8  }
0x17: {  	s15 =	sshll.u32 @!p1 s9, $0x7;
	s14 =	sshll.u32 @!p1 s14, $0xE;
	s13 =	sadd.s32 @!p1 s2, s13  }
0x18: {  	s14 =	sand.u32 @!p1 $0x4000, s14;
	s13 =	sadd.s32 @!p1 s15, s13;
	s15 =	simm.s32 @!p1 $0x0  }
0x19: {  	[tilespmem:s14], [sflag:$0x1] =	stream.linear.gather @!p1 [hbm4b:s13+s15], $0x4000, $0x38;
	[tilespmem:$0x10000] =	vst v63  }
0x1a: {  	p1 =	seq.s32 s8, $0x0  }
0x1b: {  	p2 =	seq.s32 @!p1 s8, $0x63  }
0x1c: {  	p1 =	por p1, p2  }
.Ltmp2:
0x1d: {  	_ = 	snop;
	(pc) =	sbr.rel @p1 .LBB1_7-.Ltmp2, $1  }
0x1e: {  	_ =	sdelay $0x3  }
0x1f: {  	s13 =	simm.s32 $0x1;
	_ =	swait.ge [sflag:s4], $0x4000;
	s16 =	sshll.u32 s8, $0xE  }
0x20: {  	s13 =	simm.s32 @!p0 $0x0;
	[sflag:s4] =	ssyncset.done $0x0;
	s31 =	sand.u32 $0x4000, s16  }
0x21: {  	s16 =	simm.s32 $0x0;
	s13 =	sshll.u32 s13, $0xE;
	[sflag:s4] =	ssyncadd.s32 $0xFFFFC000  }
0x22: {  	s14 =	sor.u32 $0x8040, s13;
	s15 =	sor.u32 $0x40, s13;
	s13 =	sor.u32 $0x8000, s31  }
.LBB1_3:
0x23: {  	v0 =	vmov s15;
	_ =	sdelay $0x3  }
0x24: {  	s18 =	simm.s32 $0x0  }
0x25: {  	v6 =	vld.idx.msk [tilespmem:v0+s18+$0x30 ss:$0x1], $0xffff  }
0x26: {  	v7 =	vld.idx.msk [tilespmem:v0+s18+$0xFFFFFFC0 ss:$0x1], $0xffff  }
0x27: {  	v5 =	vld.idx.msk [tilespmem:v0+s18+$0xFFFFFFD0 ss:$0x1], $0xffff  }
0x28: {  	v4 =	vld.idx.msk [tilespmem:v0+s18+$0xFFFFFFE0 ss:$0x1], $0xffff  }
0x29: {  	v3 =	vld.idx.msk [tilespmem:v0+s18+$0xFFFFFFF0 ss:$0x1], $0xffff  }
0x2a: {  	v1 =	vld.idx.msk [tilespmem:v0+s18+$0x0 ss:$0x1], $0xffff  }
0x2b: {  	v2 =	vld.idx.msk [tilespmem:v0+s18+$0x10 ss:$0x1], $0xffff;
	[tilespmem:s14+$0x30] =	vst v6  }
0x2c: {  	s17 =	simm.s32 $0x80;
	s19 =	simm.s32 $0x400;
	[tilespmem:s14+$0xFFFFFFC0] =	vst v7;
	v6 =	vld.idx.msk [tilespmem:v0+s18+$0x20 ss:$0x1], $0xffff;
	s18 =	smov.u32 s14  }
.LBB1_4:
0x2d: {  	p1 =	sne.s32 s19, $0xE00;
	v7 =	vld.idx.msk [tilespmem:v0+s17+$0x30 ss:$0x1], $0xffff;
	[tilespmem:s18+$0xFFFFFFD0] =	vst v5  }
0x2e: {  	v8 =	vld.idx.msk [tilespmem:v0+s17+$0xFFFFFFC0 ss:$0x1], $0xffff;
	[tilespmem:s18+$0xFFFFFFE0] =	vst v4  }
0x2f: {  	v5 =	vld.idx.msk [tilespmem:v0+s17+$0xFFFFFFD0 ss:$0x1], $0xffff;
	[tilespmem:s18+$0xFFFFFFF0] =	vst v3  }
.Ltmp3:
0x30: {  	v4 =	vld.idx.msk [tilespmem:v0+s17+$0xFFFFFFE0 ss:$0x1], $0xffff;
	[tilespmem:s18+$0x0] =	vst v1;
	(pc) =	sbr.rel @p1 .LBB1_4-.Ltmp3, $4  }
0x31: {  	v3 =	vld.idx.msk [tilespmem:v0+s17+$0xFFFFFFF0 ss:$0x1], $0xffff;
	[tilespmem:s18+$0x10] =	vst v2  }
0x32: {  	v1 =	vld.idx.msk [tilespmem:v0+s17+$0x0 ss:$0x1], $0xffff;
	[tilespmem:s18+$0x20] =	vst v6;
	s18 =	sadd.s32 $0x800, s18  }
0x33: {  	v2 =	vld.idx.msk [tilespmem:v0+s17+$0x10 ss:$0x1], $0xffff;
	[tilespmem:s18+$0x30] =	vst v7  }
0x34: {  	[tilespmem:s18+$0xFFFFFFC0] =	vst v8;
	v6 =	vld.idx.msk [tilespmem:v0+s17+$0x20 ss:$0x1], $0xffff;
	s17 =	sshra.s32 s19, $0x2;
	s19 =	sadd.s32 $0x200, s19  }
0x35: {  	_ =	sdelay $0x2  }
0x36: {  	[tilespmem:s18+$0xFFFFFFD0] =	vst v5  }
0x37: {  	v56 =	vld.idx.msk [tilespmem:v0+s17+$0x30 ss:$0x1], $0xffff;
	[tilespmem:s18+$0xFFFFFFE0] =	vst v4  }
0x38: {  	v57 =	vld.idx.msk [tilespmem:v0+s17+$0xFFFFFFC0 ss:$0x1], $0xffff;
	[tilespmem:s18+$0xFFFFFFF0] =	vst v3  }
0x39: {  	v58 =	vld.idx.msk [tilespmem:v0+s17+$0xFFFFFFD0 ss:$0x1], $0xffff;
	[tilespmem:s18+$0x0] =	vst v1  }
0x3a: {  	v59 =	vld.idx.msk [tilespmem:v0+s17+$0xFFFFFFE0 ss:$0x1], $0xffff;
	[tilespmem:s18+$0x10] =	vst v2  }
0x3b: {  	v60 =	vld.idx.msk [tilespmem:v0+s17+$0xFFFFFFF0 ss:$0x1], $0xffff;
	s31 =	sadd.s32 $0x800, s18;
	[tilespmem:s18+$0x20] =	vst v6  }
0x3c: {  	v61 =	vld.idx.msk [tilespmem:v0+s17+$0x0 ss:$0x1], $0xffff;
	[tilespmem:s31+$0x30] =	vst v56  }
0x3d: {  	v62 =	vld.idx.msk [tilespmem:v0+s17+$0x10 ss:$0x1], $0xffff;
	s16 =	sadd.s32 $0x1, s16;
	[tilespmem:s31+$0xFFFFFFC0] =	vst v57  }
0x3e: {  	v63 =	vld.idx.msk [tilespmem:v0+s17+$0x20 ss:$0x1], $0xffff;
	p1 =	sne.s32 s16, $0x10;
	[tilespmem:s31+$0xFFFFFFD0] =	vst v58  }
.Ltmp4:
0x3f: {  	[tilespmem:s31+$0xFFFFFFE0] =	vst v59;
	(pc) =	sbr.rel @p1 .LBB1_3-.Ltmp4, $4  }
0x40: {  	[tilespmem:s31+$0xFFFFFFF0] =	vst v60  }
0x41: {  	[tilespmem:s31+$0x0] =	vst v61  }
0x42: {  	[tilespmem:s31+$0x10] =	vst v62  }
0x43: {  	s14 =	sadd.s32 $0x80, s14;
	s15 =	sadd.s32 $0x400, s15;
	[tilespmem:s31+$0x20] =	vst v63  }
0x44: {  	s11 =	sand.u32 $0x1FFFFFF, s11  }
0x45: {  	s14 =	smulhi.u32 $0x14E5E0B, s11;
	_ =	sdelay $0x1  }
0x46: {  	s12 =	smul.u32 $0x18800, s12;
	s14 =	sshrl.u32 s14, $0x2  }
0x47: {  	s14 =	smul.u32 $0x310, s14  }
.Ltmp5:
0x48: {  	_ = 	snop;
	(pc) =	sbr.rel .LBB1_7-.Ltmp5, $4  }
0x49: {  	s11 =	ssub.s32 s11, s14  }
0x4a: {  	s12 =	sadd.s32 s3, s12;
	s11 =	sshll.u32 s11, $0x4  }
0x4b: {  	s11 =	sadd.s32 s11, s12  }
0x4c: {  	[hbm4b:s11+s6] =	stream.strided.scatter [tilespmem:s13], [sflag:$0x2], $0x4000, s7, s6, $0x38;
	[tilespmem:$0x10000] =	vst v63  }
.LBB1_8:
0x4d: {  	_ =	sfence.sel $0x180000  }
0x4e: {  	s2 =	simm.s32 $0x1;
	[bflag:$0x0] =	sbarrier.arrive $0xFFFF  }
0x4f: {  	s31 =	simm.s32 $0x2;
	[sflag:s2] =	ssyncpa.u1 $0x1  }
0x50: {  	[sflag:s31] =	ssyncpa.u1 $0x1  }
0x51: {  	p0 =	sne.s32 s1, $0x0;
	_ =	strace $0x90000050  }
0x52: {  	s0 =	sadd.s32 @!p0 $0x100000, s0;
	[bflag:$0x2] =	sbarrier.arrive $0xFFFF  }
0x53: {  	[sflag:s0] =	ssyncadd.tile.s32 @!p0 $0x1;
	_ =	shalt  }
.Lfunc_end1:
_tile_overlayer_lowered:
.L_overlay_start_2:
0x54: {  	(tag) =	ssettag $0x2  }
0x55: {  	s0 =	rddreg [dreg:$0x0];
	s2 =	stileid.u32  }
0x56: {  	s1 =	rddreg [dreg:$0x1];
	p0 =	sne.s32 s2, $0x0  }
0x57: {  	s3 =	rddreg [dreg:$0x2];
	[bflag:$0x3] =	sbarrier.arrive $0xFFFF;
	s2 =	simm.s32 @!p0 $0x1C01  }
0x58: {  	[timem:s3], [sflag:s2] =	dma.local @!p0 [hbm:s0], s1  }
0x59: {  	s0 =	simm.s32 @!p0 $0x1  }
0x5a: {  	_ =	swait.ge @!p0 [sflag:s0], s1  }
0x5b: {  	s1 =	ssub.s32 @!p0 $0x0, s1;
	[sflag:s0] =	ssyncset.done @!p0 $0x0  }
0x5c: {  	[sflag:s0] =	ssyncadd.s32 @!p0 s1  }
0x5d: {  	[bflag:$0x3] =	sbarrier.arrive $0xFFFF  }
0x5e: {  	_ =	shalt  }

// kernel: sparse-core-data-format-call.cloned.1.call-start
scs
called_computation_lowered:
.L_overlay_start_0:
0x0: {  	s1 =	sld [smem:$0x3FD9]  }
0x1: {  	s2 =	sld [smem:$0x3FFE];
	_ =	sdelay $0x1  }
0x2: {  	s3 =	srdreg.scid  }
0x3: {  	s0 =	sand.u32 $0x1, s3  }
0x4: {  	s17 =	sshll.u32 s0, $0xA;
	s1 =	sadd.s32 s2, s1  }
0x5: {  	s1 =	sadd.s32 s1, s17  }
0x6: {  	[smem:$0x3FBD] =	sst s1  }
0x7: {  	_ = 	snop  }
0x8: {  	(tm) =	ssettm $0x1  }
0x9: {  	s18 =	sld [smem:$0x3FFB];
	_ =	sdelay $0x3  }
0xa: {  	_ =	strace s18  }
0xb: {  	s1 =	sld [smem:$0x3FFC];
	_ =	sdelay $0x3  }
0xc: {  	_ =	strace s1  }
0xd: {  	s1 =	sld [smem:$0x3FFD];
	_ =	sdelay $0x3  }
0xe: {  	_ =	strace s1  }
0xf: {  	_ =	strace $0x8FFFFFFF  }
0x10: {  	s19 =	sld [smem:$0x3FDB];
	_ =	sdelay $0x1  }
0x11: {  	s20 =	simm.s32 $_scs_section_size  }
0x12: {  	s4 =	simm.s32 $_size__tile_overlayer_lowered;
	s5 =	simm.s32 $_tile_overlayer_lowered  }
0x13: {  	s23 =	simm.s32 $0x1BFF;
	s22 =	sshll.u32 s5, $0x1;
	s1 =	sadd.s32 s20, s19  }
0x14: {  	s6 =	simm.s32 $0x0;
	s21 =	sshll.u32 s4, $0x1;
	s4 =	sadd.s32 s22, s1  }
0x15: {  	[timem:s6], [sflag:s23] =	dma.local [hbm:s4], s21  }
0x16: {  	_ =	swait.ge [sflag:s23], s21  }
0x17: {  	s2 =	ssub.s32 $0x0, s21;
	[sflag:s23] =	ssyncset.done $0x0  }
0x18: {  	[sflag:s23] =	ssyncadd.s32 s2;
	_ =	sdelay $0x1  }
0x19: {  	s24 =	simm.s32 $0x1B8B  }
0x1a: {  	_ =	swait.ge [sflag:s24], $0x1  }
0x1b: {  	[sflag:s24] =	ssyncset.done $0x0  }
0x1c: {  	s26 =	simm.s32 $0x1B8E;
	s25 =	sld [smem:$0x3FFE];
	[sflag:s24] =	ssyncadd.s32 $0xFFFFFFFF  }
0x1d: {  	s27 =	simm.s32 $execute0_lowered;
	[smem:$0x3FD2] =	sst s26  }
0x1e: {  	s4 =	sshll.u32 s27, $0x1;
	_ =	strace $0x80000046;
	[dreg:$0x1] =	wrdreg $0xFFFFFFFF  }
0x1f: {  	s28 =	simm.s32 $_size_execute0_lowered;
	s1 =	sadd.s32 s1, s4;
	[dreg:$0x0] =	wrdreg $0x0  }
0x20: {  	s4 =	sshll.u32 s28, $0x1;
	[dreg:$0x2] =	wrdreg s1  }
0x21: {  	[dreg:$0x3] =	wrdreg s4  }
0x22: {  	[dreg:$0x4] =	wrdreg $0xC0  }
0x23: {  	_ =	task [dreg:s6], $0x5FFFF  }
0x24: {  	[dreg:$0x1] =	wrdreg $0xFFFFFFFF  }
0x25: {  	[dreg:$0x0] =	wrdreg $0x60  }
0x26: {  	[dreg:$0x2] =	wrdreg s25  }
0x27: {  	[dreg:$0x3] =	wrdreg $0xA  }
0x28: {  	_ =	task.clear_ibuf [dreg:s6], $0x4FFFF;
	_ =	strace $0x90000046  }
0x29: {  	s29 =	simm.s32 $0xA;
	_ =	strace $0x80000048  }
0x2a: {  	_ =	swait.ge [sflag:s29], $0x1  }
0x2b: {  	[sflag:s29] =	ssyncadd.s32 $0xFFFFFFFF  }
0x2c: {  	_ =	strace $0x90000048  }
0x2d: {  	_ =	sfence  }
0x2e: {  	s30 =	sld [smem:$0x0];
	_ =	sdelay $0x2  }
0x2f: {  	s31 =	sshll.u32 s3, $0xD;
	s3 =	sshrl.u32 s3, $0x2  }
0x30: {  	s2 =	sand.u32 $0x4000, s31;
	s1 =	sadd.s32 s3, s30  }
0x31: {  	s0 =	sor.u32 s2, s0;
	s1 =	sshll.u32 s1, $0x11  }
0x32: {  	s0 =	sor.u32 s1, s0  }
0x33: {  	s0 =	sadd.s32 $0x8F2B, s0  }
0x34: {  	[sflag:s0] =	ssyncadd.remote.s32 $0x1  }
0x35: {  	_ =	sfence.sel $0xFFFF  }
0x36: {  	[dreg:$0x0] =	wrdreg $0xFFFFFFFF;
	(pc) =	sbr.abs _section_cstart, $3  }
0x37: {  	[dreg:$0x1] =	wrdreg $0xFFFFFFFF  }
0x38: {  	_ =	task.clear_ibuf [dreg:s6], $0x2FFFF;
	_ =	strace $0x9FFFFFFF  }
0x39: {  	(tm) =	ssettm $0x7FFFFFFF  }
tec
execute0_lowered:
.L_overlay_start_1:
0x0: {  	(tag) =	ssettag $0x1  }
0x1: {  	s1 =	rddreg [dreg:$0x0]  }
0x2: {  	s0 =	rddreg [dreg:$0x1]  }
0x3: {  	_ =	strace $0x80000047;
	s4 =	srdreg.scid;
	s6 =	simm.s32 $0x2  }
0x4: {  	s11 =	simm.s32 $0x0;
	p0 =	por $0x0, $0x0;
	s7 =	simm.s32 $0x18800  }
.Ltmp0:
0x5: {  	s12 =	simm.s32 $0x0;
	s9 =	simm.s32 $0x0;
	(pc) =	sbr.rel .LBB1_1-.Ltmp0, $4  }
0x6: {  	s2 =	sadd.s32 $0x19E600, s1;
	s3 =	sadd.s32 $0x7C2600, s1;
	s5 =	sshll.u32 s4, $0x4  }
0x7: {  	s1 =	stileid.u32;
	s4 =	simm.s32 $0x1;
	s5 =	sand.u32 $0x10, s5  }
0x8: {  	s8 =	simm.s32 $0x0;
	[sflag:s4] =	ssyncpa.u1 $0x0;
	s5 =	sor.u32 s1, s5  }
0x9: {  	[sflag:s6] =	ssyncpa.u1 $0x0;
	s6 =	simm.s32 $0x800;
	s10 =	smov.u32 s5  }
.LBB1_7:
0xa: {  	s13 =	sadd.s32 $0x10, s9  }
0xb: {  	s11 =	sadd.s32 $0x20, s10;
	s15 =	smov.u32 s10;
	p2 =	sgt.s32 s13, $0x30F  }
0xc: {  	p1 =	slt.u32 s8, $0x2;
	s15 =	smov.u32 @p2 s11  }
0xd: {  	s8 =	sadd.s32 $0x1, s8;
	s13 =	simm.s32 @p2 $0x0;
	p2 =	sgt.s32 s15, $0x3F  }
0xe: {  	s15 =	smov.u32 @p2 s5;
	p2 =	sne.s32 s8, $0x64  }
.Ltmp1:
0xf: {  	_ = 	snop;
	(pc) =	sbr.rel @!p2 .LBB1_8-.Ltmp1, $4  }
0x10: {  	s14 =	simm.s32 @!p1 $0x2  }
0x11: {  	s12 =	smov.u32 s10;
	_ =	swait.ge @!p1 [sflag:s14], $0x4000  }
0x12: {  	p0 =	por !p0, !p0;
	s11 =	smov.u32 s9;
	[sflag:s14] =	ssyncset.done @!p1 $0x0  }
0x13: {  	s9 =	smov.u32 s13;
	[sflag:s14] =	ssyncadd.s32 @!p1 $0xFFFFC000;
	s10 =	smov.u32 s15  }
.LBB1_1:
0x14: {  	p1 =	sgt.u32 s8, $0x61  }
0x15: {  	s13 =	smul.u32 @!p1 $0x18800, s10  }
0x16: {  	s14 =	sxor.u32 @!p1 $0xFFFFFFFF, s8  }
0x17: {  	s15 =	sshll.u32 @!p1 s9, $0x7;
	s14 =	sshll.u32 @!p1 s14, $0xE;
	s13 =	sadd.s32 @!p1 s2, s13  }
0x18: {  	s14 =	sand.u32 @!p1 $0x4000, s14;
	s13 =	sadd.s32 @!p1 s15, s13;
	s15 =	simm.s32 @!p1 $0x0  }
0x19: {  	[tilespmem:s14], [sflag:$0x1] =	stream.linear.gather @!p1 [hbm4b:s13+s15], $0x4000, $0x38;
	[tilespmem:$0x10000] =	vst v63  }
0x1a: {  	p1 =	seq.s32 s8, $0x0  }
0x1b: {  	p2 =	seq.s32 @!p1 s8, $0x63  }
0x1c: {  	p1 =	por p1, p2  }
.Ltmp2:
0x1d: {  	_ = 	snop;
	(pc) =	sbr.rel @p1 .LBB1_7-.Ltmp2, $1  }
0x1e: {  	_ =	sdelay $0x3  }
0x1f: {  	s13 =	simm.s32 $0x1;
	_ =	swait.ge [sflag:s4], $0x4000;
	s16 =	sshll.u32 s8, $0xE  }
0x20: {  	s13 =	simm.s32 @!p0 $0x0;
	[sflag:s4] =	ssyncset.done $0x0;
	s31 =	sand.u32 $0x4000, s16  }
0x21: {  	s16 =	simm.s32 $0x0;
	s13 =	sshll.u32 s13, $0xE;
	[sflag:s4] =	ssyncadd.s32 $0xFFFFC000  }
0x22: {  	s14 =	sor.u32 $0x8040, s13;
	s15 =	sor.u32 $0x40, s13;
	s13 =	sor.u32 $0x8000, s31  }
.LBB1_3:
0x23: {  	v0 =	vmov s15;
	_ =	sdelay $0x3  }
0x24: {  	s18 =	simm.s32 $0x0  }
0x25: {  	v6 =	vld.idx.msk [tilespmem:v0+s18+$0x30 ss:$0x1], $0xffff  }
0x26: {  	v7 =	vld.idx.msk [tilespmem:v0+s18+$0xFFFFFFC0 ss:$0x1], $0xffff  }
0x27: {  	v5 =	vld.idx.msk [tilespmem:v0+s18+$0xFFFFFFD0 ss:$0x1], $0xffff  }
0x28: {  	v4 =	vld.idx.msk [tilespmem:v0+s18+$0xFFFFFFE0 ss:$0x1], $0xffff  }
0x29: {  	v3 =	vld.idx.msk [tilespmem:v0+s18+$0xFFFFFFF0 ss:$0x1], $0xffff  }
0x2a: {  	v1 =	vld.idx.msk [tilespmem:v0+s18+$0x0 ss:$0x1], $0xffff  }
0x2b: {  	v2 =	vld.idx.msk [tilespmem:v0+s18+$0x10 ss:$0x1], $0xffff;
	[tilespmem:s14+$0x30] =	vst v6  }
0x2c: {  	s17 =	simm.s32 $0x80;
	s19 =	simm.s32 $0x400;
	[tilespmem:s14+$0xFFFFFFC0] =	vst v7;
	v6 =	vld.idx.msk [tilespmem:v0+s18+$0x20 ss:$0x1], $0xffff;
	s18 =	smov.u32 s14  }
.LBB1_4:
0x2d: {  	p1 =	sne.s32 s19, $0xE00;
	v7 =	vld.idx.msk [tilespmem:v0+s17+$0x30 ss:$0x1], $0xffff;
	[tilespmem:s18+$0xFFFFFFD0] =	vst v5  }
0x2e: {  	v8 =	vld.idx.msk [tilespmem:v0+s17+$0xFFFFFFC0 ss:$0x1], $0xffff;
	[tilespmem:s18+$0xFFFFFFE0] =	vst v4  }
0x2f: {  	v5 =	vld.idx.msk [tilespmem:v0+s17+$0xFFFFFFD0 ss:$0x1], $0xffff;
	[tilespmem:s18+$0xFFFFFFF0] =	vst v3  }
.Ltmp3:
0x30: {  	v4 =	vld.idx.msk [tilespmem:v0+s17+$0xFFFFFFE0 ss:$0x1], $0xffff;
	[tilespmem:s18+$0x0] =	vst v1;
	(pc) =	sbr.rel @p1 .LBB1_4-.Ltmp3, $4  }
0x31: {  	v3 =	vld.idx.msk [tilespmem:v0+s17+$0xFFFFFFF0 ss:$0x1], $0xffff;
	[tilespmem:s18+$0x10] =	vst v2  }
0x32: {  	v1 =	vld.idx.msk [tilespmem:v0+s17+$0x0 ss:$0x1], $0xffff;
	[tilespmem:s18+$0x20] =	vst v6;
	s18 =	sadd.s32 $0x800, s18  }
0x33: {  	v2 =	vld.idx.msk [tilespmem:v0+s17+$0x10 ss:$0x1], $0xffff;
	[tilespmem:s18+$0x30] =	vst v7  }
0x34: {  	[tilespmem:s18+$0xFFFFFFC0] =	vst v8;
	v6 =	vld.idx.msk [tilespmem:v0+s17+$0x20 ss:$0x1], $0xffff;
	s17 =	sshra.s32 s19, $0x2;
	s19 =	sadd.s32 $0x200, s19  }
0x35: {  	_ =	sdelay $0x2  }
0x36: {  	[tilespmem:s18+$0xFFFFFFD0] =	vst v5  }
0x37: {  	v56 =	vld.idx.msk [tilespmem:v0+s17+$0x30 ss:$0x1], $0xffff;
	[tilespmem:s18+$0xFFFFFFE0] =	vst v4  }
0x38: {  	v57 =	vld.idx.msk [tilespmem:v0+s17+$0xFFFFFFC0 ss:$0x1], $0xffff;
	[tilespmem:s18+$0xFFFFFFF0] =	vst v3  }
0x39: {  	v58 =	vld.idx.msk [tilespmem:v0+s17+$0xFFFFFFD0 ss:$0x1], $0xffff;
	[tilespmem:s18+$0x0] =	vst v1  }
0x3a: {  	v59 =	vld.idx.msk [tilespmem:v0+s17+$0xFFFFFFE0 ss:$0x1], $0xffff;
	[tilespmem:s18+$0x10] =	vst v2  }
0x3b: {  	v60 =	vld.idx.msk [tilespmem:v0+s17+$0xFFFFFFF0 ss:$0x1], $0xffff;
	s31 =	sadd.s32 $0x800, s18;
	[tilespmem:s18+$0x20] =	vst v6  }
0x3c: {  	v61 =	vld.idx.msk [tilespmem:v0+s17+$0x0 ss:$0x1], $0xffff;
	[tilespmem:s31+$0x30] =	vst v56  }
0x3d: {  	v62 =	vld.idx.msk [tilespmem:v0+s17+$0x10 ss:$0x1], $0xffff;
	s16 =	sadd.s32 $0x1, s16;
	[tilespmem:s31+$0xFFFFFFC0] =	vst v57  }
0x3e: {  	v63 =	vld.idx.msk [tilespmem:v0+s17+$0x20 ss:$0x1], $0xffff;
	p1 =	sne.s32 s16, $0x10;
	[tilespmem:s31+$0xFFFFFFD0] =	vst v58  }
.Ltmp4:
0x3f: {  	[tilespmem:s31+$0xFFFFFFE0] =	vst v59;
	(pc) =	sbr.rel @p1 .LBB1_3-.Ltmp4, $4  }
0x40: {  	[tilespmem:s31+$0xFFFFFFF0] =	vst v60  }
0x41: {  	[tilespmem:s31+$0x0] =	vst v61  }
0x42: {  	[tilespmem:s31+$0x10] =	vst v62  }
0x43: {  	s14 =	sadd.s32 $0x80, s14;
	s15 =	sadd.s32 $0x400, s15;
	[tilespmem:s31+$0x20] =	vst v63  }
0x44: {  	s11 =	sand.u32 $0x1FFFFFF, s11  }
0x45: {  	s14 =	smulhi.u32 $0x14E5E0B, s11;
	_ =	sdelay $0x1  }
0x46: {  	s12 =	smul.u32 $0x18800, s12;
	s14 =	sshrl.u32 s14, $0x2  }
0x47: {  	s14 =	smul.u32 $0x310, s14  }
.Ltmp5:
0x48: {  	_ = 	snop;
	(pc) =	sbr.rel .LBB1_7-.Ltmp5, $4  }
0x49: {  	s11 =	ssub.s32 s11, s14  }
0x4a: {  	s12 =	sadd.s32 s3, s12;
	s11 =	sshll.u32 s11, $0x4  }
0x4b: {  	s11 =	sadd.s32 s11, s12  }
0x4c: {  	[hbm4b:s11+s6] =	stream.strided.scatter [tilespmem:s13], [sflag:$0x2], $0x4000, s7, s6, $0x38;
	[tilespmem:$0x10000] =	vst v63  }
.LBB1_8:
0x4d: {  	_ =	sfence.sel $0x180000  }
0x4e: {  	s2 =	simm.s32 $0x1;
	[bflag:$0x0] =	sbarrier.arrive $0xFFFF  }
0x4f: {  	s31 =	simm.s32 $0x2;
	[sflag:s2] =	ssyncpa.u1 $0x1  }
0x50: {  	[sflag:s31] =	ssyncpa.u1 $0x1  }
0x51: {  	p0 =	sne.s32 s1, $0x0;
	_ =	strace $0x90000047  }
0x52: {  	s0 =	sadd.s32 @!p0 $0x100000, s0;
	[bflag:$0x2] =	sbarrier.arrive $0xFFFF  }
0x53: {  	[sflag:s0] =	ssyncadd.tile.s32 @!p0 $0x1;
	_ =	shalt  }
.Lfunc_end1:
_tile_overlayer_lowered:
.L_overlay_start_2:
0x54: {  	(tag) =	ssettag $0x2  }
0x55: {  	s0 =	rddreg [dreg:$0x0];
	s2 =	stileid.u32  }
0x56: {  	s1 =	rddreg [dreg:$0x1];
	p0 =	sne.s32 s2, $0x0  }
0x57: {  	s3 =	rddreg [dreg:$0x2];
	[bflag:$0x3] =	sbarrier.arrive $0xFFFF;
	s2 =	simm.s32 @!p0 $0x1C01  }
0x58: {  	[timem:s3], [sflag:s2] =	dma.local @!p0 [hbm:s0], s1  }
0x59: {  	s0 =	simm.s32 @!p0 $0x1  }
0x5a: {  	_ =	swait.ge @!p0 [sflag:s0], s1  }
0x5b: {  	s1 =	ssub.s32 @!p0 $0x0, s1;
	[sflag:s0] =	ssyncset.done @!p0 $0x0  }
0x5c: {  	[sflag:s0] =	ssyncadd.s32 @!p0 s1  }
0x5d: {  	[bflag:$0x3] =	sbarrier.arrive $0xFFFF  }
0x5e: {  	_ =	shalt  }

</sc_bundles>
